<compile_context>
chip_gen: v7x
topology: tpu7x:2x2x1
jax: 0.10.2.dev20260603
libtpu: 0.0.44.dev20260713+nightly
codegen_flags: <defaults>
</compile_context>

<pallas_src>
import functools

import numpy as np
import jax
import jax.numpy as jnp
from jax import lax
from jax.experimental import pallas as pl
from jax.experimental.pallas import tpu as pltpu
from jax.experimental.pallas import tpu_sc as plsc

N = 10000
E = 320000
IN_DIM = 128
HID = 64
HEADS = 8
HD = HID // HEADS

NC = 2
NS = 16
NW = NC * NS
EPT = E // NW
CHUNK = 125
NCHUNK = EPT // CHUNK
REC = 80
DREC = 16
RPT = 624
TAIL = N - NS * RPT
TAIL_OFF = NS * RPT

_EPS_DEN = 1e-16
_EPS_LN = 1e-5

_BCAST = np.vstack([np.kron(np.eye(HEADS, dtype=np.float32),
                            np.ones((1, HD), dtype=np.float32)),
                    np.zeros((HEADS, HID), dtype=np.float32)])

_GIDX = [np.array([2 * j] * HD + [2 * j + 1] * HD, dtype=np.int32)
         for j in range(4)]
_DENMASK = np.array([1.0] * HEADS + [0.0] * HEADS, dtype=np.float32)


def _refdot(a, b):
    return jnp.dot(a.astype(jnp.bfloat16), b.astype(jnp.bfloat16),
                   preferred_element_type=jnp.float32)


def _expand_att(a):
    return jnp.einsum("hd,hc->hdc", a,
                      jnp.eye(HEADS, 16, dtype=jnp.float32)).reshape(HID, 16)



def _prep_body(x_ref, w_ref, ms_ref, md_ref, rec_ref, drec_ref):
    h = _refdot(x_ref[...], w_ref[...])
    rec_ref[...] = jnp.concatenate(
        [h, jnp.dot(h, ms_ref[...], preferred_element_type=jnp.float32, precision=lax.Precision.HIGHEST)], axis=1)
    drec_ref[...] = jnp.dot(h, md_ref[...], preferred_element_type=jnp.float32, precision=lax.Precision.HIGHEST)


_TC_PARAMS = pltpu.CompilerParams(vmem_limit_bytes=100 * 1024 * 1024)


def _tc_prep(x, w, ms, md):
    return pl.pallas_call(
        _prep_body,
        compiler_params=_TC_PARAMS,
        out_shape=(jax.ShapeDtypeStruct((N, REC), jnp.float32),
                   jax.ShapeDtypeStruct((N, DREC), jnp.float32)),
    )(x, w, ms, md)


def _gat_out(acc_ref, b_ref, bc_ref, g_ref, beta_ref):
    a = acc_ref[0] + acc_ref[1]
    den = a[:, HID:]
    dinv = 1.0 / (den + _EPS_DEN)
    db = jnp.dot(dinv, b_ref[...], preferred_element_type=jnp.float32, precision=lax.Precision.HIGHEST)
    gat = a[:, :HID] * db + bc_ref[...]
    m = jnp.mean(gat, axis=-1, keepdims=True)
    d = gat - m
    v = jnp.mean(d * d, axis=-1, keepdims=True)
    ln = d / jnp.sqrt(v + _EPS_LN) * g_ref[...] + beta_ref[...]
    return jnp.maximum(ln, 0.0)


def _combine1_body(acc_ref, b_ref, bc_ref, g_ref, beta_ref, w_ref, ms_ref,
                   md_ref, h_ref, rec_ref, drec_ref):
    hc = _gat_out(acc_ref, b_ref, bc_ref, g_ref, beta_ref)
    h_ref[...] = hc
    nh = _refdot(hc, w_ref[...])
    rec_ref[...] = jnp.concatenate(
        [nh, jnp.dot(nh, ms_ref[...], preferred_element_type=jnp.float32, precision=lax.Precision.HIGHEST)], axis=1)
    drec_ref[...] = jnp.dot(nh, md_ref[...], preferred_element_type=jnp.float32, precision=lax.Precision.HIGHEST)


def _combine2_body(acc_ref, b_ref, bc_ref, g_ref, beta_ref, hprev_ref, w_ref,
                   ms_ref, md_ref, h_ref, rec_ref, drec_ref):
    hc = _gat_out(acc_ref, b_ref, bc_ref, g_ref, beta_ref) + hprev_ref[...]
    h_ref[...] = hc
    nh = _refdot(hc, w_ref[...])
    rec_ref[...] = jnp.concatenate(
        [nh, jnp.dot(nh, ms_ref[...], preferred_element_type=jnp.float32, precision=lax.Precision.HIGHEST)], axis=1)
    drec_ref[...] = jnp.dot(nh, md_ref[...], preferred_element_type=jnp.float32, precision=lax.Precision.HIGHEST)


def _tc_combine1(acc, b, bc, g, beta, w, ms, md):
    return pl.pallas_call(
        _combine1_body,
        compiler_params=_TC_PARAMS,
        out_shape=(jax.ShapeDtypeStruct((N, HID), jnp.float32),
                   jax.ShapeDtypeStruct((N, REC), jnp.float32),
                   jax.ShapeDtypeStruct((N, DREC), jnp.float32)),
    )(acc, b, bc, g, beta, w, ms, md)


def _tc_combine2(acc, b, bc, g, beta, hprev, w, ms, md):
    return pl.pallas_call(
        _combine2_body,
        compiler_params=_TC_PARAMS,
        out_shape=(jax.ShapeDtypeStruct((N, HID), jnp.float32),
                   jax.ShapeDtypeStruct((N, REC), jnp.float32),
                   jax.ShapeDtypeStruct((N, DREC), jnp.float32)),
    )(acc, b, bc, g, beta, hprev, w, ms, md)


def _ln(x, g, b):
    m = jnp.mean(x, axis=-1, keepdims=True)
    d = x - m
    v = jnp.mean(d * d, axis=-1, keepdims=True)
    return d / jnp.sqrt(v + _EPS_LN) * g + b


def _final_body(acc_ref, b_ref, bc_ref, g_ref, beta_ref, hprev_ref,
                aw1_ref, ab1_ref, ag_ref, abt_ref, aw2_ref, ab2_ref,
                rw1_ref, rb1_ref, rg_ref, rbt_ref, rw2_ref, rb2_ref,
                out_ref):
    h3 = _gat_out(acc_ref, b_ref, bc_ref, g_ref, beta_ref) + hprev_ref[...]
    nrm = jnp.sqrt(jnp.sum(h3 * h3, axis=-1, keepdims=True))
    h3 = h3 / jnp.maximum(nrm, 1e-12)
    ah = _refdot(h3, aw1_ref[...]) + ab1_ref[...]
    ah = jnp.maximum(_ln(ah, ag_ref[...], abt_ref[...]), 0.0)
    ang = jnp.tanh(_refdot(ah, aw2_ref[...]) + ab2_ref[...]) * jnp.pi
    rh = _refdot(h3, rw1_ref[...]) + rb1_ref[...]
    rh = jnp.maximum(_ln(rh, rg_ref[...], rbt_ref[...]), 0.0)
    rdl = _refdot(rh, rw2_ref[...]) + rb2_ref[...]
    rdev = jnp.maximum(rdl, 0.0) + jnp.log(1.0 + jnp.exp(-jnp.abs(rdl)))
    r = 1.0 + 0.1 * jnp.tanh(rdev)
    coords = jnp.concatenate([r * jnp.cos(ang), r * jnp.sin(ang)], axis=1)
    coords = coords - jnp.mean(coords, axis=0, keepdims=True)
    cn = jnp.sqrt(jnp.sum(coords * coords, axis=-1, keepdims=True))
    out_ref[...] = coords / jnp.maximum(cn, 1e-12)


def _tc_final(acc, b, bc, g, beta, hprev, p):
    return pl.pallas_call(
        _final_body,
        compiler_params=_TC_PARAMS,
        out_shape=jax.ShapeDtypeStruct((N, 2), jnp.float32),
    )(acc, b, bc, g, beta, hprev,
      p["aW1"], p["ab1"].reshape(1, HID), p["ag"].reshape(1, HID),
      p["abt"].reshape(1, HID), p["aW2"], p["ab2"].reshape(1, 1),
      p["rW1"], p["rb1"].reshape(1, HID // 2), p["rg"].reshape(1, HID // 2),
      p["rbt"].reshape(1, HID // 2), p["rW2"], p["rb2"].reshape(1, 1))



def _sc_edge_body(rec_hbm, drec_hbm, src2_hbm, dst2_hbm, zeros_hbm, acc_hbm,
                  sidx_all, didx_all, rows0, drows0, outb0, rows1, drows1,
                  outb1, acc_sh, gr0, gd0, sc0, gr1, gd1, sc1):
    c = lax.axis_index("c")
    s = lax.axis_index("s")
    wid = s * NC + c

    pltpu.sync_copy(zeros_hbm, acc_sh.at[pl.ds(s * RPT, RPT)])

    @pl.when(s == 0)
    def _zero_tail():
        pltpu.sync_copy(zeros_hbm.at[pl.ds(0, TAIL)],
                        acc_sh.at[pl.ds(TAIL_OFF, TAIL)])

    plsc.subcore_barrier()

    crow = wid * NCHUNK
    pltpu.sync_copy(src2_hbm.at[pl.ds(crow, NCHUNK)], sidx_all)
    pltpu.sync_copy(dst2_hbm.at[pl.ds(crow, NCHUNK)], didx_all)

    lane = lax.broadcasted_iota(jnp.int32, (16,), 0)
    half = lax.shift_right_logical(lane, 3)
    gidx = [half + (2 * j) for j in range(4)]

    bufs = ((rows0, drows0, outb0, gr0, gd0, sc0),
            (rows1, drows1, outb1, gr1, gd1, sc1))

    def issue_gather(k, b):
        rows, drows, _, gr, gd, _ = bufs[b]
        pltpu.async_copy(rec_hbm.at[sidx_all.at[k]], rows, gr)
        pltpu.async_copy(drec_hbm.at[didx_all.at[k]], drows, gd)

    def wait_gather(b):
        rows, drows, _, gr, gd, _ = bufs[b]
        pltpu.make_async_copy(rec_hbm.at[pl.ds(0, CHUNK)], rows, gr).wait()
        pltpu.make_async_copy(drec_hbm.at[pl.ds(0, CHUNK)], drows, gd).wait()

    def issue_scatter(k, b):
        _, _, outb, _, _, sc = bufs[b]
        pltpu.async_copy(outb, acc_sh.at[didx_all.at[k]], sc, add=True)

    def wait_scatter(b):
        _, _, outb, _, _, sc = bufs[b]
        pltpu.make_async_copy(rec_hbm.at[pl.ds(0, CHUNK)], outb, sc).wait()

    def compute(b):
        rows, drows, outb, _, _, _ = bufs[b]

        @plsc.parallel_loop(0, CHUNK, 1, unroll=4)
        def edge_body(e):
            a_s = rows[e, HID:]
            a_d = drows[e, :]
            sm = a_s + a_d
            ee = jnp.exp(jnp.maximum(sm, sm * 0.2))
            outb[e, HID:] = ee
            for j in range(4):
                gj = ee.at[gidx[j]].get(mode="promise_in_bounds")
                outb[e, j * 16:(j + 1) * 16] = gj * rows[e, j * 16:(j + 1) * 16]

    issue_gather(0, 0)

    def pair_body(i, carry):
        k0 = 2 * i
        issue_gather(k0 + 1, 1)
        wait_gather(0)

        @pl.when(i >= 1)
        def _drain0():
            wait_scatter(0)

        compute(0)
        issue_scatter(k0, 0)

        @pl.when(k0 + 2 < NCHUNK)
        def _issue_next():
            issue_gather(k0 + 2, 0)

        wait_gather(1)

        @pl.when(i >= 1)
        def _drain1():
            wait_scatter(1)

        compute(1)
        issue_scatter(k0 + 1, 1)
        return carry

    lax.fori_loop(0, NCHUNK // 2, pair_body, 0)
    wait_scatter(0)
    wait_scatter(1)

    plsc.subcore_barrier()
    pltpu.sync_copy(acc_sh.at[pl.ds(s * RPT, RPT)],
                    acc_hbm.at[c, pl.ds(s * RPT, RPT)])

    @pl.when(s == 0)
    def _write_tail():
        pltpu.sync_copy(acc_sh.at[pl.ds(TAIL_OFF, TAIL)],
                        acc_hbm.at[c, pl.ds(TAIL_OFF, TAIL)])


@functools.cache
def _sc_edge_call():
    return pl.kernel(
        _sc_edge_body,
        out_type=jax.ShapeDtypeStruct((NC, N, REC), jnp.float32),
        mesh=plsc.VectorSubcoreMesh(core_axis_name="c", subcore_axis_name="s",
                                    num_cores=NC, num_subcores=NS),
        scratch_types=[
            pltpu.VMEM((NCHUNK, CHUNK), jnp.int32),
            pltpu.VMEM((NCHUNK, CHUNK), jnp.int32),
            pltpu.VMEM((CHUNK, REC), jnp.float32),
            pltpu.VMEM((CHUNK, DREC), jnp.float32),
            pltpu.VMEM((CHUNK, REC), jnp.float32),
            pltpu.VMEM((CHUNK, REC), jnp.float32),
            pltpu.VMEM((CHUNK, DREC), jnp.float32),
            pltpu.VMEM((CHUNK, REC), jnp.float32),
            pltpu.VMEM_SHARED((N, REC), jnp.float32),
            pltpu.SemaphoreType.DMA,
            pltpu.SemaphoreType.DMA,
            pltpu.SemaphoreType.DMA,
            pltpu.SemaphoreType.DMA,
            pltpu.SemaphoreType.DMA,
            pltpu.SemaphoreType.DMA,
        ],
        compiler_params=pltpu.CompilerParams(use_tc_tiling_on_sc=False),
    )


def _sc_edge(rec, drec, src2, dst2, zeros):
    return _sc_edge_call()(rec, drec, src2, dst2, zeros)



def kernel(x, edge_index, params):
    p = params
    src = edge_index[0].reshape(E // CHUNK, CHUNK)
    dst = edge_index[1].reshape(E // CHUNK, CHUNK)
    zeros = jnp.zeros((RPT, REC), jnp.float32)
    bmat = jnp.asarray(_BCAST)

    ms1, md1 = _expand_att(p["as1"]), _expand_att(p["ad1"])
    ms2, md2 = _expand_att(p["as2"]), _expand_att(p["ad2"])
    ms3, md3 = _expand_att(p["as3"]), _expand_att(p["ad3"])

    rec, drec = _tc_prep(x, p["W1"], ms1, md1)
    acc = _sc_edge(rec, drec, src, dst, zeros)
    h1, rec, drec = _tc_combine1(acc, bmat, p["bc1"].reshape(1, HID),
                                 p["g1"].reshape(1, HID), p["b1"].reshape(1, HID),
                                 p["W2"], ms2, md2)
    acc = _sc_edge(rec, drec, src, dst, zeros)
    h2, rec, drec = _tc_combine2(acc, bmat, p["bc2"].reshape(1, HID),
                                 p["g2"].reshape(1, HID), p["b2"].reshape(1, HID),
                                 h1, p["W3"], ms3, md3)
    acc = _sc_edge(rec, drec, src, dst, zeros)
    return _tc_final(acc, bmat, p["bc3"].reshape(1, HID),
                     p["g3"].reshape(1, HID), p["b3"].reshape(1, HID), h2, p)

# --- scband reference (transcript-rebuilt; emitter-appended) ---
"""Pipeline reference for scband-gat-86045374808682 (READ-ONLY COPY).

The authoritative reference and input builder live on the scoring server;
editing this copy changes nothing except your own understanding.
"""

import jax, jax.numpy as jnp
import numpy as np

N = 10000
E = 320000
IN_DIM = 128
HID = 64
HEADS = 8
HD = HID // HEADS


def _p(key, shape, scale=0.05):
    return jax.random.normal(key, shape, dtype=jnp.float32) * scale


def setup_inputs(seed: int = 0):
    key = jax.random.key(seed)
    ks = jax.random.split(key, 32)
    x = jax.random.normal(ks[0], (N, IN_DIM), dtype=jnp.float32)
    edge_index = jax.random.randint(ks[1], (2, E), 0, N, dtype=jnp.int32)
    params = {
        "W1": _p(ks[2], (IN_DIM, HID)), "as1": _p(ks[3], (HEADS, HD)), "ad1": _p(ks[4], (HEADS, HD)), "bc1": jnp.zeros((HID,), jnp.float32),
        "W2": _p(ks[5], (HID, HID)), "as2": _p(ks[6], (HEADS, HD)), "ad2": _p(ks[7], (HEADS, HD)), "bc2": jnp.zeros((HID,), jnp.float32),
        "W3": _p(ks[8], (HID, HID)), "as3": _p(ks[9], (HEADS, HD)), "ad3": _p(ks[10], (HEADS, HD)), "bc3": jnp.zeros((HID,), jnp.float32),
        "g1": jnp.ones((HID,), jnp.float32), "b1": jnp.zeros((HID,), jnp.float32),
        "g2": jnp.ones((HID,), jnp.float32), "b2": jnp.zeros((HID,), jnp.float32),
        "g3": jnp.ones((HID,), jnp.float32), "b3": jnp.zeros((HID,), jnp.float32),
        "aW1": _p(ks[11], (HID, HID)), "ab1": jnp.zeros((HID,), jnp.float32),
        "ag": jnp.ones((HID,), jnp.float32), "abt": jnp.zeros((HID,), jnp.float32),
        "aW2": _p(ks[12], (HID, 1)), "ab2": jnp.zeros((1,), jnp.float32),
        "rW1": _p(ks[13], (HID, HID // 2)), "rb1": jnp.zeros((HID // 2,), jnp.float32),
        "rg": jnp.ones((HID // 2,), jnp.float32), "rbt": jnp.zeros((HID // 2,), jnp.float32),
        "rW2": _p(ks[14], (HID // 2, 1)), "rb2": jnp.zeros((1,), jnp.float32),
    }
    return {"x": x, "edge_index": edge_index, "params": params}


def _layer_norm(x, g, b, eps=1e-5):
    m = jnp.mean(x, axis=-1, keepdims=True)
    v = jnp.mean((x - m) ** 2, axis=-1, keepdims=True)
    return (x - m) / jnp.sqrt(v + eps) * g + b


def _gat_conv(x, src, dst, W, a_s, a_d, b):
    h = (x @ W).reshape(-1, HEADS, HD)
    alpha_s = jnp.sum(h * a_s[None], axis=-1)
    alpha_d = jnp.sum(h * a_d[None], axis=-1)
    e = jax.nn.leaky_relu(alpha_s[src] + alpha_d[dst], negative_slope=0.2)
    emax = jax.ops.segment_max(e, dst, num_segments=N)
    emax = jnp.where(jnp.isfinite(emax), emax, 0.0)
    emax = jax.lax.stop_gradient(emax)
    ee = jnp.exp(e - emax[dst])
    denom = jax.ops.segment_sum(ee, dst, num_segments=N)
    alpha = ee / (denom[dst] + 1e-16)
    out = jax.ops.segment_sum(h[src] * alpha[:, :, None], dst, num_segments=N)
    return out.reshape(-1, HID) + b


def _forward(x, src, dst, p):
    h1 = jax.nn.relu(_layer_norm(_gat_conv(x, src, dst, p["W1"], p["as1"], p["ad1"], p["bc1"]), p["g1"], p["b1"]))
    h2 = jax.nn.relu(_layer_norm(_gat_conv(h1, src, dst, p["W2"], p["as2"], p["ad2"], p["bc2"]), p["g2"], p["b2"])) + h1
    h3 = jax.nn.relu(_layer_norm(_gat_conv(h2, src, dst, p["W3"], p["as3"], p["ad3"], p["bc3"]), p["g3"], p["b3"])) + h2
    h3 = h3 / jnp.maximum(jnp.linalg.norm(h3, axis=1, keepdims=True), 1e-12)
    ah = jax.nn.relu(_layer_norm(h3 @ p["aW1"] + p["ab1"], p["ag"], p["abt"]))
    angles = jnp.tanh(ah @ p["aW2"] + p["ab2"]) * jnp.pi
    rh = jax.nn.relu(_layer_norm(h3 @ p["rW1"] + p["rb1"], p["rg"], p["rbt"]))
    radius_dev = jax.nn.softplus(rh @ p["rW2"] + p["rb2"])
    radius = 1.0 + 0.1 * jnp.tanh(radius_dev)
    ang = angles[:, 0]
    r = radius[:, 0]
    coords = jnp.stack([r * jnp.cos(ang), r * jnp.sin(ang)], axis=1)
    coords = coords - jnp.mean(coords, axis=0, keepdims=True)
    coords = coords / jnp.maximum(jnp.linalg.norm(coords, axis=1, keepdims=True), 1e-12)
    return coords


def reference(x, edge_index, params):
    src = edge_index[0]
    dst = edge_index[1]
    return _forward(x, src, dst, params)

if __name__ == "__main__":
    import jax
    _d = setup_inputs()
    print(jax.jit(kernel)(*tuple(_d.values())))

</pallas_src>

<mosaic_0001>
#map = affine_map<(d0, d1) -> (0, 0)>
#map1 = affine_map<(d0, d1) -> (0, 0, 0)>
module attributes {stable_mosaic.version = 14 : i64} {
  func.func @_sc_edge_body(%arg0: i32, %arg1: i32, %arg2: memref<10000x80xf32, #tpu.memory_space<hbm>>, %arg3: memref<10000x16xf32, #tpu.memory_space<hbm>>, %arg4: memref<2560x125xi32, #tpu.memory_space<hbm>>, %arg5: memref<2560x125xi32, #tpu.memory_space<hbm>>, %arg6: memref<624x80xf32, #tpu.memory_space<hbm>>, %arg7: memref<2x10000x80xf32, #tpu.memory_space<hbm>>, %arg8: memref<80x125xi32, #tpu.memory_space<vmem>>, %arg9: memref<80x125xi32, #tpu.memory_space<vmem>>, %arg10: memref<125x80xf32, #tpu.memory_space<vmem>>, %arg11: memref<125x16xf32, #tpu.memory_space<vmem>>, %arg12: memref<125x80xf32, #tpu.memory_space<vmem>>, %arg13: memref<125x80xf32, #tpu.memory_space<vmem>>, %arg14: memref<125x16xf32, #tpu.memory_space<vmem>>, %arg15: memref<125x80xf32, #tpu.memory_space<vmem>>, %arg16: memref<10000x80xf32, #tpu.memory_space<vmem_shared>>, %arg17: memref<!tpu.dma_semaphore, #tpu.memory_space<semaphore_mem>>, %arg18: memref<!tpu.dma_semaphore, #tpu.memory_space<semaphore_mem>>, %arg19: memref<!tpu.dma_semaphore, #tpu.memory_space<semaphore_mem>>, %arg20: memref<!tpu.dma_semaphore, #tpu.memory_space<semaphore_mem>>, %arg21: memref<!tpu.dma_semaphore, #tpu.memory_space<semaphore_mem>>, %arg22: memref<!tpu.dma_semaphore, #tpu.memory_space<semaphore_mem>>) attributes {dimension_semantics = [#tpu.dimension_semantics<core_parallel>, #tpu.dimension_semantics<subcore_parallel>], iteration_bounds = array<i64: 2, 16>, scalar_prefetch = 0 : i64, scratch_operands = 15 : i64, tpu.core_type = #tpu.core_type<sc_vector_subcore>, window_params = [{transform_indices = #map}, {transform_indices = #map}, {transform_indices = #map}, {transform_indices = #map}, {transform_indices = #map}, {transform_indices = #map1}]} {
    %mul3A = arith.constant 2 : i32
    %mul3A_0 = arith.muli %arg1, %mul3A : i32
    %add3A = arith.addi %mul3A_0, %arg0 : i32
    %mul3A_1 = arith.constant 624 : i32
    %mul3A_2 = arith.muli %arg1, %mul3A_1 : i32
    "tpu.region"() ({
      %run_scoped3A = tpu.sem_alloc : memref<!tpu.dma_semaphore, #tpu.memory_space<semaphore_mem>>
      %dma_start3A_60 = arith.constant 0 : i32
      %dma_start3A_61 = tpu.memref_slice %arg16[%mul3A_2, %dma_start3A_60] : memref<10000x80xf32, #tpu.memory_space<vmem_shared>> -> memref<624x80xf32, #tpu.memory_space<vmem_shared>>
      tpu.enqueue_dma source(%arg6 : memref<624x80xf32, #tpu.memory_space<hbm>>) target(%dma_start3A_61 : memref<624x80xf32, #tpu.memory_space<vmem_shared>>) target_semaphore(%run_scoped3A : memref<!tpu.dma_semaphore, #tpu.memory_space<semaphore_mem>>)
      %dma_wait3A_62 = arith.constant 0 : i32
      %dma_wait3A_63 = tpu.memref_slice %arg16[%mul3A_2, %dma_wait3A_62] : memref<10000x80xf32, #tpu.memory_space<vmem_shared>> -> memref<624x80xf32, #tpu.memory_space<vmem_shared>>
      tpu.wait_dma2 semaphore(%run_scoped3A : memref<!tpu.dma_semaphore, #tpu.memory_space<semaphore_mem>>) src(%arg6 : memref<624x80xf32, #tpu.memory_space<hbm>>) dst(%dma_wait3A_63 : memref<624x80xf32, #tpu.memory_space<vmem_shared>>)
      tpu.yield
    }) : () -> ()
    %eq3A = arith.constant 0 : i32
    %eq3A_3 = arith.cmpi eq, %arg1, %eq3A : i32
    %convert_element_type3A = arith.extui %eq3A_3 : i1 to i32
    %cond3A = arith.constant 0 : i32
    %cond3A_4 = arith.cmpi ne, %convert_element_type3A, %cond3A : i32
    scf.if %cond3A_4 {
      "tpu.region"() ({
        %run_scoped3A = tpu.sem_alloc : memref<!tpu.dma_semaphore, #tpu.memory_space<semaphore_mem>>
        %dma_start3A_60 = arith.constant 9984 : i32
        %dma_start3A_61 = arith.constant 0 : i32
        %dma_start3A_62 = tpu.memref_slice %arg16[%dma_start3A_60, %dma_start3A_61] : memref<10000x80xf32, #tpu.memory_space<vmem_shared>> -> memref<16x80xf32, #tpu.memory_space<vmem_shared>>
        %dma_start3A_63 = arith.constant 0 : i32
        %dma_start3A_64 = arith.constant 0 : i32
        %dma_start3A_65 = tpu.memref_slice %arg6[%dma_start3A_63, %dma_start3A_64] : memref<624x80xf32, #tpu.memory_space<hbm>> -> memref<16x80xf32, #tpu.memory_space<hbm>>
        tpu.enqueue_dma source(%dma_start3A_65 : memref<16x80xf32, #tpu.memory_space<hbm>>) target(%dma_start3A_62 : memref<16x80xf32, #tpu.memory_space<vmem_shared>>) target_semaphore(%run_scoped3A : memref<!tpu.dma_semaphore, #tpu.memory_space<semaphore_mem>>)
        %dma_wait3A_66 = arith.constant 9984 : i32
        %dma_wait3A_67 = arith.constant 0 : i32
        %dma_wait3A_68 = tpu.memref_slice %arg16[%dma_wait3A_66, %dma_wait3A_67] : memref<10000x80xf32, #tpu.memory_space<vmem_shared>> -> memref<16x80xf32, #tpu.memory_space<vmem_shared>>
        %dma_wait3A_69 = arith.constant 0 : i32
        %dma_wait3A_70 = arith.constant 0 : i32
        %dma_wait3A_71 = tpu.memref_slice %arg6[%dma_wait3A_69, %dma_wait3A_70] : memref<624x80xf32, #tpu.memory_space<hbm>> -> memref<16x80xf32, #tpu.memory_space<hbm>>
        tpu.wait_dma2 semaphore(%run_scoped3A : memref<!tpu.dma_semaphore, #tpu.memory_space<semaphore_mem>>) src(%dma_wait3A_71 : memref<16x80xf32, #tpu.memory_space<hbm>>) dst(%dma_wait3A_68 : memref<16x80xf32, #tpu.memory_space<vmem_shared>>)
        tpu.yield
      }) : () -> ()
    } else {
    }
    %barrier3A = arith.constant 0 : index
    tpu.barrier barrier_id(%barrier3A)
    %mul3A_5 = arith.constant 80 : i32
    %mul3A_6 = arith.muli %add3A, %mul3A_5 : i32
    "tpu.region"() ({
      %run_scoped3A = tpu.sem_alloc : memref<!tpu.dma_semaphore, #tpu.memory_space<semaphore_mem>>
      %dma_start3A_60 = arith.constant 0 : i32
      %dma_start3A_61 = tpu.memref_slice %arg4[%mul3A_6, %dma_start3A_60] : memref<2560x125xi32, #tpu.memory_space<hbm>> -> memref<80x125xi32, #tpu.memory_space<hbm>>
      %dma_start3A_62 = arith.constant 0 : i32
      %dma_start3A_63 = tpu.memref_slice %arg4[%mul3A_6, %dma_start3A_62] : memref<2560x125xi32, #tpu.memory_space<hbm>> -> memref<80x125xi32, #tpu.memory_space<hbm>>
      tpu.enqueue_dma source(%dma_start3A_63 : memref<80x125xi32, #tpu.memory_space<hbm>>) target(%arg8 : memref<80x125xi32, #tpu.memory_space<vmem>>) target_semaphore(%run_scoped3A : memref<!tpu.dma_semaphore, #tpu.memory_space<semaphore_mem>>)
      %dma_wait3A_64 = arith.constant 0 : i32
      %dma_wait3A_65 = tpu.memref_slice %arg4[%mul3A_6, %dma_wait3A_64] : memref<2560x125xi32, #tpu.memory_space<hbm>> -> memref<80x125xi32, #tpu.memory_space<hbm>>
      %dma_wait3A_66 = arith.constant 0 : i32
      %dma_wait3A_67 = tpu.memref_slice %arg4[%mul3A_6, %dma_wait3A_66] : memref<2560x125xi32, #tpu.memory_space<hbm>> -> memref<80x125xi32, #tpu.memory_space<hbm>>
      tpu.wait_dma2 semaphore(%run_scoped3A : memref<!tpu.dma_semaphore, #tpu.memory_space<semaphore_mem>>) src(%dma_wait3A_67 : memref<80x125xi32, #tpu.memory_space<hbm>>) dst(%arg8 : memref<80x125xi32, #tpu.memory_space<vmem>>)
      tpu.yield
    }) : () -> ()
    "tpu.region"() ({
      %run_scoped3A = tpu.sem_alloc : memref<!tpu.dma_semaphore, #tpu.memory_space<semaphore_mem>>
      %dma_start3A_60 = arith.constant 0 : i32
      %dma_start3A_61 = tpu.memref_slice %arg5[%mul3A_6, %dma_start3A_60] : memref<2560x125xi32, #tpu.memory_space<hbm>> -> memref<80x125xi32, #tpu.memory_space<hbm>>
      %dma_start3A_62 = arith.constant 0 : i32
      %dma_start3A_63 = tpu.memref_slice %arg5[%mul3A_6, %dma_start3A_62] : memref<2560x125xi32, #tpu.memory_space<hbm>> -> memref<80x125xi32, #tpu.memory_space<hbm>>
      tpu.enqueue_dma source(%dma_start3A_63 : memref<80x125xi32, #tpu.memory_space<hbm>>) target(%arg9 : memref<80x125xi32, #tpu.memory_space<vmem>>) target_semaphore(%run_scoped3A : memref<!tpu.dma_semaphore, #tpu.memory_space<semaphore_mem>>)
      %dma_wait3A_64 = arith.constant 0 : i32
      %dma_wait3A_65 = tpu.memref_slice %arg5[%mul3A_6, %dma_wait3A_64] : memref<2560x125xi32, #tpu.memory_space<hbm>> -> memref<80x125xi32, #tpu.memory_space<hbm>>
      %dma_wait3A_66 = arith.constant 0 : i32
      %dma_wait3A_67 = tpu.memref_slice %arg5[%mul3A_6, %dma_wait3A_66] : memref<2560x125xi32, #tpu.memory_space<hbm>> -> memref<80x125xi32, #tpu.memory_space<hbm>>
      tpu.wait_dma2 semaphore(%run_scoped3A : memref<!tpu.dma_semaphore, #tpu.memory_space<semaphore_mem>>) src(%dma_wait3A_67 : memref<80x125xi32, #tpu.memory_space<hbm>>) dst(%arg9 : memref<80x125xi32, #tpu.memory_space<vmem>>)
      tpu.yield
    }) : () -> ()
    %iota3A = tpu.iota {dimensions = array<i32: 0>} : vector<16xi32>
    %shift_right_logical3A = arith.constant 3 : i32
    %shift_right_logical3A_7 = vector.broadcast %shift_right_logical3A : i32 to vector<16xi32>
    %shift_right_logical3A_8 = arith.shrui %iota3A, %shift_right_logical3A_7 : vector<16xi32>
    %add3A_9 = arith.constant 0 : i32
    %add3A_10 = vector.broadcast %add3A_9 : i32 to vector<16xi32>
    %add3A_11 = arith.addi %shift_right_logical3A_8, %add3A_10 : vector<16xi32>
    %add3A_12 = arith.constant 2 : i32
    %add3A_13 = vector.broadcast %add3A_12 : i32 to vector<16xi32>
    %add3A_14 = arith.addi %shift_right_logical3A_8, %add3A_13 : vector<16xi32>
    %add3A_15 = arith.constant 4 : i32
    %add3A_16 = vector.broadcast %add3A_15 : i32 to vector<16xi32>
    %add3A_17 = arith.addi %shift_right_logical3A_8, %add3A_16 : vector<16xi32>
    %add3A_18 = arith.constant 6 : i32
    %add3A_19 = vector.broadcast %add3A_18 : i32 to vector<16xi32>
    %add3A_20 = arith.addi %shift_right_logical3A_8, %add3A_19 : vector<16xi32>
    %dma_start3A = arith.constant 0 : i32
    %dma_start3A_21 = arith.constant 0 : i32
    %dma_start3A_22 = tpu.memref_slice %arg8[%dma_start3A, %dma_start3A_21] : memref<80x125xi32, #tpu.memory_space<vmem>> -> memref<1x125xi32, #tpu.memory_space<vmem>>
    %dma_start3A_23 = tpu.memref_squeeze %dma_start3A_22 : memref<1x125xi32, #tpu.memory_space<vmem>> -> memref<125xi32, #tpu.memory_space<vmem>>
    %dma_start3A_24 = arith.constant 0 : i32
    %dma_start3A_25 = arith.constant 0 : i32
    %dma_start3A_26 = tpu.memref_slice %arg2[%dma_start3A_24, %dma_start3A_25] : memref<10000x80xf32, #tpu.memory_space<hbm>> -> memref<10000x80xf32, #tpu.memory_space<hbm>>
    tpu.enqueue_indirect_dma source(%dma_start3A_26 : memref<10000x80xf32, #tpu.memory_space<hbm>>) target(%arg10 : memref<125x80xf32, #tpu.memory_space<vmem>>) offsets(%dma_start3A_23 : memref<125xi32, #tpu.memory_space<vmem>>) semaphore(%arg17 : memref<!tpu.dma_semaphore, #tpu.memory_space<semaphore_mem>>)
    %dma_start3A_27 = arith.constant 0 : i32
    %dma_start3A_28 = arith.constant 0 : i32
    %dma_start3A_29 = tpu.memref_slice %arg9[%dma_start3A_27, %dma_start3A_28] : memref<80x125xi32, #tpu.memory_space<vmem>> -> memref<1x125xi32, #tpu.memory_space<vmem>>
    %dma_start3A_30 = tpu.memref_squeeze %dma_start3A_29 : memref<1x125xi32, #tpu.memory_space<vmem>> -> memref<125xi32, #tpu.memory_space<vmem>>
    %dma_start3A_31 = arith.constant 0 : i32
    %dma_start3A_32 = arith.constant 0 : i32
    %dma_start3A_33 = tpu.memref_slice %arg3[%dma_start3A_31, %dma_start3A_32] : memref<10000x16xf32, #tpu.memory_space<hbm>> -> memref<10000x16xf32, #tpu.memory_space<hbm>>
    tpu.enqueue_indirect_dma source(%dma_start3A_33 : memref<10000x16xf32, #tpu.memory_space<hbm>>) target(%arg11 : memref<125x16xf32, #tpu.memory_space<vmem>>) offsets(%dma_start3A_30 : memref<125xi32, #tpu.memory_space<vmem>>) semaphore(%arg18 : memref<!tpu.dma_semaphore, #tpu.memory_space<semaphore_mem>>)
    %scan3A = arith.constant 0 : i32
    %scan3A_34 = arith.constant 0 : i32
    %scan3A_35 = arith.constant 40 : i32
    %scan3A_36 = arith.addi %scan3A_34, %scan3A_35 : i32
    %scan3A_37 = arith.constant 1 : i32
    scf.for %scan3A_60 = %scan3A_34 to %scan3A_36 step %scan3A_37  : i32 {
      %mul3A_61 = arith.constant 2 : i32
      %mul3A_62 = arith.muli %mul3A_61, %scan3A_60 : i32
      %add3A_63 = arith.constant 1 : i32
      %add3A_64 = arith.addi %mul3A_62, %add3A_63 : i32
      %dma_start3A_65 = arith.constant 0 : i32
      %dma_start3A_66 = tpu.memref_slice %arg8[%add3A_64, %dma_start3A_65] : memref<80x125xi32, #tpu.memory_space<vmem>> -> memref<1x125xi32, #tpu.memory_space<vmem>>
      %dma_start3A_67 = tpu.memref_squeeze %dma_start3A_66 : memref<1x125xi32, #tpu.memory_space<vmem>> -> memref<125xi32, #tpu.memory_space<vmem>>
      %dma_start3A_68 = arith.constant 0 : i32
      %dma_start3A_69 = arith.constant 0 : i32
      %dma_start3A_70 = tpu.memref_slice %arg2[%dma_start3A_68, %dma_start3A_69] : memref<10000x80xf32, #tpu.memory_space<hbm>> -> memref<10000x80xf32, #tpu.memory_space<hbm>>
      tpu.enqueue_indirect_dma source(%dma_start3A_70 : memref<10000x80xf32, #tpu.memory_space<hbm>>) target(%arg13 : memref<125x80xf32, #tpu.memory_space<vmem>>) offsets(%dma_start3A_67 : memref<125xi32, #tpu.memory_space<vmem>>) semaphore(%arg20 : memref<!tpu.dma_semaphore, #tpu.memory_space<semaphore_mem>>)
      %dma_start3A_71 = arith.constant 0 : i32
      %dma_start3A_72 = tpu.memref_slice %arg9[%add3A_64, %dma_start3A_71] : memref<80x125xi32, #tpu.memory_space<vmem>> -> memref<1x125xi32, #tpu.memory_space<vmem>>
      %dma_start3A_73 = tpu.memref_squeeze %dma_start3A_72 : memref<1x125xi32, #tpu.memory_space<vmem>> -> memref<125xi32, #tpu.memory_space<vmem>>
      %dma_start3A_74 = arith.constant 0 : i32
      %dma_start3A_75 = arith.constant 0 : i32
      %dma_start3A_76 = tpu.memref_slice %arg3[%dma_start3A_74, %dma_start3A_75] : memref<10000x16xf32, #tpu.memory_space<hbm>> -> memref<10000x16xf32, #tpu.memory_space<hbm>>
      tpu.enqueue_indirect_dma source(%dma_start3A_76 : memref<10000x16xf32, #tpu.memory_space<hbm>>) target(%arg14 : memref<125x16xf32, #tpu.memory_space<vmem>>) offsets(%dma_start3A_73 : memref<125xi32, #tpu.memory_space<vmem>>) semaphore(%arg21 : memref<!tpu.dma_semaphore, #tpu.memory_space<semaphore_mem>>)
      %dma_wait3A_77 = arith.constant 0 : i32
      %dma_wait3A_78 = arith.constant 0 : i32
      %dma_wait3A_79 = tpu.memref_slice %arg2[%dma_wait3A_77, %dma_wait3A_78] : memref<10000x80xf32, #tpu.memory_space<hbm>> -> memref<125x80xf32, #tpu.memory_space<hbm>>
      %dma_wait3A_80 = arith.constant 0 : i32
      %dma_wait3A_81 = arith.constant 0 : i32
      %dma_wait3A_82 = tpu.memref_slice %arg2[%dma_wait3A_80, %dma_wait3A_81] : memref<10000x80xf32, #tpu.memory_space<hbm>> -> memref<125x80xf32, #tpu.memory_space<hbm>>
      tpu.wait_dma2 semaphore(%arg17 : memref<!tpu.dma_semaphore, #tpu.memory_space<semaphore_mem>>) src(%dma_wait3A_82 : memref<125x80xf32, #tpu.memory_space<hbm>>) dst(%arg10 : memref<125x80xf32, #tpu.memory_space<vmem>>)
      %dma_wait3A_83 = arith.constant 0 : i32
      %dma_wait3A_84 = arith.constant 0 : i32
      %dma_wait3A_85 = tpu.memref_slice %arg3[%dma_wait3A_83, %dma_wait3A_84] : memref<10000x16xf32, #tpu.memory_space<hbm>> -> memref<125x16xf32, #tpu.memory_space<hbm>>
      %dma_wait3A_86 = arith.constant 0 : i32
      %dma_wait3A_87 = arith.constant 0 : i32
      %dma_wait3A_88 = tpu.memref_slice %arg3[%dma_wait3A_86, %dma_wait3A_87] : memref<10000x16xf32, #tpu.memory_space<hbm>> -> memref<125x16xf32, #tpu.memory_space<hbm>>
      tpu.wait_dma2 semaphore(%arg18 : memref<!tpu.dma_semaphore, #tpu.memory_space<semaphore_mem>>) src(%dma_wait3A_88 : memref<125x16xf32, #tpu.memory_space<hbm>>) dst(%arg11 : memref<125x16xf32, #tpu.memory_space<vmem>>)
      %ge3A = arith.constant 1 : i32
      %ge3A_89 = arith.cmpi sge, %scan3A_60, %ge3A : i32
      %convert_element_type3A_90 = arith.extui %ge3A_89 : i1 to i32
      %cond3A_91 = arith.constant 0 : i32
      %cond3A_92 = arith.cmpi ne, %convert_element_type3A_90, %cond3A_91 : i32
      scf.if %cond3A_92 {
        %dma_wait3A_135 = arith.constant 0 : i32
        %dma_wait3A_136 = arith.constant 0 : i32
        %dma_wait3A_137 = tpu.memref_slice %arg2[%dma_wait3A_135, %dma_wait3A_136] : memref<10000x80xf32, #tpu.memory_space<hbm>> -> memref<125x80xf32, #tpu.memory_space<hbm>>
        %dma_wait3A_138 = arith.constant 0 : i32
        %dma_wait3A_139 = arith.constant 0 : i32
        %dma_wait3A_140 = tpu.memref_slice %arg2[%dma_wait3A_138, %dma_wait3A_139] : memref<10000x80xf32, #tpu.memory_space<hbm>> -> memref<125x80xf32, #tpu.memory_space<hbm>>
        tpu.wait_dma2 semaphore(%arg19 : memref<!tpu.dma_semaphore, #tpu.memory_space<semaphore_mem>>) src(%dma_wait3A_140 : memref<125x80xf32, #tpu.memory_space<hbm>>) dst(%arg12 : memref<125x80xf32, #tpu.memory_space<vmem>>)
      } else {
      }
      %parallel_loop3A = arith.constant 0 : i32
      %parallel_loop3A_93 = arith.constant 125 : i32
      %parallel_loop3A_94 = arith.constant 1 : i32
      scf.for %parallel_loop3A_135 = %parallel_loop3A to %parallel_loop3A_93 step %parallel_loop3A_94  : i32 {
        %parallel_loop3A_136 = arith.index_cast %parallel_loop3A_135 : i32 to index
        %parallel_loop3A_137 = arith.constant 64 : index
        %parallel_loop3A_138 = tpu.vector_load %arg10[%parallel_loop3A_136, %parallel_loop3A_137] {strides = array<i32>} : memref<125x80xf32, #tpu.memory_space<vmem>>, vector<1x16xf32>,
        %parallel_loop3A_139 = vector.shape_cast %parallel_loop3A_138 : vector<1x16xf32> to vector<16xf32>
        %parallel_loop3A_140 = arith.index_cast %parallel_loop3A_135 : i32 to index
        %parallel_loop3A_141 = arith.constant 0 : index
        %parallel_loop3A_142 = tpu.vector_load %arg11[%parallel_loop3A_140, %parallel_loop3A_141] {strides = array<i32>} : memref<125x16xf32, #tpu.memory_space<vmem>>, vector<1x16xf32>,
        %parallel_loop3A_143 = vector.shape_cast %parallel_loop3A_142 : vector<1x16xf32> to vector<16xf32>
        %parallel_loop3A_144 = arith.addf %parallel_loop3A_139, %parallel_loop3A_143 : vector<16xf32>
        %parallel_loop3A_145 = arith.constant 2.000000e-01 : f32
        %parallel_loop3A_146 = vector.broadcast %parallel_loop3A_145 : f32 to vector<16xf32>
        %parallel_loop3A_147 = arith.mulf %parallel_loop3A_144, %parallel_loop3A_146 : vector<16xf32>
        %parallel_loop3A_148 = arith.maximumf %parallel_loop3A_144, %parallel_loop3A_147 : vector<16xf32>
        %parallel_loop3A_149 = math.exp %parallel_loop3A_148 : vector<16xf32>
        %parallel_loop3A_150 = arith.index_cast %parallel_loop3A_135 : i32 to index
        %parallel_loop3A_151 = arith.constant 64 : index
        %parallel_loop3A_152 = tpu.vector_load %arg12[%parallel_loop3A_150, %parallel_loop3A_151] {strides = array<i32>} : memref<125x80xf32, #tpu.memory_space<vmem>>, vector<1x16xf32>,
        %parallel_loop3A_153 = vector.shape_cast %parallel_loop3A_152 : vector<1x16xf32> to vector<16xf32>
        %parallel_loop3A_154 = vector.shape_cast %parallel_loop3A_149 : vector<16xf32> to vector<1x16xf32>
        tpu.vector_store %arg12[%parallel_loop3A_150, %parallel_loop3A_151], %parallel_loop3A_154 {strides = array<i32>} : memref<125x80xf32, #tpu.memory_space<vmem>>, vector<1x16xf32>,
        %parallel_loop3A_155 = arith.constant 0 : i32
        %parallel_loop3A_156 = vector.broadcast %parallel_loop3A_155 : i32 to vector<16xi32>
        %parallel_loop3A_157 = arith.cmpi slt, %add3A_11, %parallel_loop3A_156 : vector<16xi32>
        %parallel_loop3A_158 = arith.constant 16 : i32
        %parallel_loop3A_159 = vector.broadcast %parallel_loop3A_158 : i32 to vector<16xi32>
        %parallel_loop3A_160 = arith.addi %add3A_11, %parallel_loop3A_159 : vector<16xi32>
        %parallel_loop3A_161 = arith.select %parallel_loop3A_157, %parallel_loop3A_160, %add3A_11 : vector<16xi1>, vector<16xi32>
        %parallel_loop3A_162 = vector.shape_cast %parallel_loop3A_161 : vector<16xi32> to vector<16x1xi32>
        %parallel_loop3A_163 = vector.shape_cast %parallel_loop3A_162 : vector<16x1xi32> to vector<16xi32>
        %parallel_loop3A_164 = tpu.dynamic_gather %parallel_loop3A_149[%parallel_loop3A_163] in [0] : vector<16xf32>, vector<16xi32> -> vector<16xf32>
        %parallel_loop3A_165 = arith.index_cast %parallel_loop3A_135 : i32 to index
        %parallel_loop3A_166 = arith.constant 0 : index
        %parallel_loop3A_167 = tpu.vector_load %arg10[%parallel_loop3A_165, %parallel_loop3A_166] {strides = array<i32>} : memref<125x80xf32, #tpu.memory_space<vmem>>, vector<1x16xf32>,
        %parallel_loop3A_168 = vector.shape_cast %parallel_loop3A_167 : vector<1x16xf32> to vector<16xf32>
        %parallel_loop3A_169 = arith.mulf %parallel_loop3A_164, %parallel_loop3A_168 : vector<16xf32>
        %parallel_loop3A_170 = arith.index_cast %parallel_loop3A_135 : i32 to index
        %parallel_loop3A_171 = arith.constant 0 : index
        %parallel_loop3A_172 = tpu.vector_load %arg12[%parallel_loop3A_170, %parallel_loop3A_171] {strides = array<i32>} : memref<125x80xf32, #tpu.memory_space<vmem>>, vector<1x16xf32>,
        %parallel_loop3A_173 = vector.shape_cast %parallel_loop3A_172 : vector<1x16xf32> to vector<16xf32>
        %parallel_loop3A_174 = vector.shape_cast %parallel_loop3A_169 : vector<16xf32> to vector<1x16xf32>
        tpu.vector_store %arg12[%parallel_loop3A_170, %parallel_loop3A_171], %parallel_loop3A_174 {strides = array<i32>} : memref<125x80xf32, #tpu.memory_space<vmem>>, vector<1x16xf32>,
        %parallel_loop3A_175 = arith.constant 0 : i32
        %parallel_loop3A_176 = vector.broadcast %parallel_loop3A_175 : i32 to vector<16xi32>
        %parallel_loop3A_177 = arith.cmpi slt, %add3A_14, %parallel_loop3A_176 : vector<16xi32>
        %parallel_loop3A_178 = arith.constant 16 : i32
        %parallel_loop3A_179 = vector.broadcast %parallel_loop3A_178 : i32 to vector<16xi32>
        %parallel_loop3A_180 = arith.addi %add3A_14, %parallel_loop3A_179 : vector<16xi32>
        %parallel_loop3A_181 = arith.select %parallel_loop3A_177, %parallel_loop3A_180, %add3A_14 : vector<16xi1>, vector<16xi32>
        %parallel_loop3A_182 = vector.shape_cast %parallel_loop3A_181 : vector<16xi32> to vector<16x1xi32>
        %parallel_loop3A_183 = vector.shape_cast %parallel_loop3A_182 : vector<16x1xi32> to vector<16xi32>
        %parallel_loop3A_184 = tpu.dynamic_gather %parallel_loop3A_149[%parallel_loop3A_183] in [0] : vector<16xf32>, vector<16xi32> -> vector<16xf32>
        %parallel_loop3A_185 = arith.index_cast %parallel_loop3A_135 : i32 to index
        %parallel_loop3A_186 = arith.constant 16 : index
        %parallel_loop3A_187 = tpu.vector_load %arg10[%parallel_loop3A_185, %parallel_loop3A_186] {strides = array<i32>} : memref<125x80xf32, #tpu.memory_space<vmem>>, vector<1x16xf32>,
        %parallel_loop3A_188 = vector.shape_cast %parallel_loop3A_187 : vector<1x16xf32> to vector<16xf32>
        %parallel_loop3A_189 = arith.mulf %parallel_loop3A_184, %parallel_loop3A_188 : vector<16xf32>
        %parallel_loop3A_190 = arith.index_cast %parallel_loop3A_135 : i32 to index
        %parallel_loop3A_191 = arith.constant 16 : index
        %parallel_loop3A_192 = tpu.vector_load %arg12[%parallel_loop3A_190, %parallel_loop3A_191] {strides = array<i32>} : memref<125x80xf32, #tpu.memory_space<vmem>>, vector<1x16xf32>,
        %parallel_loop3A_193 = vector.shape_cast %parallel_loop3A_192 : vector<1x16xf32> to vector<16xf32>
        %parallel_loop3A_194 = vector.shape_cast %parallel_loop3A_189 : vector<16xf32> to vector<1x16xf32>
        tpu.vector_store %arg12[%parallel_loop3A_190, %parallel_loop3A_191], %parallel_loop3A_194 {strides = array<i32>} : memref<125x80xf32, #tpu.memory_space<vmem>>, vector<1x16xf32>,
        %parallel_loop3A_195 = arith.constant 0 : i32
        %parallel_loop3A_196 = vector.broadcast %parallel_loop3A_195 : i32 to vector<16xi32>
        %parallel_loop3A_197 = arith.cmpi slt, %add3A_17, %parallel_loop3A_196 : vector<16xi32>
        %parallel_loop3A_198 = arith.constant 16 : i32
        %parallel_loop3A_199 = vector.broadcast %parallel_loop3A_198 : i32 to vector<16xi32>
        %parallel_loop3A_200 = arith.addi %add3A_17, %parallel_loop3A_199 : vector<16xi32>
        %parallel_loop3A_201 = arith.select %parallel_loop3A_197, %parallel_loop3A_200, %add3A_17 : vector<16xi1>, vector<16xi32>
        %parallel_loop3A_202 = vector.shape_cast %parallel_loop3A_201 : vector<16xi32> to vector<16x1xi32>
        %parallel_loop3A_203 = vector.shape_cast %parallel_loop3A_202 : vector<16x1xi32> to vector<16xi32>
        %parallel_loop3A_204 = tpu.dynamic_gather %parallel_loop3A_149[%parallel_loop3A_203] in [0] : vector<16xf32>, vector<16xi32> -> vector<16xf32>
        %parallel_loop3A_205 = arith.index_cast %parallel_loop3A_135 : i32 to index
        %parallel_loop3A_206 = arith.constant 32 : index
        %parallel_loop3A_207 = tpu.vector_load %arg10[%parallel_loop3A_205, %parallel_loop3A_206] {strides = array<i32>} : memref<125x80xf32, #tpu.memory_space<vmem>>, vector<1x16xf32>,
        %parallel_loop3A_208 = vector.shape_cast %parallel_loop3A_207 : vector<1x16xf32> to vector<16xf32>
        %parallel_loop3A_209 = arith.mulf %parallel_loop3A_204, %parallel_loop3A_208 : vector<16xf32>
        %parallel_loop3A_210 = arith.index_cast %parallel_loop3A_135 : i32 to index
        %parallel_loop3A_211 = arith.constant 32 : index
        %parallel_loop3A_212 = tpu.vector_load %arg12[%parallel_loop3A_210, %parallel_loop3A_211] {strides = array<i32>} : memref<125x80xf32, #tpu.memory_space<vmem>>, vector<1x16xf32>,
        %parallel_loop3A_213 = vector.shape_cast %parallel_loop3A_212 : vector<1x16xf32> to vector<16xf32>
        %parallel_loop3A_214 = vector.shape_cast %parallel_loop3A_209 : vector<16xf32> to vector<1x16xf32>
        tpu.vector_store %arg12[%parallel_loop3A_210, %parallel_loop3A_211], %parallel_loop3A_214 {strides = array<i32>} : memref<125x80xf32, #tpu.memory_space<vmem>>, vector<1x16xf32>,
        %parallel_loop3A_215 = arith.constant 0 : i32
        %parallel_loop3A_216 = vector.broadcast %parallel_loop3A_215 : i32 to vector<16xi32>
        %parallel_loop3A_217 = arith.cmpi slt, %add3A_20, %parallel_loop3A_216 : vector<16xi32>
        %parallel_loop3A_218 = arith.constant 16 : i32
        %parallel_loop3A_219 = vector.broadcast %parallel_loop3A_218 : i32 to vector<16xi32>
        %parallel_loop3A_220 = arith.addi %add3A_20, %parallel_loop3A_219 : vector<16xi32>
        %parallel_loop3A_221 = arith.select %parallel_loop3A_217, %parallel_loop3A_220, %add3A_20 : vector<16xi1>, vector<16xi32>
        %parallel_loop3A_222 = vector.shape_cast %parallel_loop3A_221 : vector<16xi32> to vector<16x1xi32>
        %parallel_loop3A_223 = vector.shape_cast %parallel_loop3A_222 : vector<16x1xi32> to vector<16xi32>
        %parallel_loop3A_224 = tpu.dynamic_gather %parallel_loop3A_149[%parallel_loop3A_223] in [0] : vector<16xf32>, vector<16xi32> -> vector<16xf32>
        %parallel_loop3A_225 = arith.index_cast %parallel_loop3A_135 : i32 to index
        %parallel_loop3A_226 = arith.constant 48 : index
        %parallel_loop3A_227 = tpu.vector_load %arg10[%parallel_loop3A_225, %parallel_loop3A_226] {strides = array<i32>} : memref<125x80xf32, #tpu.memory_space<vmem>>, vector<1x16xf32>,
        %parallel_loop3A_228 = vector.shape_cast %parallel_loop3A_227 : vector<1x16xf32> to vector<16xf32>
        %parallel_loop3A_229 = arith.mulf %parallel_loop3A_224, %parallel_loop3A_228 : vector<16xf32>
        %parallel_loop3A_230 = arith.index_cast %parallel_loop3A_135 : i32 to index
        %parallel_loop3A_231 = arith.constant 48 : index
        %parallel_loop3A_232 = tpu.vector_load %arg12[%parallel_loop3A_230, %parallel_loop3A_231] {strides = array<i32>} : memref<125x80xf32, #tpu.memory_space<vmem>>, vector<1x16xf32>,
        %parallel_loop3A_233 = vector.shape_cast %parallel_loop3A_232 : vector<1x16xf32> to vector<16xf32>
        %parallel_loop3A_234 = vector.shape_cast %parallel_loop3A_229 : vector<16xf32> to vector<1x16xf32>
        tpu.vector_store %arg12[%parallel_loop3A_230, %parallel_loop3A_231], %parallel_loop3A_234 {strides = array<i32>} : memref<125x80xf32, #tpu.memory_space<vmem>>, vector<1x16xf32>,
      } {sc.loop_unroll_factor = 4 : i64, sc.parallel_access}
      %dma_start3A_95 = arith.constant 0 : i32
      %dma_start3A_96 = tpu.memref_slice %arg9[%mul3A_62, %dma_start3A_95] : memref<80x125xi32, #tpu.memory_space<vmem>> -> memref<1x125xi32, #tpu.memory_space<vmem>>
      %dma_start3A_97 = tpu.memref_squeeze %dma_start3A_96 : memref<1x125xi32, #tpu.memory_space<vmem>> -> memref<125xi32, #tpu.memory_space<vmem>>
      %dma_start3A_98 = arith.constant 0 : i32
      %dma_start3A_99 = arith.constant 0 : i32
      %dma_start3A_100 = tpu.memref_slice %arg16[%dma_start3A_98, %dma_start3A_99] : memref<10000x80xf32, #tpu.memory_space<vmem_shared>> -> memref<10000x80xf32, #tpu.memory_space<vmem_shared>>
      tpu.enqueue_indirect_dma source(%arg12 : memref<125x80xf32, #tpu.memory_space<vmem>>) target(%dma_start3A_100 : memref<10000x80xf32, #tpu.memory_space<vmem_shared>>) offsets(%dma_start3A_97 : memref<125xi32, #tpu.memory_space<vmem>>) semaphore(%arg19 : memref<!tpu.dma_semaphore, #tpu.memory_space<semaphore_mem>>) {add = true}
      %add3A_101 = arith.constant 2 : i32
      %add3A_102 = arith.addi %mul3A_62, %add3A_101 : i32
      %lt3A = arith.constant 80 : i32
      %lt3A_103 = arith.cmpi slt, %add3A_102, %lt3A : i32
      %convert_element_type3A_104 = arith.extui %lt3A_103 : i1 to i32
      %cond3A_105 = arith.constant 0 : i32
      %cond3A_106 = arith.cmpi ne, %convert_element_type3A_104, %cond3A_105 : i32
      scf.if %cond3A_106 {
        %add3A_135 = arith.constant 2 : i32
        %add3A_136 = arith.addi %mul3A_62, %add3A_135 : i32
        %dma_start3A_137 = arith.constant 0 : i32
        %dma_start3A_138 = tpu.memref_slice %arg8[%add3A_136, %dma_start3A_137] : memref<80x125xi32, #tpu.memory_space<vmem>> -> memref<1x125xi32, #tpu.memory_space<vmem>>
        %dma_start3A_139 = tpu.memref_squeeze %dma_start3A_138 : memref<1x125xi32, #tpu.memory_space<vmem>> -> memref<125xi32, #tpu.memory_space<vmem>>
        %dma_start3A_140 = arith.constant 0 : i32
        %dma_start3A_141 = arith.constant 0 : i32
        %dma_start3A_142 = tpu.memref_slice %arg2[%dma_start3A_140, %dma_start3A_141] : memref<10000x80xf32, #tpu.memory_space<hbm>> -> memref<10000x80xf32, #tpu.memory_space<hbm>>
        tpu.enqueue_indirect_dma source(%dma_start3A_142 : memref<10000x80xf32, #tpu.memory_space<hbm>>) target(%arg10 : memref<125x80xf32, #tpu.memory_space<vmem>>) offsets(%dma_start3A_139 : memref<125xi32, #tpu.memory_space<vmem>>) semaphore(%arg17 : memref<!tpu.dma_semaphore, #tpu.memory_space<semaphore_mem>>)
        %dma_start3A_143 = arith.constant 0 : i32
        %dma_start3A_144 = tpu.memref_slice %arg9[%add3A_136, %dma_start3A_143] : memref<80x125xi32, #tpu.memory_space<vmem>> -> memref<1x125xi32, #tpu.memory_space<vmem>>
        %dma_start3A_145 = tpu.memref_squeeze %dma_start3A_144 : memref<1x125xi32, #tpu.memory_space<vmem>> -> memref<125xi32, #tpu.memory_space<vmem>>
        %dma_start3A_146 = arith.constant 0 : i32
        %dma_start3A_147 = arith.constant 0 : i32
        %dma_start3A_148 = tpu.memref_slice %arg3[%dma_start3A_146, %dma_start3A_147] : memref<10000x16xf32, #tpu.memory_space<hbm>> -> memref<10000x16xf32, #tpu.memory_space<hbm>>
        tpu.enqueue_indirect_dma source(%dma_start3A_148 : memref<10000x16xf32, #tpu.memory_space<hbm>>) target(%arg11 : memref<125x16xf32, #tpu.memory_space<vmem>>) offsets(%dma_start3A_145 : memref<125xi32, #tpu.memory_space<vmem>>) semaphore(%arg18 : memref<!tpu.dma_semaphore, #tpu.memory_space<semaphore_mem>>)
      } else {
      }
      %dma_wait3A_107 = arith.constant 0 : i32
      %dma_wait3A_108 = arith.constant 0 : i32
      %dma_wait3A_109 = tpu.memref_slice %arg2[%dma_wait3A_107, %dma_wait3A_108] : memref<10000x80xf32, #tpu.memory_space<hbm>> -> memref<125x80xf32, #tpu.memory_space<hbm>>
      %dma_wait3A_110 = arith.constant 0 : i32
      %dma_wait3A_111 = arith.constant 0 : i32
      %dma_wait3A_112 = tpu.memref_slice %arg2[%dma_wait3A_110, %dma_wait3A_111] : memref<10000x80xf32, #tpu.memory_space<hbm>> -> memref<125x80xf32, #tpu.memory_space<hbm>>
      tpu.wait_dma2 semaphore(%arg20 : memref<!tpu.dma_semaphore, #tpu.memory_space<semaphore_mem>>) src(%dma_wait3A_112 : memref<125x80xf32, #tpu.memory_space<hbm>>) dst(%arg13 : memref<125x80xf32, #tpu.memory_space<vmem>>)
      %dma_wait3A_113 = arith.constant 0 : i32
      %dma_wait3A_114 = arith.constant 0 : i32
      %dma_wait3A_115 = tpu.memref_slice %arg3[%dma_wait3A_113, %dma_wait3A_114] : memref<10000x16xf32, #tpu.memory_space<hbm>> -> memref<125x16xf32, #tpu.memory_space<hbm>>
      %dma_wait3A_116 = arith.constant 0 : i32
      %dma_wait3A_117 = arith.constant 0 : i32
      %dma_wait3A_118 = tpu.memref_slice %arg3[%dma_wait3A_116, %dma_wait3A_117] : memref<10000x16xf32, #tpu.memory_space<hbm>> -> memref<125x16xf32, #tpu.memory_space<hbm>>
      tpu.wait_dma2 semaphore(%arg21 : memref<!tpu.dma_semaphore, #tpu.memory_space<semaphore_mem>>) src(%dma_wait3A_118 : memref<125x16xf32, #tpu.memory_space<hbm>>) dst(%arg14 : memref<125x16xf32, #tpu.memory_space<vmem>>)
      %ge3A_119 = arith.constant 1 : i32
      %ge3A_120 = arith.cmpi sge, %scan3A_60, %ge3A_119 : i32
      %convert_element_type3A_121 = arith.extui %ge3A_120 : i1 to i32
      %cond3A_122 = arith.constant 0 : i32
      %cond3A_123 = arith.cmpi ne, %convert_element_type3A_121, %cond3A_122 : i32
      scf.if %cond3A_123 {
        %dma_wait3A_135 = arith.constant 0 : i32
        %dma_wait3A_136 = arith.constant 0 : i32
        %dma_wait3A_137 = tpu.memref_slice %arg2[%dma_wait3A_135, %dma_wait3A_136] : memref<10000x80xf32, #tpu.memory_space<hbm>> -> memref<125x80xf32, #tpu.memory_space<hbm>>
        %dma_wait3A_138 = arith.constant 0 : i32
        %dma_wait3A_139 = arith.constant 0 : i32
        %dma_wait3A_140 = tpu.memref_slice %arg2[%dma_wait3A_138, %dma_wait3A_139] : memref<10000x80xf32, #tpu.memory_space<hbm>> -> memref<125x80xf32, #tpu.memory_space<hbm>>
        tpu.wait_dma2 semaphore(%arg22 : memref<!tpu.dma_semaphore, #tpu.memory_space<semaphore_mem>>) src(%dma_wait3A_140 : memref<125x80xf32, #tpu.memory_space<hbm>>) dst(%arg15 : memref<125x80xf32, #tpu.memory_space<vmem>>)
      } else {
      }
      %parallel_loop3A_124 = arith.constant 0 : i32
      %parallel_loop3A_125 = arith.constant 125 : i32
      %parallel_loop3A_126 = arith.constant 1 : i32
      scf.for %parallel_loop3A_135 = %parallel_loop3A_124 to %parallel_loop3A_125 step %parallel_loop3A_126  : i32 {
        %parallel_loop3A_136 = arith.index_cast %parallel_loop3A_135 : i32 to index
        %parallel_loop3A_137 = arith.constant 64 : index
        %parallel_loop3A_138 = tpu.vector_load %arg13[%parallel_loop3A_136, %parallel_loop3A_137] {strides = array<i32>} : memref<125x80xf32, #tpu.memory_space<vmem>>, vector<1x16xf32>,
        %parallel_loop3A_139 = vector.shape_cast %parallel_loop3A_138 : vector<1x16xf32> to vector<16xf32>
        %parallel_loop3A_140 = arith.index_cast %parallel_loop3A_135 : i32 to index
        %parallel_loop3A_141 = arith.constant 0 : index
        %parallel_loop3A_142 = tpu.vector_load %arg14[%parallel_loop3A_140, %parallel_loop3A_141] {strides = array<i32>} : memref<125x16xf32, #tpu.memory_space<vmem>>, vector<1x16xf32>,
        %parallel_loop3A_143 = vector.shape_cast %parallel_loop3A_142 : vector<1x16xf32> to vector<16xf32>
        %parallel_loop3A_144 = arith.addf %parallel_loop3A_139, %parallel_loop3A_143 : vector<16xf32>
        %parallel_loop3A_145 = arith.constant 2.000000e-01 : f32
        %parallel_loop3A_146 = vector.broadcast %parallel_loop3A_145 : f32 to vector<16xf32>
        %parallel_loop3A_147 = arith.mulf %parallel_loop3A_144, %parallel_loop3A_146 : vector<16xf32>
        %parallel_loop3A_148 = arith.maximumf %parallel_loop3A_144, %parallel_loop3A_147 : vector<16xf32>
        %parallel_loop3A_149 = math.exp %parallel_loop3A_148 : vector<16xf32>
        %parallel_loop3A_150 = arith.index_cast %parallel_loop3A_135 : i32 to index
        %parallel_loop3A_151 = arith.constant 64 : index
        %parallel_loop3A_152 = tpu.vector_load %arg15[%parallel_loop3A_150, %parallel_loop3A_151] {strides = array<i32>} : memref<125x80xf32, #tpu.memory_space<vmem>>, vector<1x16xf32>,
        %parallel_loop3A_153 = vector.shape_cast %parallel_loop3A_152 : vector<1x16xf32> to vector<16xf32>
        %parallel_loop3A_154 = vector.shape_cast %parallel_loop3A_149 : vector<16xf32> to vector<1x16xf32>
        tpu.vector_store %arg15[%parallel_loop3A_150, %parallel_loop3A_151], %parallel_loop3A_154 {strides = array<i32>} : memref<125x80xf32, #tpu.memory_space<vmem>>, vector<1x16xf32>,
        %parallel_loop3A_155 = arith.constant 0 : i32
        %parallel_loop3A_156 = vector.broadcast %parallel_loop3A_155 : i32 to vector<16xi32>
        %parallel_loop3A_157 = arith.cmpi slt, %add3A_11, %parallel_loop3A_156 : vector<16xi32>
        %parallel_loop3A_158 = arith.constant 16 : i32
        %parallel_loop3A_159 = vector.broadcast %parallel_loop3A_158 : i32 to vector<16xi32>
        %parallel_loop3A_160 = arith.addi %add3A_11, %parallel_loop3A_159 : vector<16xi32>
        %parallel_loop3A_161 = arith.select %parallel_loop3A_157, %parallel_loop3A_160, %add3A_11 : vector<16xi1>, vector<16xi32>
        %parallel_loop3A_162 = vector.shape_cast %parallel_loop3A_161 : vector<16xi32> to vector<16x1xi32>
        %parallel_loop3A_163 = vector.shape_cast %parallel_loop3A_162 : vector<16x1xi32> to vector<16xi32>
        %parallel_loop3A_164 = tpu.dynamic_gather %parallel_loop3A_149[%parallel_loop3A_163] in [0] : vector<16xf32>, vector<16xi32> -> vector<16xf32>
        %parallel_loop3A_165 = arith.index_cast %parallel_loop3A_135 : i32 to index
        %parallel_loop3A_166 = arith.constant 0 : index
        %parallel_loop3A_167 = tpu.vector_load %arg13[%parallel_loop3A_165, %parallel_loop3A_166] {strides = array<i32>} : memref<125x80xf32, #tpu.memory_space<vmem>>, vector<1x16xf32>,
        %parallel_loop3A_168 = vector.shape_cast %parallel_loop3A_167 : vector<1x16xf32> to vector<16xf32>
        %parallel_loop3A_169 = arith.mulf %parallel_loop3A_164, %parallel_loop3A_168 : vector<16xf32>
        %parallel_loop3A_170 = arith.index_cast %parallel_loop3A_135 : i32 to index
        %parallel_loop3A_171 = arith.constant 0 : index
        %parallel_loop3A_172 = tpu.vector_load %arg15[%parallel_loop3A_170, %parallel_loop3A_171] {strides = array<i32>} : memref<125x80xf32, #tpu.memory_space<vmem>>, vector<1x16xf32>,
        %parallel_loop3A_173 = vector.shape_cast %parallel_loop3A_172 : vector<1x16xf32> to vector<16xf32>
        %parallel_loop3A_174 = vector.shape_cast %parallel_loop3A_169 : vector<16xf32> to vector<1x16xf32>
        tpu.vector_store %arg15[%parallel_loop3A_170, %parallel_loop3A_171], %parallel_loop3A_174 {strides = array<i32>} : memref<125x80xf32, #tpu.memory_space<vmem>>, vector<1x16xf32>,
        %parallel_loop3A_175 = arith.constant 0 : i32
        %parallel_loop3A_176 = vector.broadcast %parallel_loop3A_175 : i32 to vector<16xi32>
        %parallel_loop3A_177 = arith.cmpi slt, %add3A_14, %parallel_loop3A_176 : vector<16xi32>
        %parallel_loop3A_178 = arith.constant 16 : i32
        %parallel_loop3A_179 = vector.broadcast %parallel_loop3A_178 : i32 to vector<16xi32>
        %parallel_loop3A_180 = arith.addi %add3A_14, %parallel_loop3A_179 : vector<16xi32>
        %parallel_loop3A_181 = arith.select %parallel_loop3A_177, %parallel_loop3A_180, %add3A_14 : vector<16xi1>, vector<16xi32>
        %parallel_loop3A_182 = vector.shape_cast %parallel_loop3A_181 : vector<16xi32> to vector<16x1xi32>
        %parallel_loop3A_183 = vector.shape_cast %parallel_loop3A_182 : vector<16x1xi32> to vector<16xi32>
        %parallel_loop3A_184 = tpu.dynamic_gather %parallel_loop3A_149[%parallel_loop3A_183] in [0] : vector<16xf32>, vector<16xi32> -> vector<16xf32>
        %parallel_loop3A_185 = arith.index_cast %parallel_loop3A_135 : i32 to index
        %parallel_loop3A_186 = arith.constant 16 : index
        %parallel_loop3A_187 = tpu.vector_load %arg13[%parallel_loop3A_185, %parallel_loop3A_186] {strides = array<i32>} : memref<125x80xf32, #tpu.memory_space<vmem>>, vector<1x16xf32>,
        %parallel_loop3A_188 = vector.shape_cast %parallel_loop3A_187 : vector<1x16xf32> to vector<16xf32>
        %parallel_loop3A_189 = arith.mulf %parallel_loop3A_184, %parallel_loop3A_188 : vector<16xf32>
        %parallel_loop3A_190 = arith.index_cast %parallel_loop3A_135 : i32 to index
        %parallel_loop3A_191 = arith.constant 16 : index
        %parallel_loop3A_192 = tpu.vector_load %arg15[%parallel_loop3A_190, %parallel_loop3A_191] {strides = array<i32>} : memref<125x80xf32, #tpu.memory_space<vmem>>, vector<1x16xf32>,
        %parallel_loop3A_193 = vector.shape_cast %parallel_loop3A_192 : vector<1x16xf32> to vector<16xf32>
        %parallel_loop3A_194 = vector.shape_cast %parallel_loop3A_189 : vector<16xf32> to vector<1x16xf32>
        tpu.vector_store %arg15[%parallel_loop3A_190, %parallel_loop3A_191], %parallel_loop3A_194 {strides = array<i32>} : memref<125x80xf32, #tpu.memory_space<vmem>>, vector<1x16xf32>,
        %parallel_loop3A_195 = arith.constant 0 : i32
        %parallel_loop3A_196 = vector.broadcast %parallel_loop3A_195 : i32 to vector<16xi32>
        %parallel_loop3A_197 = arith.cmpi slt, %add3A_17, %parallel_loop3A_196 : vector<16xi32>
        %parallel_loop3A_198 = arith.constant 16 : i32
        %parallel_loop3A_199 = vector.broadcast %parallel_loop3A_198 : i32 to vector<16xi32>
        %parallel_loop3A_200 = arith.addi %add3A_17, %parallel_loop3A_199 : vector<16xi32>
        %parallel_loop3A_201 = arith.select %parallel_loop3A_197, %parallel_loop3A_200, %add3A_17 : vector<16xi1>, vector<16xi32>
        %parallel_loop3A_202 = vector.shape_cast %parallel_loop3A_201 : vector<16xi32> to vector<16x1xi32>
        %parallel_loop3A_203 = vector.shape_cast %parallel_loop3A_202 : vector<16x1xi32> to vector<16xi32>
        %parallel_loop3A_204 = tpu.dynamic_gather %parallel_loop3A_149[%parallel_loop3A_203] in [0] : vector<16xf32>, vector<16xi32> -> vector<16xf32>
        %parallel_loop3A_205 = arith.index_cast %parallel_loop3A_135 : i32 to index
        %parallel_loop3A_206 = arith.constant 32 : index
        %parallel_loop3A_207 = tpu.vector_load %arg13[%parallel_loop3A_205, %parallel_loop3A_206] {strides = array<i32>} : memref<125x80xf32, #tpu.memory_space<vmem>>, vector<1x16xf32>,
        %parallel_loop3A_208 = vector.shape_cast %parallel_loop3A_207 : vector<1x16xf32> to vector<16xf32>
        %parallel_loop3A_209 = arith.mulf %parallel_loop3A_204, %parallel_loop3A_208 : vector<16xf32>
        %parallel_loop3A_210 = arith.index_cast %parallel_loop3A_135 : i32 to index
        %parallel_loop3A_211 = arith.constant 32 : index
        %parallel_loop3A_212 = tpu.vector_load %arg15[%parallel_loop3A_210, %parallel_loop3A_211] {strides = array<i32>} : memref<125x80xf32, #tpu.memory_space<vmem>>, vector<1x16xf32>,
        %parallel_loop3A_213 = vector.shape_cast %parallel_loop3A_212 : vector<1x16xf32> to vector<16xf32>
        %parallel_loop3A_214 = vector.shape_cast %parallel_loop3A_209 : vector<16xf32> to vector<1x16xf32>
        tpu.vector_store %arg15[%parallel_loop3A_210, %parallel_loop3A_211], %parallel_loop3A_214 {strides = array<i32>} : memref<125x80xf32, #tpu.memory_space<vmem>>, vector<1x16xf32>,
        %parallel_loop3A_215 = arith.constant 0 : i32
        %parallel_loop3A_216 = vector.broadcast %parallel_loop3A_215 : i32 to vector<16xi32>
        %parallel_loop3A_217 = arith.cmpi slt, %add3A_20, %parallel_loop3A_216 : vector<16xi32>
        %parallel_loop3A_218 = arith.constant 16 : i32
        %parallel_loop3A_219 = vector.broadcast %parallel_loop3A_218 : i32 to vector<16xi32>
        %parallel_loop3A_220 = arith.addi %add3A_20, %parallel_loop3A_219 : vector<16xi32>
        %parallel_loop3A_221 = arith.select %parallel_loop3A_217, %parallel_loop3A_220, %add3A_20 : vector<16xi1>, vector<16xi32>
        %parallel_loop3A_222 = vector.shape_cast %parallel_loop3A_221 : vector<16xi32> to vector<16x1xi32>
        %parallel_loop3A_223 = vector.shape_cast %parallel_loop3A_222 : vector<16x1xi32> to vector<16xi32>
        %parallel_loop3A_224 = tpu.dynamic_gather %parallel_loop3A_149[%parallel_loop3A_223] in [0] : vector<16xf32>, vector<16xi32> -> vector<16xf32>
        %parallel_loop3A_225 = arith.index_cast %parallel_loop3A_135 : i32 to index
        %parallel_loop3A_226 = arith.constant 48 : index
        %parallel_loop3A_227 = tpu.vector_load %arg13[%parallel_loop3A_225, %parallel_loop3A_226] {strides = array<i32>} : memref<125x80xf32, #tpu.memory_space<vmem>>, vector<1x16xf32>,
        %parallel_loop3A_228 = vector.shape_cast %parallel_loop3A_227 : vector<1x16xf32> to vector<16xf32>
        %parallel_loop3A_229 = arith.mulf %parallel_loop3A_224, %parallel_loop3A_228 : vector<16xf32>
        %parallel_loop3A_230 = arith.index_cast %parallel_loop3A_135 : i32 to index
        %parallel_loop3A_231 = arith.constant 48 : index
        %parallel_loop3A_232 = tpu.vector_load %arg15[%parallel_loop3A_230, %parallel_loop3A_231] {strides = array<i32>} : memref<125x80xf32, #tpu.memory_space<vmem>>, vector<1x16xf32>,
        %parallel_loop3A_233 = vector.shape_cast %parallel_loop3A_232 : vector<1x16xf32> to vector<16xf32>
        %parallel_loop3A_234 = vector.shape_cast %parallel_loop3A_229 : vector<16xf32> to vector<1x16xf32>
        tpu.vector_store %arg15[%parallel_loop3A_230, %parallel_loop3A_231], %parallel_loop3A_234 {strides = array<i32>} : memref<125x80xf32, #tpu.memory_space<vmem>>, vector<1x16xf32>,
      } {sc.loop_unroll_factor = 4 : i64, sc.parallel_access}
      %add3A_127 = arith.constant 1 : i32
      %add3A_128 = arith.addi %mul3A_62, %add3A_127 : i32
      %dma_start3A_129 = arith.constant 0 : i32
      %dma_start3A_130 = tpu.memref_slice %arg9[%add3A_128, %dma_start3A_129] : memref<80x125xi32, #tpu.memory_space<vmem>> -> memref<1x125xi32, #tpu.memory_space<vmem>>
      %dma_start3A_131 = tpu.memref_squeeze %dma_start3A_130 : memref<1x125xi32, #tpu.memory_space<vmem>> -> memref<125xi32, #tpu.memory_space<vmem>>
      %dma_start3A_132 = arith.constant 0 : i32
      %dma_start3A_133 = arith.constant 0 : i32
      %dma_start3A_134 = tpu.memref_slice %arg16[%dma_start3A_132, %dma_start3A_133] : memref<10000x80xf32, #tpu.memory_space<vmem_shared>> -> memref<10000x80xf32, #tpu.memory_space<vmem_shared>>
      tpu.enqueue_indirect_dma source(%arg15 : memref<125x80xf32, #tpu.memory_space<vmem>>) target(%dma_start3A_134 : memref<10000x80xf32, #tpu.memory_space<vmem_shared>>) offsets(%dma_start3A_131 : memref<125xi32, #tpu.memory_space<vmem>>) semaphore(%arg22 : memref<!tpu.dma_semaphore, #tpu.memory_space<semaphore_mem>>) {add = true}
    }
    %scan3A_38 = arith.constant 40 : i32
    %dma_wait3A = arith.constant 0 : i32
    %dma_wait3A_39 = arith.constant 0 : i32
    %dma_wait3A_40 = tpu.memref_slice %arg2[%dma_wait3A, %dma_wait3A_39] : memref<10000x80xf32, #tpu.memory_space<hbm>> -> memref<125x80xf32, #tpu.memory_space<hbm>>
    %dma_wait3A_41 = arith.constant 0 : i32
    %dma_wait3A_42 = arith.constant 0 : i32
    %dma_wait3A_43 = tpu.memref_slice %arg2[%dma_wait3A_41, %dma_wait3A_42] : memref<10000x80xf32, #tpu.memory_space<hbm>> -> memref<125x80xf32, #tpu.memory_space<hbm>>
    tpu.wait_dma2 semaphore(%arg19 : memref<!tpu.dma_semaphore, #tpu.memory_space<semaphore_mem>>) src(%dma_wait3A_43 : memref<125x80xf32, #tpu.memory_space<hbm>>) dst(%arg12 : memref<125x80xf32, #tpu.memory_space<vmem>>)
    %dma_wait3A_44 = arith.constant 0 : i32
    %dma_wait3A_45 = arith.constant 0 : i32
    %dma_wait3A_46 = tpu.memref_slice %arg2[%dma_wait3A_44, %dma_wait3A_45] : memref<10000x80xf32, #tpu.memory_space<hbm>> -> memref<125x80xf32, #tpu.memory_space<hbm>>
    %dma_wait3A_47 = arith.constant 0 : i32
    %dma_wait3A_48 = arith.constant 0 : i32
    %dma_wait3A_49 = tpu.memref_slice %arg2[%dma_wait3A_47, %dma_wait3A_48] : memref<10000x80xf32, #tpu.memory_space<hbm>> -> memref<125x80xf32, #tpu.memory_space<hbm>>
    tpu.wait_dma2 semaphore(%arg22 : memref<!tpu.dma_semaphore, #tpu.memory_space<semaphore_mem>>) src(%dma_wait3A_49 : memref<125x80xf32, #tpu.memory_space<hbm>>) dst(%arg15 : memref<125x80xf32, #tpu.memory_space<vmem>>)
    %barrier3A_50 = arith.constant 0 : index
    tpu.barrier barrier_id(%barrier3A_50)
    %mul3A_51 = arith.constant 624 : i32
    %mul3A_52 = arith.muli %arg1, %mul3A_51 : i32
    %mul3A_53 = arith.constant 624 : i32
    %mul3A_54 = arith.muli %arg1, %mul3A_53 : i32
    "tpu.region"() ({
      %run_scoped3A = tpu.sem_alloc : memref<!tpu.dma_semaphore, #tpu.memory_space<semaphore_mem>>
      %dma_start3A_60 = arith.constant 0 : i32
      %dma_start3A_61 = tpu.memref_slice %arg7[%arg0, %mul3A_54, %dma_start3A_60] : memref<2x10000x80xf32, #tpu.memory_space<hbm>> -> memref<1x624x80xf32, #tpu.memory_space<hbm>>
      %dma_start3A_62 = tpu.memref_squeeze %dma_start3A_61 : memref<1x624x80xf32, #tpu.memory_space<hbm>> -> memref<624x80xf32, #tpu.memory_space<hbm>>
      %dma_start3A_63 = arith.constant 0 : i32
      %dma_start3A_64 = tpu.memref_slice %arg16[%mul3A_52, %dma_start3A_63] : memref<10000x80xf32, #tpu.memory_space<vmem_shared>> -> memref<624x80xf32, #tpu.memory_space<vmem_shared>>
      tpu.enqueue_dma source(%dma_start3A_64 : memref<624x80xf32, #tpu.memory_space<vmem_shared>>) target(%dma_start3A_62 : memref<624x80xf32, #tpu.memory_space<hbm>>) target_semaphore(%run_scoped3A : memref<!tpu.dma_semaphore, #tpu.memory_space<semaphore_mem>>)
      %dma_wait3A_65 = arith.constant 0 : i32
      %dma_wait3A_66 = tpu.memref_slice %arg7[%arg0, %mul3A_54, %dma_wait3A_65] : memref<2x10000x80xf32, #tpu.memory_space<hbm>> -> memref<1x624x80xf32, #tpu.memory_space<hbm>>
      %dma_wait3A_67 = tpu.memref_squeeze %dma_wait3A_66 : memref<1x624x80xf32, #tpu.memory_space<hbm>> -> memref<624x80xf32, #tpu.memory_space<hbm>>
      %dma_wait3A_68 = arith.constant 0 : i32
      %dma_wait3A_69 = tpu.memref_slice %arg16[%mul3A_52, %dma_wait3A_68] : memref<10000x80xf32, #tpu.memory_space<vmem_shared>> -> memref<624x80xf32, #tpu.memory_space<vmem_shared>>
      tpu.wait_dma2 semaphore(%run_scoped3A : memref<!tpu.dma_semaphore, #tpu.memory_space<semaphore_mem>>) src(%dma_wait3A_69 : memref<624x80xf32, #tpu.memory_space<vmem_shared>>) dst(%dma_wait3A_67 : memref<624x80xf32, #tpu.memory_space<hbm>>)
      tpu.yield
    }) : () -> ()
    %eq3A_55 = arith.constant 0 : i32
    %eq3A_56 = arith.cmpi eq, %arg1, %eq3A_55 : i32
    %convert_element_type3A_57 = arith.extui %eq3A_56 : i1 to i32
    %cond3A_58 = arith.constant 0 : i32
    %cond3A_59 = arith.cmpi ne, %convert_element_type3A_57, %cond3A_58 : i32
    scf.if %cond3A_59 {
      "tpu.region"() ({
        %run_scoped3A = tpu.sem_alloc : memref<!tpu.dma_semaphore, #tpu.memory_space<semaphore_mem>>
        %dma_start3A_60 = arith.constant 9984 : i32
        %dma_start3A_61 = arith.constant 0 : i32
        %dma_start3A_62 = tpu.memref_slice %arg7[%arg0, %dma_start3A_60, %dma_start3A_61] : memref<2x10000x80xf32, #tpu.memory_space<hbm>> -> memref<1x16x80xf32, #tpu.memory_space<hbm>>
        %dma_start3A_63 = tpu.memref_squeeze %dma_start3A_62 : memref<1x16x80xf32, #tpu.memory_space<hbm>> -> memref<16x80xf32, #tpu.memory_space<hbm>>
        %dma_start3A_64 = arith.constant 9984 : i32
        %dma_start3A_65 = arith.constant 0 : i32
        %dma_start3A_66 = tpu.memref_slice %arg16[%dma_start3A_64, %dma_start3A_65] : memref<10000x80xf32, #tpu.memory_space<vmem_shared>> -> memref<16x80xf32, #tpu.memory_space<vmem_shared>>
        tpu.enqueue_dma source(%dma_start3A_66 : memref<16x80xf32, #tpu.memory_space<vmem_shared>>) target(%dma_start3A_63 : memref<16x80xf32, #tpu.memory_space<hbm>>) target_semaphore(%run_scoped3A : memref<!tpu.dma_semaphore, #tpu.memory_space<semaphore_mem>>)
        %dma_wait3A_67 = arith.constant 9984 : i32
        %dma_wait3A_68 = arith.constant 0 : i32
        %dma_wait3A_69 = tpu.memref_slice %arg7[%arg0, %dma_wait3A_67, %dma_wait3A_68] : memref<2x10000x80xf32, #tpu.memory_space<hbm>> -> memref<1x16x80xf32, #tpu.memory_space<hbm>>
        %dma_wait3A_70 = tpu.memref_squeeze %dma_wait3A_69 : memref<1x16x80xf32, #tpu.memory_space<hbm>> -> memref<16x80xf32, #tpu.memory_space<hbm>>
        %dma_wait3A_71 = arith.constant 9984 : i32
        %dma_wait3A_72 = arith.constant 0 : i32
        %dma_wait3A_73 = tpu.memref_slice %arg16[%dma_wait3A_71, %dma_wait3A_72] : memref<10000x80xf32, #tpu.memory_space<vmem_shared>> -> memref<16x80xf32, #tpu.memory_space<vmem_shared>>
        tpu.wait_dma2 semaphore(%run_scoped3A : memref<!tpu.dma_semaphore, #tpu.memory_space<semaphore_mem>>) src(%dma_wait3A_73 : memref<16x80xf32, #tpu.memory_space<vmem_shared>>) dst(%dma_wait3A_70 : memref<16x80xf32, #tpu.memory_space<hbm>>)
        tpu.yield
      }) : () -> ()
    } else {
    }
    return
  }
}

#map = affine_map<(d0, d1) -> (0, 0)>
#map1 = affine_map<(d0, d1) -> (0, 0, 0)>
module attributes {stable_mosaic.version = 14 : i64} {
  func.func @_sc_edge_body(%arg0: i32, %arg1: i32, %arg2: memref<10000x80xf32, #tpu.memory_space<hbm>>, %arg3: memref<10000x16xf32, #tpu.memory_space<hbm>>, %arg4: memref<2560x125xi32, #tpu.memory_space<hbm>>, %arg5: memref<2560x125xi32, #tpu.memory_space<hbm>>, %arg6: memref<624x80xf32, #tpu.memory_space<hbm>>, %arg7: memref<2x10000x80xf32, #tpu.memory_space<hbm>>, %arg8: memref<80x125xi32, #tpu.memory_space<vmem>>, %arg9: memref<80x125xi32, #tpu.memory_space<vmem>>, %arg10: memref<125x80xf32, #tpu.memory_space<vmem>>, %arg11: memref<125x16xf32, #tpu.memory_space<vmem>>, %arg12: memref<125x80xf32, #tpu.memory_space<vmem>>, %arg13: memref<125x80xf32, #tpu.memory_space<vmem>>, %arg14: memref<125x16xf32, #tpu.memory_space<vmem>>, %arg15: memref<125x80xf32, #tpu.memory_space<vmem>>, %arg16: memref<10000x80xf32, #tpu.memory_space<vmem_shared>>, %arg17: memref<!tpu.dma_semaphore, #tpu.memory_space<semaphore_mem>>, %arg18: memref<!tpu.dma_semaphore, #tpu.memory_space<semaphore_mem>>, %arg19: memref<!tpu.dma_semaphore, #tpu.memory_space<semaphore_mem>>, %arg20: memref<!tpu.dma_semaphore, #tpu.memory_space<semaphore_mem>>, %arg21: memref<!tpu.dma_semaphore, #tpu.memory_space<semaphore_mem>>, %arg22: memref<!tpu.dma_semaphore, #tpu.memory_space<semaphore_mem>>) attributes {dimension_semantics = [#tpu.dimension_semantics<core_parallel>, #tpu.dimension_semantics<subcore_parallel>], iteration_bounds = array<i64: 2, 16>, scalar_prefetch = 0 : i64, scratch_operands = 15 : i64, tpu.core_type = #tpu.core_type<sc_vector_subcore>, window_params = [{transform_indices = #map}, {transform_indices = #map}, {transform_indices = #map}, {transform_indices = #map}, {transform_indices = #map}, {transform_indices = #map1}]} {
    %mul3A = arith.constant 2 : i32
    %mul3A_0 = arith.muli %arg1, %mul3A : i32
    %add3A = arith.addi %mul3A_0, %arg0 : i32
    %mul3A_1 = arith.constant 624 : i32
    %mul3A_2 = arith.muli %arg1, %mul3A_1 : i32
    "tpu.region"() ({
      %run_scoped3A = tpu.sem_alloc : memref<!tpu.dma_semaphore, #tpu.memory_space<semaphore_mem>>
      %dma_start3A_60 = arith.constant 0 : i32
      %dma_start3A_61 = tpu.memref_slice %arg16[%mul3A_2, %dma_start3A_60] : memref<10000x80xf32, #tpu.memory_space<vmem_shared>> -> memref<624x80xf32, #tpu.memory_space<vmem_shared>>
      tpu.enqueue_dma source(%arg6 : memref<624x80xf32, #tpu.memory_space<hbm>>) target(%dma_start3A_61 : memref<624x80xf32, #tpu.memory_space<vmem_shared>>) target_semaphore(%run_scoped3A : memref<!tpu.dma_semaphore, #tpu.memory_space<semaphore_mem>>)
      %dma_wait3A_62 = arith.constant 0 : i32
      %dma_wait3A_63 = tpu.memref_slice %arg16[%mul3A_2, %dma_wait3A_62] : memref<10000x80xf32, #tpu.memory_space<vmem_shared>> -> memref<624x80xf32, #tpu.memory_space<vmem_shared>>
      tpu.wait_dma2 semaphore(%run_scoped3A : memref<!tpu.dma_semaphore, #tpu.memory_space<semaphore_mem>>) src(%arg6 : memref<624x80xf32, #tpu.memory_space<hbm>>) dst(%dma_wait3A_63 : memref<624x80xf32, #tpu.memory_space<vmem_shared>>)
      tpu.yield
    }) : () -> ()
    %eq3A = arith.constant 0 : i32
    %eq3A_3 = arith.cmpi eq, %arg1, %eq3A : i32
    %convert_element_type3A = arith.extui %eq3A_3 : i1 to i32
    %cond3A = arith.constant 0 : i32
    %cond3A_4 = arith.cmpi ne, %convert_element_type3A, %cond3A : i32
    scf.if %cond3A_4 {
      "tpu.region"() ({
        %run_scoped3A = tpu.sem_alloc : memref<!tpu.dma_semaphore, #tpu.memory_space<semaphore_mem>>
        %dma_start3A_60 = arith.constant 9984 : i32
        %dma_start3A_61 = arith.constant 0 : i32
        %dma_start3A_62 = tpu.memref_slice %arg16[%dma_start3A_60, %dma_start3A_61] : memref<10000x80xf32, #tpu.memory_space<vmem_shared>> -> memref<16x80xf32, #tpu.memory_space<vmem_shared>>
        %dma_start3A_63 = arith.constant 0 : i32
        %dma_start3A_64 = arith.constant 0 : i32
        %dma_start3A_65 = tpu.memref_slice %arg6[%dma_start3A_63, %dma_start3A_64] : memref<624x80xf32, #tpu.memory_space<hbm>> -> memref<16x80xf32, #tpu.memory_space<hbm>>
        tpu.enqueue_dma source(%dma_start3A_65 : memref<16x80xf32, #tpu.memory_space<hbm>>) target(%dma_start3A_62 : memref<16x80xf32, #tpu.memory_space<vmem_shared>>) target_semaphore(%run_scoped3A : memref<!tpu.dma_semaphore, #tpu.memory_space<semaphore_mem>>)
        %dma_wait3A_66 = arith.constant 9984 : i32
        %dma_wait3A_67 = arith.constant 0 : i32
        %dma_wait3A_68 = tpu.memref_slice %arg16[%dma_wait3A_66, %dma_wait3A_67] : memref<10000x80xf32, #tpu.memory_space<vmem_shared>> -> memref<16x80xf32, #tpu.memory_space<vmem_shared>>
        %dma_wait3A_69 = arith.constant 0 : i32
        %dma_wait3A_70 = arith.constant 0 : i32
        %dma_wait3A_71 = tpu.memref_slice %arg6[%dma_wait3A_69, %dma_wait3A_70] : memref<624x80xf32, #tpu.memory_space<hbm>> -> memref<16x80xf32, #tpu.memory_space<hbm>>
        tpu.wait_dma2 semaphore(%run_scoped3A : memref<!tpu.dma_semaphore, #tpu.memory_space<semaphore_mem>>) src(%dma_wait3A_71 : memref<16x80xf32, #tpu.memory_space<hbm>>) dst(%dma_wait3A_68 : memref<16x80xf32, #tpu.memory_space<vmem_shared>>)
        tpu.yield
      }) : () -> ()
    } else {
    }
    %barrier3A = arith.constant 0 : index
    tpu.barrier barrier_id(%barrier3A)
    %mul3A_5 = arith.constant 80 : i32
    %mul3A_6 = arith.muli %add3A, %mul3A_5 : i32
    "tpu.region"() ({
      %run_scoped3A = tpu.sem_alloc : memref<!tpu.dma_semaphore, #tpu.memory_space<semaphore_mem>>
      %dma_start3A_60 = arith.constant 0 : i32
      %dma_start3A_61 = tpu.memref_slice %arg4[%mul3A_6, %dma_start3A_60] : memref<2560x125xi32, #tpu.memory_space<hbm>> -> memref<80x125xi32, #tpu.memory_space<hbm>>
      %dma_start3A_62 = arith.constant 0 : i32
      %dma_start3A_63 = tpu.memref_slice %arg4[%mul3A_6, %dma_start3A_62] : memref<2560x125xi32, #tpu.memory_space<hbm>> -> memref<80x125xi32, #tpu.memory_space<hbm>>
      tpu.enqueue_dma source(%dma_start3A_63 : memref<80x125xi32, #tpu.memory_space<hbm>>) target(%arg8 : memref<80x125xi32, #tpu.memory_space<vmem>>) target_semaphore(%run_scoped3A : memref<!tpu.dma_semaphore, #tpu.memory_space<semaphore_mem>>)
      %dma_wait3A_64 = arith.constant 0 : i32
      %dma_wait3A_65 = tpu.memref_slice %arg4[%mul3A_6, %dma_wait3A_64] : memref<2560x125xi32, #tpu.memory_space<hbm>> -> memref<80x125xi32, #tpu.memory_space<hbm>>
      %dma_wait3A_66 = arith.constant 0 : i32
      %dma_wait3A_67 = tpu.memref_slice %arg4[%mul3A_6, %dma_wait3A_66] : memref<2560x125xi32, #tpu.memory_space<hbm>> -> memref<80x125xi32, #tpu.memory_space<hbm>>
      tpu.wait_dma2 semaphore(%run_scoped3A : memref<!tpu.dma_semaphore, #tpu.memory_space<semaphore_mem>>) src(%dma_wait3A_67 : memref<80x125xi32, #tpu.memory_space<hbm>>) dst(%arg8 : memref<80x125xi32, #tpu.memory_space<vmem>>)
      tpu.yield
    }) : () -> ()
    "tpu.region"() ({
      %run_scoped3A = tpu.sem_alloc : memref<!tpu.dma_semaphore, #tpu.memory_space<semaphore_mem>>
      %dma_start3A_60 = arith.constant 0 : i32
      %dma_start3A_61 = tpu.memref_slice %arg5[%mul3A_6, %dma_start3A_60] : memref<2560x125xi32, #tpu.memory_space<hbm>> -> memref<80x125xi32, #tpu.memory_space<hbm>>
      %dma_start3A_62 = arith.constant 0 : i32
      %dma_start3A_63 = tpu.memref_slice %arg5[%mul3A_6, %dma_start3A_62] : memref<2560x125xi32, #tpu.memory_space<hbm>> -> memref<80x125xi32, #tpu.memory_space<hbm>>
      tpu.enqueue_dma source(%dma_start3A_63 : memref<80x125xi32, #tpu.memory_space<hbm>>) target(%arg9 : memref<80x125xi32, #tpu.memory_space<vmem>>) target_semaphore(%run_scoped3A : memref<!tpu.dma_semaphore, #tpu.memory_space<semaphore_mem>>)
      %dma_wait3A_64 = arith.constant 0 : i32
      %dma_wait3A_65 = tpu.memref_slice %arg5[%mul3A_6, %dma_wait3A_64] : memref<2560x125xi32, #tpu.memory_space<hbm>> -> memref<80x125xi32, #tpu.memory_space<hbm>>
      %dma_wait3A_66 = arith.constant 0 : i32
      %dma_wait3A_67 = tpu.memref_slice %arg5[%mul3A_6, %dma_wait3A_66] : memref<2560x125xi32, #tpu.memory_space<hbm>> -> memref<80x125xi32, #tpu.memory_space<hbm>>
      tpu.wait_dma2 semaphore(%run_scoped3A : memref<!tpu.dma_semaphore, #tpu.memory_space<semaphore_mem>>) src(%dma_wait3A_67 : memref<80x125xi32, #tpu.memory_space<hbm>>) dst(%arg9 : memref<80x125xi32, #tpu.memory_space<vmem>>)
      tpu.yield
    }) : () -> ()
    %iota3A = tpu.iota {dimensions = array<i32: 0>} : vector<16xi32>
    %shift_right_logical3A = arith.constant 3 : i32
    %shift_right_logical3A_7 = vector.broadcast %shift_right_logical3A : i32 to vector<16xi32>
    %shift_right_logical3A_8 = arith.shrui %iota3A, %shift_right_logical3A_7 : vector<16xi32>
    %add3A_9 = arith.constant 0 : i32
    %add3A_10 = vector.broadcast %add3A_9 : i32 to vector<16xi32>
    %add3A_11 = arith.addi %shift_right_logical3A_8, %add3A_10 : vector<16xi32>
    %add3A_12 = arith.constant 2 : i32
    %add3A_13 = vector.broadcast %add3A_12 : i32 to vector<16xi32>
    %add3A_14 = arith.addi %shift_right_logical3A_8, %add3A_13 : vector<16xi32>
    %add3A_15 = arith.constant 4 : i32
    %add3A_16 = vector.broadcast %add3A_15 : i32 to vector<16xi32>
    %add3A_17 = arith.addi %shift_right_logical3A_8, %add3A_16 : vector<16xi32>
    %add3A_18 = arith.constant 6 : i32
    %add3A_19 = vector.broadcast %add3A_18 : i32 to vector<16xi32>
    %add3A_20 = arith.addi %shift_right_logical3A_8, %add3A_19 : vector<16xi32>
    %dma_start3A = arith.constant 0 : i32
    %dma_start3A_21 = arith.constant 0 : i32
    %dma_start3A_22 = tpu.memref_slice %arg8[%dma_start3A, %dma_start3A_21] : memref<80x125xi32, #tpu.memory_space<vmem>> -> memref<1x125xi32, #tpu.memory_space<vmem>>
    %dma_start3A_23 = tpu.memref_squeeze %dma_start3A_22 : memref<1x125xi32, #tpu.memory_space<vmem>> -> memref<125xi32, #tpu.memory_space<vmem>>
    %dma_start3A_24 = arith.constant 0 : i32
    %dma_start3A_25 = arith.constant 0 : i32
    %dma_start3A_26 = tpu.memref_slice %arg2[%dma_start3A_24, %dma_start3A_25] : memref<10000x80xf32, #tpu.memory_space<hbm>> -> memref<10000x80xf32, #tpu.memory_space<hbm>>
    tpu.enqueue_indirect_dma source(%dma_start3A_26 : memref<10000x80xf32, #tpu.memory_space<hbm>>) target(%arg10 : memref<125x80xf32, #tpu.memory_space<vmem>>) offsets(%dma_start3A_23 : memref<125xi32, #tpu.memory_space<vmem>>) semaphore(%arg17 : memref<!tpu.dma_semaphore, #tpu.memory_space<semaphore_mem>>)
    %dma_start3A_27 = arith.constant 0 : i32
    %dma_start3A_28 = arith.constant 0 : i32
    %dma_start3A_29 = tpu.memref_slice %arg9[%dma_start3A_27, %dma_start3A_28] : memref<80x125xi32, #tpu.memory_space<vmem>> -> memref<1x125xi32, #tpu.memory_space<vmem>>
    %dma_start3A_30 = tpu.memref_squeeze %dma_start3A_29 : memref<1x125xi32, #tpu.memory_space<vmem>> -> memref<125xi32, #tpu.memory_space<vmem>>
    %dma_start3A_31 = arith.constant 0 : i32
    %dma_start3A_32 = arith.constant 0 : i32
    %dma_start3A_33 = tpu.memref_slice %arg3[%dma_start3A_31, %dma_start3A_32] : memref<10000x16xf32, #tpu.memory_space<hbm>> -> memref<10000x16xf32, #tpu.memory_space<hbm>>
    tpu.enqueue_indirect_dma source(%dma_start3A_33 : memref<10000x16xf32, #tpu.memory_space<hbm>>) target(%arg11 : memref<125x16xf32, #tpu.memory_space<vmem>>) offsets(%dma_start3A_30 : memref<125xi32, #tpu.memory_space<vmem>>) semaphore(%arg18 : memref<!tpu.dma_semaphore, #tpu.memory_space<semaphore_mem>>)
    %scan3A = arith.constant 0 : i32
    %scan3A_34 = arith.constant 0 : i32
    %scan3A_35 = arith.constant 40 : i32
    %scan3A_36 = arith.addi %scan3A_34, %scan3A_35 : i32
    %scan3A_37 = arith.constant 1 : i32
    scf.for %scan3A_60 = %scan3A_34 to %scan3A_36 step %scan3A_37  : i32 {
      %mul3A_61 = arith.constant 2 : i32
      %mul3A_62 = arith.muli %mul3A_61, %scan3A_60 : i32
      %add3A_63 = arith.constant 1 : i32
      %add3A_64 = arith.addi %mul3A_62, %add3A_63 : i32
      %dma_start3A_65 = arith.constant 0 : i32
      %dma_start3A_66 = tpu.memref_slice %arg8[%add3A_64, %dma_start3A_65] : memref<80x125xi32, #tpu.memory_space<vmem>> -> memref<1x125xi32, #tpu.memory_space<vmem>>
      %dma_start3A_67 = tpu.memref_squeeze %dma_start3A_66 : memref<1x125xi32, #tpu.memory_space<vmem>> -> memref<125xi32, #tpu.memory_space<vmem>>
      %dma_start3A_68 = arith.constant 0 : i32
      %dma_start3A_69 = arith.constant 0 : i32
      %dma_start3A_70 = tpu.memref_slice %arg2[%dma_start3A_68, %dma_start3A_69] : memref<10000x80xf32, #tpu.memory_space<hbm>> -> memref<10000x80xf32, #tpu.memory_space<hbm>>
      tpu.enqueue_indirect_dma source(%dma_start3A_70 : memref<10000x80xf32, #tpu.memory_space<hbm>>) target(%arg13 : memref<125x80xf32, #tpu.memory_space<vmem>>) offsets(%dma_start3A_67 : memref<125xi32, #tpu.memory_space<vmem>>) semaphore(%arg20 : memref<!tpu.dma_semaphore, #tpu.memory_space<semaphore_mem>>)
      %dma_start3A_71 = arith.constant 0 : i32
      %dma_start3A_72 = tpu.memref_slice %arg9[%add3A_64, %dma_start3A_71] : memref<80x125xi32, #tpu.memory_space<vmem>> -> memref<1x125xi32, #tpu.memory_space<vmem>>
      %dma_start3A_73 = tpu.memref_squeeze %dma_start3A_72 : memref<1x125xi32, #tpu.memory_space<vmem>> -> memref<125xi32, #tpu.memory_space<vmem>>
      %dma_start3A_74 = arith.constant 0 : i32
      %dma_start3A_75 = arith.constant 0 : i32
      %dma_start3A_76 = tpu.memref_slice %arg3[%dma_start3A_74, %dma_start3A_75] : memref<10000x16xf32, #tpu.memory_space<hbm>> -> memref<10000x16xf32, #tpu.memory_space<hbm>>
      tpu.enqueue_indirect_dma source(%dma_start3A_76 : memref<10000x16xf32, #tpu.memory_space<hbm>>) target(%arg14 : memref<125x16xf32, #tpu.memory_space<vmem>>) offsets(%dma_start3A_73 : memref<125xi32, #tpu.memory_space<vmem>>) semaphore(%arg21 : memref<!tpu.dma_semaphore, #tpu.memory_space<semaphore_mem>>)
      %dma_wait3A_77 = arith.constant 0 : i32
      %dma_wait3A_78 = arith.constant 0 : i32
      %dma_wait3A_79 = tpu.memref_slice %arg2[%dma_wait3A_77, %dma_wait3A_78] : memref<10000x80xf32, #tpu.memory_space<hbm>> -> memref<125x80xf32, #tpu.memory_space<hbm>>
      %dma_wait3A_80 = arith.constant 0 : i32
      %dma_wait3A_81 = arith.constant 0 : i32
      %dma_wait3A_82 = tpu.memref_slice %arg2[%dma_wait3A_80, %dma_wait3A_81] : memref<10000x80xf32, #tpu.memory_space<hbm>> -> memref<125x80xf32, #tpu.memory_space<hbm>>
      tpu.wait_dma2 semaphore(%arg17 : memref<!tpu.dma_semaphore, #tpu.memory_space<semaphore_mem>>) src(%dma_wait3A_82 : memref<125x80xf32, #tpu.memory_space<hbm>>) dst(%arg10 : memref<125x80xf32, #tpu.memory_space<vmem>>)
      %dma_wait3A_83 = arith.constant 0 : i32
      %dma_wait3A_84 = arith.constant 0 : i32
      %dma_wait3A_85 = tpu.memref_slice %arg3[%dma_wait3A_83, %dma_wait3A_84] : memref<10000x16xf32, #tpu.memory_space<hbm>> -> memref<125x16xf32, #tpu.memory_space<hbm>>
      %dma_wait3A_86 = arith.constant 0 : i32
      %dma_wait3A_87 = arith.constant 0 : i32
      %dma_wait3A_88 = tpu.memref_slice %arg3[%dma_wait3A_86, %dma_wait3A_87] : memref<10000x16xf32, #tpu.memory_space<hbm>> -> memref<125x16xf32, #tpu.memory_space<hbm>>
      tpu.wait_dma2 semaphore(%arg18 : memref<!tpu.dma_semaphore, #tpu.memory_space<semaphore_mem>>) src(%dma_wait3A_88 : memref<125x16xf32, #tpu.memory_space<hbm>>) dst(%arg11 : memref<125x16xf32, #tpu.memory_space<vmem>>)
      %ge3A = arith.constant 1 : i32
      %ge3A_89 = arith.cmpi sge, %scan3A_60, %ge3A : i32
      %convert_element_type3A_90 = arith.extui %ge3A_89 : i1 to i32
      %cond3A_91 = arith.constant 0 : i32
      %cond3A_92 = arith.cmpi ne, %convert_element_type3A_90, %cond3A_91 : i32
      scf.if %cond3A_92 {
        %dma_wait3A_135 = arith.constant 0 : i32
        %dma_wait3A_136 = arith.constant 0 : i32
        %dma_wait3A_137 = tpu.memref_slice %arg2[%dma_wait3A_135, %dma_wait3A_136] : memref<10000x80xf32, #tpu.memory_space<hbm>> -> memref<125x80xf32, #tpu.memory_space<hbm>>
        %dma_wait3A_138 = arith.constant 0 : i32
        %dma_wait3A_139 = arith.constant 0 : i32
        %dma_wait3A_140 = tpu.memref_slice %arg2[%dma_wait3A_138, %dma_wait3A_139] : memref<10000x80xf32, #tpu.memory_space<hbm>> -> memref<125x80xf32, #tpu.memory_space<hbm>>
        tpu.wait_dma2 semaphore(%arg19 : memref<!tpu.dma_semaphore, #tpu.memory_space<semaphore_mem>>) src(%dma_wait3A_140 : memref<125x80xf32, #tpu.memory_space<hbm>>) dst(%arg12 : memref<125x80xf32, #tpu.memory_space<vmem>>)
      } else {
      }
      %parallel_loop3A = arith.constant 0 : i32
      %parallel_loop3A_93 = arith.constant 125 : i32
      %parallel_loop3A_94 = arith.constant 1 : i32
      scf.for %parallel_loop3A_135 = %parallel_loop3A to %parallel_loop3A_93 step %parallel_loop3A_94  : i32 {
        %parallel_loop3A_136 = arith.index_cast %parallel_loop3A_135 : i32 to index
        %parallel_loop3A_137 = arith.constant 64 : index
        %parallel_loop3A_138 = tpu.vector_load %arg10[%parallel_loop3A_136, %parallel_loop3A_137] {strides = array<i32>} : memref<125x80xf32, #tpu.memory_space<vmem>>, vector<1x16xf32>,
        %parallel_loop3A_139 = vector.shape_cast %parallel_loop3A_138 : vector<1x16xf32> to vector<16xf32>
        %parallel_loop3A_140 = arith.index_cast %parallel_loop3A_135 : i32 to index
        %parallel_loop3A_141 = arith.constant 0 : index
        %parallel_loop3A_142 = tpu.vector_load %arg11[%parallel_loop3A_140, %parallel_loop3A_141] {strides = array<i32>} : memref<125x16xf32, #tpu.memory_space<vmem>>, vector<1x16xf32>,
        %parallel_loop3A_143 = vector.shape_cast %parallel_loop3A_142 : vector<1x16xf32> to vector<16xf32>
        %parallel_loop3A_144 = arith.addf %parallel_loop3A_139, %parallel_loop3A_143 : vector<16xf32>
        %parallel_loop3A_145 = arith.constant 2.000000e-01 : f32
        %parallel_loop3A_146 = vector.broadcast %parallel_loop3A_145 : f32 to vector<16xf32>
        %parallel_loop3A_147 = arith.mulf %parallel_loop3A_144, %parallel_loop3A_146 : vector<16xf32>
        %parallel_loop3A_148 = arith.maximumf %parallel_loop3A_144, %parallel_loop3A_147 : vector<16xf32>
        %parallel_loop3A_149 = math.exp %parallel_loop3A_148 : vector<16xf32>
        %parallel_loop3A_150 = arith.index_cast %parallel_loop3A_135 : i32 to index
        %parallel_loop3A_151 = arith.constant 64 : index
        %parallel_loop3A_152 = tpu.vector_load %arg12[%parallel_loop3A_150, %parallel_loop3A_151] {strides = array<i32>} : memref<125x80xf32, #tpu.memory_space<vmem>>, vector<1x16xf32>,
        %parallel_loop3A_153 = vector.shape_cast %parallel_loop3A_152 : vector<1x16xf32> to vector<16xf32>
        %parallel_loop3A_154 = vector.shape_cast %parallel_loop3A_149 : vector<16xf32> to vector<1x16xf32>
        tpu.vector_store %arg12[%parallel_loop3A_150, %parallel_loop3A_151], %parallel_loop3A_154 {strides = array<i32>} : memref<125x80xf32, #tpu.memory_space<vmem>>, vector<1x16xf32>,
        %parallel_loop3A_155 = arith.constant 0 : i32
        %parallel_loop3A_156 = vector.broadcast %parallel_loop3A_155 : i32 to vector<16xi32>
        %parallel_loop3A_157 = arith.cmpi slt, %add3A_11, %parallel_loop3A_156 : vector<16xi32>
        %parallel_loop3A_158 = arith.constant 16 : i32
        %parallel_loop3A_159 = vector.broadcast %parallel_loop3A_158 : i32 to vector<16xi32>
        %parallel_loop3A_160 = arith.addi %add3A_11, %parallel_loop3A_159 : vector<16xi32>
        %parallel_loop3A_161 = arith.select %parallel_loop3A_157, %parallel_loop3A_160, %add3A_11 : vector<16xi1>, vector<16xi32>
        %parallel_loop3A_162 = vector.shape_cast %parallel_loop3A_161 : vector<16xi32> to vector<16x1xi32>
        %parallel_loop3A_163 = vector.shape_cast %parallel_loop3A_162 : vector<16x1xi32> to vector<16xi32>
        %parallel_loop3A_164 = tpu.dynamic_gather %parallel_loop3A_149[%parallel_loop3A_163] in [0] : vector<16xf32>, vector<16xi32> -> vector<16xf32>
        %parallel_loop3A_165 = arith.index_cast %parallel_loop3A_135 : i32 to index
        %parallel_loop3A_166 = arith.constant 0 : index
        %parallel_loop3A_167 = tpu.vector_load %arg10[%parallel_loop3A_165, %parallel_loop3A_166] {strides = array<i32>} : memref<125x80xf32, #tpu.memory_space<vmem>>, vector<1x16xf32>,
        %parallel_loop3A_168 = vector.shape_cast %parallel_loop3A_167 : vector<1x16xf32> to vector<16xf32>
        %parallel_loop3A_169 = arith.mulf %parallel_loop3A_164, %parallel_loop3A_168 : vector<16xf32>
        %parallel_loop3A_170 = arith.index_cast %parallel_loop3A_135 : i32 to index
        %parallel_loop3A_171 = arith.constant 0 : index
        %parallel_loop3A_172 = tpu.vector_load %arg12[%parallel_loop3A_170, %parallel_loop3A_171] {strides = array<i32>} : memref<125x80xf32, #tpu.memory_space<vmem>>, vector<1x16xf32>,
        %parallel_loop3A_173 = vector.shape_cast %parallel_loop3A_172 : vector<1x16xf32> to vector<16xf32>
        %parallel_loop3A_174 = vector.shape_cast %parallel_loop3A_169 : vector<16xf32> to vector<1x16xf32>
        tpu.vector_store %arg12[%parallel_loop3A_170, %parallel_loop3A_171], %parallel_loop3A_174 {strides = array<i32>} : memref<125x80xf32, #tpu.memory_space<vmem>>, vector<1x16xf32>,
        %parallel_loop3A_175 = arith.constant 0 : i32
        %parallel_loop3A_176 = vector.broadcast %parallel_loop3A_175 : i32 to vector<16xi32>
        %parallel_loop3A_177 = arith.cmpi slt, %add3A_14, %parallel_loop3A_176 : vector<16xi32>
        %parallel_loop3A_178 = arith.constant 16 : i32
        %parallel_loop3A_179 = vector.broadcast %parallel_loop3A_178 : i32 to vector<16xi32>
        %parallel_loop3A_180 = arith.addi %add3A_14, %parallel_loop3A_179 : vector<16xi32>
        %parallel_loop3A_181 = arith.select %parallel_loop3A_177, %parallel_loop3A_180, %add3A_14 : vector<16xi1>, vector<16xi32>
        %parallel_loop3A_182 = vector.shape_cast %parallel_loop3A_181 : vector<16xi32> to vector<16x1xi32>
        %parallel_loop3A_183 = vector.shape_cast %parallel_loop3A_182 : vector<16x1xi32> to vector<16xi32>
        %parallel_loop3A_184 = tpu.dynamic_gather %parallel_loop3A_149[%parallel_loop3A_183] in [0] : vector<16xf32>, vector<16xi32> -> vector<16xf32>
        %parallel_loop3A_185 = arith.index_cast %parallel_loop3A_135 : i32 to index
        %parallel_loop3A_186 = arith.constant 16 : index
        %parallel_loop3A_187 = tpu.vector_load %arg10[%parallel_loop3A_185, %parallel_loop3A_186] {strides = array<i32>} : memref<125x80xf32, #tpu.memory_space<vmem>>, vector<1x16xf32>,
        %parallel_loop3A_188 = vector.shape_cast %parallel_loop3A_187 : vector<1x16xf32> to vector<16xf32>
        %parallel_loop3A_189 = arith.mulf %parallel_loop3A_184, %parallel_loop3A_188 : vector<16xf32>
        %parallel_loop3A_190 = arith.index_cast %parallel_loop3A_135 : i32 to index
        %parallel_loop3A_191 = arith.constant 16 : index
        %parallel_loop3A_192 = tpu.vector_load %arg12[%parallel_loop3A_190, %parallel_loop3A_191] {strides = array<i32>} : memref<125x80xf32, #tpu.memory_space<vmem>>, vector<1x16xf32>,
        %parallel_loop3A_193 = vector.shape_cast %parallel_loop3A_192 : vector<1x16xf32> to vector<16xf32>
        %parallel_loop3A_194 = vector.shape_cast %parallel_loop3A_189 : vector<16xf32> to vector<1x16xf32>
        tpu.vector_store %arg12[%parallel_loop3A_190, %parallel_loop3A_191], %parallel_loop3A_194 {strides = array<i32>} : memref<125x80xf32, #tpu.memory_space<vmem>>, vector<1x16xf32>,
        %parallel_loop3A_195 = arith.constant 0 : i32
        %parallel_loop3A_196 = vector.broadcast %parallel_loop3A_195 : i32 to vector<16xi32>
        %parallel_loop3A_197 = arith.cmpi slt, %add3A_17, %parallel_loop3A_196 : vector<16xi32>
        %parallel_loop3A_198 = arith.constant 16 : i32
        %parallel_loop3A_199 = vector.broadcast %parallel_loop3A_198 : i32 to vector<16xi32>
        %parallel_loop3A_200 = arith.addi %add3A_17, %parallel_loop3A_199 : vector<16xi32>
        %parallel_loop3A_201 = arith.select %parallel_loop3A_197, %parallel_loop3A_200, %add3A_17 : vector<16xi1>, vector<16xi32>
        %parallel_loop3A_202 = vector.shape_cast %parallel_loop3A_201 : vector<16xi32> to vector<16x1xi32>
        %parallel_loop3A_203 = vector.shape_cast %parallel_loop3A_202 : vector<16x1xi32> to vector<16xi32>
        %parallel_loop3A_204 = tpu.dynamic_gather %parallel_loop3A_149[%parallel_loop3A_203] in [0] : vector<16xf32>, vector<16xi32> -> vector<16xf32>
        %parallel_loop3A_205 = arith.index_cast %parallel_loop3A_135 : i32 to index
        %parallel_loop3A_206 = arith.constant 32 : index
        %parallel_loop3A_207 = tpu.vector_load %arg10[%parallel_loop3A_205, %parallel_loop3A_206] {strides = array<i32>} : memref<125x80xf32, #tpu.memory_space<vmem>>, vector<1x16xf32>,
        %parallel_loop3A_208 = vector.shape_cast %parallel_loop3A_207 : vector<1x16xf32> to vector<16xf32>
        %parallel_loop3A_209 = arith.mulf %parallel_loop3A_204, %parallel_loop3A_208 : vector<16xf32>
        %parallel_loop3A_210 = arith.index_cast %parallel_loop3A_135 : i32 to index
        %parallel_loop3A_211 = arith.constant 32 : index
        %parallel_loop3A_212 = tpu.vector_load %arg12[%parallel_loop3A_210, %parallel_loop3A_211] {strides = array<i32>} : memref<125x80xf32, #tpu.memory_space<vmem>>, vector<1x16xf32>,
        %parallel_loop3A_213 = vector.shape_cast %parallel_loop3A_212 : vector<1x16xf32> to vector<16xf32>
        %parallel_loop3A_214 = vector.shape_cast %parallel_loop3A_209 : vector<16xf32> to vector<1x16xf32>
        tpu.vector_store %arg12[%parallel_loop3A_210, %parallel_loop3A_211], %parallel_loop3A_214 {strides = array<i32>} : memref<125x80xf32, #tpu.memory_space<vmem>>, vector<1x16xf32>,
        %parallel_loop3A_215 = arith.constant 0 : i32
        %parallel_loop3A_216 = vector.broadcast %parallel_loop3A_215 : i32 to vector<16xi32>
        %parallel_loop3A_217 = arith.cmpi slt, %add3A_20, %parallel_loop3A_216 : vector<16xi32>
        %parallel_loop3A_218 = arith.constant 16 : i32
        %parallel_loop3A_219 = vector.broadcast %parallel_loop3A_218 : i32 to vector<16xi32>
        %parallel_loop3A_220 = arith.addi %add3A_20, %parallel_loop3A_219 : vector<16xi32>
        %parallel_loop3A_221 = arith.select %parallel_loop3A_217, %parallel_loop3A_220, %add3A_20 : vector<16xi1>, vector<16xi32>
        %parallel_loop3A_222 = vector.shape_cast %parallel_loop3A_221 : vector<16xi32> to vector<16x1xi32>
        %parallel_loop3A_223 = vector.shape_cast %parallel_loop3A_222 : vector<16x1xi32> to vector<16xi32>
        %parallel_loop3A_224 = tpu.dynamic_gather %parallel_loop3A_149[%parallel_loop3A_223] in [0] : vector<16xf32>, vector<16xi32> -> vector<16xf32>
        %parallel_loop3A_225 = arith.index_cast %parallel_loop3A_135 : i32 to index
        %parallel_loop3A_226 = arith.constant 48 : index
        %parallel_loop3A_227 = tpu.vector_load %arg10[%parallel_loop3A_225, %parallel_loop3A_226] {strides = array<i32>} : memref<125x80xf32, #tpu.memory_space<vmem>>, vector<1x16xf32>,
        %parallel_loop3A_228 = vector.shape_cast %parallel_loop3A_227 : vector<1x16xf32> to vector<16xf32>
        %parallel_loop3A_229 = arith.mulf %parallel_loop3A_224, %parallel_loop3A_228 : vector<16xf32>
        %parallel_loop3A_230 = arith.index_cast %parallel_loop3A_135 : i32 to index
        %parallel_loop3A_231 = arith.constant 48 : index
        %parallel_loop3A_232 = tpu.vector_load %arg12[%parallel_loop3A_230, %parallel_loop3A_231] {strides = array<i32>} : memref<125x80xf32, #tpu.memory_space<vmem>>, vector<1x16xf32>,
        %parallel_loop3A_233 = vector.shape_cast %parallel_loop3A_232 : vector<1x16xf32> to vector<16xf32>
        %parallel_loop3A_234 = vector.shape_cast %parallel_loop3A_229 : vector<16xf32> to vector<1x16xf32>
        tpu.vector_store %arg12[%parallel_loop3A_230, %parallel_loop3A_231], %parallel_loop3A_234 {strides = array<i32>} : memref<125x80xf32, #tpu.memory_space<vmem>>, vector<1x16xf32>,
      } {sc.loop_unroll_factor = 4 : i64, sc.parallel_access}
      %dma_start3A_95 = arith.constant 0 : i32
      %dma_start3A_96 = tpu.memref_slice %arg9[%mul3A_62, %dma_start3A_95] : memref<80x125xi32, #tpu.memory_space<vmem>> -> memref<1x125xi32, #tpu.memory_space<vmem>>
      %dma_start3A_97 = tpu.memref_squeeze %dma_start3A_96 : memref<1x125xi32, #tpu.memory_space<vmem>> -> memref<125xi32, #tpu.memory_space<vmem>>
      %dma_start3A_98 = arith.constant 0 : i32
      %dma_start3A_99 = arith.constant 0 : i32
      %dma_start3A_100 = tpu.memref_slice %arg16[%dma_start3A_98, %dma_start3A_99] : memref<10000x80xf32, #tpu.memory_space<vmem_shared>> -> memref<10000x80xf32, #tpu.memory_space<vmem_shared>>
      tpu.enqueue_indirect_dma source(%arg12 : memref<125x80xf32, #tpu.memory_space<vmem>>) target(%dma_start3A_100 : memref<10000x80xf32, #tpu.memory_space<vmem_shared>>) offsets(%dma_start3A_97 : memref<125xi32, #tpu.memory_space<vmem>>) semaphore(%arg19 : memref<!tpu.dma_semaphore, #tpu.memory_space<semaphore_mem>>) {add = true}
      %add3A_101 = arith.constant 2 : i32
      %add3A_102 = arith.addi %mul3A_62, %add3A_101 : i32
      %lt3A = arith.constant 80 : i32
      %lt3A_103 = arith.cmpi slt, %add3A_102, %lt3A : i32
      %convert_element_type3A_104 = arith.extui %lt3A_103 : i1 to i32
      %cond3A_105 = arith.constant 0 : i32
      %cond3A_106 = arith.cmpi ne, %convert_element_type3A_104, %cond3A_105 : i32
      scf.if %cond3A_106 {
        %add3A_135 = arith.constant 2 : i32
        %add3A_136 = arith.addi %mul3A_62, %add3A_135 : i32
        %dma_start3A_137 = arith.constant 0 : i32
        %dma_start3A_138 = tpu.memref_slice %arg8[%add3A_136, %dma_start3A_137] : memref<80x125xi32, #tpu.memory_space<vmem>> -> memref<1x125xi32, #tpu.memory_space<vmem>>
        %dma_start3A_139 = tpu.memref_squeeze %dma_start3A_138 : memref<1x125xi32, #tpu.memory_space<vmem>> -> memref<125xi32, #tpu.memory_space<vmem>>
        %dma_start3A_140 = arith.constant 0 : i32
        %dma_start3A_141 = arith.constant 0 : i32
        %dma_start3A_142 = tpu.memref_slice %arg2[%dma_start3A_140, %dma_start3A_141] : memref<10000x80xf32, #tpu.memory_space<hbm>> -> memref<10000x80xf32, #tpu.memory_space<hbm>>
        tpu.enqueue_indirect_dma source(%dma_start3A_142 : memref<10000x80xf32, #tpu.memory_space<hbm>>) target(%arg10 : memref<125x80xf32, #tpu.memory_space<vmem>>) offsets(%dma_start3A_139 : memref<125xi32, #tpu.memory_space<vmem>>) semaphore(%arg17 : memref<!tpu.dma_semaphore, #tpu.memory_space<semaphore_mem>>)
        %dma_start3A_143 = arith.constant 0 : i32
        %dma_start3A_144 = tpu.memref_slice %arg9[%add3A_136, %dma_start3A_143] : memref<80x125xi32, #tpu.memory_space<vmem>> -> memref<1x125xi32, #tpu.memory_space<vmem>>
        %dma_start3A_145 = tpu.memref_squeeze %dma_start3A_144 : memref<1x125xi32, #tpu.memory_space<vmem>> -> memref<125xi32, #tpu.memory_space<vmem>>
        %dma_start3A_146 = arith.constant 0 : i32
        %dma_start3A_147 = arith.constant 0 : i32
        %dma_start3A_148 = tpu.memref_slice %arg3[%dma_start3A_146, %dma_start3A_147] : memref<10000x16xf32, #tpu.memory_space<hbm>> -> memref<10000x16xf32, #tpu.memory_space<hbm>>
        tpu.enqueue_indirect_dma source(%dma_start3A_148 : memref<10000x16xf32, #tpu.memory_space<hbm>>) target(%arg11 : memref<125x16xf32, #tpu.memory_space<vmem>>) offsets(%dma_start3A_145 : memref<125xi32, #tpu.memory_space<vmem>>) semaphore(%arg18 : memref<!tpu.dma_semaphore, #tpu.memory_space<semaphore_mem>>)
      } else {
      }
      %dma_wait3A_107 = arith.constant 0 : i32
      %dma_wait3A_108 = arith.constant 0 : i32
      %dma_wait3A_109 = tpu.memref_slice %arg2[%dma_wait3A_107, %dma_wait3A_108] : memref<10000x80xf32, #tpu.memory_space<hbm>> -> memref<125x80xf32, #tpu.memory_space<hbm>>
      %dma_wait3A_110 = arith.constant 0 : i32
      %dma_wait3A_111 = arith.constant 0 : i32
      %dma_wait3A_112 = tpu.memref_slice %arg2[%dma_wait3A_110, %dma_wait3A_111] : memref<10000x80xf32, #tpu.memory_space<hbm>> -> memref<125x80xf32, #tpu.memory_space<hbm>>
      tpu.wait_dma2 semaphore(%arg20 : memref<!tpu.dma_semaphore, #tpu.memory_space<semaphore_mem>>) src(%dma_wait3A_112 : memref<125x80xf32, #tpu.memory_space<hbm>>) dst(%arg13 : memref<125x80xf32, #tpu.memory_space<vmem>>)
      %dma_wait3A_113 = arith.constant 0 : i32
      %dma_wait3A_114 = arith.constant 0 : i32
      %dma_wait3A_115 = tpu.memref_slice %arg3[%dma_wait3A_113, %dma_wait3A_114] : memref<10000x16xf32, #tpu.memory_space<hbm>> -> memref<125x16xf32, #tpu.memory_space<hbm>>
      %dma_wait3A_116 = arith.constant 0 : i32
      %dma_wait3A_117 = arith.constant 0 : i32
      %dma_wait3A_118 = tpu.memref_slice %arg3[%dma_wait3A_116, %dma_wait3A_117] : memref<10000x16xf32, #tpu.memory_space<hbm>> -> memref<125x16xf32, #tpu.memory_space<hbm>>
      tpu.wait_dma2 semaphore(%arg21 : memref<!tpu.dma_semaphore, #tpu.memory_space<semaphore_mem>>) src(%dma_wait3A_118 : memref<125x16xf32, #tpu.memory_space<hbm>>) dst(%arg14 : memref<125x16xf32, #tpu.memory_space<vmem>>)
      %ge3A_119 = arith.constant 1 : i32
      %ge3A_120 = arith.cmpi sge, %scan3A_60, %ge3A_119 : i32
      %convert_element_type3A_121 = arith.extui %ge3A_120 : i1 to i32
      %cond3A_122 = arith.constant 0 : i32
      %cond3A_123 = arith.cmpi ne, %convert_element_type3A_121, %cond3A_122 : i32
      scf.if %cond3A_123 {
        %dma_wait3A_135 = arith.constant 0 : i32
        %dma_wait3A_136 = arith.constant 0 : i32
        %dma_wait3A_137 = tpu.memref_slice %arg2[%dma_wait3A_135, %dma_wait3A_136] : memref<10000x80xf32, #tpu.memory_space<hbm>> -> memref<125x80xf32, #tpu.memory_space<hbm>>
        %dma_wait3A_138 = arith.constant 0 : i32
        %dma_wait3A_139 = arith.constant 0 : i32
        %dma_wait3A_140 = tpu.memref_slice %arg2[%dma_wait3A_138, %dma_wait3A_139] : memref<10000x80xf32, #tpu.memory_space<hbm>> -> memref<125x80xf32, #tpu.memory_space<hbm>>
        tpu.wait_dma2 semaphore(%arg22 : memref<!tpu.dma_semaphore, #tpu.memory_space<semaphore_mem>>) src(%dma_wait3A_140 : memref<125x80xf32, #tpu.memory_space<hbm>>) dst(%arg15 : memref<125x80xf32, #tpu.memory_space<vmem>>)
      } else {
      }
      %parallel_loop3A_124 = arith.constant 0 : i32
      %parallel_loop3A_125 = arith.constant 125 : i32
      %parallel_loop3A_126 = arith.constant 1 : i32
      scf.for %parallel_loop3A_135 = %parallel_loop3A_124 to %parallel_loop3A_125 step %parallel_loop3A_126  : i32 {
        %parallel_loop3A_136 = arith.index_cast %parallel_loop3A_135 : i32 to index
        %parallel_loop3A_137 = arith.constant 64 : index
        %parallel_loop3A_138 = tpu.vector_load %arg13[%parallel_loop3A_136, %parallel_loop3A_137] {strides = array<i32>} : memref<125x80xf32, #tpu.memory_space<vmem>>, vector<1x16xf32>,
        %parallel_loop3A_139 = vector.shape_cast %parallel_loop3A_138 : vector<1x16xf32> to vector<16xf32>
        %parallel_loop3A_140 = arith.index_cast %parallel_loop3A_135 : i32 to index
        %parallel_loop3A_141 = arith.constant 0 : index
        %parallel_loop3A_142 = tpu.vector_load %arg14[%parallel_loop3A_140, %parallel_loop3A_141] {strides = array<i32>} : memref<125x16xf32, #tpu.memory_space<vmem>>, vector<1x16xf32>,
        %parallel_loop3A_143 = vector.shape_cast %parallel_loop3A_142 : vector<1x16xf32> to vector<16xf32>
        %parallel_loop3A_144 = arith.addf %parallel_loop3A_139, %parallel_loop3A_143 : vector<16xf32>
        %parallel_loop3A_145 = arith.constant 2.000000e-01 : f32
        %parallel_loop3A_146 = vector.broadcast %parallel_loop3A_145 : f32 to vector<16xf32>
        %parallel_loop3A_147 = arith.mulf %parallel_loop3A_144, %parallel_loop3A_146 : vector<16xf32>
        %parallel_loop3A_148 = arith.maximumf %parallel_loop3A_144, %parallel_loop3A_147 : vector<16xf32>
        %parallel_loop3A_149 = math.exp %parallel_loop3A_148 : vector<16xf32>
        %parallel_loop3A_150 = arith.index_cast %parallel_loop3A_135 : i32 to index
        %parallel_loop3A_151 = arith.constant 64 : index
        %parallel_loop3A_152 = tpu.vector_load %arg15[%parallel_loop3A_150, %parallel_loop3A_151] {strides = array<i32>} : memref<125x80xf32, #tpu.memory_space<vmem>>, vector<1x16xf32>,
        %parallel_loop3A_153 = vector.shape_cast %parallel_loop3A_152 : vector<1x16xf32> to vector<16xf32>
        %parallel_loop3A_154 = vector.shape_cast %parallel_loop3A_149 : vector<16xf32> to vector<1x16xf32>
        tpu.vector_store %arg15[%parallel_loop3A_150, %parallel_loop3A_151], %parallel_loop3A_154 {strides = array<i32>} : memref<125x80xf32, #tpu.memory_space<vmem>>, vector<1x16xf32>,
        %parallel_loop3A_155 = arith.constant 0 : i32
        %parallel_loop3A_156 = vector.broadcast %parallel_loop3A_155 : i32 to vector<16xi32>
        %parallel_loop3A_157 = arith.cmpi slt, %add3A_11, %parallel_loop3A_156 : vector<16xi32>
        %parallel_loop3A_158 = arith.constant 16 : i32
        %parallel_loop3A_159 = vector.broadcast %parallel_loop3A_158 : i32 to vector<16xi32>
        %parallel_loop3A_160 = arith.addi %add3A_11, %parallel_loop3A_159 : vector<16xi32>
        %parallel_loop3A_161 = arith.select %parallel_loop3A_157, %parallel_loop3A_160, %add3A_11 : vector<16xi1>, vector<16xi32>
        %parallel_loop3A_162 = vector.shape_cast %parallel_loop3A_161 : vector<16xi32> to vector<16x1xi32>
        %parallel_loop3A_163 = vector.shape_cast %parallel_loop3A_162 : vector<16x1xi32> to vector<16xi32>
        %parallel_loop3A_164 = tpu.dynamic_gather %parallel_loop3A_149[%parallel_loop3A_163] in [0] : vector<16xf32>, vector<16xi32> -> vector<16xf32>
        %parallel_loop3A_165 = arith.index_cast %parallel_loop3A_135 : i32 to index
        %parallel_loop3A_166 = arith.constant 0 : index
        %parallel_loop3A_167 = tpu.vector_load %arg13[%parallel_loop3A_165, %parallel_loop3A_166] {strides = array<i32>} : memref<125x80xf32, #tpu.memory_space<vmem>>, vector<1x16xf32>,
        %parallel_loop3A_168 = vector.shape_cast %parallel_loop3A_167 : vector<1x16xf32> to vector<16xf32>
        %parallel_loop3A_169 = arith.mulf %parallel_loop3A_164, %parallel_loop3A_168 : vector<16xf32>
        %parallel_loop3A_170 = arith.index_cast %parallel_loop3A_135 : i32 to index
        %parallel_loop3A_171 = arith.constant 0 : index
        %parallel_loop3A_172 = tpu.vector_load %arg15[%parallel_loop3A_170, %parallel_loop3A_171] {strides = array<i32>} : memref<125x80xf32, #tpu.memory_space<vmem>>, vector<1x16xf32>,
        %parallel_loop3A_173 = vector.shape_cast %parallel_loop3A_172 : vector<1x16xf32> to vector<16xf32>
        %parallel_loop3A_174 = vector.shape_cast %parallel_loop3A_169 : vector<16xf32> to vector<1x16xf32>
        tpu.vector_store %arg15[%parallel_loop3A_170, %parallel_loop3A_171], %parallel_loop3A_174 {strides = array<i32>} : memref<125x80xf32, #tpu.memory_space<vmem>>, vector<1x16xf32>,
        %parallel_loop3A_175 = arith.constant 0 : i32
        %parallel_loop3A_176 = vector.broadcast %parallel_loop3A_175 : i32 to vector<16xi32>
        %parallel_loop3A_177 = arith.cmpi slt, %add3A_14, %parallel_loop3A_176 : vector<16xi32>
        %parallel_loop3A_178 = arith.constant 16 : i32
        %parallel_loop3A_179 = vector.broadcast %parallel_loop3A_178 : i32 to vector<16xi32>
        %parallel_loop3A_180 = arith.addi %add3A_14, %parallel_loop3A_179 : vector<16xi32>
        %parallel_loop3A_181 = arith.select %parallel_loop3A_177, %parallel_loop3A_180, %add3A_14 : vector<16xi1>, vector<16xi32>
        %parallel_loop3A_182 = vector.shape_cast %parallel_loop3A_181 : vector<16xi32> to vector<16x1xi32>
        %parallel_loop3A_183 = vector.shape_cast %parallel_loop3A_182 : vector<16x1xi32> to vector<16xi32>
        %parallel_loop3A_184 = tpu.dynamic_gather %parallel_loop3A_149[%parallel_loop3A_183] in [0] : vector<16xf32>, vector<16xi32> -> vector<16xf32>
        %parallel_loop3A_185 = arith.index_cast %parallel_loop3A_135 : i32 to index
        %parallel_loop3A_186 = arith.constant 16 : index
        %parallel_loop3A_187 = tpu.vector_load %arg13[%parallel_loop3A_185, %parallel_loop3A_186] {strides = array<i32>} : memref<125x80xf32, #tpu.memory_space<vmem>>, vector<1x16xf32>,
        %parallel_loop3A_188 = vector.shape_cast %parallel_loop3A_187 : vector<1x16xf32> to vector<16xf32>
        %parallel_loop3A_189 = arith.mulf %parallel_loop3A_184, %parallel_loop3A_188 : vector<16xf32>
        %parallel_loop3A_190 = arith.index_cast %parallel_loop3A_135 : i32 to index
        %parallel_loop3A_191 = arith.constant 16 : index
        %parallel_loop3A_192 = tpu.vector_load %arg15[%parallel_loop3A_190, %parallel_loop3A_191] {strides = array<i32>} : memref<125x80xf32, #tpu.memory_space<vmem>>, vector<1x16xf32>,
        %parallel_loop3A_193 = vector.shape_cast %parallel_loop3A_192 : vector<1x16xf32> to vector<16xf32>
        %parallel_loop3A_194 = vector.shape_cast %parallel_loop3A_189 : vector<16xf32> to vector<1x16xf32>
        tpu.vector_store %arg15[%parallel_loop3A_190, %parallel_loop3A_191], %parallel_loop3A_194 {strides = array<i32>} : memref<125x80xf32, #tpu.memory_space<vmem>>, vector<1x16xf32>,
        %parallel_loop3A_195 = arith.constant 0 : i32
        %parallel_loop3A_196 = vector.broadcast %parallel_loop3A_195 : i32 to vector<16xi32>
        %parallel_loop3A_197 = arith.cmpi slt, %add3A_17, %parallel_loop3A_196 : vector<16xi32>
        %parallel_loop3A_198 = arith.constant 16 : i32
        %parallel_loop3A_199 = vector.broadcast %parallel_loop3A_198 : i32 to vector<16xi32>
        %parallel_loop3A_200 = arith.addi %add3A_17, %parallel_loop3A_199 : vector<16xi32>
        %parallel_loop3A_201 = arith.select %parallel_loop3A_197, %parallel_loop3A_200, %add3A_17 : vector<16xi1>, vector<16xi32>
        %parallel_loop3A_202 = vector.shape_cast %parallel_loop3A_201 : vector<16xi32> to vector<16x1xi32>
        %parallel_loop3A_203 = vector.shape_cast %parallel_loop3A_202 : vector<16x1xi32> to vector<16xi32>
        %parallel_loop3A_204 = tpu.dynamic_gather %parallel_loop3A_149[%parallel_loop3A_203] in [0] : vector<16xf32>, vector<16xi32> -> vector<16xf32>
        %parallel_loop3A_205 = arith.index_cast %parallel_loop3A_135 : i32 to index
        %parallel_loop3A_206 = arith.constant 32 : index
        %parallel_loop3A_207 = tpu.vector_load %arg13[%parallel_loop3A_205, %parallel_loop3A_206] {strides = array<i32>} : memref<125x80xf32, #tpu.memory_space<vmem>>, vector<1x16xf32>,
        %parallel_loop3A_208 = vector.shape_cast %parallel_loop3A_207 : vector<1x16xf32> to vector<16xf32>
        %parallel_loop3A_209 = arith.mulf %parallel_loop3A_204, %parallel_loop3A_208 : vector<16xf32>
        %parallel_loop3A_210 = arith.index_cast %parallel_loop3A_135 : i32 to index
        %parallel_loop3A_211 = arith.constant 32 : index
        %parallel_loop3A_212 = tpu.vector_load %arg15[%parallel_loop3A_210, %parallel_loop3A_211] {strides = array<i32>} : memref<125x80xf32, #tpu.memory_space<vmem>>, vector<1x16xf32>,
        %parallel_loop3A_213 = vector.shape_cast %parallel_loop3A_212 : vector<1x16xf32> to vector<16xf32>
        %parallel_loop3A_214 = vector.shape_cast %parallel_loop3A_209 : vector<16xf32> to vector<1x16xf32>
        tpu.vector_store %arg15[%parallel_loop3A_210, %parallel_loop3A_211], %parallel_loop3A_214 {strides = array<i32>} : memref<125x80xf32, #tpu.memory_space<vmem>>, vector<1x16xf32>,
        %parallel_loop3A_215 = arith.constant 0 : i32
        %parallel_loop3A_216 = vector.broadcast %parallel_loop3A_215 : i32 to vector<16xi32>
        %parallel_loop3A_217 = arith.cmpi slt, %add3A_20, %parallel_loop3A_216 : vector<16xi32>
        %parallel_loop3A_218 = arith.constant 16 : i32
        %parallel_loop3A_219 = vector.broadcast %parallel_loop3A_218 : i32 to vector<16xi32>
        %parallel_loop3A_220 = arith.addi %add3A_20, %parallel_loop3A_219 : vector<16xi32>
        %parallel_loop3A_221 = arith.select %parallel_loop3A_217, %parallel_loop3A_220, %add3A_20 : vector<16xi1>, vector<16xi32>
        %parallel_loop3A_222 = vector.shape_cast %parallel_loop3A_221 : vector<16xi32> to vector<16x1xi32>
        %parallel_loop3A_223 = vector.shape_cast %parallel_loop3A_222 : vector<16x1xi32> to vector<16xi32>
        %parallel_loop3A_224 = tpu.dynamic_gather %parallel_loop3A_149[%parallel_loop3A_223] in [0] : vector<16xf32>, vector<16xi32> -> vector<16xf32>
        %parallel_loop3A_225 = arith.index_cast %parallel_loop3A_135 : i32 to index
        %parallel_loop3A_226 = arith.constant 48 : index
        %parallel_loop3A_227 = tpu.vector_load %arg13[%parallel_loop3A_225, %parallel_loop3A_226] {strides = array<i32>} : memref<125x80xf32, #tpu.memory_space<vmem>>, vector<1x16xf32>,
        %parallel_loop3A_228 = vector.shape_cast %parallel_loop3A_227 : vector<1x16xf32> to vector<16xf32>
        %parallel_loop3A_229 = arith.mulf %parallel_loop3A_224, %parallel_loop3A_228 : vector<16xf32>
        %parallel_loop3A_230 = arith.index_cast %parallel_loop3A_135 : i32 to index
        %parallel_loop3A_231 = arith.constant 48 : index
        %parallel_loop3A_232 = tpu.vector_load %arg15[%parallel_loop3A_230, %parallel_loop3A_231] {strides = array<i32>} : memref<125x80xf32, #tpu.memory_space<vmem>>, vector<1x16xf32>,
        %parallel_loop3A_233 = vector.shape_cast %parallel_loop3A_232 : vector<1x16xf32> to vector<16xf32>
        %parallel_loop3A_234 = vector.shape_cast %parallel_loop3A_229 : vector<16xf32> to vector<1x16xf32>
        tpu.vector_store %arg15[%parallel_loop3A_230, %parallel_loop3A_231], %parallel_loop3A_234 {strides = array<i32>} : memref<125x80xf32, #tpu.memory_space<vmem>>, vector<1x16xf32>,
      } {sc.loop_unroll_factor = 4 : i64, sc.parallel_access}
      %add3A_127 = arith.constant 1 : i32
      %add3A_128 = arith.addi %mul3A_62, %add3A_127 : i32
      %dma_start3A_129 = arith.constant 0 : i32
      %dma_start3A_130 = tpu.memref_slice %arg9[%add3A_128, %dma_start3A_129] : memref<80x125xi32, #tpu.memory_space<vmem>> -> memref<1x125xi32, #tpu.memory_space<vmem>>
      %dma_start3A_131 = tpu.memref_squeeze %dma_start3A_130 : memref<1x125xi32, #tpu.memory_space<vmem>> -> memref<125xi32, #tpu.memory_space<vmem>>
      %dma_start3A_132 = arith.constant 0 : i32
      %dma_start3A_133 = arith.constant 0 : i32
      %dma_start3A_134 = tpu.memref_slice %arg16[%dma_start3A_132, %dma_start3A_133] : memref<10000x80xf32, #tpu.memory_space<vmem_shared>> -> memref<10000x80xf32, #tpu.memory_space<vmem_shared>>
      tpu.enqueue_indirect_dma source(%arg15 : memref<125x80xf32, #tpu.memory_space<vmem>>) target(%dma_start3A_134 : memref<10000x80xf32, #tpu.memory_space<vmem_shared>>) offsets(%dma_start3A_131 : memref<125xi32, #tpu.memory_space<vmem>>) semaphore(%arg22 : memref<!tpu.dma_semaphore, #tpu.memory_space<semaphore_mem>>) {add = true}
    }
    %scan3A_38 = arith.constant 40 : i32
    %dma_wait3A = arith.constant 0 : i32
    %dma_wait3A_39 = arith.constant 0 : i32
    %dma_wait3A_40 = tpu.memref_slice %arg2[%dma_wait3A, %dma_wait3A_39] : memref<10000x80xf32, #tpu.memory_space<hbm>> -> memref<125x80xf32, #tpu.memory_space<hbm>>
    %dma_wait3A_41 = arith.constant 0 : i32
    %dma_wait3A_42 = arith.constant 0 : i32
    %dma_wait3A_43 = tpu.memref_slice %arg2[%dma_wait3A_41, %dma_wait3A_42] : memref<10000x80xf32, #tpu.memory_space<hbm>> -> memref<125x80xf32, #tpu.memory_space<hbm>>
    tpu.wait_dma2 semaphore(%arg19 : memref<!tpu.dma_semaphore, #tpu.memory_space<semaphore_mem>>) src(%dma_wait3A_43 : memref<125x80xf32, #tpu.memory_space<hbm>>) dst(%arg12 : memref<125x80xf32, #tpu.memory_space<vmem>>)
    %dma_wait3A_44 = arith.constant 0 : i32
    %dma_wait3A_45 = arith.constant 0 : i32
    %dma_wait3A_46 = tpu.memref_slice %arg2[%dma_wait3A_44, %dma_wait3A_45] : memref<10000x80xf32, #tpu.memory_space<hbm>> -> memref<125x80xf32, #tpu.memory_space<hbm>>
    %dma_wait3A_47 = arith.constant 0 : i32
    %dma_wait3A_48 = arith.constant 0 : i32
    %dma_wait3A_49 = tpu.memref_slice %arg2[%dma_wait3A_47, %dma_wait3A_48] : memref<10000x80xf32, #tpu.memory_space<hbm>> -> memref<125x80xf32, #tpu.memory_space<hbm>>
    tpu.wait_dma2 semaphore(%arg22 : memref<!tpu.dma_semaphore, #tpu.memory_space<semaphore_mem>>) src(%dma_wait3A_49 : memref<125x80xf32, #tpu.memory_space<hbm>>) dst(%arg15 : memref<125x80xf32, #tpu.memory_space<vmem>>)
    %barrier3A_50 = arith.constant 0 : index
    tpu.barrier barrier_id(%barrier3A_50)
    %mul3A_51 = arith.constant 624 : i32
    %mul3A_52 = arith.muli %arg1, %mul3A_51 : i32
    %mul3A_53 = arith.constant 624 : i32
    %mul3A_54 = arith.muli %arg1, %mul3A_53 : i32
    "tpu.region"() ({
      %run_scoped3A = tpu.sem_alloc : memref<!tpu.dma_semaphore, #tpu.memory_space<semaphore_mem>>
      %dma_start3A_60 = arith.constant 0 : i32
      %dma_start3A_61 = tpu.memref_slice %arg7[%arg0, %mul3A_54, %dma_start3A_60] : memref<2x10000x80xf32, #tpu.memory_space<hbm>> -> memref<1x624x80xf32, #tpu.memory_space<hbm>>
      %dma_start3A_62 = tpu.memref_squeeze %dma_start3A_61 : memref<1x624x80xf32, #tpu.memory_space<hbm>> -> memref<624x80xf32, #tpu.memory_space<hbm>>
      %dma_start3A_63 = arith.constant 0 : i32
      %dma_start3A_64 = tpu.memref_slice %arg16[%mul3A_52, %dma_start3A_63] : memref<10000x80xf32, #tpu.memory_space<vmem_shared>> -> memref<624x80xf32, #tpu.memory_space<vmem_shared>>
      tpu.enqueue_dma source(%dma_start3A_64 : memref<624x80xf32, #tpu.memory_space<vmem_shared>>) target(%dma_start3A_62 : memref<624x80xf32, #tpu.memory_space<hbm>>) target_semaphore(%run_scoped3A : memref<!tpu.dma_semaphore, #tpu.memory_space<semaphore_mem>>)
      %dma_wait3A_65 = arith.constant 0 : i32
      %dma_wait3A_66 = tpu.memref_slice %arg7[%arg0, %mul3A_54, %dma_wait3A_65] : memref<2x10000x80xf32, #tpu.memory_space<hbm>> -> memref<1x624x80xf32, #tpu.memory_space<hbm>>
      %dma_wait3A_67 = tpu.memref_squeeze %dma_wait3A_66 : memref<1x624x80xf32, #tpu.memory_space<hbm>> -> memref<624x80xf32, #tpu.memory_space<hbm>>
      %dma_wait3A_68 = arith.constant 0 : i32
      %dma_wait3A_69 = tpu.memref_slice %arg16[%mul3A_52, %dma_wait3A_68] : memref<10000x80xf32, #tpu.memory_space<vmem_shared>> -> memref<624x80xf32, #tpu.memory_space<vmem_shared>>
      tpu.wait_dma2 semaphore(%run_scoped3A : memref<!tpu.dma_semaphore, #tpu.memory_space<semaphore_mem>>) src(%dma_wait3A_69 : memref<624x80xf32, #tpu.memory_space<vmem_shared>>) dst(%dma_wait3A_67 : memref<624x80xf32, #tpu.memory_space<hbm>>)
      tpu.yield
    }) : () -> ()
    %eq3A_55 = arith.constant 0 : i32
    %eq3A_56 = arith.cmpi eq, %arg1, %eq3A_55 : i32
    %convert_element_type3A_57 = arith.extui %eq3A_56 : i1 to i32
    %cond3A_58 = arith.constant 0 : i32
    %cond3A_59 = arith.cmpi ne, %convert_element_type3A_57, %cond3A_58 : i32
    scf.if %cond3A_59 {
      "tpu.region"() ({
        %run_scoped3A = tpu.sem_alloc : memref<!tpu.dma_semaphore, #tpu.memory_space<semaphore_mem>>
        %dma_start3A_60 = arith.constant 9984 : i32
        %dma_start3A_61 = arith.constant 0 : i32
        %dma_start3A_62 = tpu.memref_slice %arg7[%arg0, %dma_start3A_60, %dma_start3A_61] : memref<2x10000x80xf32, #tpu.memory_space<hbm>> -> memref<1x16x80xf32, #tpu.memory_space<hbm>>
        %dma_start3A_63 = tpu.memref_squeeze %dma_start3A_62 : memref<1x16x80xf32, #tpu.memory_space<hbm>> -> memref<16x80xf32, #tpu.memory_space<hbm>>
        %dma_start3A_64 = arith.constant 9984 : i32
        %dma_start3A_65 = arith.constant 0 : i32
        %dma_start3A_66 = tpu.memref_slice %arg16[%dma_start3A_64, %dma_start3A_65] : memref<10000x80xf32, #tpu.memory_space<vmem_shared>> -> memref<16x80xf32, #tpu.memory_space<vmem_shared>>
        tpu.enqueue_dma source(%dma_start3A_66 : memref<16x80xf32, #tpu.memory_space<vmem_shared>>) target(%dma_start3A_63 : memref<16x80xf32, #tpu.memory_space<hbm>>) target_semaphore(%run_scoped3A : memref<!tpu.dma_semaphore, #tpu.memory_space<semaphore_mem>>)
        %dma_wait3A_67 = arith.constant 9984 : i32
        %dma_wait3A_68 = arith.constant 0 : i32
        %dma_wait3A_69 = tpu.memref_slice %arg7[%arg0, %dma_wait3A_67, %dma_wait3A_68] : memref<2x10000x80xf32, #tpu.memory_space<hbm>> -> memref<1x16x80xf32, #tpu.memory_space<hbm>>
        %dma_wait3A_70 = tpu.memref_squeeze %dma_wait3A_69 : memref<1x16x80xf32, #tpu.memory_space<hbm>> -> memref<16x80xf32, #tpu.memory_space<hbm>>
        %dma_wait3A_71 = arith.constant 9984 : i32
        %dma_wait3A_72 = arith.constant 0 : i32
        %dma_wait3A_73 = tpu.memref_slice %arg16[%dma_wait3A_71, %dma_wait3A_72] : memref<10000x80xf32, #tpu.memory_space<vmem_shared>> -> memref<16x80xf32, #tpu.memory_space<vmem_shared>>
        tpu.wait_dma2 semaphore(%run_scoped3A : memref<!tpu.dma_semaphore, #tpu.memory_space<semaphore_mem>>) src(%dma_wait3A_73 : memref<16x80xf32, #tpu.memory_space<vmem_shared>>) dst(%dma_wait3A_70 : memref<16x80xf32, #tpu.memory_space<hbm>>)
        tpu.yield
      }) : () -> ()
    } else {
    }
    return
  }
}

#map = affine_map<(d0, d1) -> (0, 0)>
#map1 = affine_map<(d0, d1) -> (0, 0, 0)>
module attributes {stable_mosaic.version = 14 : i64} {
  func.func @_sc_edge_body(%arg0: i32, %arg1: i32, %arg2: memref<10000x80xf32, #tpu.memory_space<hbm>>, %arg3: memref<10000x16xf32, #tpu.memory_space<hbm>>, %arg4: memref<2560x125xi32, #tpu.memory_space<hbm>>, %arg5: memref<2560x125xi32, #tpu.memory_space<hbm>>, %arg6: memref<624x80xf32, #tpu.memory_space<hbm>>, %arg7: memref<2x10000x80xf32, #tpu.memory_space<hbm>>, %arg8: memref<80x125xi32, #tpu.memory_space<vmem>>, %arg9: memref<80x125xi32, #tpu.memory_space<vmem>>, %arg10: memref<125x80xf32, #tpu.memory_space<vmem>>, %arg11: memref<125x16xf32, #tpu.memory_space<vmem>>, %arg12: memref<125x80xf32, #tpu.memory_space<vmem>>, %arg13: memref<125x80xf32, #tpu.memory_space<vmem>>, %arg14: memref<125x16xf32, #tpu.memory_space<vmem>>, %arg15: memref<125x80xf32, #tpu.memory_space<vmem>>, %arg16: memref<10000x80xf32, #tpu.memory_space<vmem_shared>>, %arg17: memref<!tpu.dma_semaphore, #tpu.memory_space<semaphore_mem>>, %arg18: memref<!tpu.dma_semaphore, #tpu.memory_space<semaphore_mem>>, %arg19: memref<!tpu.dma_semaphore, #tpu.memory_space<semaphore_mem>>, %arg20: memref<!tpu.dma_semaphore, #tpu.memory_space<semaphore_mem>>, %arg21: memref<!tpu.dma_semaphore, #tpu.memory_space<semaphore_mem>>, %arg22: memref<!tpu.dma_semaphore, #tpu.memory_space<semaphore_mem>>) attributes {dimension_semantics = [#tpu.dimension_semantics<core_parallel>, #tpu.dimension_semantics<subcore_parallel>], iteration_bounds = array<i64: 2, 16>, scalar_prefetch = 0 : i64, scratch_operands = 15 : i64, tpu.core_type = #tpu.core_type<sc_vector_subcore>, window_params = [{transform_indices = #map}, {transform_indices = #map}, {transform_indices = #map}, {transform_indices = #map}, {transform_indices = #map}, {transform_indices = #map1}]} {
    %mul3A = arith.constant 2 : i32
    %mul3A_0 = arith.muli %arg1, %mul3A : i32
    %add3A = arith.addi %mul3A_0, %arg0 : i32
    %mul3A_1 = arith.constant 624 : i32
    %mul3A_2 = arith.muli %arg1, %mul3A_1 : i32
    "tpu.region"() ({
      %run_scoped3A = tpu.sem_alloc : memref<!tpu.dma_semaphore, #tpu.memory_space<semaphore_mem>>
      %dma_start3A_60 = arith.constant 0 : i32
      %dma_start3A_61 = tpu.memref_slice %arg16[%mul3A_2, %dma_start3A_60] : memref<10000x80xf32, #tpu.memory_space<vmem_shared>> -> memref<624x80xf32, #tpu.memory_space<vmem_shared>>
      tpu.enqueue_dma source(%arg6 : memref<624x80xf32, #tpu.memory_space<hbm>>) target(%dma_start3A_61 : memref<624x80xf32, #tpu.memory_space<vmem_shared>>) target_semaphore(%run_scoped3A : memref<!tpu.dma_semaphore, #tpu.memory_space<semaphore_mem>>)
      %dma_wait3A_62 = arith.constant 0 : i32
      %dma_wait3A_63 = tpu.memref_slice %arg16[%mul3A_2, %dma_wait3A_62] : memref<10000x80xf32, #tpu.memory_space<vmem_shared>> -> memref<624x80xf32, #tpu.memory_space<vmem_shared>>
      tpu.wait_dma2 semaphore(%run_scoped3A : memref<!tpu.dma_semaphore, #tpu.memory_space<semaphore_mem>>) src(%arg6 : memref<624x80xf32, #tpu.memory_space<hbm>>) dst(%dma_wait3A_63 : memref<624x80xf32, #tpu.memory_space<vmem_shared>>)
      tpu.yield
    }) : () -> ()
    %eq3A = arith.constant 0 : i32
    %eq3A_3 = arith.cmpi eq, %arg1, %eq3A : i32
    %convert_element_type3A = arith.extui %eq3A_3 : i1 to i32
    %cond3A = arith.constant 0 : i32
    %cond3A_4 = arith.cmpi ne, %convert_element_type3A, %cond3A : i32
    scf.if %cond3A_4 {
      "tpu.region"() ({
        %run_scoped3A = tpu.sem_alloc : memref<!tpu.dma_semaphore, #tpu.memory_space<semaphore_mem>>
        %dma_start3A_60 = arith.constant 9984 : i32
        %dma_start3A_61 = arith.constant 0 : i32
        %dma_start3A_62 = tpu.memref_slice %arg16[%dma_start3A_60, %dma_start3A_61] : memref<10000x80xf32, #tpu.memory_space<vmem_shared>> -> memref<16x80xf32, #tpu.memory_space<vmem_shared>>
        %dma_start3A_63 = arith.constant 0 : i32
        %dma_start3A_64 = arith.constant 0 : i32
        %dma_start3A_65 = tpu.memref_slice %arg6[%dma_start3A_63, %dma_start3A_64] : memref<624x80xf32, #tpu.memory_space<hbm>> -> memref<16x80xf32, #tpu.memory_space<hbm>>
        tpu.enqueue_dma source(%dma_start3A_65 : memref<16x80xf32, #tpu.memory_space<hbm>>) target(%dma_start3A_62 : memref<16x80xf32, #tpu.memory_space<vmem_shared>>) target_semaphore(%run_scoped3A : memref<!tpu.dma_semaphore, #tpu.memory_space<semaphore_mem>>)
        %dma_wait3A_66 = arith.constant 9984 : i32
        %dma_wait3A_67 = arith.constant 0 : i32
        %dma_wait3A_68 = tpu.memref_slice %arg16[%dma_wait3A_66, %dma_wait3A_67] : memref<10000x80xf32, #tpu.memory_space<vmem_shared>> -> memref<16x80xf32, #tpu.memory_space<vmem_shared>>
        %dma_wait3A_69 = arith.constant 0 : i32
        %dma_wait3A_70 = arith.constant 0 : i32
        %dma_wait3A_71 = tpu.memref_slice %arg6[%dma_wait3A_69, %dma_wait3A_70] : memref<624x80xf32, #tpu.memory_space<hbm>> -> memref<16x80xf32, #tpu.memory_space<hbm>>
        tpu.wait_dma2 semaphore(%run_scoped3A : memref<!tpu.dma_semaphore, #tpu.memory_space<semaphore_mem>>) src(%dma_wait3A_71 : memref<16x80xf32, #tpu.memory_space<hbm>>) dst(%dma_wait3A_68 : memref<16x80xf32, #tpu.memory_space<vmem_shared>>)
        tpu.yield
      }) : () -> ()
    } else {
    }
    %barrier3A = arith.constant 0 : index
    tpu.barrier barrier_id(%barrier3A)
    %mul3A_5 = arith.constant 80 : i32
    %mul3A_6 = arith.muli %add3A, %mul3A_5 : i32
    "tpu.region"() ({
      %run_scoped3A = tpu.sem_alloc : memref<!tpu.dma_semaphore, #tpu.memory_space<semaphore_mem>>
      %dma_start3A_60 = arith.constant 0 : i32
      %dma_start3A_61 = tpu.memref_slice %arg4[%mul3A_6, %dma_start3A_60] : memref<2560x125xi32, #tpu.memory_space<hbm>> -> memref<80x125xi32, #tpu.memory_space<hbm>>
      %dma_start3A_62 = arith.constant 0 : i32
      %dma_start3A_63 = tpu.memref_slice %arg4[%mul3A_6, %dma_start3A_62] : memref<2560x125xi32, #tpu.memory_space<hbm>> -> memref<80x125xi32, #tpu.memory_space<hbm>>
      tpu.enqueue_dma source(%dma_start3A_63 : memref<80x125xi32, #tpu.memory_space<hbm>>) target(%arg8 : memref<80x125xi32, #tpu.memory_space<vmem>>) target_semaphore(%run_scoped3A : memref<!tpu.dma_semaphore, #tpu.memory_space<semaphore_mem>>)
      %dma_wait3A_64 = arith.constant 0 : i32
      %dma_wait3A_65 = tpu.memref_slice %arg4[%mul3A_6, %dma_wait3A_64] : memref<2560x125xi32, #tpu.memory_space<hbm>> -> memref<80x125xi32, #tpu.memory_space<hbm>>
      %dma_wait3A_66 = arith.constant 0 : i32
      %dma_wait3A_67 = tpu.memref_slice %arg4[%mul3A_6, %dma_wait3A_66] : memref<2560x125xi32, #tpu.memory_space<hbm>> -> memref<80x125xi32, #tpu.memory_space<hbm>>
      tpu.wait_dma2 semaphore(%run_scoped3A : memref<!tpu.dma_semaphore, #tpu.memory_space<semaphore_mem>>) src(%dma_wait3A_67 : memref<80x125xi32, #tpu.memory_space<hbm>>) dst(%arg8 : memref<80x125xi32, #tpu.memory_space<vmem>>)
      tpu.yield
    }) : () -> ()
    "tpu.region"() ({
      %run_scoped3A = tpu.sem_alloc : memref<!tpu.dma_semaphore, #tpu.memory_space<semaphore_mem>>
      %dma_start3A_60 = arith.constant 0 : i32
      %dma_start3A_61 = tpu.memref_slice %arg5[%mul3A_6, %dma_start3A_60] : memref<2560x125xi32, #tpu.memory_space<hbm>> -> memref<80x125xi32, #tpu.memory_space<hbm>>
      %dma_start3A_62 = arith.constant 0 : i32
      %dma_start3A_63 = tpu.memref_slice %arg5[%mul3A_6, %dma_start3A_62] : memref<2560x125xi32, #tpu.memory_space<hbm>> -> memref<80x125xi32, #tpu.memory_space<hbm>>
      tpu.enqueue_dma source(%dma_start3A_63 : memref<80x125xi32, #tpu.memory_space<hbm>>) target(%arg9 : memref<80x125xi32, #tpu.memory_space<vmem>>) target_semaphore(%run_scoped3A : memref<!tpu.dma_semaphore, #tpu.memory_space<semaphore_mem>>)
      %dma_wait3A_64 = arith.constant 0 : i32
      %dma_wait3A_65 = tpu.memref_slice %arg5[%mul3A_6, %dma_wait3A_64] : memref<2560x125xi32, #tpu.memory_space<hbm>> -> memref<80x125xi32, #tpu.memory_space<hbm>>
      %dma_wait3A_66 = arith.constant 0 : i32
      %dma_wait3A_67 = tpu.memref_slice %arg5[%mul3A_6, %dma_wait3A_66] : memref<2560x125xi32, #tpu.memory_space<hbm>> -> memref<80x125xi32, #tpu.memory_space<hbm>>
      tpu.wait_dma2 semaphore(%run_scoped3A : memref<!tpu.dma_semaphore, #tpu.memory_space<semaphore_mem>>) src(%dma_wait3A_67 : memref<80x125xi32, #tpu.memory_space<hbm>>) dst(%arg9 : memref<80x125xi32, #tpu.memory_space<vmem>>)
      tpu.yield
    }) : () -> ()
    %iota3A = tpu.iota {dimensions = array<i32: 0>} : vector<16xi32>
    %shift_right_logical3A = arith.constant 3 : i32
    %shift_right_logical3A_7 = vector.broadcast %shift_right_logical3A : i32 to vector<16xi32>
    %shift_right_logical3A_8 = arith.shrui %iota3A, %shift_right_logical3A_7 : vector<16xi32>
    %add3A_9 = arith.constant 0 : i32
    %add3A_10 = vector.broadcast %add3A_9 : i32 to vector<16xi32>
    %add3A_11 = arith.addi %shift_right_logical3A_8, %add3A_10 : vector<16xi32>
    %add3A_12 = arith.constant 2 : i32
    %add3A_13 = vector.broadcast %add3A_12 : i32 to vector<16xi32>
    %add3A_14 = arith.addi %shift_right_logical3A_8, %add3A_13 : vector<16xi32>
    %add3A_15 = arith.constant 4 : i32
    %add3A_16 = vector.broadcast %add3A_15 : i32 to vector<16xi32>
    %add3A_17 = arith.addi %shift_right_logical3A_8, %add3A_16 : vector<16xi32>
    %add3A_18 = arith.constant 6 : i32
    %add3A_19 = vector.broadcast %add3A_18 : i32 to vector<16xi32>
    %add3A_20 = arith.addi %shift_right_logical3A_8, %add3A_19 : vector<16xi32>
    %dma_start3A = arith.constant 0 : i32
    %dma_start3A_21 = arith.constant 0 : i32
    %dma_start3A_22 = tpu.memref_slice %arg8[%dma_start3A, %dma_start3A_21] : memref<80x125xi32, #tpu.memory_space<vmem>> -> memref<1x125xi32, #tpu.memory_space<vmem>>
    %dma_start3A_23 = tpu.memref_squeeze %dma_start3A_22 : memref<1x125xi32, #tpu.memory_space<vmem>> -> memref<125xi32, #tpu.memory_space<vmem>>
    %dma_start3A_24 = arith.constant 0 : i32
    %dma_start3A_25 = arith.constant 0 : i32
    %dma_start3A_26 = tpu.memref_slice %arg2[%dma_start3A_24, %dma_start3A_25] : memref<10000x80xf32, #tpu.memory_space<hbm>> -> memref<10000x80xf32, #tpu.memory_space<hbm>>
    tpu.enqueue_indirect_dma source(%dma_start3A_26 : memref<10000x80xf32, #tpu.memory_space<hbm>>) target(%arg10 : memref<125x80xf32, #tpu.memory_space<vmem>>) offsets(%dma_start3A_23 : memref<125xi32, #tpu.memory_space<vmem>>) semaphore(%arg17 : memref<!tpu.dma_semaphore, #tpu.memory_space<semaphore_mem>>)
    %dma_start3A_27 = arith.constant 0 : i32
    %dma_start3A_28 = arith.constant 0 : i32
    %dma_start3A_29 = tpu.memref_slice %arg9[%dma_start3A_27, %dma_start3A_28] : memref<80x125xi32, #tpu.memory_space<vmem>> -> memref<1x125xi32, #tpu.memory_space<vmem>>
    %dma_start3A_30 = tpu.memref_squeeze %dma_start3A_29 : memref<1x125xi32, #tpu.memory_space<vmem>> -> memref<125xi32, #tpu.memory_space<vmem>>
    %dma_start3A_31 = arith.constant 0 : i32
    %dma_start3A_32 = arith.constant 0 : i32
    %dma_start3A_33 = tpu.memref_slice %arg3[%dma_start3A_31, %dma_start3A_32] : memref<10000x16xf32, #tpu.memory_space<hbm>> -> memref<10000x16xf32, #tpu.memory_space<hbm>>
    tpu.enqueue_indirect_dma source(%dma_start3A_33 : memref<10000x16xf32, #tpu.memory_space<hbm>>) target(%arg11 : memref<125x16xf32, #tpu.memory_space<vmem>>) offsets(%dma_start3A_30 : memref<125xi32, #tpu.memory_space<vmem>>) semaphore(%arg18 : memref<!tpu.dma_semaphore, #tpu.memory_space<semaphore_mem>>)
    %scan3A = arith.constant 0 : i32
    %scan3A_34 = arith.constant 0 : i32
    %scan3A_35 = arith.constant 40 : i32
    %scan3A_36 = arith.addi %scan3A_34, %scan3A_35 : i32
    %scan3A_37 = arith.constant 1 : i32
    scf.for %scan3A_60 = %scan3A_34 to %scan3A_36 step %scan3A_37  : i32 {
      %mul3A_61 = arith.constant 2 : i32
      %mul3A_62 = arith.muli %mul3A_61, %scan3A_60 : i32
      %add3A_63 = arith.constant 1 : i32
      %add3A_64 = arith.addi %mul3A_62, %add3A_63 : i32
      %dma_start3A_65 = arith.constant 0 : i32
      %dma_start3A_66 = tpu.memref_slice %arg8[%add3A_64, %dma_start3A_65] : memref<80x125xi32, #tpu.memory_space<vmem>> -> memref<1x125xi32, #tpu.memory_space<vmem>>
      %dma_start3A_67 = tpu.memref_squeeze %dma_start3A_66 : memref<1x125xi32, #tpu.memory_space<vmem>> -> memref<125xi32, #tpu.memory_space<vmem>>
      %dma_start3A_68 = arith.constant 0 : i32
      %dma_start3A_69 = arith.constant 0 : i32
      %dma_start3A_70 = tpu.memref_slice %arg2[%dma_start3A_68, %dma_start3A_69] : memref<10000x80xf32, #tpu.memory_space<hbm>> -> memref<10000x80xf32, #tpu.memory_space<hbm>>
      tpu.enqueue_indirect_dma source(%dma_start3A_70 : memref<10000x80xf32, #tpu.memory_space<hbm>>) target(%arg13 : memref<125x80xf32, #tpu.memory_space<vmem>>) offsets(%dma_start3A_67 : memref<125xi32, #tpu.memory_space<vmem>>) semaphore(%arg20 : memref<!tpu.dma_semaphore, #tpu.memory_space<semaphore_mem>>)
      %dma_start3A_71 = arith.constant 0 : i32
      %dma_start3A_72 = tpu.memref_slice %arg9[%add3A_64, %dma_start3A_71] : memref<80x125xi32, #tpu.memory_space<vmem>> -> memref<1x125xi32, #tpu.memory_space<vmem>>
      %dma_start3A_73 = tpu.memref_squeeze %dma_start3A_72 : memref<1x125xi32, #tpu.memory_space<vmem>> -> memref<125xi32, #tpu.memory_space<vmem>>
      %dma_start3A_74 = arith.constant 0 : i32
      %dma_start3A_75 = arith.constant 0 : i32
      %dma_start3A_76 = tpu.memref_slice %arg3[%dma_start3A_74, %dma_start3A_75] : memref<10000x16xf32, #tpu.memory_space<hbm>> -> memref<10000x16xf32, #tpu.memory_space<hbm>>
      tpu.enqueue_indirect_dma source(%dma_start3A_76 : memref<10000x16xf32, #tpu.memory_space<hbm>>) target(%arg14 : memref<125x16xf32, #tpu.memory_space<vmem>>) offsets(%dma_start3A_73 : memref<125xi32, #tpu.memory_space<vmem>>) semaphore(%arg21 : memref<!tpu.dma_semaphore, #tpu.memory_space<semaphore_mem>>)
      %dma_wait3A_77 = arith.constant 0 : i32
      %dma_wait3A_78 = arith.constant 0 : i32
      %dma_wait3A_79 = tpu.memref_slice %arg2[%dma_wait3A_77, %dma_wait3A_78] : memref<10000x80xf32, #tpu.memory_space<hbm>> -> memref<125x80xf32, #tpu.memory_space<hbm>>
      %dma_wait3A_80 = arith.constant 0 : i32
      %dma_wait3A_81 = arith.constant 0 : i32
      %dma_wait3A_82 = tpu.memref_slice %arg2[%dma_wait3A_80, %dma_wait3A_81] : memref<10000x80xf32, #tpu.memory_space<hbm>> -> memref<125x80xf32, #tpu.memory_space<hbm>>
      tpu.wait_dma2 semaphore(%arg17 : memref<!tpu.dma_semaphore, #tpu.memory_space<semaphore_mem>>) src(%dma_wait3A_82 : memref<125x80xf32, #tpu.memory_space<hbm>>) dst(%arg10 : memref<125x80xf32, #tpu.memory_space<vmem>>)
      %dma_wait3A_83 = arith.constant 0 : i32
      %dma_wait3A_84 = arith.constant 0 : i32
      %dma_wait3A_85 = tpu.memref_slice %arg3[%dma_wait3A_83, %dma_wait3A_84] : memref<10000x16xf32, #tpu.memory_space<hbm>> -> memref<125x16xf32, #tpu.memory_space<hbm>>
      %dma_wait3A_86 = arith.constant 0 : i32
      %dma_wait3A_87 = arith.constant 0 : i32
      %dma_wait3A_88 = tpu.memref_slice %arg3[%dma_wait3A_86, %dma_wait3A_87] : memref<10000x16xf32, #tpu.memory_space<hbm>> -> memref<125x16xf32, #tpu.memory_space<hbm>>
      tpu.wait_dma2 semaphore(%arg18 : memref<!tpu.dma_semaphore, #tpu.memory_space<semaphore_mem>>) src(%dma_wait3A_88 : memref<125x16xf32, #tpu.memory_space<hbm>>) dst(%arg11 : memref<125x16xf32, #tpu.memory_space<vmem>>)
      %ge3A = arith.constant 1 : i32
      %ge3A_89 = arith.cmpi sge, %scan3A_60, %ge3A : i32
      %convert_element_type3A_90 = arith.extui %ge3A_89 : i1 to i32
      %cond3A_91 = arith.constant 0 : i32
      %cond3A_92 = arith.cmpi ne, %convert_element_type3A_90, %cond3A_91 : i32
      scf.if %cond3A_92 {
        %dma_wait3A_135 = arith.constant 0 : i32
        %dma_wait3A_136 = arith.constant 0 : i32
        %dma_wait3A_137 = tpu.memref_slice %arg2[%dma_wait3A_135, %dma_wait3A_136] : memref<10000x80xf32, #tpu.memory_space<hbm>> -> memref<125x80xf32, #tpu.memory_space<hbm>>
        %dma_wait3A_138 = arith.constant 0 : i32
        %dma_wait3A_139 = arith.constant 0 : i32
        %dma_wait3A_140 = tpu.memref_slice %arg2[%dma_wait3A_138, %dma_wait3A_139] : memref<10000x80xf32, #tpu.memory_space<hbm>> -> memref<125x80xf32, #tpu.memory_space<hbm>>
        tpu.wait_dma2 semaphore(%arg19 : memref<!tpu.dma_semaphore, #tpu.memory_space<semaphore_mem>>) src(%dma_wait3A_140 : memref<125x80xf32, #tpu.memory_space<hbm>>) dst(%arg12 : memref<125x80xf32, #tpu.memory_space<vmem>>)
      } else {
      }
      %parallel_loop3A = arith.constant 0 : i32
      %parallel_loop3A_93 = arith.constant 125 : i32
      %parallel_loop3A_94 = arith.constant 1 : i32
      scf.for %parallel_loop3A_135 = %parallel_loop3A to %parallel_loop3A_93 step %parallel_loop3A_94  : i32 {
        %parallel_loop3A_136 = arith.index_cast %parallel_loop3A_135 : i32 to index
        %parallel_loop3A_137 = arith.constant 64 : index
        %parallel_loop3A_138 = tpu.vector_load %arg10[%parallel_loop3A_136, %parallel_loop3A_137] {strides = array<i32>} : memref<125x80xf32, #tpu.memory_space<vmem>>, vector<1x16xf32>,
        %parallel_loop3A_139 = vector.shape_cast %parallel_loop3A_138 : vector<1x16xf32> to vector<16xf32>
        %parallel_loop3A_140 = arith.index_cast %parallel_loop3A_135 : i32 to index
        %parallel_loop3A_141 = arith.constant 0 : index
        %parallel_loop3A_142 = tpu.vector_load %arg11[%parallel_loop3A_140, %parallel_loop3A_141] {strides = array<i32>} : memref<125x16xf32, #tpu.memory_space<vmem>>, vector<1x16xf32>,
        %parallel_loop3A_143 = vector.shape_cast %parallel_loop3A_142 : vector<1x16xf32> to vector<16xf32>
        %parallel_loop3A_144 = arith.addf %parallel_loop3A_139, %parallel_loop3A_143 : vector<16xf32>
        %parallel_loop3A_145 = arith.constant 2.000000e-01 : f32
        %parallel_loop3A_146 = vector.broadcast %parallel_loop3A_145 : f32 to vector<16xf32>
        %parallel_loop3A_147 = arith.mulf %parallel_loop3A_144, %parallel_loop3A_146 : vector<16xf32>
        %parallel_loop3A_148 = arith.maximumf %parallel_loop3A_144, %parallel_loop3A_147 : vector<16xf32>
        %parallel_loop3A_149 = math.exp %parallel_loop3A_148 : vector<16xf32>
        %parallel_loop3A_150 = arith.index_cast %parallel_loop3A_135 : i32 to index
        %parallel_loop3A_151 = arith.constant 64 : index
        %parallel_loop3A_152 = tpu.vector_load %arg12[%parallel_loop3A_150, %parallel_loop3A_151] {strides = array<i32>} : memref<125x80xf32, #tpu.memory_space<vmem>>, vector<1x16xf32>,
        %parallel_loop3A_153 = vector.shape_cast %parallel_loop3A_152 : vector<1x16xf32> to vector<16xf32>
        %parallel_loop3A_154 = vector.shape_cast %parallel_loop3A_149 : vector<16xf32> to vector<1x16xf32>
        tpu.vector_store %arg12[%parallel_loop3A_150, %parallel_loop3A_151], %parallel_loop3A_154 {strides = array<i32>} : memref<125x80xf32, #tpu.memory_space<vmem>>, vector<1x16xf32>,
        %parallel_loop3A_155 = arith.constant 0 : i32
        %parallel_loop3A_156 = vector.broadcast %parallel_loop3A_155 : i32 to vector<16xi32>
        %parallel_loop3A_157 = arith.cmpi slt, %add3A_11, %parallel_loop3A_156 : vector<16xi32>
        %parallel_loop3A_158 = arith.constant 16 : i32
        %parallel_loop3A_159 = vector.broadcast %parallel_loop3A_158 : i32 to vector<16xi32>
        %parallel_loop3A_160 = arith.addi %add3A_11, %parallel_loop3A_159 : vector<16xi32>
        %parallel_loop3A_161 = arith.select %parallel_loop3A_157, %parallel_loop3A_160, %add3A_11 : vector<16xi1>, vector<16xi32>
        %parallel_loop3A_162 = vector.shape_cast %parallel_loop3A_161 : vector<16xi32> to vector<16x1xi32>
        %parallel_loop3A_163 = vector.shape_cast %parallel_loop3A_162 : vector<16x1xi32> to vector<16xi32>
        %parallel_loop3A_164 = tpu.dynamic_gather %parallel_loop3A_149[%parallel_loop3A_163] in [0] : vector<16xf32>, vector<16xi32> -> vector<16xf32>
        %parallel_loop3A_165 = arith.index_cast %parallel_loop3A_135 : i32 to index
        %parallel_loop3A_166 = arith.constant 0 : index
        %parallel_loop3A_167 = tpu.vector_load %arg10[%parallel_loop3A_165, %parallel_loop3A_166] {strides = array<i32>} : memref<125x80xf32, #tpu.memory_space<vmem>>, vector<1x16xf32>,
        %parallel_loop3A_168 = vector.shape_cast %parallel_loop3A_167 : vector<1x16xf32> to vector<16xf32>
        %parallel_loop3A_169 = arith.mulf %parallel_loop3A_164, %parallel_loop3A_168 : vector<16xf32>
        %parallel_loop3A_170 = arith.index_cast %parallel_loop3A_135 : i32 to index
        %parallel_loop3A_171 = arith.constant 0 : index
        %parallel_loop3A_172 = tpu.vector_load %arg12[%parallel_loop3A_170, %parallel_loop3A_171] {strides = array<i32>} : memref<125x80xf32, #tpu.memory_space<vmem>>, vector<1x16xf32>,
        %parallel_loop3A_173 = vector.shape_cast %parallel_loop3A_172 : vector<1x16xf32> to vector<16xf32>
        %parallel_loop3A_174 = vector.shape_cast %parallel_loop3A_169 : vector<16xf32> to vector<1x16xf32>
        tpu.vector_store %arg12[%parallel_loop3A_170, %parallel_loop3A_171], %parallel_loop3A_174 {strides = array<i32>} : memref<125x80xf32, #tpu.memory_space<vmem>>, vector<1x16xf32>,
        %parallel_loop3A_175 = arith.constant 0 : i32
        %parallel_loop3A_176 = vector.broadcast %parallel_loop3A_175 : i32 to vector<16xi32>
        %parallel_loop3A_177 = arith.cmpi slt, %add3A_14, %parallel_loop3A_176 : vector<16xi32>
        %parallel_loop3A_178 = arith.constant 16 : i32
        %parallel_loop3A_179 = vector.broadcast %parallel_loop3A_178 : i32 to vector<16xi32>
        %parallel_loop3A_180 = arith.addi %add3A_14, %parallel_loop3A_179 : vector<16xi32>
        %parallel_loop3A_181 = arith.select %parallel_loop3A_177, %parallel_loop3A_180, %add3A_14 : vector<16xi1>, vector<16xi32>
        %parallel_loop3A_182 = vector.shape_cast %parallel_loop3A_181 : vector<16xi32> to vector<16x1xi32>
        %parallel_loop3A_183 = vector.shape_cast %parallel_loop3A_182 : vector<16x1xi32> to vector<16xi32>
        %parallel_loop3A_184 = tpu.dynamic_gather %parallel_loop3A_149[%parallel_loop3A_183] in [0] : vector<16xf32>, vector<16xi32> -> vector<16xf32>
        %parallel_loop3A_185 = arith.index_cast %parallel_loop3A_135 : i32 to index
        %parallel_loop3A_186 = arith.constant 16 : index
        %parallel_loop3A_187 = tpu.vector_load %arg10[%parallel_loop3A_185, %parallel_loop3A_186] {strides = array<i32>} : memref<125x80xf32, #tpu.memory_space<vmem>>, vector<1x16xf32>,
        %parallel_loop3A_188 = vector.shape_cast %parallel_loop3A_187 : vector<1x16xf32> to vector<16xf32>
        %parallel_loop3A_189 = arith.mulf %parallel_loop3A_184, %parallel_loop3A_188 : vector<16xf32>
        %parallel_loop3A_190 = arith.index_cast %parallel_loop3A_135 : i32 to index
        %parallel_loop3A_191 = arith.constant 16 : index
        %parallel_loop3A_192 = tpu.vector_load %arg12[%parallel_loop3A_190, %parallel_loop3A_191] {strides = array<i32>} : memref<125x80xf32, #tpu.memory_space<vmem>>, vector<1x16xf32>,
        %parallel_loop3A_193 = vector.shape_cast %parallel_loop3A_192 : vector<1x16xf32> to vector<16xf32>
        %parallel_loop3A_194 = vector.shape_cast %parallel_loop3A_189 : vector<16xf32> to vector<1x16xf32>
        tpu.vector_store %arg12[%parallel_loop3A_190, %parallel_loop3A_191], %parallel_loop3A_194 {strides = array<i32>} : memref<125x80xf32, #tpu.memory_space<vmem>>, vector<1x16xf32>,
        %parallel_loop3A_195 = arith.constant 0 : i32
        %parallel_loop3A_196 = vector.broadcast %parallel_loop3A_195 : i32 to vector<16xi32>
        %parallel_loop3A_197 = arith.cmpi slt, %add3A_17, %parallel_loop3A_196 : vector<16xi32>
        %parallel_loop3A_198 = arith.constant 16 : i32
        %parallel_loop3A_199 = vector.broadcast %parallel_loop3A_198 : i32 to vector<16xi32>
        %parallel_loop3A_200 = arith.addi %add3A_17, %parallel_loop3A_199 : vector<16xi32>
        %parallel_loop3A_201 = arith.select %parallel_loop3A_197, %parallel_loop3A_200, %add3A_17 : vector<16xi1>, vector<16xi32>
        %parallel_loop3A_202 = vector.shape_cast %parallel_loop3A_201 : vector<16xi32> to vector<16x1xi32>
        %parallel_loop3A_203 = vector.shape_cast %parallel_loop3A_202 : vector<16x1xi32> to vector<16xi32>
        %parallel_loop3A_204 = tpu.dynamic_gather %parallel_loop3A_149[%parallel_loop3A_203] in [0] : vector<16xf32>, vector<16xi32> -> vector<16xf32>
        %parallel_loop3A_205 = arith.index_cast %parallel_loop3A_135 : i32 to index
        %parallel_loop3A_206 = arith.constant 32 : index
        %parallel_loop3A_207 = tpu.vector_load %arg10[%parallel_loop3A_205, %parallel_loop3A_206] {strides = array<i32>} : memref<125x80xf32, #tpu.memory_space<vmem>>, vector<1x16xf32>,
        %parallel_loop3A_208 = vector.shape_cast %parallel_loop3A_207 : vector<1x16xf32> to vector<16xf32>
        %parallel_loop3A_209 = arith.mulf %parallel_loop3A_204, %parallel_loop3A_208 : vector<16xf32>
        %parallel_loop3A_210 = arith.index_cast %parallel_loop3A_135 : i32 to index
        %parallel_loop3A_211 = arith.constant 32 : index
        %parallel_loop3A_212 = tpu.vector_load %arg12[%parallel_loop3A_210, %parallel_loop3A_211] {strides = array<i32>} : memref<125x80xf32, #tpu.memory_space<vmem>>, vector<1x16xf32>,
        %parallel_loop3A_213 = vector.shape_cast %parallel_loop3A_212 : vector<1x16xf32> to vector<16xf32>
        %parallel_loop3A_214 = vector.shape_cast %parallel_loop3A_209 : vector<16xf32> to vector<1x16xf32>
        tpu.vector_store %arg12[%parallel_loop3A_210, %parallel_loop3A_211], %parallel_loop3A_214 {strides = array<i32>} : memref<125x80xf32, #tpu.memory_space<vmem>>, vector<1x16xf32>,
        %parallel_loop3A_215 = arith.constant 0 : i32
        %parallel_loop3A_216 = vector.broadcast %parallel_loop3A_215 : i32 to vector<16xi32>
        %parallel_loop3A_217 = arith.cmpi slt, %add3A_20, %parallel_loop3A_216 : vector<16xi32>
        %parallel_loop3A_218 = arith.constant 16 : i32
        %parallel_loop3A_219 = vector.broadcast %parallel_loop3A_218 : i32 to vector<16xi32>
        %parallel_loop3A_220 = arith.addi %add3A_20, %parallel_loop3A_219 : vector<16xi32>
        %parallel_loop3A_221 = arith.select %parallel_loop3A_217, %parallel_loop3A_220, %add3A_20 : vector<16xi1>, vector<16xi32>
        %parallel_loop3A_222 = vector.shape_cast %parallel_loop3A_221 : vector<16xi32> to vector<16x1xi32>
        %parallel_loop3A_223 = vector.shape_cast %parallel_loop3A_222 : vector<16x1xi32> to vector<16xi32>
        %parallel_loop3A_224 = tpu.dynamic_gather %parallel_loop3A_149[%parallel_loop3A_223] in [0] : vector<16xf32>, vector<16xi32> -> vector<16xf32>
        %parallel_loop3A_225 = arith.index_cast %parallel_loop3A_135 : i32 to index
        %parallel_loop3A_226 = arith.constant 48 : index
        %parallel_loop3A_227 = tpu.vector_load %arg10[%parallel_loop3A_225, %parallel_loop3A_226] {strides = array<i32>} : memref<125x80xf32, #tpu.memory_space<vmem>>, vector<1x16xf32>,
        %parallel_loop3A_228 = vector.shape_cast %parallel_loop3A_227 : vector<1x16xf32> to vector<16xf32>
        %parallel_loop3A_229 = arith.mulf %parallel_loop3A_224, %parallel_loop3A_228 : vector<16xf32>
        %parallel_loop3A_230 = arith.index_cast %parallel_loop3A_135 : i32 to index
        %parallel_loop3A_231 = arith.constant 48 : index
        %parallel_loop3A_232 = tpu.vector_load %arg12[%parallel_loop3A_230, %parallel_loop3A_231] {strides = array<i32>} : memref<125x80xf32, #tpu.memory_space<vmem>>, vector<1x16xf32>,
        %parallel_loop3A_233 = vector.shape_cast %parallel_loop3A_232 : vector<1x16xf32> to vector<16xf32>
        %parallel_loop3A_234 = vector.shape_cast %parallel_loop3A_229 : vector<16xf32> to vector<1x16xf32>
        tpu.vector_store %arg12[%parallel_loop3A_230, %parallel_loop3A_231], %parallel_loop3A_234 {strides = array<i32>} : memref<125x80xf32, #tpu.memory_space<vmem>>, vector<1x16xf32>,
      } {sc.loop_unroll_factor = 4 : i64, sc.parallel_access}
      %dma_start3A_95 = arith.constant 0 : i32
      %dma_start3A_96 = tpu.memref_slice %arg9[%mul3A_62, %dma_start3A_95] : memref<80x125xi32, #tpu.memory_space<vmem>> -> memref<1x125xi32, #tpu.memory_space<vmem>>
      %dma_start3A_97 = tpu.memref_squeeze %dma_start3A_96 : memref<1x125xi32, #tpu.memory_space<vmem>> -> memref<125xi32, #tpu.memory_space<vmem>>
      %dma_start3A_98 = arith.constant 0 : i32
      %dma_start3A_99 = arith.constant 0 : i32
      %dma_start3A_100 = tpu.memref_slice %arg16[%dma_start3A_98, %dma_start3A_99] : memref<10000x80xf32, #tpu.memory_space<vmem_shared>> -> memref<10000x80xf32, #tpu.memory_space<vmem_shared>>
      tpu.enqueue_indirect_dma source(%arg12 : memref<125x80xf32, #tpu.memory_space<vmem>>) target(%dma_start3A_100 : memref<10000x80xf32, #tpu.memory_space<vmem_shared>>) offsets(%dma_start3A_97 : memref<125xi32, #tpu.memory_space<vmem>>) semaphore(%arg19 : memref<!tpu.dma_semaphore, #tpu.memory_space<semaphore_mem>>) {add = true}
      %add3A_101 = arith.constant 2 : i32
      %add3A_102 = arith.addi %mul3A_62, %add3A_101 : i32
      %lt3A = arith.constant 80 : i32
      %lt3A_103 = arith.cmpi slt, %add3A_102, %lt3A : i32
      %convert_element_type3A_104 = arith.extui %lt3A_103 : i1 to i32
      %cond3A_105 = arith.constant 0 : i32
      %cond3A_106 = arith.cmpi ne, %convert_element_type3A_104, %cond3A_105 : i32
      scf.if %cond3A_106 {
        %add3A_135 = arith.constant 2 : i32
        %add3A_136 = arith.addi %mul3A_62, %add3A_135 : i32
        %dma_start3A_137 = arith.constant 0 : i32
        %dma_start3A_138 = tpu.memref_slice %arg8[%add3A_136, %dma_start3A_137] : memref<80x125xi32, #tpu.memory_space<vmem>> -> memref<1x125xi32, #tpu.memory_space<vmem>>
        %dma_start3A_139 = tpu.memref_squeeze %dma_start3A_138 : memref<1x125xi32, #tpu.memory_space<vmem>> -> memref<125xi32, #tpu.memory_space<vmem>>
        %dma_start3A_140 = arith.constant 0 : i32
        %dma_start3A_141 = arith.constant 0 : i32
        %dma_start3A_142 = tpu.memref_slice %arg2[%dma_start3A_140, %dma_start3A_141] : memref<10000x80xf32, #tpu.memory_space<hbm>> -> memref<10000x80xf32, #tpu.memory_space<hbm>>
        tpu.enqueue_indirect_dma source(%dma_start3A_142 : memref<10000x80xf32, #tpu.memory_space<hbm>>) target(%arg10 : memref<125x80xf32, #tpu.memory_space<vmem>>) offsets(%dma_start3A_139 : memref<125xi32, #tpu.memory_space<vmem>>) semaphore(%arg17 : memref<!tpu.dma_semaphore, #tpu.memory_space<semaphore_mem>>)
        %dma_start3A_143 = arith.constant 0 : i32
        %dma_start3A_144 = tpu.memref_slice %arg9[%add3A_136, %dma_start3A_143] : memref<80x125xi32, #tpu.memory_space<vmem>> -> memref<1x125xi32, #tpu.memory_space<vmem>>
        %dma_start3A_145 = tpu.memref_squeeze %dma_start3A_144 : memref<1x125xi32, #tpu.memory_space<vmem>> -> memref<125xi32, #tpu.memory_space<vmem>>
        %dma_start3A_146 = arith.constant 0 : i32
        %dma_start3A_147 = arith.constant 0 : i32
        %dma_start3A_148 = tpu.memref_slice %arg3[%dma_start3A_146, %dma_start3A_147] : memref<10000x16xf32, #tpu.memory_space<hbm>> -> memref<10000x16xf32, #tpu.memory_space<hbm>>
        tpu.enqueue_indirect_dma source(%dma_start3A_148 : memref<10000x16xf32, #tpu.memory_space<hbm>>) target(%arg11 : memref<125x16xf32, #tpu.memory_space<vmem>>) offsets(%dma_start3A_145 : memref<125xi32, #tpu.memory_space<vmem>>) semaphore(%arg18 : memref<!tpu.dma_semaphore, #tpu.memory_space<semaphore_mem>>)
      } else {
      }
      %dma_wait3A_107 = arith.constant 0 : i32
      %dma_wait3A_108 = arith.constant 0 : i32
      %dma_wait3A_109 = tpu.memref_slice %arg2[%dma_wait3A_107, %dma_wait3A_108] : memref<10000x80xf32, #tpu.memory_space<hbm>> -> memref<125x80xf32, #tpu.memory_space<hbm>>
      %dma_wait3A_110 = arith.constant 0 : i32
      %dma_wait3A_111 = arith.constant 0 : i32
      %dma_wait3A_112 = tpu.memref_slice %arg2[%dma_wait3A_110, %dma_wait3A_111] : memref<10000x80xf32, #tpu.memory_space<hbm>> -> memref<125x80xf32, #tpu.memory_space<hbm>>
      tpu.wait_dma2 semaphore(%arg20 : memref<!tpu.dma_semaphore, #tpu.memory_space<semaphore_mem>>) src(%dma_wait3A_112 : memref<125x80xf32, #tpu.memory_space<hbm>>) dst(%arg13 : memref<125x80xf32, #tpu.memory_space<vmem>>)
      %dma_wait3A_113 = arith.constant 0 : i32
      %dma_wait3A_114 = arith.constant 0 : i32
      %dma_wait3A_115 = tpu.memref_slice %arg3[%dma_wait3A_113, %dma_wait3A_114] : memref<10000x16xf32, #tpu.memory_space<hbm>> -> memref<125x16xf32, #tpu.memory_space<hbm>>
      %dma_wait3A_116 = arith.constant 0 : i32
      %dma_wait3A_117 = arith.constant 0 : i32
      %dma_wait3A_118 = tpu.memref_slice %arg3[%dma_wait3A_116, %dma_wait3A_117] : memref<10000x16xf32, #tpu.memory_space<hbm>> -> memref<125x16xf32, #tpu.memory_space<hbm>>
      tpu.wait_dma2 semaphore(%arg21 : memref<!tpu.dma_semaphore, #tpu.memory_space<semaphore_mem>>) src(%dma_wait3A_118 : memref<125x16xf32, #tpu.memory_space<hbm>>) dst(%arg14 : memref<125x16xf32, #tpu.memory_space<vmem>>)
      %ge3A_119 = arith.constant 1 : i32
      %ge3A_120 = arith.cmpi sge, %scan3A_60, %ge3A_119 : i32
      %convert_element_type3A_121 = arith.extui %ge3A_120 : i1 to i32
      %cond3A_122 = arith.constant 0 : i32
      %cond3A_123 = arith.cmpi ne, %convert_element_type3A_121, %cond3A_122 : i32
      scf.if %cond3A_123 {
        %dma_wait3A_135 = arith.constant 0 : i32
        %dma_wait3A_136 = arith.constant 0 : i32
        %dma_wait3A_137 = tpu.memref_slice %arg2[%dma_wait3A_135, %dma_wait3A_136] : memref<10000x80xf32, #tpu.memory_space<hbm>> -> memref<125x80xf32, #tpu.memory_space<hbm>>
        %dma_wait3A_138 = arith.constant 0 : i32
        %dma_wait3A_139 = arith.constant 0 : i32
        %dma_wait3A_140 = tpu.memref_slice %arg2[%dma_wait3A_138, %dma_wait3A_139] : memref<10000x80xf32, #tpu.memory_space<hbm>> -> memref<125x80xf32, #tpu.memory_space<hbm>>
        tpu.wait_dma2 semaphore(%arg22 : memref<!tpu.dma_semaphore, #tpu.memory_space<semaphore_mem>>) src(%dma_wait3A_140 : memref<125x80xf32, #tpu.memory_space<hbm>>) dst(%arg15 : memref<125x80xf32, #tpu.memory_space<vmem>>)
      } else {
      }
      %parallel_loop3A_124 = arith.constant 0 : i32
      %parallel_loop3A_125 = arith.constant 125 : i32
      %parallel_loop3A_126 = arith.constant 1 : i32
      scf.for %parallel_loop3A_135 = %parallel_loop3A_124 to %parallel_loop3A_125 step %parallel_loop3A_126  : i32 {
        %parallel_loop3A_136 = arith.index_cast %parallel_loop3A_135 : i32 to index
        %parallel_loop3A_137 = arith.constant 64 : index
        %parallel_loop3A_138 = tpu.vector_load %arg13[%parallel_loop3A_136, %parallel_loop3A_137] {strides = array<i32>} : memref<125x80xf32, #tpu.memory_space<vmem>>, vector<1x16xf32>,
        %parallel_loop3A_139 = vector.shape_cast %parallel_loop3A_138 : vector<1x16xf32> to vector<16xf32>
        %parallel_loop3A_140 = arith.index_cast %parallel_loop3A_135 : i32 to index
        %parallel_loop3A_141 = arith.constant 0 : index
        %parallel_loop3A_142 = tpu.vector_load %arg14[%parallel_loop3A_140, %parallel_loop3A_141] {strides = array<i32>} : memref<125x16xf32, #tpu.memory_space<vmem>>, vector<1x16xf32>,
        %parallel_loop3A_143 = vector.shape_cast %parallel_loop3A_142 : vector<1x16xf32> to vector<16xf32>
        %parallel_loop3A_144 = arith.addf %parallel_loop3A_139, %parallel_loop3A_143 : vector<16xf32>
        %parallel_loop3A_145 = arith.constant 2.000000e-01 : f32
        %parallel_loop3A_146 = vector.broadcast %parallel_loop3A_145 : f32 to vector<16xf32>
        %parallel_loop3A_147 = arith.mulf %parallel_loop3A_144, %parallel_loop3A_146 : vector<16xf32>
        %parallel_loop3A_148 = arith.maximumf %parallel_loop3A_144, %parallel_loop3A_147 : vector<16xf32>
        %parallel_loop3A_149 = math.exp %parallel_loop3A_148 : vector<16xf32>
        %parallel_loop3A_150 = arith.index_cast %parallel_loop3A_135 : i32 to index
        %parallel_loop3A_151 = arith.constant 64 : index
        %parallel_loop3A_152 = tpu.vector_load %arg15[%parallel_loop3A_150, %parallel_loop3A_151] {strides = array<i32>} : memref<125x80xf32, #tpu.memory_space<vmem>>, vector<1x16xf32>,
        %parallel_loop3A_153 = vector.shape_cast %parallel_loop3A_152 : vector<1x16xf32> to vector<16xf32>
        %parallel_loop3A_154 = vector.shape_cast %parallel_loop3A_149 : vector<16xf32> to vector<1x16xf32>
        tpu.vector_store %arg15[%parallel_loop3A_150, %parallel_loop3A_151], %parallel_loop3A_154 {strides = array<i32>} : memref<125x80xf32, #tpu.memory_space<vmem>>, vector<1x16xf32>,
        %parallel_loop3A_155 = arith.constant 0 : i32
        %parallel_loop3A_156 = vector.broadcast %parallel_loop3A_155 : i32 to vector<16xi32>
        %parallel_loop3A_157 = arith.cmpi slt, %add3A_11, %parallel_loop3A_156 : vector<16xi32>
        %parallel_loop3A_158 = arith.constant 16 : i32
        %parallel_loop3A_159 = vector.broadcast %parallel_loop3A_158 : i32 to vector<16xi32>
        %parallel_loop3A_160 = arith.addi %add3A_11, %parallel_loop3A_159 : vector<16xi32>
        %parallel_loop3A_161 = arith.select %parallel_loop3A_157, %parallel_loop3A_160, %add3A_11 : vector<16xi1>, vector<16xi32>
        %parallel_loop3A_162 = vector.shape_cast %parallel_loop3A_161 : vector<16xi32> to vector<16x1xi32>
        %parallel_loop3A_163 = vector.shape_cast %parallel_loop3A_162 : vector<16x1xi32> to vector<16xi32>
        %parallel_loop3A_164 = tpu.dynamic_gather %parallel_loop3A_149[%parallel_loop3A_163] in [0] : vector<16xf32>, vector<16xi32> -> vector<16xf32>
        %parallel_loop3A_165 = arith.index_cast %parallel_loop3A_135 : i32 to index
        %parallel_loop3A_166 = arith.constant 0 : index
        %parallel_loop3A_167 = tpu.vector_load %arg13[%parallel_loop3A_165, %parallel_loop3A_166] {strides = array<i32>} : memref<125x80xf32, #tpu.memory_space<vmem>>, vector<1x16xf32>,
        %parallel_loop3A_168 = vector.shape_cast %parallel_loop3A_167 : vector<1x16xf32> to vector<16xf32>
        %parallel_loop3A_169 = arith.mulf %parallel_loop3A_164, %parallel_loop3A_168 : vector<16xf32>
        %parallel_loop3A_170 = arith.index_cast %parallel_loop3A_135 : i32 to index
        %parallel_loop3A_171 = arith.constant 0 : index
        %parallel_loop3A_172 = tpu.vector_load %arg15[%parallel_loop3A_170, %parallel_loop3A_171] {strides = array<i32>} : memref<125x80xf32, #tpu.memory_space<vmem>>, vector<1x16xf32>,
        %parallel_loop3A_173 = vector.shape_cast %parallel_loop3A_172 : vector<1x16xf32> to vector<16xf32>
        %parallel_loop3A_174 = vector.shape_cast %parallel_loop3A_169 : vector<16xf32> to vector<1x16xf32>
        tpu.vector_store %arg15[%parallel_loop3A_170, %parallel_loop3A_171], %parallel_loop3A_174 {strides = array<i32>} : memref<125x80xf32, #tpu.memory_space<vmem>>, vector<1x16xf32>,
        %parallel_loop3A_175 = arith.constant 0 : i32
        %parallel_loop3A_176 = vector.broadcast %parallel_loop3A_175 : i32 to vector<16xi32>
        %parallel_loop3A_177 = arith.cmpi slt, %add3A_14, %parallel_loop3A_176 : vector<16xi32>
        %parallel_loop3A_178 = arith.constant 16 : i32
        %parallel_loop3A_179 = vector.broadcast %parallel_loop3A_178 : i32 to vector<16xi32>
        %parallel_loop3A_180 = arith.addi %add3A_14, %parallel_loop3A_179 : vector<16xi32>
        %parallel_loop3A_181 = arith.select %parallel_loop3A_177, %parallel_loop3A_180, %add3A_14 : vector<16xi1>, vector<16xi32>
        %parallel_loop3A_182 = vector.shape_cast %parallel_loop3A_181 : vector<16xi32> to vector<16x1xi32>
        %parallel_loop3A_183 = vector.shape_cast %parallel_loop3A_182 : vector<16x1xi32> to vector<16xi32>
        %parallel_loop3A_184 = tpu.dynamic_gather %parallel_loop3A_149[%parallel_loop3A_183] in [0] : vector<16xf32>, vector<16xi32> -> vector<16xf32>
        %parallel_loop3A_185 = arith.index_cast %parallel_loop3A_135 : i32 to index
        %parallel_loop3A_186 = arith.constant 16 : index
        %parallel_loop3A_187 = tpu.vector_load %arg13[%parallel_loop3A_185, %parallel_loop3A_186] {strides = array<i32>} : memref<125x80xf32, #tpu.memory_space<vmem>>, vector<1x16xf32>,
        %parallel_loop3A_188 = vector.shape_cast %parallel_loop3A_187 : vector<1x16xf32> to vector<16xf32>
        %parallel_loop3A_189 = arith.mulf %parallel_loop3A_184, %parallel_loop3A_188 : vector<16xf32>
        %parallel_loop3A_190 = arith.index_cast %parallel_loop3A_135 : i32 to index
        %parallel_loop3A_191 = arith.constant 16 : index
        %parallel_loop3A_192 = tpu.vector_load %arg15[%parallel_loop3A_190, %parallel_loop3A_191] {strides = array<i32>} : memref<125x80xf32, #tpu.memory_space<vmem>>, vector<1x16xf32>,
        %parallel_loop3A_193 = vector.shape_cast %parallel_loop3A_192 : vector<1x16xf32> to vector<16xf32>
        %parallel_loop3A_194 = vector.shape_cast %parallel_loop3A_189 : vector<16xf32> to vector<1x16xf32>
        tpu.vector_store %arg15[%parallel_loop3A_190, %parallel_loop3A_191], %parallel_loop3A_194 {strides = array<i32>} : memref<125x80xf32, #tpu.memory_space<vmem>>, vector<1x16xf32>,
        %parallel_loop3A_195 = arith.constant 0 : i32
        %parallel_loop3A_196 = vector.broadcast %parallel_loop3A_195 : i32 to vector<16xi32>
        %parallel_loop3A_197 = arith.cmpi slt, %add3A_17, %parallel_loop3A_196 : vector<16xi32>
        %parallel_loop3A_198 = arith.constant 16 : i32
        %parallel_loop3A_199 = vector.broadcast %parallel_loop3A_198 : i32 to vector<16xi32>
        %parallel_loop3A_200 = arith.addi %add3A_17, %parallel_loop3A_199 : vector<16xi32>
        %parallel_loop3A_201 = arith.select %parallel_loop3A_197, %parallel_loop3A_200, %add3A_17 : vector<16xi1>, vector<16xi32>
        %parallel_loop3A_202 = vector.shape_cast %parallel_loop3A_201 : vector<16xi32> to vector<16x1xi32>
        %parallel_loop3A_203 = vector.shape_cast %parallel_loop3A_202 : vector<16x1xi32> to vector<16xi32>
        %parallel_loop3A_204 = tpu.dynamic_gather %parallel_loop3A_149[%parallel_loop3A_203] in [0] : vector<16xf32>, vector<16xi32> -> vector<16xf32>
        %parallel_loop3A_205 = arith.index_cast %parallel_loop3A_135 : i32 to index
        %parallel_loop3A_206 = arith.constant 32 : index
        %parallel_loop3A_207 = tpu.vector_load %arg13[%parallel_loop3A_205, %parallel_loop3A_206] {strides = array<i32>} : memref<125x80xf32, #tpu.memory_space<vmem>>, vector<1x16xf32>,
        %parallel_loop3A_208 = vector.shape_cast %parallel_loop3A_207 : vector<1x16xf32> to vector<16xf32>
        %parallel_loop3A_209 = arith.mulf %parallel_loop3A_204, %parallel_loop3A_208 : vector<16xf32>
        %parallel_loop3A_210 = arith.index_cast %parallel_loop3A_135 : i32 to index
        %parallel_loop3A_211 = arith.constant 32 : index
        %parallel_loop3A_212 = tpu.vector_load %arg15[%parallel_loop3A_210, %parallel_loop3A_211] {strides = array<i32>} : memref<125x80xf32, #tpu.memory_space<vmem>>, vector<1x16xf32>,
        %parallel_loop3A_213 = vector.shape_cast %parallel_loop3A_212 : vector<1x16xf32> to vector<16xf32>
        %parallel_loop3A_214 = vector.shape_cast %parallel_loop3A_209 : vector<16xf32> to vector<1x16xf32>
        tpu.vector_store %arg15[%parallel_loop3A_210, %parallel_loop3A_211], %parallel_loop3A_214 {strides = array<i32>} : memref<125x80xf32, #tpu.memory_space<vmem>>, vector<1x16xf32>,
        %parallel_loop3A_215 = arith.constant 0 : i32
        %parallel_loop3A_216 = vector.broadcast %parallel_loop3A_215 : i32 to vector<16xi32>
        %parallel_loop3A_217 = arith.cmpi slt, %add3A_20, %parallel_loop3A_216 : vector<16xi32>
        %parallel_loop3A_218 = arith.constant 16 : i32
        %parallel_loop3A_219 = vector.broadcast %parallel_loop3A_218 : i32 to vector<16xi32>
        %parallel_loop3A_220 = arith.addi %add3A_20, %parallel_loop3A_219 : vector<16xi32>
        %parallel_loop3A_221 = arith.select %parallel_loop3A_217, %parallel_loop3A_220, %add3A_20 : vector<16xi1>, vector<16xi32>
        %parallel_loop3A_222 = vector.shape_cast %parallel_loop3A_221 : vector<16xi32> to vector<16x1xi32>
        %parallel_loop3A_223 = vector.shape_cast %parallel_loop3A_222 : vector<16x1xi32> to vector<16xi32>
        %parallel_loop3A_224 = tpu.dynamic_gather %parallel_loop3A_149[%parallel_loop3A_223] in [0] : vector<16xf32>, vector<16xi32> -> vector<16xf32>
        %parallel_loop3A_225 = arith.index_cast %parallel_loop3A_135 : i32 to index
        %parallel_loop3A_226 = arith.constant 48 : index
        %parallel_loop3A_227 = tpu.vector_load %arg13[%parallel_loop3A_225, %parallel_loop3A_226] {strides = array<i32>} : memref<125x80xf32, #tpu.memory_space<vmem>>, vector<1x16xf32>,
        %parallel_loop3A_228 = vector.shape_cast %parallel_loop3A_227 : vector<1x16xf32> to vector<16xf32>
        %parallel_loop3A_229 = arith.mulf %parallel_loop3A_224, %parallel_loop3A_228 : vector<16xf32>
        %parallel_loop3A_230 = arith.index_cast %parallel_loop3A_135 : i32 to index
        %parallel_loop3A_231 = arith.constant 48 : index
        %parallel_loop3A_232 = tpu.vector_load %arg15[%parallel_loop3A_230, %parallel_loop3A_231] {strides = array<i32>} : memref<125x80xf32, #tpu.memory_space<vmem>>, vector<1x16xf32>,
        %parallel_loop3A_233 = vector.shape_cast %parallel_loop3A_232 : vector<1x16xf32> to vector<16xf32>
        %parallel_loop3A_234 = vector.shape_cast %parallel_loop3A_229 : vector<16xf32> to vector<1x16xf32>
        tpu.vector_store %arg15[%parallel_loop3A_230, %parallel_loop3A_231], %parallel_loop3A_234 {strides = array<i32>} : memref<125x80xf32, #tpu.memory_space<vmem>>, vector<1x16xf32>,
      } {sc.loop_unroll_factor = 4 : i64, sc.parallel_access}
      %add3A_127 = arith.constant 1 : i32
      %add3A_128 = arith.addi %mul3A_62, %add3A_127 : i32
      %dma_start3A_129 = arith.constant 0 : i32
      %dma_start3A_130 = tpu.memref_slice %arg9[%add3A_128, %dma_start3A_129] : memref<80x125xi32, #tpu.memory_space<vmem>> -> memref<1x125xi32, #tpu.memory_space<vmem>>
      %dma_start3A_131 = tpu.memref_squeeze %dma_start3A_130 : memref<1x125xi32, #tpu.memory_space<vmem>> -> memref<125xi32, #tpu.memory_space<vmem>>
      %dma_start3A_132 = arith.constant 0 : i32
      %dma_start3A_133 = arith.constant 0 : i32
      %dma_start3A_134 = tpu.memref_slice %arg16[%dma_start3A_132, %dma_start3A_133] : memref<10000x80xf32, #tpu.memory_space<vmem_shared>> -> memref<10000x80xf32, #tpu.memory_space<vmem_shared>>
      tpu.enqueue_indirect_dma source(%arg15 : memref<125x80xf32, #tpu.memory_space<vmem>>) target(%dma_start3A_134 : memref<10000x80xf32, #tpu.memory_space<vmem_shared>>) offsets(%dma_start3A_131 : memref<125xi32, #tpu.memory_space<vmem>>) semaphore(%arg22 : memref<!tpu.dma_semaphore, #tpu.memory_space<semaphore_mem>>) {add = true}
    }
    %scan3A_38 = arith.constant 40 : i32
    %dma_wait3A = arith.constant 0 : i32
    %dma_wait3A_39 = arith.constant 0 : i32
    %dma_wait3A_40 = tpu.memref_slice %arg2[%dma_wait3A, %dma_wait3A_39] : memref<10000x80xf32, #tpu.memory_space<hbm>> -> memref<125x80xf32, #tpu.memory_space<hbm>>
    %dma_wait3A_41 = arith.constant 0 : i32
    %dma_wait3A_42 = arith.constant 0 : i32
    %dma_wait3A_43 = tpu.memref_slice %arg2[%dma_wait3A_41, %dma_wait3A_42] : memref<10000x80xf32, #tpu.memory_space<hbm>> -> memref<125x80xf32, #tpu.memory_space<hbm>>
    tpu.wait_dma2 semaphore(%arg19 : memref<!tpu.dma_semaphore, #tpu.memory_space<semaphore_mem>>) src(%dma_wait3A_43 : memref<125x80xf32, #tpu.memory_space<hbm>>) dst(%arg12 : memref<125x80xf32, #tpu.memory_space<vmem>>)
    %dma_wait3A_44 = arith.constant 0 : i32
    %dma_wait3A_45 = arith.constant 0 : i32
    %dma_wait3A_46 = tpu.memref_slice %arg2[%dma_wait3A_44, %dma_wait3A_45] : memref<10000x80xf32, #tpu.memory_space<hbm>> -> memref<125x80xf32, #tpu.memory_space<hbm>>
    %dma_wait3A_47 = arith.constant 0 : i32
    %dma_wait3A_48 = arith.constant 0 : i32
    %dma_wait3A_49 = tpu.memref_slice %arg2[%dma_wait3A_47, %dma_wait3A_48] : memref<10000x80xf32, #tpu.memory_space<hbm>> -> memref<125x80xf32, #tpu.memory_space<hbm>>
    tpu.wait_dma2 semaphore(%arg22 : memref<!tpu.dma_semaphore, #tpu.memory_space<semaphore_mem>>) src(%dma_wait3A_49 : memref<125x80xf32, #tpu.memory_space<hbm>>) dst(%arg15 : memref<125x80xf32, #tpu.memory_space<vmem>>)
    %barrier3A_50 = arith.constant 0 : index
    tpu.barrier barrier_id(%barrier3A_50)
    %mul3A_51 = arith.constant 624 : i32
    %mul3A_52 = arith.muli %arg1, %mul3A_51 : i32
    %mul3A_53 = arith.constant 624 : i32
    %mul3A_54 = arith.muli %arg1, %mul3A_53 : i32
    "tpu.region"() ({
      %run_scoped3A = tpu.sem_alloc : memref<!tpu.dma_semaphore, #tpu.memory_space<semaphore_mem>>
      %dma_start3A_60 = arith.constant 0 : i32
      %dma_start3A_61 = tpu.memref_slice %arg7[%arg0, %mul3A_54, %dma_start3A_60] : memref<2x10000x80xf32, #tpu.memory_space<hbm>> -> memref<1x624x80xf32, #tpu.memory_space<hbm>>
      %dma_start3A_62 = tpu.memref_squeeze %dma_start3A_61 : memref<1x624x80xf32, #tpu.memory_space<hbm>> -> memref<624x80xf32, #tpu.memory_space<hbm>>
      %dma_start3A_63 = arith.constant 0 : i32
      %dma_start3A_64 = tpu.memref_slice %arg16[%mul3A_52, %dma_start3A_63] : memref<10000x80xf32, #tpu.memory_space<vmem_shared>> -> memref<624x80xf32, #tpu.memory_space<vmem_shared>>
      tpu.enqueue_dma source(%dma_start3A_64 : memref<624x80xf32, #tpu.memory_space<vmem_shared>>) target(%dma_start3A_62 : memref<624x80xf32, #tpu.memory_space<hbm>>) target_semaphore(%run_scoped3A : memref<!tpu.dma_semaphore, #tpu.memory_space<semaphore_mem>>)
      %dma_wait3A_65 = arith.constant 0 : i32
      %dma_wait3A_66 = tpu.memref_slice %arg7[%arg0, %mul3A_54, %dma_wait3A_65] : memref<2x10000x80xf32, #tpu.memory_space<hbm>> -> memref<1x624x80xf32, #tpu.memory_space<hbm>>
      %dma_wait3A_67 = tpu.memref_squeeze %dma_wait3A_66 : memref<1x624x80xf32, #tpu.memory_space<hbm>> -> memref<624x80xf32, #tpu.memory_space<hbm>>
      %dma_wait3A_68 = arith.constant 0 : i32
      %dma_wait3A_69 = tpu.memref_slice %arg16[%mul3A_52, %dma_wait3A_68] : memref<10000x80xf32, #tpu.memory_space<vmem_shared>> -> memref<624x80xf32, #tpu.memory_space<vmem_shared>>
      tpu.wait_dma2 semaphore(%run_scoped3A : memref<!tpu.dma_semaphore, #tpu.memory_space<semaphore_mem>>) src(%dma_wait3A_69 : memref<624x80xf32, #tpu.memory_space<vmem_shared>>) dst(%dma_wait3A_67 : memref<624x80xf32, #tpu.memory_space<hbm>>)
      tpu.yield
    }) : () -> ()
    %eq3A_55 = arith.constant 0 : i32
    %eq3A_56 = arith.cmpi eq, %arg1, %eq3A_55 : i32
    %convert_element_type3A_57 = arith.extui %eq3A_56 : i1 to i32
    %cond3A_58 = arith.constant 0 : i32
    %cond3A_59 = arith.cmpi ne, %convert_element_type3A_57, %cond3A_58 : i32
    scf.if %cond3A_59 {
      "tpu.region"() ({
        %run_scoped3A = tpu.sem_alloc : memref<!tpu.dma_semaphore, #tpu.memory_space<semaphore_mem>>
        %dma_start3A_60 = arith.constant 9984 : i32
        %dma_start3A_61 = arith.constant 0 : i32
        %dma_start3A_62 = tpu.memref_slice %arg7[%arg0, %dma_start3A_60, %dma_start3A_61] : memref<2x10000x80xf32, #tpu.memory_space<hbm>> -> memref<1x16x80xf32, #tpu.memory_space<hbm>>
        %dma_start3A_63 = tpu.memref_squeeze %dma_start3A_62 : memref<1x16x80xf32, #tpu.memory_space<hbm>> -> memref<16x80xf32, #tpu.memory_space<hbm>>
        %dma_start3A_64 = arith.constant 9984 : i32
        %dma_start3A_65 = arith.constant 0 : i32
        %dma_start3A_66 = tpu.memref_slice %arg16[%dma_start3A_64, %dma_start3A_65] : memref<10000x80xf32, #tpu.memory_space<vmem_shared>> -> memref<16x80xf32, #tpu.memory_space<vmem_shared>>
        tpu.enqueue_dma source(%dma_start3A_66 : memref<16x80xf32, #tpu.memory_space<vmem_shared>>) target(%dma_start3A_63 : memref<16x80xf32, #tpu.memory_space<hbm>>) target_semaphore(%run_scoped3A : memref<!tpu.dma_semaphore, #tpu.memory_space<semaphore_mem>>)
        %dma_wait3A_67 = arith.constant 9984 : i32
        %dma_wait3A_68 = arith.constant 0 : i32
        %dma_wait3A_69 = tpu.memref_slice %arg7[%arg0, %dma_wait3A_67, %dma_wait3A_68] : memref<2x10000x80xf32, #tpu.memory_space<hbm>> -> memref<1x16x80xf32, #tpu.memory_space<hbm>>
        %dma_wait3A_70 = tpu.memref_squeeze %dma_wait3A_69 : memref<1x16x80xf32, #tpu.memory_space<hbm>> -> memref<16x80xf32, #tpu.memory_space<hbm>>
        %dma_wait3A_71 = arith.constant 9984 : i32
        %dma_wait3A_72 = arith.constant 0 : i32
        %dma_wait3A_73 = tpu.memref_slice %arg16[%dma_wait3A_71, %dma_wait3A_72] : memref<10000x80xf32, #tpu.memory_space<vmem_shared>> -> memref<16x80xf32, #tpu.memory_space<vmem_shared>>
        tpu.wait_dma2 semaphore(%run_scoped3A : memref<!tpu.dma_semaphore, #tpu.memory_space<semaphore_mem>>) src(%dma_wait3A_73 : memref<16x80xf32, #tpu.memory_space<vmem_shared>>) dst(%dma_wait3A_70 : memref<16x80xf32, #tpu.memory_space<hbm>>)
        tpu.yield
      }) : () -> ()
    } else {
    }
    return
  }
}

module attributes {stable_mosaic.version = 14 : i64} {
  func.func @_prep_body(%arg0: memref<10000x128xf32, #tpu.memory_space<vmem>>, %arg1: memref<128x64xf32, #tpu.memory_space<vmem>>, %arg2: memref<64x16xf32, #tpu.memory_space<vmem>>, %arg3: memref<64x16xf32, #tpu.memory_space<vmem>>, %arg4: memref<10000x80xf32, #tpu.memory_space<vmem>>, %arg5: memref<10000x16xf32, #tpu.memory_space<vmem>>) attributes {dimension_semantics = [], scalar_prefetch = 0 : i64, scratch_operands = 0 : i64, tpu.core_type = #tpu.core_type<tc>} {
    %get3A = arith.constant 0 : index
    %get3A_0 = arith.constant 0 : index
    %get3A_1 = vector.load %arg0[%get3A, %get3A_0] : memref<10000x128xf32, #tpu.memory_space<vmem>>, vector<10000x128xf32>
    %get3A_2 = arith.constant 0 : index
    %get3A_3 = arith.constant 0 : index
    %get3A_4 = vector.load %arg1[%get3A_2, %get3A_3] : memref<128x64xf32, #tpu.memory_space<vmem>>, vector<128x64xf32>
    %convert_element_type3A = arith.truncf %get3A_1 : vector<10000x128xf32> to vector<10000x128xbf16>
    %convert_element_type3A_5 = arith.truncf %get3A_4 : vector<128x64xf32> to vector<128x64xbf16>
    %dot_general3A = arith.constant dense<0.000000e+00> : vector<10000x64xf32>
    %dot_general3A_6 = tpu.matmul %convert_element_type3A, %convert_element_type3A_5, %dot_general3A {dimension_numbers = #tpu.dot_dimension_numbers<[1], [0], [0], [1], [0, 0, 1, 1], [], []>, transpose_lhs_hint = false} : vector<10000x128xbf16>, vector<128x64xbf16>, vector<10000x64xf32> -> vector<10000x64xf32>
    %get3A_7 = arith.constant 0 : index
    %get3A_8 = arith.constant 0 : index
    %get3A_9 = vector.load %arg2[%get3A_7, %get3A_8] : memref<64x16xf32, #tpu.memory_space<vmem>>, vector<64x16xf32>
    %dot_general3A_10 = arith.constant dense<0.000000e+00> : vector<10000x16xf32>
    %dot_general3A_11 = tpu.matmul %dot_general3A_6, %get3A_9, %dot_general3A_10 {dimension_numbers = #tpu.dot_dimension_numbers<[1], [0], [0], [1], [0, 0, 1, 1], [], []>, precision = #tpu.contract_precision<fp32>, transpose_lhs_hint = false} : vector<10000x64xf32>, vector<64x16xf32>, vector<10000x16xf32> -> vector<10000x16xf32>
    %concatenate3A = tpu.concatenate %dot_general3A_6, %dot_general3A_11 in 1 : vector<10000x64xf32>, vector<10000x16xf32> -> vector<10000x80xf32>
    %swap3A = arith.constant 0 : index
    %swap3A_12 = arith.constant 0 : index
    %swap3A_13 = vector.load %arg4[%swap3A, %swap3A_12] : memref<10000x80xf32, #tpu.memory_space<vmem>>, vector<10000x80xf32>
    tpu.vector_store %arg4[%swap3A, %swap3A_12], %concatenate3A {strides = array<i32>} : memref<10000x80xf32, #tpu.memory_space<vmem>>, vector<10000x80xf32>,
    %get3A_14 = arith.constant 0 : index
    %get3A_15 = arith.constant 0 : index
    %get3A_16 = vector.load %arg3[%get3A_14, %get3A_15] : memref<64x16xf32, #tpu.memory_space<vmem>>, vector<64x16xf32>
    %dot_general3A_17 = arith.constant dense<0.000000e+00> : vector<10000x16xf32>
    %dot_general3A_18 = tpu.matmul %dot_general3A_6, %get3A_16, %dot_general3A_17 {dimension_numbers = #tpu.dot_dimension_numbers<[1], [0], [0], [1], [0, 0, 1, 1], [], []>, precision = #tpu.contract_precision<fp32>, transpose_lhs_hint = false} : vector<10000x64xf32>, vector<64x16xf32>, vector<10000x16xf32> -> vector<10000x16xf32>
    %swap3A_19 = arith.constant 0 : index
    %swap3A_20 = arith.constant 0 : index
    %swap3A_21 = vector.load %arg5[%swap3A_19, %swap3A_20] : memref<10000x16xf32, #tpu.memory_space<vmem>>, vector<10000x16xf32>
    tpu.vector_store %arg5[%swap3A_19, %swap3A_20], %dot_general3A_18 {strides = array<i32>} : memref<10000x16xf32, #tpu.memory_space<vmem>>, vector<10000x16xf32>,
    return
  }
}

module attributes {stable_mosaic.version = 14 : i64} {
  func.func @_combine1_body(%arg0: memref<2x10000x80xf32, #tpu.memory_space<vmem>>, %arg1: memref<16x64xf32, #tpu.memory_space<vmem>>, %arg2: memref<1x64xf32, #tpu.memory_space<vmem>>, %arg3: memref<1x64xf32, #tpu.memory_space<vmem>>, %arg4: memref<1x64xf32, #tpu.memory_space<vmem>>, %arg5: memref<64x64xf32, #tpu.memory_space<vmem>>, %arg6: memref<64x16xf32, #tpu.memory_space<vmem>>, %arg7: memref<64x16xf32, #tpu.memory_space<vmem>>, %arg8: memref<10000x64xf32, #tpu.memory_space<vmem>>, %arg9: memref<10000x80xf32, #tpu.memory_space<vmem>>, %arg10: memref<10000x16xf32, #tpu.memory_space<vmem>>) attributes {dimension_semantics = [], scalar_prefetch = 0 : i64, scratch_operands = 0 : i64, tpu.core_type = #tpu.core_type<tc>} {
    %get3A = arith.constant 0 : index
    %get3A_0 = arith.constant 0 : index
    %get3A_1 = arith.constant 0 : index
    %get3A_2 = vector.load %arg0[%get3A, %get3A_0, %get3A_1] : memref<2x10000x80xf32, #tpu.memory_space<vmem>>, vector<1x10000x80xf32>
    %get3A_3 = vector.shape_cast %get3A_2 : vector<1x10000x80xf32> to vector<10000x80xf32>
    %get3A_4 = arith.constant 1 : index
    %get3A_5 = arith.constant 0 : index
    %get3A_6 = arith.constant 0 : index
    %get3A_7 = vector.load %arg0[%get3A_4, %get3A_5, %get3A_6] : memref<2x10000x80xf32, #tpu.memory_space<vmem>>, vector<1x10000x80xf32>
    %get3A_8 = vector.shape_cast %get3A_7 : vector<1x10000x80xf32> to vector<10000x80xf32>
    %add3A = arith.addf %get3A_3, %get3A_8 : vector<10000x80xf32>
    %slice3A = vector.extract_strided_slice %add3A {offsets = [0, 64], sizes = [10000, 16], strides = [1, 1]} : vector<10000x80xf32> to vector<10000x16xf32>
    %add3A_9 = arith.constant 1.000000e-16 : f32
    %add3A_10 = vector.broadcast %add3A_9 : f32 to vector<10000x16xf32>
    %add3A_11 = arith.addf %slice3A, %add3A_10 : vector<10000x16xf32>
    %div3A = arith.constant 1.000000e+00 : f32
    %div3A_12 = vector.broadcast %div3A : f32 to vector<10000x16xf32>
    %div3A_13 = arith.divf %div3A_12, %add3A_11 : vector<10000x16xf32>
    %get3A_14 = arith.constant 0 : index
    %get3A_15 = arith.constant 0 : index
    %get3A_16 = vector.load %arg1[%get3A_14, %get3A_15] : memref<16x64xf32, #tpu.memory_space<vmem>>, vector<16x64xf32>
    %dot_general3A = arith.constant dense<0.000000e+00> : vector<10000x64xf32>
    %dot_general3A_17 = tpu.matmul %div3A_13, %get3A_16, %dot_general3A {dimension_numbers = #tpu.dot_dimension_numbers<[1], [0], [0], [1], [0, 0, 1, 1], [], []>, precision = #tpu.contract_precision<fp32>, transpose_lhs_hint = false} : vector<10000x16xf32>, vector<16x64xf32>, vector<10000x64xf32> -> vector<10000x64xf32>
    %slice3A_18 = vector.extract_strided_slice %add3A {offsets = [0, 0], sizes = [10000, 64], strides = [1, 1]} : vector<10000x80xf32> to vector<10000x64xf32>
    %mul3A = arith.mulf %slice3A_18, %dot_general3A_17 : vector<10000x64xf32>
    %get3A_19 = arith.constant 0 : index
    %get3A_20 = arith.constant 0 : index
    %get3A_21 = vector.load %arg2[%get3A_19, %get3A_20] : memref<1x64xf32, #tpu.memory_space<vmem>>, vector<1x64xf32>
    %add3A_22 = vector.broadcast %get3A_21 : vector<1x64xf32> to vector<10000x64xf32>
    %add3A_23 = arith.addf %mul3A, %add3A_22 : vector<10000x64xf32>
    %reduce_sum3A = arith.constant dense<0.000000e+00> : vector<10000xf32>
    %reduce_sum3A_24 = vector.multi_reduction <add>, %add3A_23, %reduce_sum3A [1] : vector<10000x64xf32> to vector<10000xf32>
    %broadcast_in_dim3A = vector.shape_cast %reduce_sum3A_24 : vector<10000xf32> to vector<10000x1xf32>
    %div3A_25 = arith.constant 6.400000e+01 : f32
    %div3A_26 = vector.broadcast %div3A_25 : f32 to vector<10000x1xf32>
    %div3A_27 = arith.divf %broadcast_in_dim3A, %div3A_26 : vector<10000x1xf32>
    %sub3A = vector.broadcast %div3A_27 : vector<10000x1xf32> to vector<10000x64xf32>
    %sub3A_28 = arith.subf %add3A_23, %sub3A : vector<10000x64xf32>
    %mul3A_29 = arith.mulf %sub3A_28, %sub3A_28 : vector<10000x64xf32>
    %reduce_sum3A_30 = arith.constant dense<0.000000e+00> : vector<10000xf32>
    %reduce_sum3A_31 = vector.multi_reduction <add>, %mul3A_29, %reduce_sum3A_30 [1] : vector<10000x64xf32> to vector<10000xf32>
    %broadcast_in_dim3A_32 = vector.shape_cast %reduce_sum3A_31 : vector<10000xf32> to vector<10000x1xf32>
    %div3A_33 = arith.constant 6.400000e+01 : f32
    %div3A_34 = vector.broadcast %div3A_33 : f32 to vector<10000x1xf32>
    %div3A_35 = arith.divf %broadcast_in_dim3A_32, %div3A_34 : vector<10000x1xf32>
    %add3A_36 = arith.constant 9.99999974E-6 : f32
    %add3A_37 = vector.broadcast %add3A_36 : f32 to vector<10000x1xf32>
    %add3A_38 = arith.addf %div3A_35, %add3A_37 : vector<10000x1xf32>
    %sqrt3A = math.sqrt %add3A_38 : vector<10000x1xf32>
    %div3A_39 = vector.broadcast %sqrt3A : vector<10000x1xf32> to vector<10000x64xf32>
    %div3A_40 = arith.divf %sub3A_28, %div3A_39 : vector<10000x64xf32>
    %get3A_41 = arith.constant 0 : index
    %get3A_42 = arith.constant 0 : index
    %get3A_43 = vector.load %arg3[%get3A_41, %get3A_42] : memref<1x64xf32, #tpu.memory_space<vmem>>, vector<1x64xf32>
    %mul3A_44 = vector.broadcast %get3A_43 : vector<1x64xf32> to vector<10000x64xf32>
    %mul3A_45 = arith.mulf %div3A_40, %mul3A_44 : vector<10000x64xf32>
    %get3A_46 = arith.constant 0 : index
    %get3A_47 = arith.constant 0 : index
    %get3A_48 = vector.load %arg4[%get3A_46, %get3A_47] : memref<1x64xf32, #tpu.memory_space<vmem>>, vector<1x64xf32>
    %add3A_49 = vector.broadcast %get3A_48 : vector<1x64xf32> to vector<10000x64xf32>
    %add3A_50 = arith.addf %mul3A_45, %add3A_49 : vector<10000x64xf32>
    %max3A = arith.constant 0.000000e+00 : f32
    %max3A_51 = vector.broadcast %max3A : f32 to vector<10000x64xf32>
    %max3A_52 = arith.maximumf %add3A_50, %max3A_51 : vector<10000x64xf32>
    %swap3A = arith.constant 0 : index
    %swap3A_53 = arith.constant 0 : index
    %swap3A_54 = vector.load %arg8[%swap3A, %swap3A_53] : memref<10000x64xf32, #tpu.memory_space<vmem>>, vector<10000x64xf32>
    tpu.vector_store %arg8[%swap3A, %swap3A_53], %max3A_52 {strides = array<i32>} : memref<10000x64xf32, #tpu.memory_space<vmem>>, vector<10000x64xf32>,
    %get3A_55 = arith.constant 0 : index
    %get3A_56 = arith.constant 0 : index
    %get3A_57 = vector.load %arg5[%get3A_55, %get3A_56] : memref<64x64xf32, #tpu.memory_space<vmem>>, vector<64x64xf32>
    %convert_element_type3A = arith.truncf %max3A_52 : vector<10000x64xf32> to vector<10000x64xbf16>
    %convert_element_type3A_58 = arith.truncf %get3A_57 : vector<64x64xf32> to vector<64x64xbf16>
    %dot_general3A_59 = arith.constant dense<0.000000e+00> : vector<10000x64xf32>
    %dot_general3A_60 = tpu.matmul %convert_element_type3A, %convert_element_type3A_58, %dot_general3A_59 {dimension_numbers = #tpu.dot_dimension_numbers<[1], [0], [0], [1], [0, 0, 1, 1], [], []>, transpose_lhs_hint = false} : vector<10000x64xbf16>, vector<64x64xbf16>, vector<10000x64xf32> -> vector<10000x64xf32>
    %get3A_61 = arith.constant 0 : index
    %get3A_62 = arith.constant 0 : index
    %get3A_63 = vector.load %arg6[%get3A_61, %get3A_62] : memref<64x16xf32, #tpu.memory_space<vmem>>, vector<64x16xf32>
    %dot_general3A_64 = arith.constant dense<0.000000e+00> : vector<10000x16xf32>
    %dot_general3A_65 = tpu.matmul %dot_general3A_60, %get3A_63, %dot_general3A_64 {dimension_numbers = #tpu.dot_dimension_numbers<[1], [0], [0], [1], [0, 0, 1, 1], [], []>, precision = #tpu.contract_precision<fp32>, transpose_lhs_hint = false} : vector<10000x64xf32>, vector<64x16xf32>, vector<10000x16xf32> -> vector<10000x16xf32>
    %concatenate3A = tpu.concatenate %dot_general3A_60, %dot_general3A_65 in 1 : vector<10000x64xf32>, vector<10000x16xf32> -> vector<10000x80xf32>
    %swap3A_66 = arith.constant 0 : index
    %swap3A_67 = arith.constant 0 : index
    %swap3A_68 = vector.load %arg9[%swap3A_66, %swap3A_67] : memref<10000x80xf32, #tpu.memory_space<vmem>>, vector<10000x80xf32>
    tpu.vector_store %arg9[%swap3A_66, %swap3A_67], %concatenate3A {strides = array<i32>} : memref<10000x80xf32, #tpu.memory_space<vmem>>, vector<10000x80xf32>,
    %get3A_69 = arith.constant 0 : index
    %get3A_70 = arith.constant 0 : index
    %get3A_71 = vector.load %arg7[%get3A_69, %get3A_70] : memref<64x16xf32, #tpu.memory_space<vmem>>, vector<64x16xf32>
    %dot_general3A_72 = arith.constant dense<0.000000e+00> : vector<10000x16xf32>
    %dot_general3A_73 = tpu.matmul %dot_general3A_60, %get3A_71, %dot_general3A_72 {dimension_numbers = #tpu.dot_dimension_numbers<[1], [0], [0], [1], [0, 0, 1, 1], [], []>, precision = #tpu.contract_precision<fp32>, transpose_lhs_hint = false} : vector<10000x64xf32>, vector<64x16xf32>, vector<10000x16xf32> -> vector<10000x16xf32>
    %swap3A_74 = arith.constant 0 : index
    %swap3A_75 = arith.constant 0 : index
    %swap3A_76 = vector.load %arg10[%swap3A_74, %swap3A_75] : memref<10000x16xf32, #tpu.memory_space<vmem>>, vector<10000x16xf32>
    tpu.vector_store %arg10[%swap3A_74, %swap3A_75], %dot_general3A_73 {strides = array<i32>} : memref<10000x16xf32, #tpu.memory_space<vmem>>, vector<10000x16xf32>,
    return
  }
}

module attributes {stable_mosaic.version = 14 : i64} {
  func.func @_combine2_body(%arg0: memref<2x10000x80xf32, #tpu.memory_space<vmem>>, %arg1: memref<16x64xf32, #tpu.memory_space<vmem>>, %arg2: memref<1x64xf32, #tpu.memory_space<vmem>>, %arg3: memref<1x64xf32, #tpu.memory_space<vmem>>, %arg4: memref<1x64xf32, #tpu.memory_space<vmem>>, %arg5: memref<10000x64xf32, #tpu.memory_space<vmem>>, %arg6: memref<64x64xf32, #tpu.memory_space<vmem>>, %arg7: memref<64x16xf32, #tpu.memory_space<vmem>>, %arg8: memref<64x16xf32, #tpu.memory_space<vmem>>, %arg9: memref<10000x64xf32, #tpu.memory_space<vmem>>, %arg10: memref<10000x80xf32, #tpu.memory_space<vmem>>, %arg11: memref<10000x16xf32, #tpu.memory_space<vmem>>) attributes {dimension_semantics = [], scalar_prefetch = 0 : i64, scratch_operands = 0 : i64, tpu.core_type = #tpu.core_type<tc>} {
    %get3A = arith.constant 0 : index
    %get3A_0 = arith.constant 0 : index
    %get3A_1 = arith.constant 0 : index
    %get3A_2 = vector.load %arg0[%get3A, %get3A_0, %get3A_1] : memref<2x10000x80xf32, #tpu.memory_space<vmem>>, vector<1x10000x80xf32>
    %get3A_3 = vector.shape_cast %get3A_2 : vector<1x10000x80xf32> to vector<10000x80xf32>
    %get3A_4 = arith.constant 1 : index
    %get3A_5 = arith.constant 0 : index
    %get3A_6 = arith.constant 0 : index
    %get3A_7 = vector.load %arg0[%get3A_4, %get3A_5, %get3A_6] : memref<2x10000x80xf32, #tpu.memory_space<vmem>>, vector<1x10000x80xf32>
    %get3A_8 = vector.shape_cast %get3A_7 : vector<1x10000x80xf32> to vector<10000x80xf32>
    %add3A = arith.addf %get3A_3, %get3A_8 : vector<10000x80xf32>
    %slice3A = vector.extract_strided_slice %add3A {offsets = [0, 64], sizes = [10000, 16], strides = [1, 1]} : vector<10000x80xf32> to vector<10000x16xf32>
    %add3A_9 = arith.constant 1.000000e-16 : f32
    %add3A_10 = vector.broadcast %add3A_9 : f32 to vector<10000x16xf32>
    %add3A_11 = arith.addf %slice3A, %add3A_10 : vector<10000x16xf32>
    %div3A = arith.constant 1.000000e+00 : f32
    %div3A_12 = vector.broadcast %div3A : f32 to vector<10000x16xf32>
    %div3A_13 = arith.divf %div3A_12, %add3A_11 : vector<10000x16xf32>
    %get3A_14 = arith.constant 0 : index
    %get3A_15 = arith.constant 0 : index
    %get3A_16 = vector.load %arg1[%get3A_14, %get3A_15] : memref<16x64xf32, #tpu.memory_space<vmem>>, vector<16x64xf32>
    %dot_general3A = arith.constant dense<0.000000e+00> : vector<10000x64xf32>
    %dot_general3A_17 = tpu.matmul %div3A_13, %get3A_16, %dot_general3A {dimension_numbers = #tpu.dot_dimension_numbers<[1], [0], [0], [1], [0, 0, 1, 1], [], []>, precision = #tpu.contract_precision<fp32>, transpose_lhs_hint = false} : vector<10000x16xf32>, vector<16x64xf32>, vector<10000x64xf32> -> vector<10000x64xf32>
    %slice3A_18 = vector.extract_strided_slice %add3A {offsets = [0, 0], sizes = [10000, 64], strides = [1, 1]} : vector<10000x80xf32> to vector<10000x64xf32>
    %mul3A = arith.mulf %slice3A_18, %dot_general3A_17 : vector<10000x64xf32>
    %get3A_19 = arith.constant 0 : index
    %get3A_20 = arith.constant 0 : index
    %get3A_21 = vector.load %arg2[%get3A_19, %get3A_20] : memref<1x64xf32, #tpu.memory_space<vmem>>, vector<1x64xf32>
    %add3A_22 = vector.broadcast %get3A_21 : vector<1x64xf32> to vector<10000x64xf32>
    %add3A_23 = arith.addf %mul3A, %add3A_22 : vector<10000x64xf32>
    %reduce_sum3A = arith.constant dense<0.000000e+00> : vector<10000xf32>
    %reduce_sum3A_24 = vector.multi_reduction <add>, %add3A_23, %reduce_sum3A [1] : vector<10000x64xf32> to vector<10000xf32>
    %broadcast_in_dim3A = vector.shape_cast %reduce_sum3A_24 : vector<10000xf32> to vector<10000x1xf32>
    %div3A_25 = arith.constant 6.400000e+01 : f32
    %div3A_26 = vector.broadcast %div3A_25 : f32 to vector<10000x1xf32>
    %div3A_27 = arith.divf %broadcast_in_dim3A, %div3A_26 : vector<10000x1xf32>
    %sub3A = vector.broadcast %div3A_27 : vector<10000x1xf32> to vector<10000x64xf32>
    %sub3A_28 = arith.subf %add3A_23, %sub3A : vector<10000x64xf32>
    %mul3A_29 = arith.mulf %sub3A_28, %sub3A_28 : vector<10000x64xf32>
    %reduce_sum3A_30 = arith.constant dense<0.000000e+00> : vector<10000xf32>
    %reduce_sum3A_31 = vector.multi_reduction <add>, %mul3A_29, %reduce_sum3A_30 [1] : vector<10000x64xf32> to vector<10000xf32>
    %broadcast_in_dim3A_32 = vector.shape_cast %reduce_sum3A_31 : vector<10000xf32> to vector<10000x1xf32>
    %div3A_33 = arith.constant 6.400000e+01 : f32
    %div3A_34 = vector.broadcast %div3A_33 : f32 to vector<10000x1xf32>
    %div3A_35 = arith.divf %broadcast_in_dim3A_32, %div3A_34 : vector<10000x1xf32>
    %add3A_36 = arith.constant 9.99999974E-6 : f32
    %add3A_37 = vector.broadcast %add3A_36 : f32 to vector<10000x1xf32>
    %add3A_38 = arith.addf %div3A_35, %add3A_37 : vector<10000x1xf32>
    %sqrt3A = math.sqrt %add3A_38 : vector<10000x1xf32>
    %div3A_39 = vector.broadcast %sqrt3A : vector<10000x1xf32> to vector<10000x64xf32>
    %div3A_40 = arith.divf %sub3A_28, %div3A_39 : vector<10000x64xf32>
    %get3A_41 = arith.constant 0 : index
    %get3A_42 = arith.constant 0 : index
    %get3A_43 = vector.load %arg3[%get3A_41, %get3A_42] : memref<1x64xf32, #tpu.memory_space<vmem>>, vector<1x64xf32>
    %mul3A_44 = vector.broadcast %get3A_43 : vector<1x64xf32> to vector<10000x64xf32>
    %mul3A_45 = arith.mulf %div3A_40, %mul3A_44 : vector<10000x64xf32>
    %get3A_46 = arith.constant 0 : index
    %get3A_47 = arith.constant 0 : index
    %get3A_48 = vector.load %arg4[%get3A_46, %get3A_47] : memref<1x64xf32, #tpu.memory_space<vmem>>, vector<1x64xf32>
    %add3A_49 = vector.broadcast %get3A_48 : vector<1x64xf32> to vector<10000x64xf32>
    %add3A_50 = arith.addf %mul3A_45, %add3A_49 : vector<10000x64xf32>
    %max3A = arith.constant 0.000000e+00 : f32
    %max3A_51 = vector.broadcast %max3A : f32 to vector<10000x64xf32>
    %max3A_52 = arith.maximumf %add3A_50, %max3A_51 : vector<10000x64xf32>
    %get3A_53 = arith.constant 0 : index
    %get3A_54 = arith.constant 0 : index
    %get3A_55 = vector.load %arg5[%get3A_53, %get3A_54] : memref<10000x64xf32, #tpu.memory_space<vmem>>, vector<10000x64xf32>
    %add3A_56 = arith.addf %max3A_52, %get3A_55 : vector<10000x64xf32>
    %swap3A = arith.constant 0 : index
    %swap3A_57 = arith.constant 0 : index
    %swap3A_58 = vector.load %arg9[%swap3A, %swap3A_57] : memref<10000x64xf32, #tpu.memory_space<vmem>>, vector<10000x64xf32>
    tpu.vector_store %arg9[%swap3A, %swap3A_57], %add3A_56 {strides = array<i32>} : memref<10000x64xf32, #tpu.memory_space<vmem>>, vector<10000x64xf32>,
    %get3A_59 = arith.constant 0 : index
    %get3A_60 = arith.constant 0 : index
    %get3A_61 = vector.load %arg6[%get3A_59, %get3A_60] : memref<64x64xf32, #tpu.memory_space<vmem>>, vector<64x64xf32>
    %convert_element_type3A = arith.truncf %add3A_56 : vector<10000x64xf32> to vector<10000x64xbf16>
    %convert_element_type3A_62 = arith.truncf %get3A_61 : vector<64x64xf32> to vector<64x64xbf16>
    %dot_general3A_63 = arith.constant dense<0.000000e+00> : vector<10000x64xf32>
    %dot_general3A_64 = tpu.matmul %convert_element_type3A, %convert_element_type3A_62, %dot_general3A_63 {dimension_numbers = #tpu.dot_dimension_numbers<[1], [0], [0], [1], [0, 0, 1, 1], [], []>, transpose_lhs_hint = false} : vector<10000x64xbf16>, vector<64x64xbf16>, vector<10000x64xf32> -> vector<10000x64xf32>
    %get3A_65 = arith.constant 0 : index
    %get3A_66 = arith.constant 0 : index
    %get3A_67 = vector.load %arg7[%get3A_65, %get3A_66] : memref<64x16xf32, #tpu.memory_space<vmem>>, vector<64x16xf32>
    %dot_general3A_68 = arith.constant dense<0.000000e+00> : vector<10000x16xf32>
    %dot_general3A_69 = tpu.matmul %dot_general3A_64, %get3A_67, %dot_general3A_68 {dimension_numbers = #tpu.dot_dimension_numbers<[1], [0], [0], [1], [0, 0, 1, 1], [], []>, precision = #tpu.contract_precision<fp32>, transpose_lhs_hint = false} : vector<10000x64xf32>, vector<64x16xf32>, vector<10000x16xf32> -> vector<10000x16xf32>
    %concatenate3A = tpu.concatenate %dot_general3A_64, %dot_general3A_69 in 1 : vector<10000x64xf32>, vector<10000x16xf32> -> vector<10000x80xf32>
    %swap3A_70 = arith.constant 0 : index
    %swap3A_71 = arith.constant 0 : index
    %swap3A_72 = vector.load %arg10[%swap3A_70, %swap3A_71] : memref<10000x80xf32, #tpu.memory_space<vmem>>, vector<10000x80xf32>
    tpu.vector_store %arg10[%swap3A_70, %swap3A_71], %concatenate3A {strides = array<i32>} : memref<10000x80xf32, #tpu.memory_space<vmem>>, vector<10000x80xf32>,
    %get3A_73 = arith.constant 0 : index
    %get3A_74 = arith.constant 0 : index
    %get3A_75 = vector.load %arg8[%get3A_73, %get3A_74] : memref<64x16xf32, #tpu.memory_space<vmem>>, vector<64x16xf32>
    %dot_general3A_76 = arith.constant dense<0.000000e+00> : vector<10000x16xf32>
    %dot_general3A_77 = tpu.matmul %dot_general3A_64, %get3A_75, %dot_general3A_76 {dimension_numbers = #tpu.dot_dimension_numbers<[1], [0], [0], [1], [0, 0, 1, 1], [], []>, precision = #tpu.contract_precision<fp32>, transpose_lhs_hint = false} : vector<10000x64xf32>, vector<64x16xf32>, vector<10000x16xf32> -> vector<10000x16xf32>
    %swap3A_78 = arith.constant 0 : index
    %swap3A_79 = arith.constant 0 : index
    %swap3A_80 = vector.load %arg11[%swap3A_78, %swap3A_79] : memref<10000x16xf32, #tpu.memory_space<vmem>>, vector<10000x16xf32>
    tpu.vector_store %arg11[%swap3A_78, %swap3A_79], %dot_general3A_77 {strides = array<i32>} : memref<10000x16xf32, #tpu.memory_space<vmem>>, vector<10000x16xf32>,
    return
  }
}

module attributes {stable_mosaic.version = 14 : i64} {
  func.func @_final_body(%arg0: memref<2x10000x80xf32, #tpu.memory_space<vmem>>, %arg1: memref<16x64xf32, #tpu.memory_space<vmem>>, %arg2: memref<1x64xf32, #tpu.memory_space<vmem>>, %arg3: memref<1x64xf32, #tpu.memory_space<vmem>>, %arg4: memref<1x64xf32, #tpu.memory_space<vmem>>, %arg5: memref<10000x64xf32, #tpu.memory_space<vmem>>, %arg6: memref<64x64xf32, #tpu.memory_space<vmem>>, %arg7: memref<1x64xf32, #tpu.memory_space<vmem>>, %arg8: memref<1x64xf32, #tpu.memory_space<vmem>>, %arg9: memref<1x64xf32, #tpu.memory_space<vmem>>, %arg10: memref<64x1xf32, #tpu.memory_space<vmem>>, %arg11: memref<1x1xf32, #tpu.memory_space<vmem>>, %arg12: memref<64x32xf32, #tpu.memory_space<vmem>>, %arg13: memref<1x32xf32, #tpu.memory_space<vmem>>, %arg14: memref<1x32xf32, #tpu.memory_space<vmem>>, %arg15: memref<1x32xf32, #tpu.memory_space<vmem>>, %arg16: memref<32x1xf32, #tpu.memory_space<vmem>>, %arg17: memref<1x1xf32, #tpu.memory_space<vmem>>, %arg18: memref<10000x2xf32, #tpu.memory_space<vmem>>) attributes {dimension_semantics = [], scalar_prefetch = 0 : i64, scratch_operands = 0 : i64, tpu.core_type = #tpu.core_type<tc>} {
    %get3A = arith.constant 0 : index
    %get3A_0 = arith.constant 0 : index
    %get3A_1 = arith.constant 0 : index
    %get3A_2 = vector.load %arg0[%get3A, %get3A_0, %get3A_1] : memref<2x10000x80xf32, #tpu.memory_space<vmem>>, vector<1x10000x80xf32>
    %get3A_3 = vector.shape_cast %get3A_2 : vector<1x10000x80xf32> to vector<10000x80xf32>
    %get3A_4 = arith.constant 1 : index
    %get3A_5 = arith.constant 0 : index
    %get3A_6 = arith.constant 0 : index
    %get3A_7 = vector.load %arg0[%get3A_4, %get3A_5, %get3A_6] : memref<2x10000x80xf32, #tpu.memory_space<vmem>>, vector<1x10000x80xf32>
    %get3A_8 = vector.shape_cast %get3A_7 : vector<1x10000x80xf32> to vector<10000x80xf32>
    %add3A = arith.addf %get3A_3, %get3A_8 : vector<10000x80xf32>
    %slice3A = vector.extract_strided_slice %add3A {offsets = [0, 64], sizes = [10000, 16], strides = [1, 1]} : vector<10000x80xf32> to vector<10000x16xf32>
    %add3A_9 = arith.constant 1.000000e-16 : f32
    %add3A_10 = vector.broadcast %add3A_9 : f32 to vector<10000x16xf32>
    %add3A_11 = arith.addf %slice3A, %add3A_10 : vector<10000x16xf32>
    %div3A = arith.constant 1.000000e+00 : f32
    %div3A_12 = vector.broadcast %div3A : f32 to vector<10000x16xf32>
    %div3A_13 = arith.divf %div3A_12, %add3A_11 : vector<10000x16xf32>
    %get3A_14 = arith.constant 0 : index
    %get3A_15 = arith.constant 0 : index
    %get3A_16 = vector.load %arg1[%get3A_14, %get3A_15] : memref<16x64xf32, #tpu.memory_space<vmem>>, vector<16x64xf32>
    %dot_general3A = arith.constant dense<0.000000e+00> : vector<10000x64xf32>
    %dot_general3A_17 = tpu.matmul %div3A_13, %get3A_16, %dot_general3A {dimension_numbers = #tpu.dot_dimension_numbers<[1], [0], [0], [1], [0, 0, 1, 1], [], []>, precision = #tpu.contract_precision<fp32>, transpose_lhs_hint = false} : vector<10000x16xf32>, vector<16x64xf32>, vector<10000x64xf32> -> vector<10000x64xf32>
    %slice3A_18 = vector.extract_strided_slice %add3A {offsets = [0, 0], sizes = [10000, 64], strides = [1, 1]} : vector<10000x80xf32> to vector<10000x64xf32>
    %mul3A = arith.mulf %slice3A_18, %dot_general3A_17 : vector<10000x64xf32>
    %get3A_19 = arith.constant 0 : index
    %get3A_20 = arith.constant 0 : index
    %get3A_21 = vector.load %arg2[%get3A_19, %get3A_20] : memref<1x64xf32, #tpu.memory_space<vmem>>, vector<1x64xf32>
    %add3A_22 = vector.broadcast %get3A_21 : vector<1x64xf32> to vector<10000x64xf32>
    %add3A_23 = arith.addf %mul3A, %add3A_22 : vector<10000x64xf32>
    %reduce_sum3A = arith.constant dense<0.000000e+00> : vector<10000xf32>
    %reduce_sum3A_24 = vector.multi_reduction <add>, %add3A_23, %reduce_sum3A [1] : vector<10000x64xf32> to vector<10000xf32>
    %broadcast_in_dim3A = vector.shape_cast %reduce_sum3A_24 : vector<10000xf32> to vector<10000x1xf32>
    %div3A_25 = arith.constant 6.400000e+01 : f32
    %div3A_26 = vector.broadcast %div3A_25 : f32 to vector<10000x1xf32>
    %div3A_27 = arith.divf %broadcast_in_dim3A, %div3A_26 : vector<10000x1xf32>
    %sub3A = vector.broadcast %div3A_27 : vector<10000x1xf32> to vector<10000x64xf32>
    %sub3A_28 = arith.subf %add3A_23, %sub3A : vector<10000x64xf32>
    %mul3A_29 = arith.mulf %sub3A_28, %sub3A_28 : vector<10000x64xf32>
    %reduce_sum3A_30 = arith.constant dense<0.000000e+00> : vector<10000xf32>
    %reduce_sum3A_31 = vector.multi_reduction <add>, %mul3A_29, %reduce_sum3A_30 [1] : vector<10000x64xf32> to vector<10000xf32>
    %broadcast_in_dim3A_32 = vector.shape_cast %reduce_sum3A_31 : vector<10000xf32> to vector<10000x1xf32>
    %div3A_33 = arith.constant 6.400000e+01 : f32
    %div3A_34 = vector.broadcast %div3A_33 : f32 to vector<10000x1xf32>
    %div3A_35 = arith.divf %broadcast_in_dim3A_32, %div3A_34 : vector<10000x1xf32>
    %add3A_36 = arith.constant 9.99999974E-6 : f32
    %add3A_37 = vector.broadcast %add3A_36 : f32 to vector<10000x1xf32>
    %add3A_38 = arith.addf %div3A_35, %add3A_37 : vector<10000x1xf32>
    %sqrt3A = math.sqrt %add3A_38 : vector<10000x1xf32>
    %div3A_39 = vector.broadcast %sqrt3A : vector<10000x1xf32> to vector<10000x64xf32>
    %div3A_40 = arith.divf %sub3A_28, %div3A_39 : vector<10000x64xf32>
    %get3A_41 = arith.constant 0 : index
    %get3A_42 = arith.constant 0 : index
    %get3A_43 = vector.load %arg3[%get3A_41, %get3A_42] : memref<1x64xf32, #tpu.memory_space<vmem>>, vector<1x64xf32>
    %mul3A_44 = vector.broadcast %get3A_43 : vector<1x64xf32> to vector<10000x64xf32>
    %mul3A_45 = arith.mulf %div3A_40, %mul3A_44 : vector<10000x64xf32>
    %get3A_46 = arith.constant 0 : index
    %get3A_47 = arith.constant 0 : index
    %get3A_48 = vector.load %arg4[%get3A_46, %get3A_47] : memref<1x64xf32, #tpu.memory_space<vmem>>, vector<1x64xf32>
    %add3A_49 = vector.broadcast %get3A_48 : vector<1x64xf32> to vector<10000x64xf32>
    %add3A_50 = arith.addf %mul3A_45, %add3A_49 : vector<10000x64xf32>
    %max3A = arith.constant 0.000000e+00 : f32
    %max3A_51 = vector.broadcast %max3A : f32 to vector<10000x64xf32>
    %max3A_52 = arith.maximumf %add3A_50, %max3A_51 : vector<10000x64xf32>
    %get3A_53 = arith.constant 0 : index
    %get3A_54 = arith.constant 0 : index
    %get3A_55 = vector.load %arg5[%get3A_53, %get3A_54] : memref<10000x64xf32, #tpu.memory_space<vmem>>, vector<10000x64xf32>
    %add3A_56 = arith.addf %max3A_52, %get3A_55 : vector<10000x64xf32>
    %mul3A_57 = arith.mulf %add3A_56, %add3A_56 : vector<10000x64xf32>
    %reduce_sum3A_58 = arith.constant dense<0.000000e+00> : vector<10000xf32>
    %reduce_sum3A_59 = vector.multi_reduction <add>, %mul3A_57, %reduce_sum3A_58 [1] : vector<10000x64xf32> to vector<10000xf32>
    %broadcast_in_dim3A_60 = vector.shape_cast %reduce_sum3A_59 : vector<10000xf32> to vector<10000x1xf32>
    %sqrt3A_61 = math.sqrt %broadcast_in_dim3A_60 : vector<10000x1xf32>
    %max3A_62 = arith.constant 9.99999996E-13 : f32
    %max3A_63 = vector.broadcast %max3A_62 : f32 to vector<10000x1xf32>
    %max3A_64 = arith.maximumf %sqrt3A_61, %max3A_63 : vector<10000x1xf32>
    %div3A_65 = vector.broadcast %max3A_64 : vector<10000x1xf32> to vector<10000x64xf32>
    %div3A_66 = arith.divf %add3A_56, %div3A_65 : vector<10000x64xf32>
    %get3A_67 = arith.constant 0 : index
    %get3A_68 = arith.constant 0 : index
    %get3A_69 = vector.load %arg6[%get3A_67, %get3A_68] : memref<64x64xf32, #tpu.memory_space<vmem>>, vector<64x64xf32>
    %convert_element_type3A = arith.truncf %div3A_66 : vector<10000x64xf32> to vector<10000x64xbf16>
    %convert_element_type3A_70 = arith.truncf %get3A_69 : vector<64x64xf32> to vector<64x64xbf16>
    %dot_general3A_71 = arith.constant dense<0.000000e+00> : vector<10000x64xf32>
    %dot_general3A_72 = tpu.matmul %convert_element_type3A, %convert_element_type3A_70, %dot_general3A_71 {dimension_numbers = #tpu.dot_dimension_numbers<[1], [0], [0], [1], [0, 0, 1, 1], [], []>, transpose_lhs_hint = false} : vector<10000x64xbf16>, vector<64x64xbf16>, vector<10000x64xf32> -> vector<10000x64xf32>
    %get3A_73 = arith.constant 0 : index
    %get3A_74 = arith.constant 0 : index
    %get3A_75 = vector.load %arg7[%get3A_73, %get3A_74] : memref<1x64xf32, #tpu.memory_space<vmem>>, vector<1x64xf32>
    %add3A_76 = vector.broadcast %get3A_75 : vector<1x64xf32> to vector<10000x64xf32>
    %add3A_77 = arith.addf %dot_general3A_72, %add3A_76 : vector<10000x64xf32>
    %get3A_78 = arith.constant 0 : index
    %get3A_79 = arith.constant 0 : index
    %get3A_80 = vector.load %arg8[%get3A_78, %get3A_79] : memref<1x64xf32, #tpu.memory_space<vmem>>, vector<1x64xf32>
    %get3A_81 = arith.constant 0 : index
    %get3A_82 = arith.constant 0 : index
    %get3A_83 = vector.load %arg9[%get3A_81, %get3A_82] : memref<1x64xf32, #tpu.memory_space<vmem>>, vector<1x64xf32>
    %reduce_sum3A_84 = arith.constant dense<0.000000e+00> : vector<10000xf32>
    %reduce_sum3A_85 = vector.multi_reduction <add>, %add3A_77, %reduce_sum3A_84 [1] : vector<10000x64xf32> to vector<10000xf32>
    %broadcast_in_dim3A_86 = vector.shape_cast %reduce_sum3A_85 : vector<10000xf32> to vector<10000x1xf32>
    %div3A_87 = arith.constant 6.400000e+01 : f32
    %div3A_88 = vector.broadcast %div3A_87 : f32 to vector<10000x1xf32>
    %div3A_89 = arith.divf %broadcast_in_dim3A_86, %div3A_88 : vector<10000x1xf32>
    %sub3A_90 = vector.broadcast %div3A_89 : vector<10000x1xf32> to vector<10000x64xf32>
    %sub3A_91 = arith.subf %add3A_77, %sub3A_90 : vector<10000x64xf32>
    %mul3A_92 = arith.mulf %sub3A_91, %sub3A_91 : vector<10000x64xf32>
    %reduce_sum3A_93 = arith.constant dense<0.000000e+00> : vector<10000xf32>
    %reduce_sum3A_94 = vector.multi_reduction <add>, %mul3A_92, %reduce_sum3A_93 [1] : vector<10000x64xf32> to vector<10000xf32>
    %broadcast_in_dim3A_95 = vector.shape_cast %reduce_sum3A_94 : vector<10000xf32> to vector<10000x1xf32>
    %div3A_96 = arith.constant 6.400000e+01 : f32
    %div3A_97 = vector.broadcast %div3A_96 : f32 to vector<10000x1xf32>
    %div3A_98 = arith.divf %broadcast_in_dim3A_95, %div3A_97 : vector<10000x1xf32>
    %add3A_99 = arith.constant 9.99999974E-6 : f32
    %add3A_100 = vector.broadcast %add3A_99 : f32 to vector<10000x1xf32>
    %add3A_101 = arith.addf %div3A_98, %add3A_100 : vector<10000x1xf32>
    %sqrt3A_102 = math.sqrt %add3A_101 : vector<10000x1xf32>
    %div3A_103 = vector.broadcast %sqrt3A_102 : vector<10000x1xf32> to vector<10000x64xf32>
    %div3A_104 = arith.divf %sub3A_91, %div3A_103 : vector<10000x64xf32>
    %mul3A_105 = vector.broadcast %get3A_80 : vector<1x64xf32> to vector<10000x64xf32>
    %mul3A_106 = arith.mulf %div3A_104, %mul3A_105 : vector<10000x64xf32>
    %add3A_107 = vector.broadcast %get3A_83 : vector<1x64xf32> to vector<10000x64xf32>
    %add3A_108 = arith.addf %mul3A_106, %add3A_107 : vector<10000x64xf32>
    %max3A_109 = arith.constant 0.000000e+00 : f32
    %max3A_110 = vector.broadcast %max3A_109 : f32 to vector<10000x64xf32>
    %max3A_111 = arith.maximumf %add3A_108, %max3A_110 : vector<10000x64xf32>
    %get3A_112 = arith.constant 0 : index
    %get3A_113 = arith.constant 0 : index
    %get3A_114 = vector.load %arg10[%get3A_112, %get3A_113] : memref<64x1xf32, #tpu.memory_space<vmem>>, vector<64x1xf32>
    %convert_element_type3A_115 = arith.truncf %max3A_111 : vector<10000x64xf32> to vector<10000x64xbf16>
    %convert_element_type3A_116 = arith.truncf %get3A_114 : vector<64x1xf32> to vector<64x1xbf16>
    %dot_general3A_117 = arith.constant dense<0.000000e+00> : vector<10000x1xf32>
    %dot_general3A_118 = tpu.matmul %convert_element_type3A_115, %convert_element_type3A_116, %dot_general3A_117 {dimension_numbers = #tpu.dot_dimension_numbers<[1], [0], [0], [1], [0, 0, 1, 1], [], []>, transpose_lhs_hint = false} : vector<10000x64xbf16>, vector<64x1xbf16>, vector<10000x1xf32> -> vector<10000x1xf32>
    %get3A_119 = arith.constant 0 : index
    %get3A_120 = arith.constant 0 : index
    %get3A_121 = vector.load %arg11[%get3A_119, %get3A_120] : memref<1x1xf32, #tpu.memory_space<vmem>>, vector<1x1xf32>
    %add3A_122 = vector.broadcast %get3A_121 : vector<1x1xf32> to vector<10000x1xf32>
    %add3A_123 = arith.addf %dot_general3A_118, %add3A_122 : vector<10000x1xf32>
    %tanh3A = math.tanh %add3A_123 : vector<10000x1xf32>
    %mul3A_124 = arith.constant 3.14159274 : f32
    %mul3A_125 = vector.broadcast %mul3A_124 : f32 to vector<10000x1xf32>
    %mul3A_126 = arith.mulf %tanh3A, %mul3A_125 : vector<10000x1xf32>
    %get3A_127 = arith.constant 0 : index
    %get3A_128 = arith.constant 0 : index
    %get3A_129 = vector.load %arg12[%get3A_127, %get3A_128] : memref<64x32xf32, #tpu.memory_space<vmem>>, vector<64x32xf32>
    %convert_element_type3A_130 = arith.truncf %div3A_66 : vector<10000x64xf32> to vector<10000x64xbf16>
    %convert_element_type3A_131 = arith.truncf %get3A_129 : vector<64x32xf32> to vector<64x32xbf16>
    %dot_general3A_132 = arith.constant dense<0.000000e+00> : vector<10000x32xf32>
    %dot_general3A_133 = tpu.matmul %convert_element_type3A_130, %convert_element_type3A_131, %dot_general3A_132 {dimension_numbers = #tpu.dot_dimension_numbers<[1], [0], [0], [1], [0, 0, 1, 1], [], []>, transpose_lhs_hint = false} : vector<10000x64xbf16>, vector<64x32xbf16>, vector<10000x32xf32> -> vector<10000x32xf32>
    %get3A_134 = arith.constant 0 : index
    %get3A_135 = arith.constant 0 : index
    %get3A_136 = vector.load %arg13[%get3A_134, %get3A_135] : memref<1x32xf32, #tpu.memory_space<vmem>>, vector<1x32xf32>
    %add3A_137 = vector.broadcast %get3A_136 : vector<1x32xf32> to vector<10000x32xf32>
    %add3A_138 = arith.addf %dot_general3A_133, %add3A_137 : vector<10000x32xf32>
    %get3A_139 = arith.constant 0 : index
    %get3A_140 = arith.constant 0 : index
    %get3A_141 = vector.load %arg14[%get3A_139, %get3A_140] : memref<1x32xf32, #tpu.memory_space<vmem>>, vector<1x32xf32>
    %get3A_142 = arith.constant 0 : index
    %get3A_143 = arith.constant 0 : index
    %get3A_144 = vector.load %arg15[%get3A_142, %get3A_143] : memref<1x32xf32, #tpu.memory_space<vmem>>, vector<1x32xf32>
    %reduce_sum3A_145 = arith.constant dense<0.000000e+00> : vector<10000xf32>
    %reduce_sum3A_146 = vector.multi_reduction <add>, %add3A_138, %reduce_sum3A_145 [1] : vector<10000x32xf32> to vector<10000xf32>
    %broadcast_in_dim3A_147 = vector.shape_cast %reduce_sum3A_146 : vector<10000xf32> to vector<10000x1xf32>
    %div3A_148 = arith.constant 3.200000e+01 : f32
    %div3A_149 = vector.broadcast %div3A_148 : f32 to vector<10000x1xf32>
    %div3A_150 = arith.divf %broadcast_in_dim3A_147, %div3A_149 : vector<10000x1xf32>
    %sub3A_151 = vector.broadcast %div3A_150 : vector<10000x1xf32> to vector<10000x32xf32>
    %sub3A_152 = arith.subf %add3A_138, %sub3A_151 : vector<10000x32xf32>
    %mul3A_153 = arith.mulf %sub3A_152, %sub3A_152 : vector<10000x32xf32>
    %reduce_sum3A_154 = arith.constant dense<0.000000e+00> : vector<10000xf32>
    %reduce_sum3A_155 = vector.multi_reduction <add>, %mul3A_153, %reduce_sum3A_154 [1] : vector<10000x32xf32> to vector<10000xf32>
    %broadcast_in_dim3A_156 = vector.shape_cast %reduce_sum3A_155 : vector<10000xf32> to vector<10000x1xf32>
    %div3A_157 = arith.constant 3.200000e+01 : f32
    %div3A_158 = vector.broadcast %div3A_157 : f32 to vector<10000x1xf32>
    %div3A_159 = arith.divf %broadcast_in_dim3A_156, %div3A_158 : vector<10000x1xf32>
    %add3A_160 = arith.constant 9.99999974E-6 : f32
    %add3A_161 = vector.broadcast %add3A_160 : f32 to vector<10000x1xf32>
    %add3A_162 = arith.addf %div3A_159, %add3A_161 : vector<10000x1xf32>
    %sqrt3A_163 = math.sqrt %add3A_162 : vector<10000x1xf32>
    %div3A_164 = vector.broadcast %sqrt3A_163 : vector<10000x1xf32> to vector<10000x32xf32>
    %div3A_165 = arith.divf %sub3A_152, %div3A_164 : vector<10000x32xf32>
    %mul3A_166 = vector.broadcast %get3A_141 : vector<1x32xf32> to vector<10000x32xf32>
    %mul3A_167 = arith.mulf %div3A_165, %mul3A_166 : vector<10000x32xf32>
    %add3A_168 = vector.broadcast %get3A_144 : vector<1x32xf32> to vector<10000x32xf32>
    %add3A_169 = arith.addf %mul3A_167, %add3A_168 : vector<10000x32xf32>
    %max3A_170 = arith.constant 0.000000e+00 : f32
    %max3A_171 = vector.broadcast %max3A_170 : f32 to vector<10000x32xf32>
    %max3A_172 = arith.maximumf %add3A_169, %max3A_171 : vector<10000x32xf32>
    %get3A_173 = arith.constant 0 : index
    %get3A_174 = arith.constant 0 : index
    %get3A_175 = vector.load %arg16[%get3A_173, %get3A_174] : memref<32x1xf32, #tpu.memory_space<vmem>>, vector<32x1xf32>
    %convert_element_type3A_176 = arith.truncf %max3A_172 : vector<10000x32xf32> to vector<10000x32xbf16>
    %convert_element_type3A_177 = arith.truncf %get3A_175 : vector<32x1xf32> to vector<32x1xbf16>
    %dot_general3A_178 = arith.constant dense<0.000000e+00> : vector<10000x1xf32>
    %dot_general3A_179 = tpu.matmul %convert_element_type3A_176, %convert_element_type3A_177, %dot_general3A_178 {dimension_numbers = #tpu.dot_dimension_numbers<[1], [0], [0], [1], [0, 0, 1, 1], [], []>, transpose_lhs_hint = false} : vector<10000x32xbf16>, vector<32x1xbf16>, vector<10000x1xf32> -> vector<10000x1xf32>
    %get3A_180 = arith.constant 0 : index
    %get3A_181 = arith.constant 0 : index
    %get3A_182 = vector.load %arg17[%get3A_180, %get3A_181] : memref<1x1xf32, #tpu.memory_space<vmem>>, vector<1x1xf32>
    %add3A_183 = vector.broadcast %get3A_182 : vector<1x1xf32> to vector<10000x1xf32>
    %add3A_184 = arith.addf %dot_general3A_179, %add3A_183 : vector<10000x1xf32>
    %max3A_185 = arith.constant 0.000000e+00 : f32
    %max3A_186 = vector.broadcast %max3A_185 : f32 to vector<10000x1xf32>
    %max3A_187 = arith.maximumf %add3A_184, %max3A_186 : vector<10000x1xf32>
    %abs3A = math.absf %add3A_184 : vector<10000x1xf32>
    %neg3A = arith.constant 0.000000e+00 : f32
    %neg3A_188 = vector.broadcast %neg3A : f32 to vector<10000x1xf32>
    %neg3A_189 = arith.subf %neg3A_188, %abs3A : vector<10000x1xf32>
    %exp3A = math.exp %neg3A_189 : vector<10000x1xf32>
    %add3A_190 = arith.constant 1.000000e+00 : f32
    %add3A_191 = vector.broadcast %add3A_190 : f32 to vector<10000x1xf32>
    %add3A_192 = arith.addf %add3A_191, %exp3A : vector<10000x1xf32>
    %log3A = math.log %add3A_192 : vector<10000x1xf32>
    %add3A_193 = arith.addf %max3A_187, %log3A : vector<10000x1xf32>
    %tanh3A_194 = math.tanh %add3A_193 : vector<10000x1xf32>
    %mul3A_195 = arith.constant 1.000000e-01 : f32
    %mul3A_196 = vector.broadcast %mul3A_195 : f32 to vector<10000x1xf32>
    %mul3A_197 = arith.mulf %mul3A_196, %tanh3A_194 : vector<10000x1xf32>
    %add3A_198 = arith.constant 1.000000e+00 : f32
    %add3A_199 = vector.broadcast %add3A_198 : f32 to vector<10000x1xf32>
    %add3A_200 = arith.addf %add3A_199, %mul3A_197 : vector<10000x1xf32>
    %cos3A = math.cos %mul3A_126 : vector<10000x1xf32>
    %mul3A_201 = arith.mulf %add3A_200, %cos3A : vector<10000x1xf32>
    %sin3A = math.sin %mul3A_126 : vector<10000x1xf32>
    %mul3A_202 = arith.mulf %add3A_200, %sin3A : vector<10000x1xf32>
    %concatenate3A = tpu.concatenate %mul3A_201, %mul3A_202 in 1 : vector<10000x1xf32>, vector<10000x1xf32> -> vector<10000x2xf32>
    %reduce_sum3A_203 = arith.constant dense<0.000000e+00> : vector<2xf32>
    %reduce_sum3A_204 = vector.multi_reduction <add>, %concatenate3A, %reduce_sum3A_203 [0] : vector<10000x2xf32> to vector<2xf32>
    %broadcast_in_dim3A_205 = vector.shape_cast %reduce_sum3A_204 : vector<2xf32> to vector<1x2xf32>
    %div3A_206 = arith.constant 1.000000e+04 : f32
    %div3A_207 = vector.broadcast %div3A_206 : f32 to vector<1x2xf32>
    %div3A_208 = arith.divf %broadcast_in_dim3A_205, %div3A_207 : vector<1x2xf32>
    %sub3A_209 = vector.broadcast %div3A_208 : vector<1x2xf32> to vector<10000x2xf32>
    %sub3A_210 = arith.subf %concatenate3A, %sub3A_209 : vector<10000x2xf32>
    %mul3A_211 = arith.mulf %sub3A_210, %sub3A_210 : vector<10000x2xf32>
    %reduce_sum3A_212 = arith.constant dense<0.000000e+00> : vector<10000xf32>
    %reduce_sum3A_213 = vector.multi_reduction <add>, %mul3A_211, %reduce_sum3A_212 [1] : vector<10000x2xf32> to vector<10000xf32>
    %broadcast_in_dim3A_214 = vector.shape_cast %reduce_sum3A_213 : vector<10000xf32> to vector<10000x1xf32>
    %sqrt3A_215 = math.sqrt %broadcast_in_dim3A_214 : vector<10000x1xf32>
    %max3A_216 = arith.constant 9.99999996E-13 : f32
    %max3A_217 = vector.broadcast %max3A_216 : f32 to vector<10000x1xf32>
    %max3A_218 = arith.maximumf %sqrt3A_215, %max3A_217 : vector<10000x1xf32>
    %div3A_219 = vector.broadcast %max3A_218 : vector<10000x1xf32> to vector<10000x2xf32>
    %div3A_220 = arith.divf %sub3A_210, %div3A_219 : vector<10000x2xf32>
    %swap3A = arith.constant 0 : index
    %swap3A_221 = arith.constant 0 : index
    %swap3A_222 = vector.load %arg18[%swap3A, %swap3A_221] : memref<10000x2xf32, #tpu.memory_space<vmem>>, vector<10000x2xf32>
    tpu.vector_store %arg18[%swap3A, %swap3A_221], %div3A_220 {strides = array<i32>} : memref<10000x2xf32, #tpu.memory_space<vmem>>, vector<10000x2xf32>,
    return
  }
}

</mosaic_0001>

<sc_bundles>
// kernel: kernel.12.cloned.1.call-start
scs
__scs_entry_jumppad:
0x0: {  	(pc) =	sbr.rel $0x88, $3  }
0x1: {  	(tag) =	ssettag $0x0;
	lr =	simm.s32 $0x1  }
0x2: {  	[smem:$0x3F81] =	sst lr;
	_ =	strace $0xD0000000  }
0x3: {  	_ = 	snop  }
0x4: {  	_ = 	snop  }
0x5: {  	_ = 	snop  }
0x6: {  	_ = 	snop  }
0x7: {  	_ = 	snop  }
__scs_overlays_trampoline_lowered:
0x8: {  	[smem:$0x3F90] =	sst s0  }
0x9: {  	[smem:$0x3F91] =	sst s1  }
0xa: {  	[smem:$0x3F92] =	sst s2  }
0xb: {  	[smem:$0x3F93] =	sst s3  }
0xc: {  	[smem:$0x3F94] =	sst s4  }
0xd: {  	[smem:$0x3F95] =	sst s5  }
0xe: {  	[smem:$0x3F96] =	sst s6  }
0xf: {  	[smem:$0x3F97] =	sst s7  }
0x10: {  	[smem:$0x3F98] =	sst s8  }
0x11: {  	[smem:$0x3F99] =	sst s9;
	s0 =	simm.s32 @!p0 $0x0  }
0x12: {  	s1 =	sld [smem:$0x3F7F];
	s0 =	simm.s32 @p0 $0x1  }
0x13: {  	[smem:$0x3F9A] =	sst s0;
	s0 =	simm.s32 @!p1 $0x0  }
0x14: {  	s2 =	sld [smem:$0x3F7E];
	s0 =	simm.s32 @p1 $0x1  }
0x15: {  	[smem:$0x3F9B] =	sst s0;
	s0 =	simm.s32 @!p2 $0x0  }
0x16: {  	s3 =	sld [smem:$0x3FDB];
	s0 =	simm.s32 @p2 $0x1  }
0x17: {  	s4 =	simm.s32 $0x1BF5;
	[smem:$0x3F9D] =	sst s0  }
0x18: {  	s0 =	sld [smem:$0x3F80];
	_ =	swait.ge [sflag:s4], $0x0  }
0x19: {  	s7 =	sld [smem:$0x3F81]  }
0x1a: {  	s8 =	sadd.s32 $0xFFFFE003, lr  }
0x1b: {  	s9 =	sadd.s32 $0xFFFFFEF7, lr;
	s5 =	simm.s32 $0xFFFFFFFF;
	p2 =	slt.u32 s8, $0xFFFFF086  }
0x1c: {  	p1 =	slt.u32 s9, $0xF7A;
	s5 =	simm.s32 @!p2 $0x0  }
0x1d: {  	s5 =	simm.s32 @p1 $0x1;
	p0 =	seq.s32 s7, s2  }
0x1e: {  	s7 =	smul.u32 @!p0 $0xF7A, s2;
	p2 =	seq.s32 @!p0 s5, $0x0  }
0x1f: {  	s9 =	smul.u32 $0xF7A, s1;
	s8 =	simm.s32 @!p0 $0x1BF5;
	p2 =	por !p2, p0  }
0x20: {  	[sflag:s8] =	ssyncset.s32 @!p0 $0xFFFFF086;
	s6 =	sadd.s32 @!p0 s3, s7;
	s7 =	simm.s32 @!p0 $0x108  }
0x21: {  	s3 =	sadd.s32 s3, s9;
	s6 =	sadd.s32 @!p0 $0x88, s6;
	s7 =	simm.s32 @p2 $0x1082  }
0x22: {  	[simem:s7], [sflag:s8] =	dma.local @!p0 [hbm:s6], $0xF7A  }
0x23: {  	s9 =	sor.u32 $0xD0000000, s2;
	s6 =	simm.s32 $0x108;
	_ =	swait.ge @!p0 [sflag:s8], $0x0  }
0x24: {  	s3 =	sadd.s32 $0x88, s3;
	s6 =	simm.s32 @!p1 $0x1082;
	[sflag:s4] =	ssyncset.s32 $0xFFFFF086  }
0x25: {  	[simem:s6], [sflag:s4] =	dma.local [hbm:s3], $0xF7A  }
0x26: {  	[smem:$0x3F81] =	sst s1;
	(tag) =	ssettag s2;
	_ =	strace s9  }
0x27: {  	s1 =	sld [smem:$0x3F91]  }
0x28: {  	s2 =	sld [smem:$0x3F92]  }
0x29: {  	s4 =	sld [smem:$0x3F94]  }
0x2a: {  	p0 =	seq.s32 s5, $0x0;
	s5 =	sld [smem:$0x3F95]  }
0x2b: {  	s6 =	sld [smem:$0x3F96]  }
0x2c: {  	s7 =	sld [smem:$0x3F97]  }
0x2d: {  	s3 =	simm.s32 $0x108;
	s8 =	sld [smem:$0x3F98]  }
0x2e: {  	s3 =	simm.s32 @!p0 $0x1082;
	s9 =	sld [smem:$0x3F99]  }
0x2f: {  	lr =	sadd.s32 s0, s3;
	s0 =	sld [smem:$0x3F90]  }
0x30: {  	s3 =	sld [smem:$0x3F93]  }
0x31: {  	[smem:$0x3F9C] =	sst s10  }
0x32: {  	s10 =	sld [smem:$0x3F9A];
	_ =	sdelay $0x3  }
0x33: {  	p0 =	seq.s32 s10, $0x1;
	s10 =	sld [smem:$0x3F9C];
	_ =	sdelay $0x3  }
0x34: {  	[smem:$0x3F9C] =	sst s10  }
0x35: {  	s10 =	sld [smem:$0x3F9B];
	_ =	sdelay $0x3  }
0x36: {  	p1 =	seq.s32 s10, $0x1;
	s10 =	sld [smem:$0x3F9C];
	_ =	sdelay $0x3  }
0x37: {  	[smem:$0x3F9C] =	sst s10  }
0x38: {  	s10 =	sld [smem:$0x3F9D]  }
0x39: {  	_ = 	snop;
	(pc) =	sbr.ind lr, $3  }
0x3a: {  	_ = 	snop  }
0x3b: {  	_ = 	snop  }
0x3c: {  	p2 =	seq.s32 s10, $0x1;
	s10 =	sld [smem:$0x3F9C]  }
0x3d: {  	_ =	shalt  }
0x3e: {  	_ =	shalt  }
0x3f: {  	_ =	shalt  }
0x40: {  	_ =	shalt  }
0x41: {  	_ =	shalt  }
0x42: {  	_ =	shalt  }
0x43: {  	_ =	shalt  }
0x44: {  	_ =	shalt  }
0x45: {  	_ =	shalt  }
0x46: {  	_ =	shalt  }
0x47: {  	_ =	shalt  }
0x48: {  	_ =	shalt  }
0x49: {  	_ =	shalt  }
0x4a: {  	_ =	shalt  }
0x4b: {  	_ =	shalt  }
0x4c: {  	_ =	shalt  }
0x4d: {  	_ =	shalt  }
0x4e: {  	_ =	shalt  }
0x4f: {  	_ =	shalt  }
0x50: {  	_ =	shalt  }
0x51: {  	_ =	shalt  }
0x52: {  	_ =	shalt  }
0x53: {  	_ =	shalt  }
0x54: {  	_ =	shalt  }
0x55: {  	_ =	shalt  }
0x56: {  	_ =	shalt  }
0x57: {  	_ =	shalt  }
0x58: {  	_ =	shalt  }
0x59: {  	_ =	shalt  }
0x5a: {  	_ =	shalt  }
0x5b: {  	_ =	shalt  }
0x5c: {  	_ =	shalt  }
0x5d: {  	_ =	shalt  }
0x5e: {  	_ =	shalt  }
0x5f: {  	_ =	shalt  }
0x60: {  	_ =	shalt  }
0x61: {  	_ =	shalt  }
0x62: {  	_ =	shalt  }
0x63: {  	_ =	shalt  }
0x64: {  	_ =	shalt  }
0x65: {  	_ =	shalt  }
0x66: {  	_ =	shalt  }
0x67: {  	_ =	shalt  }
0x68: {  	_ =	shalt  }
0x69: {  	_ =	shalt  }
0x6a: {  	_ =	shalt  }
0x6b: {  	_ =	shalt  }
0x6c: {  	_ =	shalt  }
0x6d: {  	_ =	shalt  }
0x6e: {  	_ =	shalt  }
0x6f: {  	_ =	shalt  }
0x70: {  	_ =	shalt  }
0x71: {  	_ =	shalt  }
0x72: {  	_ =	shalt  }
0x73: {  	_ =	shalt  }
0x74: {  	_ =	shalt  }
0x75: {  	_ =	shalt  }
0x76: {  	_ =	shalt  }
0x77: {  	_ =	shalt  }
0x78: {  	_ =	shalt  }
0x79: {  	_ =	shalt  }
0x7a: {  	_ =	shalt  }
0x7b: {  	_ =	shalt  }
0x7c: {  	_ =	shalt  }
0x7d: {  	_ =	shalt  }
0x7e: {  	_ =	shalt  }
0x7f: {  	_ =	shalt  }
0x80: {  	_ =	shalt  }
0x81: {  	_ =	shalt  }
0x82: {  	_ =	shalt  }
0x83: {  	_ =	shalt  }
0x84: {  	_ =	shalt  }
0x85: {  	_ =	shalt  }
0x86: {  	_ =	shalt  }
0x87: {  	_ =	shalt  }
.Lfunc_end0:
.L_simem_size_0:
called_computation.1_lowered:
.L_overlay_start_0:
0x88: {  	s2 =	sld [smem:$0x3FD9]  }
0x89: {  	s3 =	sld [smem:$0x3FFE];
	_ =	sdelay $0x1  }
0x8a: {  	s1 =	srdreg.scid  }
0x8b: {  	s0 =	sand.u32 $0x1, s1  }
0x8c: {  	s16 =	sshll.u32 s0, $0xA;
	s2 =	sadd.s32 s3, s2  }
0x8d: {  	s2 =	sadd.s32 s2, s16  }
0x8e: {  	[smem:$0x3FA8] =	sst s2  }
0x8f: {  	_ = 	snop  }
0x90: {  	(tm) =	ssettm $0x1  }
0x91: {  	s17 =	sld [smem:$0x3FFB];
	_ =	sdelay $0x3  }
0x92: {  	_ =	strace s17  }
0x93: {  	s2 =	sld [smem:$0x3FFC];
	_ =	sdelay $0x3  }
0x94: {  	_ =	strace s2  }
0x95: {  	s2 =	sld [smem:$0x3FFD];
	_ =	sdelay $0x3  }
0x96: {  	_ =	strace s2  }
0x97: {  	_ =	strace $0x8FFFFFFF  }
0x98: {  	s18 =	sld [smem:$0x3FDB];
	_ =	sdelay $0x1  }
0x99: {  	s19 =	simm.s32 $_scs_section_size  }
0x9a: {  	s4 =	simm.s32 $_size__tile_overlayer_lowered;
	s5 =	simm.s32 $_tile_overlayer_lowered  }
0x9b: {  	s22 =	simm.s32 $0x1BFF;
	s21 =	sshll.u32 s5, $0x1;
	s2 =	sadd.s32 s19, s18  }
0x9c: {  	s6 =	simm.s32 $0x0;
	s20 =	sshll.u32 s4, $0x1;
	s4 =	sadd.s32 s21, s2  }
0x9d: {  	[timem:s6], [sflag:s22] =	dma.local [hbm:s4], s20  }
0x9e: {  	_ =	swait.ge [sflag:s22], s20  }
0x9f: {  	s3 =	ssub.s32 $0x0, s20;
	[sflag:s22] =	ssyncset.done $0x0  }
0xa0: {  	[sflag:s22] =	ssyncadd.s32 s3;
	_ =	sdelay $0x1  }
0xa1: {  	s23 =	simm.s32 $0x1B8B  }
0xa2: {  	_ =	swait.ge [sflag:s23], $0x1  }
0xa3: {  	[sflag:s23] =	ssyncset.done $0x0  }
0xa4: {  	s25 =	simm.s32 $0x1B8E;
	s24 =	sld [smem:$0x3FFE];
	[sflag:s23] =	ssyncadd.s32 $0xFFFFFFFF  }
0xa5: {  	s26 =	simm.s32 $execute0_lowered;
	[smem:$0x3FD2] =	sst s25  }
0xa6: {  	s4 =	sshll.u32 s26, $0x1;
	_ =	strace $0x80000049;
	[dreg:$0x1] =	wrdreg $0xFFFFFFFF  }
0xa7: {  	s28 =	simm.s32 $_size_execute0_lowered;
	s2 =	sadd.s32 s2, s4;
	[dreg:$0x0] =	wrdreg $0x0  }
0xa8: {  	s4 =	sshll.u32 s28, $0x1;
	[dreg:$0x2] =	wrdreg s2  }
0xa9: {  	[dreg:$0x3] =	wrdreg s4  }
0xaa: {  	[dreg:$0x4] =	wrdreg $0xC0  }
0xab: {  	_ =	task [dreg:s6], $0x5FFFF  }
0xac: {  	[dreg:$0x1] =	wrdreg $0xFFFFFFFF  }
0xad: {  	[dreg:$0x0] =	wrdreg $0x60  }
0xae: {  	[dreg:$0x2] =	wrdreg s24  }
0xaf: {  	[dreg:$0x3] =	wrdreg $0xFBE00  }
0xb0: {  	[dreg:$0x4] =	wrdreg $0x9  }
0xb1: {  	_ =	task.clear_ibuf [dreg:s6], $0x5FFFF;
	_ =	strace $0x90000049  }
0xb2: {  	s29 =	simm.s32 $0x9;
	_ =	strace $0x8000004B  }
0xb3: {  	_ =	swait.ge [sflag:s29], $0x1  }
0xb4: {  	[sflag:s29] =	ssyncadd.s32 $0xFFFFFFFF  }
0xb5: {  	_ =	strace $0x9000004B  }
0xb6: {  	_ =	sfence  }
0xb7: {  	s30 =	sld [smem:$0x0];
	_ =	sdelay $0x2  }
0xb8: {  	s31 =	sshll.u32 s1, $0xD;
	s1 =	sshrl.u32 s1, $0x2  }
0xb9: {  	s3 =	sand.u32 $0x4000, s31;
	s1 =	sadd.s32 s1, s30  }
0xba: {  	s0 =	sor.u32 s3, s0;
	s1 =	sshll.u32 s1, $0x11  }
0xbb: {  	s0 =	sor.u32 s1, s0  }
0xbc: {  	s0 =	sadd.s32 $0x8F2B, s0  }
0xbd: {  	[sflag:s0] =	ssyncadd.remote.s32 $0x1  }
0xbe: {  	_ =	sfence.sel $0xFFFF  }
0xbf: {  	[dreg:$0x0] =	wrdreg $0xFFFFFFFF;
	(pc) =	sbr.abs _section_cstart, $3  }
0xc0: {  	[dreg:$0x1] =	wrdreg $0xFFFFFFFF  }
0xc1: {  	_ =	task.clear_ibuf [dreg:s6], $0x2FFFF;
	_ =	strace $0x9FFFFFFF  }
0xc2: {  	(tm) =	ssettm $0x7FFFFFFF  }
0xc3: {  	_ =	shalt  }
tec
execute0_lowered:
.L_overlay_start_1:
0x0: {  	(tag) =	ssettag $0x1  }
0x1: {  	s0 =	rddreg [dreg:$0x0];
	s2 =	srdreg.scid  }
0x2: {  	s7 =	stileid.u32;
	s1 =	rddreg [dreg:$0x1];
	s4 =	simm.s32 $0x0  }
0x3: {  	s13 =	simm.s32 $0x7;
	s16 =	simm.s32 $0x7D;
	s19 =	simm.s32 $0xA5F0  }
0x4: {  	s20 =	simm.s32 $0xCD00;
	s21 =	simm.s32 $0x1;
	s22 =	simm.s32 $0x2  }
0x5: {  	s23 =	simm.s32 $0x7EE0;
	s24 =	simm.s32 $0x4;
	s25 =	simm.s32 $0x5  }
0x6: {  	s26 =	simm.s32 $0xD4D0;
	s30 =	simm.s32 $0x0;
	s2 =	sand.u32 $0x1, s2  }
0x7: {  	s3 =	sshll.u32 s7, $0x1;
	[smem:$0x7FF] =	sst s4;
	s4 =	sadd.s32 $0x3200, s0  }
0x8: {  	s9 =	smul.u32 $0xC300, s7;
	s28 =	sshll.u32 s7, $0x6;
	s14 =	sadd.s32 $0xC3000, s1  }
0x9: {  	s3 =	sor.u32 s2, s3;
	s6 =	ssub.s32 $0x2, s2;
	s2 =	smul.u32 $0xC3500, s2  }
0xa: {  	p0 =	sne.s32 s7, $0x0;
	_ =	strace $0x8000004A;
	s5 =	smul.u32 $0x500, s3  }
0xb: {  	s3 =	sadd.s32 $0x44E00, s0;
	s10 =	sshrl.u32 s6, $0x1;
	s11 =	sadd.s32 s9, s1  }
0xc: {  	s10 =	ssub.s32 s6, s10;
	s9 =	sadd.s32 s9, s2;
	s2 =	sshrl.u32 s2, $0x3  }
0xd: {  	s8 =	sadd.s32 s5, s0;
	s5 =	sadd.s32 $0x1C200, s0;
	s31 =	smax.u32 s10, $0x1  }
0xe: {  	s0 =	sadd.s32 $0x5D600, s0;
	s12 =	sadd.s32 $0x12200, s8;
	[dreg:$0x7] =	wrdreg s31  }
0xf: {  	s9 =	sshrl.u32 s9, $0x3;
	s8 =	sadd.s32 $0x8200, s8;
	[dreg:$0x3] =	wrdreg s12  }
0x10: {  	v0 =	vlaneseq.u32;
	s29 =	sadd.s32 s0, s9;
	s0 =	sadd.s32 s0, s2;
	[dreg:$0x4] =	wrdreg s8  }
0x11: {  	v0 =	vshrl.u32 v0, $0x3;
	s14 =	sshrl.u32 @!p0 s14, $0x3;
	[dreg:$0x5] =	wrdreg s29;
	s0 =	sadd.s32 $0x18600, s0  }
0x12: {  	v1 =	vor.u32 $0x2, v0;
	v2 =	vor.u32 $0x4, v0;
	v3 =	vor.u32 $0x6, v0;
	s6 =	sor.u32 $0x1C07, s28;
	s12 =	sshrl.u32 s11, $0x3;
	[dreg:$0x6] =	wrdreg s0  }
.LBB2_1:
0x13: {  	[spmem:s12], [sflag:s6] =	dma.local [hbm:s5], $0x1860  }
0x14: {  	_ =	swait.ge [sflag:s13], $0x1860  }
0x15: {  	[sflag:s13] =	ssyncset.done $0x0  }
0x16: {  	s0 =	simm.s32 @!p0 $0x7;
	[sflag:s13] =	ssyncadd.s32 $0xFFFFE7A0  }
0x17: {  	[spmem:s14], [sflag:s6] =	dma.local @!p0 [hbm:s5], $0xA0  }
0x18: {  	_ =	swait.ge @!p0 [sflag:s0], $0xA0  }
0x19: {  	[sflag:s0] =	ssyncset.done @!p0 $0x0  }
0x1a: {  	[sflag:s0] =	ssyncadd.s32 @!p0 $0xFFFFFF60  }
0x1b: {  	[bflag:$0x0] =	sbarrier.arrive $0xFFFF  }
0x1c: {  	s17 =	simm.s32 $0x0;
	s2 =	rddreg [dreg:$0x3]  }
0x1d: {  	[tilespmem:s17], [sflag:$0x7] =	stream.linear.gather [hbm4b:s2+s17], $0x2800, $0x38;
	[tilespmem:$0x1BF30] =	vst v63  }
0x1e: {  	_ =	swait.ge [sflag:s13], $0x2800  }
0x1f: {  	[sflag:s13] =	ssyncset.done $0x0  }
0x20: {  	s7 =	simm.s32 $0x2800;
	s18 =	rddreg [dreg:$0x4];
	[sflag:s13] =	ssyncadd.s32 $0xFFFFD800  }
0x21: {  	[tilespmem:s7], [sflag:$0x7] =	stream.linear.gather [hbm4b:s18+s17], $0x2800, $0x38;
	[tilespmem:$0x1BF30] =	vst v63  }
0x22: {  	_ =	swait.ge [sflag:s13], $0x2800  }
0x23: {  	[sflag:s13] =	ssyncset.done $0x0  }
0x24: {  	s28 =	simm.s32 $0x5000;
	[sflag:s13] =	ssyncadd.s32 $0xFFFFD800  }
0x25: {  	[tilespmem:s28], [sflag:$0x1] =	stream.indirect.gather [hbm4b:s3+s16], $0x50, s17, s16, $0xb8;
	[tilespmem:$0x1BF30] =	vst v63  }
0x26: {  	s29 =	simm.s32 $0x7710;
	s31 =	simm.s32 $0x0  }
0x27: {  	[tilespmem:s29], [sflag:$0x2] =	stream.indirect.gather [hbm4b:s4+s16], $0x10, s7, s16, $0xb8;
	[tilespmem:$0x1BF30] =	vst v63  }
.LBB2_2:
0x28: {  	s17 =	sshll.u32 s31, $0x8  }
0x29: {  	s0 =	sor.u32 $0x80, s17  }
0x2a: {  	[tilespmem:s19], [sflag:$0x4] =	stream.indirect.gather [hbm4b:s3+s16], $0x50, s0, s16, $0xb8;
	[tilespmem:$0x1BF30] =	vst v63  }
0x2b: {  	s0 =	sadd.s32 $0x2880, s17  }
0x2c: {  	[tilespmem:s20], [sflag:$0x5] =	stream.indirect.gather [hbm4b:s4+s16], $0x10, s0, s16, $0xb8;
	[tilespmem:$0x1BF30] =	vst v63  }
0x2d: {  	_ =	swait.ge [sflag:s21], $0x2710  }
0x2e: {  	[sflag:s21] =	ssyncset.done $0x0  }
0x2f: {  	[sflag:s21] =	ssyncadd.s32 $0xFFFFD8F0  }
0x30: {  	_ =	swait.ge [sflag:s22], $0x7D0  }
0x31: {  	p1 =	seq.s32 s31, $0x0;
	[sflag:s22] =	ssyncset.done $0x0  }
0x32: {  	s2 =	simm.s32 @!p1 $0x3;
	[sflag:s22] =	ssyncadd.s32 $0xFFFFF830  }
0x33: {  	_ =	swait.ge @!p1 [sflag:s2], $0x2710  }
0x34: {  	[sflag:s2] =	ssyncset.done @!p1 $0x0  }
0x35: {  	s10 =	simm.s32 $0x50A0;
	[sflag:s2] =	ssyncadd.s32 @!p1 $0xFFFFD8F0  }
0x36: {  	s8 =	simm.s32 $0x7730;
	v4 =	vld [tilespmem:s10+$0x90]  }
0x37: {  	v5 =	vld [tilespmem:s8+$0x10];
	_ =	sdelay $0x4  }
0x38: {  	v6 =	vld [tilespmem:s8+$0xFFFFFFE0];
	v4 =	vadd.f32 v5, v4  }
0x39: {  	v7 =	vld [tilespmem:s8+$0xFFFFFFF0]  }
0x3a: {  	v9 =	vld [tilespmem:s10+$0x40];
	v8 =	vmul.f32 $2.000000030e-01, v4  }
0x3b: {  	v5 =	vld [tilespmem:s10+$0xFFFFFFF0]  }
0x3c: {  	v10 =	vld [tilespmem:s8+$0x0];
	v4 =	vmax.f32 v4, v8  }
0x3d: {  	v8 =	vld [tilespmem:s10+$0xFFFFFFA0];
	v4 =	vmul.f32 $1.442695020e+00, v4;
	_ =	sdelay $0x1  }
0x3e: {  	(erf) = vpow2.f32 v4  }
0x3f: {  	v4 =	vadd.f32 v7, v5  }
0x40: {  	v5 =	vadd.f32 v10, v9  }
0x41: {  	v7 =	vmul.f32 $2.000000030e-01, v4;
	v6 =	vadd.f32 v6, v8  }
0x42: {  	v8 =	vmul.f32 $2.000000030e-01, v5  }
0x43: {  	v4 =	vmax.f32 v4, v7;
	v7 =	vmul.f32 $2.000000030e-01, v6  }
0x44: {  	v5 =	vmax.f32 v5, v8;
	v4 =	vmul.f32 $1.442695020e+00, v4  }
0x45: {  	v5 =	vmul.f32 $1.442695020e+00, v5;
	v6 =	vmax.f32 v6, v7  }
0x46: {  	s18 =	simm.s32 $0x51E0;
	v6 =	vmul.f32 $1.442695020e+00, v6;
	(erf) = vpow2.f32 v4  }
0x47: {  	s15 =	simm.s32 $0x7F80;
	s9 =	simm.s32 $0x7770;
	v4 =	vld [tilespmem:s18+$0x90];
	(erf) = vpow2.f32 v5;
	v7 =	vpop (erf)  }
0x48: {  	v5 =	vld [tilespmem:s9+$0x10];
	(erf) = vpow2.f32 v6;
	[tilespmem:s15+$0x90] =	vst v7  }
0x49: {  	v6 =	vld [tilespmem:s10+$0x50];
	_ =	sdelay $0x2  }
0x4a: {  	v11 =	vld [tilespmem:s9+$0xFFFFFFF0];
	v9 =	vperm.xlane v7, v0  }
0x4b: {  	v13 =	vld [tilespmem:s9+$0x0]  }
0x4c: {  	v16 =	vld [tilespmem:s18+$0xFFFFFFA0];
	v4 =	vadd.f32 v5, v4;
	v6 =	vmul.f32 v6, v9  }
0x4d: {  	v10 =	vld [tilespmem:s18+$0xFFFFFFF0];
	v5 =	vpop (erf)  }
0x4e: {  	v8 =	vld [tilespmem:s9+$0xFFFFFFE0];
	v12 =	vpop (erf);
	[tilespmem:s15+$0x50] =	vst v6;
	v6 =	vmul.f32 $2.000000030e-01, v4  }
0x4f: {  	v9 =	vld [tilespmem:s18+$0x40];
	v14 =	vpop (erf)  }
0x50: {  	v15 =	vld [tilespmem:s10+$0x60];
	[tilespmem:s15+$0xFFFFFFA0] =	vst v14;
	v4 =	vmax.f32 v4, v6  }
0x51: {  	v6 =	vld [tilespmem:s10+$0xFFFFFF60];
	v4 =	vmul.f32 $1.442695020e+00, v4  }
0x52: {  	v18 =	vperm.xlane v7, v1;
	[tilespmem:s15+$0xFFFFFFF0] =	vst v5  }
0x53: {  	v19 =	vperm.xlane v5, v0;
	[tilespmem:s15+$0x40] =	vst v12;
	v17 =	vld [tilespmem:s10+$0xFFFFFFB0];
	(erf) = vpow2.f32 v4  }
0x54: {  	v10 =	vadd.f32 v11, v10;
	v22 =	vperm.xlane v5, v2;
	v11 =	vld [tilespmem:s10+$0x0];
	v4 =	vperm.xlane v14, v0  }
0x55: {  	s11 =	simm.s32 $0x77B0;
	v23 =	vperm.xlane v12, v2;
	v9 =	vadd.f32 v13, v9;
	v13 =	vmul.f32 v15, v18  }
0x56: {  	s8 =	simm.s32 $0x5320;
	v24 =	vld [tilespmem:s11+$0xFFFFFFE0];
	v8 =	vadd.f32 v8, v16;
	v18 =	vmul.f32 $2.000000030e-01, v10;
	v4 =	vmul.f32 v6, v4  }
0x57: {  	v27 =	vld [tilespmem:s8+$0xFFFFFFA0];
	v16 =	vmul.f32 $2.000000030e-01, v9;
	v15 =	vperm.xlane v12, v0;
	[tilespmem:s15+$0x60] =	vst v13  }
0x58: {  	v6 =	vmax.f32 v10, v18;
	v10 =	vmul.f32 $2.000000030e-01, v8;
	v13 =	vmul.f32 v17, v19;
	v17 =	vld [tilespmem:s10+$0x70];
	[tilespmem:s15+$0xFFFFFF60] =	vst v4  }
0x59: {  	v9 =	vmax.f32 v9, v16;
	v6 =	vmul.f32 $1.442695020e+00, v6;
	v4 =	vmul.f32 v11, v15;
	v11 =	vld [tilespmem:s10+$0xFFFFFF70]  }
0x5a: {  	v20 =	vperm.xlane v14, v2;
	v9 =	vmul.f32 $1.442695020e+00, v9;
	[tilespmem:s15+$0xFFFFFFB0] =	vst v13;
	v8 =	vmax.f32 v8, v10;
	v10 =	vld [tilespmem:s8+$0x90]  }
0x5b: {  	(erf) = vpow2.f32 v6;
	v6 =	vld [tilespmem:s10+$0xFFFFFFC0];
	[tilespmem:s15+$0x0] =	vst v4;
	v8 =	vmul.f32 $1.442695020e+00, v8  }
0x5c: {  	s7 =	simm.s32 $0x80C0;
	v4 =	vperm.xlane v7, v2;
	(erf) = vpow2.f32 v9;
	v9 =	vld [tilespmem:s10+$0x10];
	v13 =	vpop (erf)  }
0x5d: {  	v15 =	vperm.xlane v14, v1;
	(erf) = vpow2.f32 v8;
	v8 =	vld [tilespmem:s11+$0x10];
	[tilespmem:s7+$0x90] =	vst v13  }
0x5e: {  	v16 =	vperm.xlane v5, v1;
	v4 =	vmul.f32 v17, v4;
	v17 =	vld [tilespmem:s18+$0x50]  }
0x5f: {  	v25 =	vld [tilespmem:s11+$0xFFFFFFF0];
	v24 =	vadd.f32 v24, v27;
	s9 =	simm.s32 $0x5460;
	v18 =	vperm.xlane v12, v1;
	v11 =	vmul.f32 v11, v15  }
0x60: {  	v38 =	vld [tilespmem:s9+$0xFFFFFFA0];
	v19 =	vperm.xlane v14, v3;
	[tilespmem:s15+$0x70] =	vst v4;
	v4 =	vperm.xlane v12, v3  }
0x61: {  	v14 =	vld [tilespmem:s8+$0xFFFFFFF0];
	v12 =	vperm.xlane v13, v0;
	[tilespmem:s15+$0xFFFFFF70] =	vst v11;
	v11 =	vmul.f32 $2.000000030e-01, v24  }
0x62: {  	v6 =	vmul.f32 v6, v16;
	v16 =	vld [tilespmem:s8+$0x40];
	v9 =	vmul.f32 v9, v18  }
0x63: {  	v21 =	vld [tilespmem:s10+$0x80];
	v8 =	vadd.f32 v8, v10;
	v11 =	vmax.f32 v24, v11;
	v12 =	vmul.f32 v17, v12  }
0x64: {  	v5 =	vperm.xlane v5, v3;
	[tilespmem:s15+$0x10] =	vst v9;
	v15 =	vpop (erf);
	v9 =	vmul.f32 $1.442695020e+00, v11;
	v17 =	vld [tilespmem:s11+$0x0]  }
0x65: {  	v7 =	vperm.xlane v7, v3;
	v11 =	vld [tilespmem:s10+$0x20];
	v18 =	vpop (erf);
	s11 =	simm.s32 $0x77F0;
	[tilespmem:s7+$0x50] =	vst v12;
	v12 =	vmul.f32 $2.000000030e-01, v8  }
0x66: {  	v14 =	vadd.f32 v25, v14;
	v27 =	vperm.xlane v13, v1;
	v10 =	vperm.xlane v15, v0;
	v37 =	vld [tilespmem:s11+$0x0];
	v28 =	vpop (erf)  }
0x67: {  	v25 =	vperm.xlane v15, v1;
	v26 =	vperm.xlane v18, v0;
	[tilespmem:s7+$0xFFFFFFA0] =	vst v28;
	v31 =	vld [tilespmem:s18+$0x60];
	v8 =	vmax.f32 v8, v12  }
0x68: {  	[tilespmem:s7+$0xFFFFFFF0] =	vst v15;
	v21 =	vmul.f32 v21, v7;
	v7 =	vld [tilespmem:s18+$0xFFFFFF60];
	v8 =	vmul.f32 $1.442695020e+00, v8  }
0x69: {  	[tilespmem:s7+$0x40] =	vst v18;
	v57 =	vperm.xlane v18, v2;
	v12 =	vld [tilespmem:s18+$0xFFFFFFB0];
	v16 =	vadd.f32 v17, v16;
	v17 =	vmul.f32 $2.000000030e-01, v14  }
0x6a: {  	v32 =	vld [tilespmem:s18+$0x0];
	v29 =	vperm.xlane v28, v0;
	(erf) = vpow2.f32 v8  }
0x6b: {  	v30 =	vperm.xlane v28, v1;
	v33 =	vmul.f32 $2.000000030e-01, v16;
	v8 =	vmax.f32 v14, v17;
	v17 =	vld [tilespmem:s10+$0xFFFFFF80]  }
0x6c: {  	[tilespmem:s15+$0x80] =	vst v21;
	v21 =	vld [tilespmem:s9+$0x40];
	v23 =	vmul.f32 v11, v23;
	v14 =	vmul.f32 v31, v27  }
0x6d: {  	[tilespmem:s15+$0xFFFFFFC0] =	vst v6;
	v6 =	vmul.f32 $1.442695020e+00, v8;
	v27 =	vld [tilespmem:s9+$0x90];
	v8 =	vmax.f32 v16, v33;
	v7 =	vmul.f32 v7, v29  }
0x6e: {  	v16 =	vld [tilespmem:s10+$0xFFFFFFD0];
	v10 =	vmul.f32 v12, v10;
	v8 =	vmul.f32 $1.442695020e+00, v8;
	[tilespmem:s7+$0x60] =	vst v14  }
0x6f: {  	(erf) = vpow2.f32 v6;
	v6 =	vld [tilespmem:s18+$0x70];
	[tilespmem:s7+$0xFFFFFF60] =	vst v7;
	v7 =	vmul.f32 v32, v26  }
0x70: {  	[tilespmem:s7+$0xFFFFFFB0] =	vst v10;
	(erf) = vpow2.f32 v8;
	v24 =	vld [tilespmem:s18+$0xFFFFFF70];
	v17 =	vmul.f32 v17, v20  }
0x71: {  	v31 =	vperm.xlane v15, v2;
	(erf) = vpow2.f32 v9;
	v9 =	vld [tilespmem:s18+$0xFFFFFFC0];
	[tilespmem:s7+$0x0] =	vst v7  }
0x72: {  	v14 =	vperm.xlane v18, v1;
	v7 =	vperm.xlane v13, v2;
	v10 =	vld [tilespmem:s18+$0x10];
	[tilespmem:s15+$0xFFFFFF80] =	vst v17  }
0x73: {  	s2 =	simm.s32 $0x8200;
	v26 =	vperm.xlane v28, v2;
	v8 =	vperm.xlane v28, v3;
	v63 =	vld [tilespmem:s10+$0xFFFFFF90];
	v12 =	vpop (erf)  }
0x74: {  	v28 =	vmul.f32 v6, v7;
	v7 =	vperm.xlane v15, v3;
	v15 =	vld [tilespmem:s11+$0x10];
	[tilespmem:s2+$0x90] =	vst v12  }
0x75: {  	v13 =	vperm.xlane v13, v3;
	v20 =	vmul.f32 v16, v22;
	v16 =	vld [tilespmem:s8+$0x50]  }
0x76: {  	v22 =	vmul.f32 v24, v30;
	v24 =	vmul.f32 v9, v25;
	v25 =	vld [tilespmem:s11+$0xFFFFFFE0]  }
0x77: {  	v6 =	vperm.xlane v18, v3;
	[tilespmem:s7+$0x70] =	vst v28;
	v9 =	vld [tilespmem:s9+$0xFFFFFFF0];
	v29 =	vmul.f32 v10, v14  }
0x78: {  	v21 =	vadd.f32 v37, v21;
	v11 =	vld [tilespmem:s18+$0x80];
	v10 =	vperm.xlane v12, v0;
	v28 =	vpop (erf);
	v19 =	vmul.f32 v63, v19  }
0x79: {  	v14 =	vld [tilespmem:s11+$0xFFFFFFF0];
	v30 =	vperm.xlane v28, v0;
	v58 =	vpop (erf);
	v18 =	vperm.xlane v28, v1  }
0x7a: {  	[tilespmem:s7+$0x10] =	vst v29;
	v29 =	vmul.f32 $2.000000030e-01, v21;
	v34 =	vperm.xlane v58, v0;
	v35 =	vpop (erf)  }
0x7b: {  	v15 =	vadd.f32 v15, v27;
	v36 =	vperm.xlane v35, v0;
	v10 =	vmul.f32 v16, v10  }
0x7c: {  	[tilespmem:s7+$0xFFFFFFC0] =	vst v24;
	v17 =	vperm.xlane v35, v1;
	v16 =	vperm.xlane v58, v1  }
0x7d: {  	v27 =	vmul.f32 v11, v13;
	v13 =	vmul.f32 $2.000000030e-01, v15;
	[tilespmem:s2+$0x50] =	vst v10  }
0x7e: {  	[tilespmem:s2+$0xFFFFFFA0] =	vst v35;
	v24 =	vadd.f32 v25, v38;
	v25 =	vperm.xlane v12, v1;
	v40 =	vadd.f32 v14, v9;
	v41 =	vld [tilespmem:s8+$0x60]  }
0x7f: {  	[tilespmem:s2+$0xFFFFFFF0] =	vst v28;
	v39 =	vld [tilespmem:s8+$0xFFFFFF60];
	v11 =	vperm.xlane v28, v2;
	v9 =	vperm.xlane v58, v2;
	v15 =	vmax.f32 v15, v13  }
0x80: {  	[tilespmem:s7+$0xFFFFFF70] =	vst v22;
	v59 =	vld [tilespmem:s8+$0xFFFFFFB0];
	v13 =	vperm.xlane v28, v3;
	v28 =	vmul.f32 $1.442695020e+00, v15  }
0x81: {  	v61 =	vld [tilespmem:s18+$0xFFFFFF80];
	[tilespmem:s2+$0x40] =	vst v58;
	v21 =	vmax.f32 v21, v29;
	v14 =	vperm.xlane v35, v3;
	v22 =	vmul.f32 $2.000000030e-01, v40  }
0x82: {  	v60 =	vld [tilespmem:s8+$0x0];
	v21 =	vmul.f32 $1.442695020e+00, v21;
	(erf) = vpow2.f32 v28  }
0x83: {  	[tilespmem:s15+$0xFFFFFFD0] =	vst v20;
	v62 =	vld [tilespmem:s18+$0x20];
	v20 =	vmax.f32 v40, v22;
	v22 =	vmul.f32 $2.000000030e-01, v24;
	v25 =	vmul.f32 v41, v25  }
0x84: {  	[tilespmem:s7+$0x80] =	vst v27;
	v28 =	vld [tilespmem:s18+$0xFFFFFFD0];
	v20 =	vmul.f32 $1.442695020e+00, v20;
	v27 =	vmul.f32 v39, v36  }
0x85: {  	v10 =	vperm.xlane v35, v2;
	v29 =	vmul.f32 v59, v30;
	v24 =	vmax.f32 v24, v22;
	v22 =	vld [tilespmem:s10+$0xFFFFFFE0];
	[tilespmem:s2+$0x60] =	vst v25  }
0x86: {  	(erf) = vpow2.f32 v20;
	[tilespmem:s2+$0xFFFFFF60] =	vst v27;
	v25 =	vmul.f32 $1.442695020e+00, v24;
	v27 =	vld [tilespmem:s8+$0x70]  }
0x87: {  	[tilespmem:s2+$0xFFFFFFB0] =	vst v29;
	v20 =	vmul.f32 v60, v34;
	(erf) = vpow2.f32 v21;
	v24 =	vld [tilespmem:s8+$0xFFFFFF70]  }
0x88: {  	[tilespmem:s15+$0x20] =	vst v23;
	v21 =	vmul.f32 v61, v26;
	(erf) = vpow2.f32 v25;
	v25 =	vld [tilespmem:s8+$0xFFFFFFC0]  }
0x89: {  	v23 =	vld [tilespmem:s10+$0x30];
	v29 =	vperm.xlane v12, v2;
	[tilespmem:s2+$0x0] =	vst v20;
	v28 =	vmul.f32 v28, v31  }
0x8a: {  	s28 =	simm.s32 $0xC;
	s29 =	simm.s32 $0x55A0;
	v15 =	vperm.xlane v58, v3;
	s10 =	simm.s32 $0x8200;
	v26 =	vld [tilespmem:s8+$0x10];
	[tilespmem:s7+$0xFFFFFF80] =	vst v21;
	v21 =	vmul.f32 v62, v57  }
.LBB2_3:
0x8b: {  	v30 =	vld [tilespmem:s29+$0x90];
	s11 =	sadd.s32 $0x40, s11;
	v31 =	vpop (erf);
	v27 =	vmul.f32 v27, v29;
	s2 =	sadd.s32 $0x140, s2;
	[tilespmem:s7+$0xFFFFFFD0] =	vst v28;
	v22 =	vmul.f32 v22, v5;
	v20 =	vmov v14  }
0x8c: {  	v5 =	vmov v7;
	v7 =	vmov v13;
	v14 =	vld [tilespmem:s11+$0x10];
	[tilespmem:s2+$0x90] =	vst v31;
	v17 =	vmul.f32 v24, v17  }
0x8d: {  	v13 =	vld [tilespmem:s9+$0x50];
	v18 =	vmul.f32 v25, v18;
	[tilespmem:s10+$0x70] =	vst v27  }
0x8e: {  	[tilespmem:s10+$0xFFFFFF70] =	vst v17;
	v24 =	vld [tilespmem:s8+$0x80];
	v23 =	vmul.f32 v23, v4;
	v4 =	vmov v6;
	v6 =	vmov v15  }
0x8f: {  	s28 =	sadd.s32 $0x4, s28;
	v15 =	vld [tilespmem:s11+$0xFFFFFFE0];
	v25 =	vpop (erf);
	[tilespmem:s10+$0xFFFFFFC0] =	vst v18;
	v16 =	vmul.f32 v26, v16  }
0x90: {  	p2 =	slt.u32 s28, $0x78;
	v17 =	vperm.xlane v31, v0;
	v26 =	vld [tilespmem:s29+$0xFFFFFFF0];
	[tilespmem:s2+$0xFFFFFFF0] =	vst v25;
	v27 =	vperm.xlane v25, v0;
	v28 =	vpop (erf)  }
0x91: {  	v18 =	vperm.xlane v12, v3;
	v12 =	vmov v31;
	v29 =	vld [tilespmem:s11+$0xFFFFFFF0];
	[tilespmem:s2+$0x40] =	vst v28;
	v32 =	vperm.xlane v28, v0;
	v33 =	vpop (erf)  }
0x92: {  	v31 =	vld [tilespmem:s29+$0x40];
	[tilespmem:s2+$0xFFFFFFA0] =	vst v33;
	v34 =	vperm.xlane v33, v0;
	v13 =	vmul.f32 v13, v17  }
0x93: {  	v14 =	vadd.f32 v14, v30;
	v17 =	vperm.xlane v33, v1;
	v35 =	vld [tilespmem:s11+$0x0];
	[tilespmem:s10+$0x10] =	vst v16;
	v24 =	vmul.f32 v24, v18  }
0x94: {  	v18 =	vperm.xlane v25, v1;
	v16 =	vperm.xlane v28, v1;
	v30 =	vld [tilespmem:s29+$0xFFFFFFA0];
	[tilespmem:s2+$0x50] =	vst v13  }
0x95: {  	v37 =	vperm.xlane v33, v2;
	v13 =	vmul.f32 $2.000000030e-01, v14;
	v36 =	vld [tilespmem:s9+$0xFFFFFF60];
	[tilespmem:s10+$0x80] =	vst v24  }
0x96: {  	v38 =	vperm.xlane v28, v2;
	v24 =	vadd.f32 v29, v26;
	v26 =	vperm.xlane v25, v2;
	v29 =	vld [tilespmem:s9+$0x60];
	[tilespmem:s7+$0x20] =	vst v21  }
0x97: {  	v21 =	vmax.f32 v14, v13;
	v14 =	vperm.xlane v33, v3;
	v13 =	vperm.xlane v25, v3;
	v33 =	vld [tilespmem:s9+$0xFFFFFFB0];
	[tilespmem:s15+$0xFFFFFF90] =	vst v19  }
0x98: {  	v21 =	vmul.f32 $1.442695020e+00, v21;
	v19 =	vmul.f32 $2.000000030e-01, v24;
	v25 =	vadd.f32 v35, v31;
	v31 =	vld [tilespmem:s9+$0x0];
	[tilespmem:s15+$0xFFFFFFE0] =	vst v22  }
0x99: {  	v22 =	vadd.f32 v15, v30;
	v15 =	vperm.xlane v28, v3;
	v28 =	vperm.xlane v12, v1;
	v30 =	vld [tilespmem:s8+$0xFFFFFF80];
	[tilespmem:s15+$0x30] =	vst v23;
	s15 =	smov.u32 s7;
	s7 =	smov.u32 s10;
	s10 =	smov.u32 s2  }
0x9a: {  	v19 =	vmax.f32 v24, v19;
	v23 =	vmul.f32 $2.000000030e-01, v25;
	(erf) = vpow2.f32 v21;
	v21 =	vld [tilespmem:s8+$0xFFFFFFD0]  }
0x9b: {  	v24 =	vmul.f32 $2.000000030e-01, v22;
	v28 =	vmul.f32 v29, v28;
	v35 =	vld [tilespmem:s8+$0x20]  }
0x9c: {  	v19 =	vmul.f32 $1.442695020e+00, v19;
	v23 =	vmax.f32 v25, v23;
	v25 =	vmul.f32 v36, v34;
	v34 =	vld [tilespmem:s18+$0xFFFFFF90]  }
0x9d: {  	v29 =	vmul.f32 v33, v27;
	v24 =	vmax.f32 v22, v24;
	v23 =	vmul.f32 $1.442695020e+00, v23;
	[tilespmem:s2+$0x60] =	vst v28;
	v22 =	vld [tilespmem:s18+$0xFFFFFFE0]  }
.Ltmp0:
0x9e: {  	v28 =	vmul.f32 $1.442695020e+00, v24;
	(erf) = vpow2.f32 v19;
	[tilespmem:s2+$0xFFFFFF60] =	vst v25;
	v27 =	vld [tilespmem:s9+$0x70];
	(pc) =	sbr.rel @p2 .LBB2_3-.Ltmp0, $4  }
0x9f: {  	v19 =	vmul.f32 v31, v32;
	(erf) = vpow2.f32 v23;
	v24 =	vld [tilespmem:s9+$0xFFFFFF70];
	[tilespmem:s2+$0xFFFFFFB0] =	vst v29  }
0xa0: {  	v30 =	vmul.f32 v30, v10;
	v10 =	vmov v37;
	(erf) = vpow2.f32 v28;
	v25 =	vld [tilespmem:s9+$0xFFFFFFC0]  }
0xa1: {  	v29 =	vperm.xlane v12, v2;
	v28 =	vmul.f32 v21, v11;
	v11 =	vmov v26;
	[tilespmem:s2+$0x0] =	vst v19;
	v23 =	vld [tilespmem:s18+$0x30];
	s18 =	smov.u32 s8;
	s8 =	smov.u32 s9;
	s9 =	smov.u32 s29  }
0xa2: {  	v21 =	vmul.f32 v35, v9;
	v9 =	vmovc v38;
	s29 =	sadd.s32 $0x140, s29;
	v19 =	vmul.f32 v34, v8;
	v8 =	vmov v20;
	v26 =	vld [tilespmem:s8+$0x10];
	[tilespmem:s7+$0xFFFFFF80] =	vst v30  }
0xa3: {  	v20 =	vpop (erf);
	s2 =	sadd.s32 $0x140, s2  }
0xa4: {  	[tilespmem:s2+$0x90] =	vst v20  }
0xa5: {  	v30 =	vld [tilespmem:s9+$0x50];
	_ =	sdelay $0x2  }
0xa6: {  	v31 =	vperm.xlane v20, v0;
	_ =	sdelay $0x1  }
0xa7: {  	v27 =	vmul.f32 v27, v29;
	v30 =	vmul.f32 v30, v31  }
0xa8: {  	[tilespmem:s7+$0xFFFFFFD0] =	vst v28  }
0xa9: {  	v29 =	vpop (erf);
	[tilespmem:s2+$0x50] =	vst v30  }
0xaa: {  	[tilespmem:s15+$0xFFFFFF90] =	vst v19;
	v28 =	vpop (erf);
	v30 =	vld [tilespmem:s9+$0x60]  }
0xab: {  	[tilespmem:s10+$0x70] =	vst v27;
	v27 =	vpop (erf)  }
0xac: {  	v31 =	vld [tilespmem:s8+$0x80];
	[tilespmem:s2+$0xFFFFFFA0] =	vst v27  }
0xad: {  	v17 =	vmul.f32 v24, v17;
	v32 =	vperm.xlane v20, v1;
	[tilespmem:s2+$0xFFFFFFF0] =	vst v29;
	v24 =	vld [tilespmem:s9+$0xFFFFFF60]  }
0xae: {  	v18 =	vmul.f32 v25, v18;
	[tilespmem:s2+$0x40] =	vst v28;
	v25 =	vld [tilespmem:s9+$0xFFFFFFB0]  }
0xaf: {  	v12 =	vperm.xlane v12, v3;
	[tilespmem:s10+$0xFFFFFF70] =	vst v17;
	v17 =	vld [tilespmem:s9+$0x0];
	v30 =	vmul.f32 v30, v32  }
0xb0: {  	[tilespmem:s10+$0xFFFFFFC0] =	vst v18;
	v16 =	vmul.f32 v26, v16;
	v18 =	vperm.xlane v27, v0  }
0xb1: {  	v26 =	vperm.xlane v29, v0;
	v12 =	vmul.f32 v31, v12;
	[tilespmem:s2+$0x60] =	vst v30  }
0xb2: {  	[tilespmem:s10+$0x10] =	vst v16;
	v16 =	vmul.f32 v24, v18;
	v30 =	vperm.xlane v28, v0;
	v18 =	vld [tilespmem:s9+$0x70]  }
0xb3: {  	[tilespmem:s10+$0x80] =	vst v12;
	v12 =	vmul.f32 v25, v26  }
0xb4: {  	v19 =	vld [tilespmem:s8+$0xFFFFFF80];
	[tilespmem:s2+$0xFFFFFF60] =	vst v16;
	v16 =	vmul.f32 v17, v30  }
0xb5: {  	[tilespmem:s2+$0xFFFFFFB0] =	vst v12;
	v12 =	vperm.xlane v20, v2;
	v17 =	vld [tilespmem:s9+$0xFFFFFF70]  }
0xb6: {  	v4 =	vmul.f32 v23, v4;
	v24 =	vld [tilespmem:s9+$0xFFFFFFC0];
	[tilespmem:s2+$0x0] =	vst v16  }
0xb7: {  	[tilespmem:s7+$0x20] =	vst v21;
	v16 =	vld [tilespmem:s9+$0x10];
	v12 =	vmul.f32 v18, v12  }
0xb8: {  	v5 =	vmul.f32 v22, v5;
	v22 =	vld [tilespmem:s8+$0xFFFFFFD0];
	[tilespmem:s15+$0x30] =	vst v4;
	v18 =	vperm.xlane v27, v1  }
0xb9: {  	v21 =	vperm.xlane v29, v1;
	v4 =	vld [tilespmem:s8+$0x20];
	[tilespmem:s2+$0x70] =	vst v12  }
0xba: {  	[tilespmem:s15+$0xFFFFFFE0] =	vst v5;
	v12 =	vperm.xlane v28, v1;
	v5 =	vmul.f32 v17, v18;
	v17 =	vld [tilespmem:s9+$0x80]  }
0xbb: {  	v18 =	vmul.f32 v24, v21  }
0xbc: {  	v21 =	vld [tilespmem:s18+$0xFFFFFF90];
	[tilespmem:s2+$0xFFFFFF70] =	vst v5;
	v5 =	vmul.f32 v16, v12  }
0xbd: {  	v10 =	vmul.f32 v19, v10;
	[tilespmem:s2+$0xFFFFFFC0] =	vst v18;
	v12 =	vperm.xlane v20, v3;
	v16 =	vld [tilespmem:s9+$0xFFFFFF80]  }
0xbe: {  	v11 =	vmul.f32 v22, v11;
	[tilespmem:s2+$0x10] =	vst v5;
	v5 =	vld [tilespmem:s9+$0xFFFFFFD0]  }
0xbf: {  	[tilespmem:s10+$0xFFFFFF80] =	vst v10;
	v4 =	vmul.f32 v4, v9;
	v10 =	vmul.f32 v17, v12;
	v12 =	vld [tilespmem:s9+$0x20]  }
0xc0: {  	[tilespmem:s10+$0xFFFFFFD0] =	vst v11;
	v18 =	vld [tilespmem:s18+$0xFFFFFFE0];
	v17 =	vperm.xlane v27, v2  }
0xc1: {  	v9 =	vperm.xlane v29, v2;
	v11 =	vld [tilespmem:s18+$0x30];
	[tilespmem:s10+$0x20] =	vst v4;
	v8 =	vmul.f32 v21, v8  }
0xc2: {  	v4 =	vld [tilespmem:s8+$0xFFFFFF90];
	[tilespmem:s2+$0x80] =	vst v10;
	v10 =	vperm.xlane v28, v2;
	v16 =	vmul.f32 v16, v17  }
0xc3: {  	[tilespmem:s7+$0xFFFFFF90] =	vst v8;
	v8 =	vld [tilespmem:s8+$0xFFFFFFE0];
	v5 =	vmul.f32 v5, v9  }
0xc4: {  	v9 =	vld [tilespmem:s8+$0x30];
	[tilespmem:s2+$0xFFFFFF80] =	vst v16;
	v10 =	vmul.f32 v12, v10  }
0xc5: {  	v7 =	vmul.f32 v18, v7;
	[tilespmem:s2+$0xFFFFFFD0] =	vst v5;
	v5 =	vld [tilespmem:s9+$0xFFFFFF90]  }
0xc6: {  	v6 =	vmul.f32 v11, v6;
	[tilespmem:s2+$0x20] =	vst v10;
	v10 =	vld [tilespmem:s9+$0xFFFFFFE0]  }
0xc7: {  	v4 =	vmul.f32 v4, v14;
	[tilespmem:s7+$0xFFFFFFE0] =	vst v7;
	v7 =	vld [tilespmem:s9+$0x30]  }
0xc8: {  	v11 =	vperm.xlane v27, v3;
	[tilespmem:s7+$0x30] =	vst v6;
	v6 =	vmul.f32 v8, v13  }
0xc9: {  	[tilespmem:s10+$0xFFFFFF90] =	vst v4;
	v8 =	vperm.xlane v29, v3;
	v9 =	vmul.f32 v9, v15  }
0xca: {  	v4 =	vperm.xlane v28, v3;
	[tilespmem:s10+$0xFFFFFFE0] =	vst v6;
	v5 =	vmul.f32 v5, v11  }
0xcb: {  	[tilespmem:s10+$0x30] =	vst v9;
	v6 =	vmul.f32 v10, v8  }
0xcc: {  	[tilespmem:s2+$0xFFFFFF90] =	vst v5;
	v4 =	vmul.f32 v7, v4  }
0xcd: {  	[tilespmem:s2+$0xFFFFFFE0] =	vst v6  }
0xce: {  	[tilespmem:s2+$0x30] =	vst v4  }
0xcf: {  	v4 =	vld [tilespmem:$0x7700]  }
0xd0: {  	v5 =	vld [tilespmem:$0x7ED0];
	_ =	sdelay $0x4  }
0xd1: {  	v4 =	vadd.f32 v5, v4;
	_ =	sdelay $0x1  }
0xd2: {  	v5 =	vmul.f32 $2.000000030e-01, v4;
	_ =	sdelay $0x1  }
0xd3: {  	v4 =	vmax.f32 v4, v5  }
0xd4: {  	v4 =	vmul.f32 $1.442695020e+00, v4;
	_ =	sdelay $0x1  }
0xd5: {  	(erf) = vpow2.f32 v4;
	_ =	sdelay $0x6  }
0xd6: {  	v4 =	vld [tilespmem:$0x76C0]  }
0xd7: {  	v5 =	vld [tilespmem:$0x76D0]  }
0xd8: {  	v7 =	vld [tilespmem:$0x76E0];
	v6 =	vpop (erf)  }
0xd9: {  	v9 =	vld [tilespmem:$0x76F0];
	v8 =	vperm.xlane v6, v0  }
0xda: {  	v10 =	vperm.xlane v6, v1  }
0xdb: {  	v4 =	vmul.f32 v4, v8;
	v8 =	vperm.xlane v6, v2  }
0xdc: {  	[tilespmem:$0xA5E0] =	vst v6;
	v5 =	vmul.f32 v5, v10;
	v6 =	vperm.xlane v6, v3  }
0xdd: {  	[tilespmem:$0xA5A0] =	vst v4;
	v4 =	vmul.f32 v7, v8  }
0xde: {  	[tilespmem:$0xA5B0] =	vst v5;
	v5 =	vmul.f32 v9, v6  }
0xdf: {  	s15 =	sand.u32 $0x3FFFFF00, s17;
	[tilespmem:$0xA5C0] =	vst v4  }
0xe0: {  	p2 =	seq.s32 s31, $0x27;
	s2 =	sadd.s32 $0x2800, s15;
	[tilespmem:$0xA5D0] =	vst v5  }
0xe1: {  	[spmem:s1] =	stream.indirect.scatter.add.f32 [tilespmem:s23], [sflag:$0x3], $0x50, s2, s16, $0xb8;
	[tilespmem:$0x1BF30] =	vst v63  }
0xe2: {  	s7 =	simm.s32 @!p2 $0x7D;
	s8 =	simm.s32 @!p2 $0x5000;
	s2 =	sadd.s32 @!p2 $0x100, s17  }
0xe3: {  	[tilespmem:s8], [sflag:$0x1] =	stream.indirect.gather @!p2 [hbm4b:s3+s7], $0x50, s2, s7, $0xb8;
	[tilespmem:$0x1BF30] =	vst v63  }
0xe4: {  	s2 =	sadd.s32 @!p2 $0x2900, s17;
	s8 =	simm.s32 @!p2 $0x7710  }
0xe5: {  	[tilespmem:s8], [sflag:$0x2] =	stream.indirect.gather @!p2 [hbm4b:s4+s7], $0x10, s2, s7, $0xb8;
	[tilespmem:$0x1BF30] =	vst v63  }
0xe6: {  	_ =	swait.ge [sflag:s24], $0x2710  }
0xe7: {  	[sflag:s24] =	ssyncset.done $0x0  }
0xe8: {  	[sflag:s24] =	ssyncadd.s32 $0xFFFFD8F0  }
0xe9: {  	_ =	swait.ge [sflag:s25], $0x7D0  }
0xea: {  	[sflag:s25] =	ssyncset.done $0x0  }
0xeb: {  	s2 =	simm.s32 @!p1 $0x6;
	[sflag:s25] =	ssyncadd.s32 $0xFFFFF830  }
0xec: {  	_ =	swait.ge @!p1 [sflag:s2], $0x2710  }
0xed: {  	[sflag:s2] =	ssyncset.done @!p1 $0x0  }
0xee: {  	s10 =	simm.s32 $0xA690;
	[sflag:s2] =	ssyncadd.s32 @!p1 $0xFFFFD8F0  }
0xef: {  	s17 =	simm.s32 $0xCD20;
	v4 =	vld [tilespmem:s10+$0x90]  }
0xf0: {  	v5 =	vld [tilespmem:s17+$0x10];
	_ =	sdelay $0x4  }
0xf1: {  	v6 =	vld [tilespmem:s17+$0xFFFFFFE0];
	v4 =	vadd.f32 v5, v4  }
0xf2: {  	v7 =	vld [tilespmem:s17+$0xFFFFFFF0]  }
0xf3: {  	v9 =	vld [tilespmem:s10+$0x40];
	v8 =	vmul.f32 $2.000000030e-01, v4  }
0xf4: {  	v5 =	vld [tilespmem:s10+$0xFFFFFFF0]  }
0xf5: {  	v10 =	vld [tilespmem:s17+$0x0];
	v4 =	vmax.f32 v4, v8  }
0xf6: {  	v8 =	vld [tilespmem:s10+$0xFFFFFFA0];
	v4 =	vmul.f32 $1.442695020e+00, v4;
	_ =	sdelay $0x1  }
0xf7: {  	(erf) = vpow2.f32 v4  }
0xf8: {  	v4 =	vadd.f32 v7, v5  }
0xf9: {  	v5 =	vadd.f32 v10, v9  }
0xfa: {  	v7 =	vmul.f32 $2.000000030e-01, v4;
	v6 =	vadd.f32 v6, v8  }
0xfb: {  	v8 =	vmul.f32 $2.000000030e-01, v5  }
0xfc: {  	v4 =	vmax.f32 v4, v7;
	v7 =	vmul.f32 $2.000000030e-01, v6  }
0xfd: {  	v5 =	vmax.f32 v5, v8;
	v4 =	vmul.f32 $1.442695020e+00, v4  }
0xfe: {  	v5 =	vmul.f32 $1.442695020e+00, v5;
	v6 =	vmax.f32 v6, v7  }
0xff: {  	s17 =	simm.s32 $0xA7D0;
	v6 =	vmul.f32 $1.442695020e+00, v6;
	(erf) = vpow2.f32 v4  }
0x100: {  	s18 =	simm.s32 $0xCD60;
	s15 =	simm.s32 $0xD570;
	v4 =	vld [tilespmem:s17+$0x90];
	(erf) = vpow2.f32 v5;
	v7 =	vpop (erf)  }
0x101: {  	v5 =	vld [tilespmem:s18+$0x10];
	(erf) = vpow2.f32 v6;
	[tilespmem:s15+$0x90] =	vst v7  }
0x102: {  	v6 =	vld [tilespmem:s10+$0x50];
	_ =	sdelay $0x2  }
0x103: {  	v11 =	vld [tilespmem:s18+$0xFFFFFFF0];
	v9 =	vperm.xlane v7, v0  }
0x104: {  	v13 =	vld [tilespmem:s18+$0x0]  }
0x105: {  	v16 =	vld [tilespmem:s17+$0xFFFFFFA0];
	v4 =	vadd.f32 v5, v4;
	v6 =	vmul.f32 v6, v9  }
0x106: {  	v10 =	vld [tilespmem:s17+$0xFFFFFFF0];
	v5 =	vpop (erf)  }
0x107: {  	v8 =	vld [tilespmem:s18+$0xFFFFFFE0];
	v12 =	vpop (erf);
	[tilespmem:s15+$0x50] =	vst v6;
	v6 =	vmul.f32 $2.000000030e-01, v4  }
0x108: {  	v9 =	vld [tilespmem:s17+$0x40];
	v14 =	vpop (erf)  }
0x109: {  	v15 =	vld [tilespmem:s10+$0x60];
	[tilespmem:s15+$0xFFFFFFA0] =	vst v14;
	v4 =	vmax.f32 v4, v6  }
0x10a: {  	v6 =	vld [tilespmem:s10+$0xFFFFFF60];
	v4 =	vmul.f32 $1.442695020e+00, v4  }
0x10b: {  	[tilespmem:s15+$0xFFFFFFF0] =	vst v5  }
0x10c: {  	v18 =	vperm.xlane v7, v1;
	[tilespmem:s15+$0x40] =	vst v12;
	v17 =	vld [tilespmem:s10+$0xFFFFFFB0];
	(erf) = vpow2.f32 v4  }
0x10d: {  	v10 =	vadd.f32 v11, v10;
	v19 =	vperm.xlane v5, v0;
	v11 =	vld [tilespmem:s10+$0x0];
	v4 =	vperm.xlane v14, v0  }
0x10e: {  	s29 =	simm.s32 $0xCDA0;
	v22 =	vperm.xlane v5, v2;
	v9 =	vadd.f32 v13, v9;
	v13 =	vmul.f32 v15, v18  }
0x10f: {  	s8 =	simm.s32 $0xA910;
	v24 =	vld [tilespmem:s29+$0xFFFFFFE0];
	v8 =	vadd.f32 v8, v16;
	v18 =	vmul.f32 $2.000000030e-01, v10;
	v4 =	vmul.f32 v6, v4  }
0x110: {  	v27 =	vld [tilespmem:s8+$0xFFFFFFA0];
	v16 =	vmul.f32 $2.000000030e-01, v9;
	v15 =	vperm.xlane v12, v0;
	[tilespmem:s15+$0x60] =	vst v13  }
0x111: {  	v6 =	vmax.f32 v10, v18;
	v10 =	vmul.f32 $2.000000030e-01, v8;
	v13 =	vmul.f32 v17, v19;
	v17 =	vld [tilespmem:s10+$0x70];
	[tilespmem:s15+$0xFFFFFF60] =	vst v4  }
0x112: {  	v9 =	vmax.f32 v9, v16;
	v6 =	vmul.f32 $1.442695020e+00, v6;
	v4 =	vmul.f32 v11, v15;
	v11 =	vld [tilespmem:s10+$0xFFFFFF70]  }
0x113: {  	v23 =	vperm.xlane v12, v2;
	v9 =	vmul.f32 $1.442695020e+00, v9;
	[tilespmem:s15+$0xFFFFFFB0] =	vst v13;
	v8 =	vmax.f32 v8, v10;
	v10 =	vld [tilespmem:s8+$0x90]  }
0x114: {  	(erf) = vpow2.f32 v6;
	v6 =	vld [tilespmem:s10+$0xFFFFFFC0];
	[tilespmem:s15+$0x0] =	vst v4;
	v8 =	vmul.f32 $1.442695020e+00, v8  }
0x115: {  	s7 =	simm.s32 $0xD6B0;
	v4 =	vperm.xlane v7, v2;
	(erf) = vpow2.f32 v9;
	v9 =	vld [tilespmem:s10+$0x10];
	v13 =	vpop (erf)  }
0x116: {  	v20 =	vperm.xlane v14, v2;
	(erf) = vpow2.f32 v8;
	v8 =	vld [tilespmem:s29+$0x10];
	[tilespmem:s7+$0x90] =	vst v13  }
0x117: {  	v15 =	vperm.xlane v14, v1;
	v4 =	vmul.f32 v17, v4;
	v17 =	vld [tilespmem:s17+$0x50]  }
0x118: {  	s11 =	simm.s32 $0xCDE0;
	v25 =	vld [tilespmem:s29+$0xFFFFFFF0];
	v16 =	vperm.xlane v5, v1;
	v18 =	vperm.xlane v12, v1  }
0x119: {  	v37 =	vld [tilespmem:s11+$0x0];
	v19 =	vperm.xlane v14, v3;
	v11 =	vmul.f32 v11, v15  }
0x11a: {  	v24 =	vadd.f32 v24, v27;
	v14 =	vld [tilespmem:s8+$0xFFFFFFF0];
	[tilespmem:s15+$0x70] =	vst v4;
	v4 =	vperm.xlane v12, v3;
	v12 =	vperm.xlane v13, v0  }
0x11b: {  	v6 =	vmul.f32 v6, v16;
	v16 =	vld [tilespmem:s8+$0x40];
	v9 =	vmul.f32 v9, v18  }
0x11c: {  	v21 =	vld [tilespmem:s10+$0x80];
	[tilespmem:s15+$0xFFFFFF70] =	vst v11;
	v11 =	vmul.f32 $2.000000030e-01, v24;
	v8 =	vadd.f32 v8, v10;
	v12 =	vmul.f32 v17, v12  }
0x11d: {  	s9 =	simm.s32 $0xAA50;
	v5 =	vperm.xlane v5, v3;
	v7 =	vperm.xlane v7, v3;
	[tilespmem:s15+$0x10] =	vst v9;
	v15 =	vpop (erf);
	v17 =	vld [tilespmem:s29+$0x0]  }
0x11e: {  	v38 =	vld [tilespmem:s9+$0xFFFFFFA0];
	v27 =	vperm.xlane v13, v1;
	v11 =	vmax.f32 v24, v11;
	v18 =	vpop (erf);
	[tilespmem:s7+$0x50] =	vst v12;
	v12 =	vmul.f32 $2.000000030e-01, v8  }
0x11f: {  	v14 =	vadd.f32 v25, v14;
	v9 =	vmul.f32 $1.442695020e+00, v11;
	v11 =	vld [tilespmem:s10+$0x20];
	v10 =	vperm.xlane v15, v0;
	v28 =	vpop (erf)  }
0x120: {  	v25 =	vperm.xlane v15, v1;
	v26 =	vperm.xlane v18, v0;
	[tilespmem:s7+$0xFFFFFFA0] =	vst v28;
	v31 =	vld [tilespmem:s17+$0x60];
	v8 =	vmax.f32 v8, v12  }
0x121: {  	[tilespmem:s7+$0xFFFFFFF0] =	vst v15;
	v21 =	vmul.f32 v21, v7;
	v7 =	vld [tilespmem:s17+$0xFFFFFF60];
	v8 =	vmul.f32 $1.442695020e+00, v8  }
0x122: {  	[tilespmem:s7+$0x40] =	vst v18;
	v57 =	vperm.xlane v18, v2;
	v12 =	vld [tilespmem:s17+$0xFFFFFFB0];
	v16 =	vadd.f32 v17, v16;
	v17 =	vmul.f32 $2.000000030e-01, v14  }
0x123: {  	v56 =	vld [tilespmem:s17+$0x0];
	v29 =	vperm.xlane v28, v0;
	(erf) = vpow2.f32 v8  }
0x124: {  	v30 =	vperm.xlane v28, v1;
	v33 =	vmul.f32 $2.000000030e-01, v16;
	v8 =	vmax.f32 v14, v17;
	v17 =	vld [tilespmem:s10+$0xFFFFFF80]  }
0x125: {  	[tilespmem:s15+$0x80] =	vst v21;
	v21 =	vld [tilespmem:s9+$0x40];
	v23 =	vmul.f32 v11, v23;
	v14 =	vmul.f32 v31, v27  }
0x126: {  	[tilespmem:s15+$0xFFFFFFC0] =	vst v6;
	v6 =	vmul.f32 $1.442695020e+00, v8;
	v27 =	vld [tilespmem:s9+$0x90];
	v8 =	vmax.f32 v16, v33;
	v7 =	vmul.f32 v7, v29  }
0x127: {  	v16 =	vld [tilespmem:s10+$0xFFFFFFD0];
	v10 =	vmul.f32 v12, v10;
	v8 =	vmul.f32 $1.442695020e+00, v8;
	[tilespmem:s7+$0x60] =	vst v14  }
0x128: {  	(erf) = vpow2.f32 v6;
	v6 =	vld [tilespmem:s17+$0x70];
	[tilespmem:s7+$0xFFFFFF60] =	vst v7;
	v7 =	vmul.f32 v56, v26  }
0x129: {  	[tilespmem:s7+$0xFFFFFFB0] =	vst v10;
	(erf) = vpow2.f32 v8;
	v24 =	vld [tilespmem:s17+$0xFFFFFF70];
	v17 =	vmul.f32 v17, v20  }
0x12a: {  	v31 =	vperm.xlane v15, v2;
	(erf) = vpow2.f32 v9;
	v9 =	vld [tilespmem:s17+$0xFFFFFFC0];
	[tilespmem:s7+$0x0] =	vst v7  }
0x12b: {  	v14 =	vperm.xlane v18, v1;
	v7 =	vperm.xlane v13, v2;
	v10 =	vld [tilespmem:s17+$0x10];
	[tilespmem:s15+$0xFFFFFF80] =	vst v17  }
0x12c: {  	s2 =	simm.s32 $0xD7F0;
	v26 =	vperm.xlane v28, v2;
	v8 =	vperm.xlane v28, v3;
	v63 =	vld [tilespmem:s10+$0xFFFFFF90];
	v12 =	vpop (erf)  }
0x12d: {  	v28 =	vmul.f32 v6, v7;
	v7 =	vperm.xlane v15, v3;
	v15 =	vld [tilespmem:s11+$0x10];
	[tilespmem:s2+$0x90] =	vst v12  }
0x12e: {  	v13 =	vperm.xlane v13, v3;
	v20 =	vmul.f32 v16, v22;
	v16 =	vld [tilespmem:s8+$0x50]  }
0x12f: {  	v22 =	vmul.f32 v24, v30;
	v24 =	vmul.f32 v9, v25;
	v25 =	vld [tilespmem:s11+$0xFFFFFFE0]  }
0x130: {  	v6 =	vperm.xlane v18, v3;
	[tilespmem:s7+$0x70] =	vst v28;
	v9 =	vld [tilespmem:s9+$0xFFFFFFF0];
	v29 =	vmul.f32 v10, v14  }
0x131: {  	v21 =	vadd.f32 v37, v21;
	v11 =	vld [tilespmem:s17+$0x80];
	v10 =	vperm.xlane v12, v0;
	v28 =	vpop (erf);
	v19 =	vmul.f32 v63, v19  }
0x132: {  	v14 =	vld [tilespmem:s11+$0xFFFFFFF0];
	v30 =	vperm.xlane v28, v0;
	v58 =	vpop (erf);
	v18 =	vperm.xlane v28, v1  }
0x133: {  	[tilespmem:s7+$0x10] =	vst v29;
	v29 =	vmul.f32 $2.000000030e-01, v21;
	v34 =	vperm.xlane v58, v0;
	v35 =	vpop (erf)  }
0x134: {  	v15 =	vadd.f32 v15, v27;
	v36 =	vperm.xlane v35, v0;
	v10 =	vmul.f32 v16, v10  }
0x135: {  	[tilespmem:s7+$0xFFFFFFC0] =	vst v24;
	v17 =	vperm.xlane v35, v1;
	v16 =	vperm.xlane v58, v1  }
0x136: {  	v27 =	vmul.f32 v11, v13;
	v13 =	vmul.f32 $2.000000030e-01, v15;
	[tilespmem:s2+$0x50] =	vst v10  }
0x137: {  	[tilespmem:s2+$0xFFFFFFA0] =	vst v35;
	v24 =	vadd.f32 v25, v38;
	v25 =	vperm.xlane v12, v1;
	v40 =	vadd.f32 v14, v9;
	v41 =	vld [tilespmem:s8+$0x60]  }
0x138: {  	[tilespmem:s2+$0xFFFFFFF0] =	vst v28;
	v39 =	vld [tilespmem:s8+$0xFFFFFF60];
	v11 =	vperm.xlane v28, v2;
	v9 =	vperm.xlane v58, v2;
	v15 =	vmax.f32 v15, v13  }
0x139: {  	[tilespmem:s7+$0xFFFFFF70] =	vst v22;
	v59 =	vld [tilespmem:s8+$0xFFFFFFB0];
	v13 =	vperm.xlane v28, v3;
	v28 =	vmul.f32 $1.442695020e+00, v15  }
0x13a: {  	v61 =	vld [tilespmem:s17+$0xFFFFFF80];
	[tilespmem:s2+$0x40] =	vst v58;
	v21 =	vmax.f32 v21, v29;
	v14 =	vperm.xlane v35, v3;
	v22 =	vmul.f32 $2.000000030e-01, v40  }
0x13b: {  	v60 =	vld [tilespmem:s8+$0x0];
	v21 =	vmul.f32 $1.442695020e+00, v21;
	(erf) = vpow2.f32 v28  }
0x13c: {  	[tilespmem:s15+$0xFFFFFFD0] =	vst v20;
	v62 =	vld [tilespmem:s17+$0x20];
	v20 =	vmax.f32 v40, v22;
	v22 =	vmul.f32 $2.000000030e-01, v24;
	v25 =	vmul.f32 v41, v25  }
0x13d: {  	[tilespmem:s7+$0x80] =	vst v27;
	v28 =	vld [tilespmem:s17+$0xFFFFFFD0];
	v20 =	vmul.f32 $1.442695020e+00, v20;
	v27 =	vmul.f32 v39, v36  }
0x13e: {  	v10 =	vperm.xlane v35, v2;
	v29 =	vmul.f32 v59, v30;
	v24 =	vmax.f32 v24, v22;
	v22 =	vld [tilespmem:s10+$0xFFFFFFE0];
	[tilespmem:s2+$0x60] =	vst v25  }
0x13f: {  	(erf) = vpow2.f32 v20;
	[tilespmem:s2+$0xFFFFFF60] =	vst v27;
	v25 =	vmul.f32 $1.442695020e+00, v24;
	v27 =	vld [tilespmem:s8+$0x70]  }
0x140: {  	[tilespmem:s2+$0xFFFFFFB0] =	vst v29;
	v20 =	vmul.f32 v60, v34;
	(erf) = vpow2.f32 v21;
	v24 =	vld [tilespmem:s8+$0xFFFFFF70]  }
0x141: {  	[tilespmem:s15+$0x20] =	vst v23;
	v21 =	vmul.f32 v61, v26;
	(erf) = vpow2.f32 v25;
	v25 =	vld [tilespmem:s8+$0xFFFFFFC0]  }
0x142: {  	v23 =	vld [tilespmem:s10+$0x30];
	v29 =	vperm.xlane v12, v2;
	[tilespmem:s2+$0x0] =	vst v20;
	v28 =	vmul.f32 v28, v31  }
0x143: {  	s28 =	simm.s32 $0xAB90;
	s18 =	simm.s32 $0xC;
	v15 =	vperm.xlane v58, v3;
	s10 =	simm.s32 $0xD7F0;
	v26 =	vld [tilespmem:s8+$0x10];
	[tilespmem:s7+$0xFFFFFF80] =	vst v21;
	v21 =	vmul.f32 v62, v57  }
.LBB2_5:
0x144: {  	v30 =	vld [tilespmem:s28+$0x90];
	s11 =	sadd.s32 $0x40, s11;
	v31 =	vpop (erf);
	v27 =	vmul.f32 v27, v29;
	s2 =	sadd.s32 $0x140, s2;
	[tilespmem:s7+$0xFFFFFFD0] =	vst v28;
	v22 =	vmul.f32 v22, v5;
	v20 =	vmov v14  }
0x145: {  	v5 =	vmov v7;
	v7 =	vmov v13;
	v14 =	vld [tilespmem:s11+$0x10];
	[tilespmem:s2+$0x90] =	vst v31;
	v17 =	vmul.f32 v24, v17  }
0x146: {  	v13 =	vld [tilespmem:s9+$0x50];
	v18 =	vmul.f32 v25, v18;
	[tilespmem:s10+$0x70] =	vst v27  }
0x147: {  	[tilespmem:s10+$0xFFFFFF70] =	vst v17;
	v24 =	vld [tilespmem:s8+$0x80];
	v23 =	vmul.f32 v23, v4;
	v4 =	vmov v6;
	v6 =	vmov v15  }
0x148: {  	s18 =	sadd.s32 $0x4, s18;
	v15 =	vld [tilespmem:s11+$0xFFFFFFE0];
	v25 =	vpop (erf);
	[tilespmem:s10+$0xFFFFFFC0] =	vst v18;
	v16 =	vmul.f32 v26, v16  }
0x149: {  	p1 =	slt.u32 s18, $0x78;
	v17 =	vperm.xlane v31, v0;
	v26 =	vld [tilespmem:s28+$0xFFFFFFF0];
	[tilespmem:s2+$0xFFFFFFF0] =	vst v25;
	v27 =	vperm.xlane v25, v0;
	v28 =	vpop (erf)  }
0x14a: {  	v18 =	vperm.xlane v12, v3;
	v12 =	vmov v31;
	v29 =	vld [tilespmem:s11+$0xFFFFFFF0];
	[tilespmem:s2+$0x40] =	vst v28;
	v32 =	vperm.xlane v28, v0;
	v33 =	vpop (erf)  }
0x14b: {  	v31 =	vld [tilespmem:s28+$0x40];
	[tilespmem:s2+$0xFFFFFFA0] =	vst v33;
	v34 =	vperm.xlane v33, v0;
	v13 =	vmul.f32 v13, v17  }
0x14c: {  	v14 =	vadd.f32 v14, v30;
	v17 =	vperm.xlane v33, v1;
	v35 =	vld [tilespmem:s11+$0x0];
	[tilespmem:s10+$0x10] =	vst v16;
	v24 =	vmul.f32 v24, v18  }
0x14d: {  	v18 =	vperm.xlane v25, v1;
	v16 =	vperm.xlane v28, v1;
	v30 =	vld [tilespmem:s28+$0xFFFFFFA0];
	[tilespmem:s2+$0x50] =	vst v13  }
0x14e: {  	v37 =	vperm.xlane v33, v2;
	v13 =	vmul.f32 $2.000000030e-01, v14;
	v36 =	vld [tilespmem:s9+$0xFFFFFF60];
	[tilespmem:s10+$0x80] =	vst v24  }
0x14f: {  	v38 =	vperm.xlane v28, v2;
	v24 =	vadd.f32 v29, v26;
	v26 =	vperm.xlane v25, v2;
	v29 =	vld [tilespmem:s9+$0x60];
	[tilespmem:s7+$0x20] =	vst v21  }
0x150: {  	v21 =	vmax.f32 v14, v13;
	v14 =	vperm.xlane v33, v3;
	v13 =	vperm.xlane v25, v3;
	v33 =	vld [tilespmem:s9+$0xFFFFFFB0];
	[tilespmem:s15+$0xFFFFFF90] =	vst v19  }
0x151: {  	v21 =	vmul.f32 $1.442695020e+00, v21;
	v19 =	vmul.f32 $2.000000030e-01, v24;
	v25 =	vadd.f32 v35, v31;
	v31 =	vld [tilespmem:s9+$0x0];
	[tilespmem:s15+$0xFFFFFFE0] =	vst v22  }
0x152: {  	v22 =	vadd.f32 v15, v30;
	v15 =	vperm.xlane v28, v3;
	v28 =	vperm.xlane v12, v1;
	v30 =	vld [tilespmem:s8+$0xFFFFFF80];
	[tilespmem:s15+$0x30] =	vst v23;
	s15 =	smov.u32 s7;
	s7 =	smov.u32 s10;
	s10 =	smov.u32 s2  }
0x153: {  	v19 =	vmax.f32 v24, v19;
	v23 =	vmul.f32 $2.000000030e-01, v25;
	(erf) = vpow2.f32 v21;
	v21 =	vld [tilespmem:s8+$0xFFFFFFD0]  }
0x154: {  	v24 =	vmul.f32 $2.000000030e-01, v22;
	v28 =	vmul.f32 v29, v28;
	v35 =	vld [tilespmem:s8+$0x20]  }
0x155: {  	v19 =	vmul.f32 $1.442695020e+00, v19;
	v23 =	vmax.f32 v25, v23;
	v25 =	vmul.f32 v36, v34;
	v34 =	vld [tilespmem:s17+$0xFFFFFF90]  }
0x156: {  	v29 =	vmul.f32 v33, v27;
	v24 =	vmax.f32 v22, v24;
	v23 =	vmul.f32 $1.442695020e+00, v23;
	[tilespmem:s2+$0x60] =	vst v28;
	v22 =	vld [tilespmem:s17+$0xFFFFFFE0]  }
.Ltmp1:
0x157: {  	v28 =	vmul.f32 $1.442695020e+00, v24;
	(erf) = vpow2.f32 v19;
	[tilespmem:s2+$0xFFFFFF60] =	vst v25;
	v27 =	vld [tilespmem:s9+$0x70];
	(pc) =	sbr.rel @p1 .LBB2_5-.Ltmp1, $4  }
0x158: {  	v19 =	vmul.f32 v31, v32;
	(erf) = vpow2.f32 v23;
	v24 =	vld [tilespmem:s9+$0xFFFFFF70];
	[tilespmem:s2+$0xFFFFFFB0] =	vst v29  }
0x159: {  	v30 =	vmul.f32 v30, v10;
	v10 =	vmov v37;
	(erf) = vpow2.f32 v28;
	v25 =	vld [tilespmem:s9+$0xFFFFFFC0]  }
0x15a: {  	v29 =	vperm.xlane v12, v2;
	v28 =	vmul.f32 v21, v11;
	v11 =	vmov v26;
	[tilespmem:s2+$0x0] =	vst v19;
	v23 =	vld [tilespmem:s17+$0x30];
	s17 =	smov.u32 s8;
	s8 =	smov.u32 s9;
	s9 =	smov.u32 s28  }
0x15b: {  	v21 =	vmul.f32 v35, v9;
	v9 =	vmovc v38;
	s28 =	sadd.s32 $0x140, s28;
	v19 =	vmul.f32 v34, v8;
	v8 =	vmov v20;
	v26 =	vld [tilespmem:s8+$0x10];
	[tilespmem:s7+$0xFFFFFF80] =	vst v30  }
0x15c: {  	v20 =	vpop (erf);
	s2 =	sadd.s32 $0x140, s2  }
0x15d: {  	[tilespmem:s2+$0x90] =	vst v20  }
0x15e: {  	v30 =	vld [tilespmem:s9+$0x50]  }
0x15f: {  	v27 =	vmul.f32 v27, v29;
	_ =	sdelay $0x1  }
0x160: {  	v31 =	vperm.xlane v20, v0;
	v29 =	vpop (erf)  }
0x161: {  	[tilespmem:s7+$0xFFFFFFD0] =	vst v28;
	v28 =	vpop (erf)  }
0x162: {  	[tilespmem:s10+$0x70] =	vst v27;
	v27 =	vpop (erf);
	v30 =	vmul.f32 v30, v31  }
0x163: {  	[tilespmem:s2+$0xFFFFFFA0] =	vst v27  }
0x164: {  	v56 =	vld [tilespmem:s9+$0xFFFFFF60];
	[tilespmem:s2+$0x50] =	vst v30  }
0x165: {  	[tilespmem:s2+$0xFFFFFFF0] =	vst v29;
	v30 =	vld [tilespmem:s9+$0x60]  }
0x166: {  	[tilespmem:s2+$0x40] =	vst v28;
	v57 =	vld [tilespmem:s9+$0xFFFFFFB0]  }
0x167: {  	v5 =	vmul.f32 v22, v5;
	[tilespmem:s7+$0x20] =	vst v21;
	v58 =	vld [tilespmem:s9+$0x0];
	v59 =	vperm.xlane v27, v0  }
0x168: {  	v17 =	vmul.f32 v24, v17;
	v32 =	vperm.xlane v20, v1;
	[tilespmem:s15+$0xFFFFFF90] =	vst v19  }
0x169: {  	[tilespmem:s15+$0xFFFFFFE0] =	vst v5;
	v60 =	vperm.xlane v29, v0;
	v62 =	vmul.f32 v56, v59  }
0x16a: {  	[tilespmem:s10+$0xFFFFFF70] =	vst v17;
	v61 =	vperm.xlane v28, v0;
	v30 =	vmul.f32 v30, v32  }
0x16b: {  	v41 =	vld [tilespmem:s17+$0xFFFFFF90];
	v16 =	vmul.f32 v26, v16;
	v26 =	vmul.f32 v57, v60;
	[tilespmem:s2+$0xFFFFFF60] =	vst v62  }
0x16c: {  	v47 =	vld [tilespmem:s17+$0xFFFFFFE0];
	[tilespmem:s2+$0x60] =	vst v30;
	v30 =	vmul.f32 v58, v61  }
0x16d: {  	[tilespmem:s2+$0xFFFFFFB0] =	vst v26;
	v31 =	vld [tilespmem:s9+$0xFFFFFF70]  }
0x16e: {  	v18 =	vmul.f32 v25, v18;
	v33 =	vld [tilespmem:s9+$0xFFFFFFC0];
	[tilespmem:s2+$0x0] =	vst v30  }
0x16f: {  	v4 =	vmul.f32 v23, v4;
	[tilespmem:s10+$0x10] =	vst v16;
	v16 =	vld [tilespmem:s9+$0x10]  }
0x170: {  	v55 =	vld [tilespmem:s8+$0x80];
	[tilespmem:s10+$0xFFFFFFC0] =	vst v18;
	v8 =	vmul.f32 v41, v8;
	v34 =	vperm.xlane v27, v1  }
0x171: {  	v36 =	vperm.xlane v29, v1;
	v37 =	vld [tilespmem:s8+$0xFFFFFFD0];
	[tilespmem:s15+$0x30] =	vst v4;
	v7 =	vmul.f32 v47, v7  }
0x172: {  	v35 =	vld [tilespmem:s8+$0xFFFFFF80];
	v38 =	vperm.xlane v28, v1;
	[tilespmem:s7+$0xFFFFFF90] =	vst v8;
	v5 =	vmul.f32 v31, v34  }
0x173: {  	v12 =	vperm.xlane v12, v3;
	v4 =	vld [tilespmem:s8+$0x20];
	[tilespmem:s7+$0xFFFFFFE0] =	vst v7;
	v40 =	vmul.f32 v33, v36  }
0x174: {  	v63 =	vld [tilespmem:s9+$0x70];
	[tilespmem:s2+$0xFFFFFF70] =	vst v5;
	v5 =	vmul.f32 v16, v38  }
0x175: {  	v12 =	vmul.f32 v55, v12;
	[tilespmem:s2+$0xFFFFFFC0] =	vst v40;
	v43 =	vld [tilespmem:s9+$0xFFFFFF80]  }
0x176: {  	v11 =	vmul.f32 v37, v11;
	[tilespmem:s2+$0x10] =	vst v5;
	v5 =	vld [tilespmem:s9+$0xFFFFFFD0]  }
0x177: {  	v10 =	vmul.f32 v35, v10;
	[tilespmem:s10+$0x80] =	vst v12;
	v32 =	vperm.xlane v20, v2;
	v45 =	vld [tilespmem:s9+$0x20]  }
0x178: {  	v49 =	vld [tilespmem:s17+$0x30];
	v46 =	vperm.xlane v27, v2;
	v4 =	vmul.f32 v4, v9;
	[tilespmem:s10+$0xFFFFFFD0] =	vst v11  }
0x179: {  	v48 =	vperm.xlane v29, v2;
	[tilespmem:s10+$0xFFFFFF80] =	vst v10;
	v51 =	vld [tilespmem:s8+$0xFFFFFFE0];
	v12 =	vmul.f32 v63, v32  }
0x17a: {  	v50 =	vperm.xlane v28, v2;
	[tilespmem:s10+$0x20] =	vst v4;
	v4 =	vld [tilespmem:s8+$0xFFFFFF90];
	v16 =	vmul.f32 v43, v46  }
0x17b: {  	v52 =	vld [tilespmem:s8+$0x30];
	[tilespmem:s2+$0x70] =	vst v12;
	v5 =	vmul.f32 v5, v48  }
0x17c: {  	v39 =	vld [tilespmem:s9+$0x80];
	[tilespmem:s2+$0xFFFFFF80] =	vst v16;
	v10 =	vmul.f32 v45, v50  }
0x17d: {  	v6 =	vmul.f32 v49, v6;
	[tilespmem:s2+$0xFFFFFFD0] =	vst v5;
	v5 =	vld [tilespmem:s9+$0xFFFFFF90]  }
0x17e: {  	v56 =	vmul.f32 v51, v13;
	[tilespmem:s2+$0x20] =	vst v10;
	v53 =	vld [tilespmem:s9+$0xFFFFFFE0]  }
0x17f: {  	v42 =	vperm.xlane v20, v3;
	[tilespmem:s7+$0x30] =	vst v6;
	v4 =	vmul.f32 v4, v14;
	v54 =	vld [tilespmem:s9+$0x30]  }
0x180: {  	v55 =	vperm.xlane v27, v3;
	v9 =	vmul.f32 v52, v15;
	[tilespmem:s10+$0xFFFFFFE0] =	vst v56  }
0x181: {  	v57 =	vperm.xlane v29, v3;
	[tilespmem:s10+$0xFFFFFF90] =	vst v4;
	v44 =	vmul.f32 v39, v42  }
0x182: {  	v4 =	vperm.xlane v28, v3;
	[tilespmem:s10+$0x30] =	vst v9;
	v5 =	vmul.f32 v5, v55  }
0x183: {  	[tilespmem:s2+$0x80] =	vst v44;
	v58 =	vmul.f32 v53, v57  }
0x184: {  	v4 =	vmul.f32 v54, v4;
	[tilespmem:s2+$0xFFFFFF90] =	vst v5  }
0x185: {  	[tilespmem:s2+$0xFFFFFFE0] =	vst v58  }
0x186: {  	[tilespmem:s2+$0x30] =	vst v4  }
0x187: {  	v4 =	vld [tilespmem:$0xCCF0]  }
0x188: {  	v5 =	vld [tilespmem:$0xD4C0];
	_ =	sdelay $0x4  }
0x189: {  	v4 =	vadd.f32 v5, v4;
	_ =	sdelay $0x1  }
0x18a: {  	v5 =	vmul.f32 $2.000000030e-01, v4;
	_ =	sdelay $0x1  }
0x18b: {  	v4 =	vmax.f32 v4, v5  }
0x18c: {  	v4 =	vmul.f32 $1.442695020e+00, v4;
	_ =	sdelay $0x1  }
0x18d: {  	(erf) = vpow2.f32 v4;
	_ =	sdelay $0x6  }
0x18e: {  	v4 =	vld [tilespmem:$0xCCB0]  }
0x18f: {  	v5 =	vld [tilespmem:$0xCCC0]  }
0x190: {  	v60 =	vld [tilespmem:$0xCCD0];
	v59 =	vpop (erf)  }
0x191: {  	v9 =	vld [tilespmem:$0xCCE0];
	v61 =	vperm.xlane v59, v0  }
0x192: {  	v62 =	vperm.xlane v59, v1  }
0x193: {  	s31 =	sadd.s32 $0x1, s31;
	v63 =	vperm.xlane v59, v2;
	v4 =	vmul.f32 v4, v61  }
0x194: {  	p1 =	sne.s32 s31, $0x28;
	[tilespmem:$0xFBD0] =	vst v59;
	v6 =	vperm.xlane v59, v3;
	v5 =	vmul.f32 v5, v62  }
.Ltmp2:
0x195: {  	[tilespmem:$0xFB90] =	vst v4;
	v4 =	vmul.f32 v60, v63;
	(pc) =	sbr.rel @p1 .LBB2_2-.Ltmp2, $4  }
0x196: {  	[tilespmem:$0xFBA0] =	vst v5;
	v5 =	vmul.f32 v9, v6  }
0x197: {  	[tilespmem:$0xFBB0] =	vst v4  }
0x198: {  	[tilespmem:$0xFBC0] =	vst v5  }
0x199: {  	[spmem:s1] =	stream.indirect.scatter.add.f32 [tilespmem:s26], [sflag:$0x6], $0x50, s0, s16, $0xb8;
	[tilespmem:$0x1BF30] =	vst v63  }
0x19a: {  	s0 =	simm.s32 $0x3  }
0x19b: {  	_ =	swait.ge [sflag:s0], $0x2710  }
0x19c: {  	[sflag:s0] =	ssyncset.done $0x0  }
0x19d: {  	s29 =	simm.s32 $0x6;
	[sflag:s0] =	ssyncadd.s32 $0xFFFFD8F0  }
0x19e: {  	_ =	swait.ge [sflag:s29], $0x2710  }
0x19f: {  	[sflag:s29] =	ssyncset.done $0x0  }
0x1a0: {  	[sflag:s29] =	ssyncadd.s32 $0xFFFFD8F0  }
0x1a1: {  	[bflag:$0x0] =	sbarrier.arrive $0xFFFF  }
0x1a2: {  	s31 =	rddreg [dreg:$0x5]  }
0x1a3: {  	[hbm:s31], [sflag:s6] =	dma.local [spmem:s12], $0x1860  }
0x1a4: {  	_ =	swait.ge [sflag:s13], $0x1860  }
0x1a5: {  	[sflag:s13] =	ssyncset.done $0x0  }
0x1a6: {  	s0 =	rddreg [dreg:$0x6];
	[sflag:s13] =	ssyncadd.s32 $0xFFFFE7A0  }
0x1a7: {  	[hbm:s0], [sflag:s6] =	dma.local @!p0 [spmem:s14], $0xA0  }
0x1a8: {  	s0 =	simm.s32 @!p0 $0x7  }
0x1a9: {  	_ =	swait.ge @!p0 [sflag:s0], $0xA0  }
0x1aa: {  	s30 =	sadd.s32 $0x1, s30;
	s2 =	rddreg [dreg:$0x7]  }
0x1ab: {  	p1 =	sne.s32 s30, s2  }
.Ltmp3:
0x1ac: {  	_ = 	snop;
	(pc) =	sbr.rel @p1 .LBB2_1-.Ltmp3, $3  }
0x1ad: {  	_ =	sdelay $0x1  }
0x1ae: {  	[sflag:s0] =	ssyncset.done @!p0 $0x0  }
0x1af: {  	[sflag:s0] =	ssyncadd.s32 @!p0 $0xFFFFFF60  }
0x1b0: {  	_ =	sfence.sel $0x180000  }
0x1b1: {  	[bflag:$0x0] =	sbarrier.arrive $0xFFFF  }
0x1b2: {  	_ =	strace $0x9000004A  }
0x1b3: {  	[bflag:$0x2] =	sbarrier.arrive $0xFFFF  }
0x1b4: {  	s0 =	rddreg [dreg:$0x2]  }
0x1b5: {  	s0 =	sadd.s32 @!p0 $0x100000, s0  }
0x1b6: {  	[sflag:s0] =	ssyncadd.tile.s32 @!p0 $0x1;
	_ =	shalt  }
.Lfunc_end2:
_tile_overlayer_lowered:
.L_overlay_start_2:
0x1b7: {  	(tag) =	ssettag $0x2  }
0x1b8: {  	s0 =	rddreg [dreg:$0x0];
	s2 =	stileid.u32  }
0x1b9: {  	s1 =	rddreg [dreg:$0x1];
	p0 =	sne.s32 s2, $0x0  }
0x1ba: {  	s3 =	rddreg [dreg:$0x2];
	[bflag:$0x3] =	sbarrier.arrive $0xFFFF;
	s2 =	simm.s32 @!p0 $0x1C07  }
0x1bb: {  	[timem:s3], [sflag:s2] =	dma.local @!p0 [hbm:s0], s1  }
0x1bc: {  	s0 =	simm.s32 @!p0 $0x7  }
0x1bd: {  	_ =	swait.ge @!p0 [sflag:s0], s1  }
0x1be: {  	s1 =	ssub.s32 @!p0 $0x0, s1;
	[sflag:s0] =	ssyncset.done @!p0 $0x0  }
0x1bf: {  	[sflag:s0] =	ssyncadd.s32 @!p0 s1  }
0x1c0: {  	[bflag:$0x3] =	sbarrier.arrive $0xFFFF  }
0x1c1: {  	_ =	shalt  }

// kernel: kernel.15.cloned.1.call-start
scs
__scs_entry_jumppad:
0x0: {  	(pc) =	sbr.rel $0x88, $3  }
0x1: {  	(tag) =	ssettag $0x0;
	lr =	simm.s32 $0x1  }
0x2: {  	[smem:$0x3F81] =	sst lr;
	_ =	strace $0xD0000000  }
0x3: {  	_ = 	snop  }
0x4: {  	_ = 	snop  }
0x5: {  	_ = 	snop  }
0x6: {  	_ = 	snop  }
0x7: {  	_ = 	snop  }
__scs_overlays_trampoline_lowered:
0x8: {  	[smem:$0x3F90] =	sst s0  }
0x9: {  	[smem:$0x3F91] =	sst s1  }
0xa: {  	[smem:$0x3F92] =	sst s2  }
0xb: {  	[smem:$0x3F93] =	sst s3  }
0xc: {  	[smem:$0x3F94] =	sst s4  }
0xd: {  	[smem:$0x3F95] =	sst s5  }
0xe: {  	[smem:$0x3F96] =	sst s6  }
0xf: {  	[smem:$0x3F97] =	sst s7  }
0x10: {  	[smem:$0x3F98] =	sst s8  }
0x11: {  	[smem:$0x3F99] =	sst s9;
	s0 =	simm.s32 @!p0 $0x0  }
0x12: {  	s1 =	sld [smem:$0x3F7F];
	s0 =	simm.s32 @p0 $0x1  }
0x13: {  	[smem:$0x3F9A] =	sst s0;
	s0 =	simm.s32 @!p1 $0x0  }
0x14: {  	s2 =	sld [smem:$0x3F7E];
	s0 =	simm.s32 @p1 $0x1  }
0x15: {  	[smem:$0x3F9B] =	sst s0;
	s0 =	simm.s32 @!p2 $0x0  }
0x16: {  	s3 =	sld [smem:$0x3FDB];
	s0 =	simm.s32 @p2 $0x1  }
0x17: {  	s4 =	simm.s32 $0x1BF5;
	[smem:$0x3F9D] =	sst s0  }
0x18: {  	s0 =	sld [smem:$0x3F80];
	_ =	swait.ge [sflag:s4], $0x0  }
0x19: {  	s7 =	sld [smem:$0x3F81]  }
0x1a: {  	s8 =	sadd.s32 $0xFFFFE003, lr  }
0x1b: {  	s9 =	sadd.s32 $0xFFFFFEF7, lr;
	s5 =	simm.s32 $0xFFFFFFFF;
	p2 =	slt.u32 s8, $0xFFFFF086  }
0x1c: {  	p1 =	slt.u32 s9, $0xF7A;
	s5 =	simm.s32 @!p2 $0x0  }
0x1d: {  	s5 =	simm.s32 @p1 $0x1;
	p0 =	seq.s32 s7, s2  }
0x1e: {  	s7 =	smul.u32 @!p0 $0xF7A, s2;
	p2 =	seq.s32 @!p0 s5, $0x0  }
0x1f: {  	s9 =	smul.u32 $0xF7A, s1;
	s8 =	simm.s32 @!p0 $0x1BF5;
	p2 =	por !p2, p0  }
0x20: {  	[sflag:s8] =	ssyncset.s32 @!p0 $0xFFFFF086;
	s6 =	sadd.s32 @!p0 s3, s7;
	s7 =	simm.s32 @!p0 $0x108  }
0x21: {  	s3 =	sadd.s32 s3, s9;
	s6 =	sadd.s32 @!p0 $0x88, s6;
	s7 =	simm.s32 @p2 $0x1082  }
0x22: {  	[simem:s7], [sflag:s8] =	dma.local @!p0 [hbm:s6], $0xF7A  }
0x23: {  	s9 =	sor.u32 $0xD0000000, s2;
	s6 =	simm.s32 $0x108;
	_ =	swait.ge @!p0 [sflag:s8], $0x0  }
0x24: {  	s3 =	sadd.s32 $0x88, s3;
	s6 =	simm.s32 @!p1 $0x1082;
	[sflag:s4] =	ssyncset.s32 $0xFFFFF086  }
0x25: {  	[simem:s6], [sflag:s4] =	dma.local [hbm:s3], $0xF7A  }
0x26: {  	[smem:$0x3F81] =	sst s1;
	(tag) =	ssettag s2;
	_ =	strace s9  }
0x27: {  	s1 =	sld [smem:$0x3F91]  }
0x28: {  	s2 =	sld [smem:$0x3F92]  }
0x29: {  	s4 =	sld [smem:$0x3F94]  }
0x2a: {  	p0 =	seq.s32 s5, $0x0;
	s5 =	sld [smem:$0x3F95]  }
0x2b: {  	s6 =	sld [smem:$0x3F96]  }
0x2c: {  	s7 =	sld [smem:$0x3F97]  }
0x2d: {  	s3 =	simm.s32 $0x108;
	s8 =	sld [smem:$0x3F98]  }
0x2e: {  	s3 =	simm.s32 @!p0 $0x1082;
	s9 =	sld [smem:$0x3F99]  }
0x2f: {  	lr =	sadd.s32 s0, s3;
	s0 =	sld [smem:$0x3F90]  }
0x30: {  	s3 =	sld [smem:$0x3F93]  }
0x31: {  	[smem:$0x3F9C] =	sst s10  }
0x32: {  	s10 =	sld [smem:$0x3F9A];
	_ =	sdelay $0x3  }
0x33: {  	p0 =	seq.s32 s10, $0x1;
	s10 =	sld [smem:$0x3F9C];
	_ =	sdelay $0x3  }
0x34: {  	[smem:$0x3F9C] =	sst s10  }
0x35: {  	s10 =	sld [smem:$0x3F9B];
	_ =	sdelay $0x3  }
0x36: {  	p1 =	seq.s32 s10, $0x1;
	s10 =	sld [smem:$0x3F9C];
	_ =	sdelay $0x3  }
0x37: {  	[smem:$0x3F9C] =	sst s10  }
0x38: {  	s10 =	sld [smem:$0x3F9D]  }
0x39: {  	_ = 	snop;
	(pc) =	sbr.ind lr, $3  }
0x3a: {  	_ = 	snop  }
0x3b: {  	_ = 	snop  }
0x3c: {  	p2 =	seq.s32 s10, $0x1;
	s10 =	sld [smem:$0x3F9C]  }
0x3d: {  	_ =	shalt  }
0x3e: {  	_ =	shalt  }
0x3f: {  	_ =	shalt  }
0x40: {  	_ =	shalt  }
0x41: {  	_ =	shalt  }
0x42: {  	_ =	shalt  }
0x43: {  	_ =	shalt  }
0x44: {  	_ =	shalt  }
0x45: {  	_ =	shalt  }
0x46: {  	_ =	shalt  }
0x47: {  	_ =	shalt  }
0x48: {  	_ =	shalt  }
0x49: {  	_ =	shalt  }
0x4a: {  	_ =	shalt  }
0x4b: {  	_ =	shalt  }
0x4c: {  	_ =	shalt  }
0x4d: {  	_ =	shalt  }
0x4e: {  	_ =	shalt  }
0x4f: {  	_ =	shalt  }
0x50: {  	_ =	shalt  }
0x51: {  	_ =	shalt  }
0x52: {  	_ =	shalt  }
0x53: {  	_ =	shalt  }
0x54: {  	_ =	shalt  }
0x55: {  	_ =	shalt  }
0x56: {  	_ =	shalt  }
0x57: {  	_ =	shalt  }
0x58: {  	_ =	shalt  }
0x59: {  	_ =	shalt  }
0x5a: {  	_ =	shalt  }
0x5b: {  	_ =	shalt  }
0x5c: {  	_ =	shalt  }
0x5d: {  	_ =	shalt  }
0x5e: {  	_ =	shalt  }
0x5f: {  	_ =	shalt  }
0x60: {  	_ =	shalt  }
0x61: {  	_ =	shalt  }
0x62: {  	_ =	shalt  }
0x63: {  	_ =	shalt  }
0x64: {  	_ =	shalt  }
0x65: {  	_ =	shalt  }
0x66: {  	_ =	shalt  }
0x67: {  	_ =	shalt  }
0x68: {  	_ =	shalt  }
0x69: {  	_ =	shalt  }
0x6a: {  	_ =	shalt  }
0x6b: {  	_ =	shalt  }
0x6c: {  	_ =	shalt  }
0x6d: {  	_ =	shalt  }
0x6e: {  	_ =	shalt  }
0x6f: {  	_ =	shalt  }
0x70: {  	_ =	shalt  }
0x71: {  	_ =	shalt  }
0x72: {  	_ =	shalt  }
0x73: {  	_ =	shalt  }
0x74: {  	_ =	shalt  }
0x75: {  	_ =	shalt  }
0x76: {  	_ =	shalt  }
0x77: {  	_ =	shalt  }
0x78: {  	_ =	shalt  }
0x79: {  	_ =	shalt  }
0x7a: {  	_ =	shalt  }
0x7b: {  	_ =	shalt  }
0x7c: {  	_ =	shalt  }
0x7d: {  	_ =	shalt  }
0x7e: {  	_ =	shalt  }
0x7f: {  	_ =	shalt  }
0x80: {  	_ =	shalt  }
0x81: {  	_ =	shalt  }
0x82: {  	_ =	shalt  }
0x83: {  	_ =	shalt  }
0x84: {  	_ =	shalt  }
0x85: {  	_ =	shalt  }
0x86: {  	_ =	shalt  }
0x87: {  	_ =	shalt  }
.Lfunc_end0:
.L_simem_size_0:
called_computation.2_lowered:
.L_overlay_start_0:
0x88: {  	s2 =	sld [smem:$0x3FD9]  }
0x89: {  	s3 =	sld [smem:$0x3FFE];
	_ =	sdelay $0x1  }
0x8a: {  	s1 =	srdreg.scid  }
0x8b: {  	s0 =	sand.u32 $0x1, s1  }
0x8c: {  	s16 =	sshll.u32 s0, $0xA;
	s2 =	sadd.s32 s3, s2  }
0x8d: {  	s2 =	sadd.s32 s2, s16  }
0x8e: {  	[smem:$0x3FA8] =	sst s2  }
0x8f: {  	_ = 	snop  }
0x90: {  	(tm) =	ssettm $0x1  }
0x91: {  	s17 =	sld [smem:$0x3FFB];
	_ =	sdelay $0x3  }
0x92: {  	_ =	strace s17  }
0x93: {  	s2 =	sld [smem:$0x3FFC];
	_ =	sdelay $0x3  }
0x94: {  	_ =	strace s2  }
0x95: {  	s2 =	sld [smem:$0x3FFD];
	_ =	sdelay $0x3  }
0x96: {  	_ =	strace s2  }
0x97: {  	_ =	strace $0x8FFFFFFF  }
0x98: {  	s18 =	sld [smem:$0x3FDB];
	_ =	sdelay $0x1  }
0x99: {  	s19 =	simm.s32 $_scs_section_size  }
0x9a: {  	s4 =	simm.s32 $_size__tile_overlayer_lowered;
	s5 =	simm.s32 $_tile_overlayer_lowered  }
0x9b: {  	s22 =	simm.s32 $0x1BFF;
	s21 =	sshll.u32 s5, $0x1;
	s2 =	sadd.s32 s19, s18  }
0x9c: {  	s6 =	simm.s32 $0x0;
	s20 =	sshll.u32 s4, $0x1;
	s4 =	sadd.s32 s21, s2  }
0x9d: {  	[timem:s6], [sflag:s22] =	dma.local [hbm:s4], s20  }
0x9e: {  	_ =	swait.ge [sflag:s22], s20  }
0x9f: {  	s3 =	ssub.s32 $0x0, s20;
	[sflag:s22] =	ssyncset.done $0x0  }
0xa0: {  	[sflag:s22] =	ssyncadd.s32 s3;
	_ =	sdelay $0x1  }
0xa1: {  	s23 =	simm.s32 $0x1B8B  }
0xa2: {  	_ =	swait.ge [sflag:s23], $0x1  }
0xa3: {  	[sflag:s23] =	ssyncset.done $0x0  }
0xa4: {  	s25 =	simm.s32 $0x1B8E;
	s24 =	sld [smem:$0x3FFE];
	[sflag:s23] =	ssyncadd.s32 $0xFFFFFFFF  }
0xa5: {  	s26 =	simm.s32 $execute0_lowered;
	[smem:$0x3FD2] =	sst s25  }
0xa6: {  	s4 =	sshll.u32 s26, $0x1;
	_ =	strace $0x8000004C;
	[dreg:$0x1] =	wrdreg $0xFFFFFFFF  }
0xa7: {  	s28 =	simm.s32 $_size_execute0_lowered;
	s2 =	sadd.s32 s2, s4;
	[dreg:$0x0] =	wrdreg $0x0  }
0xa8: {  	s4 =	sshll.u32 s28, $0x1;
	[dreg:$0x2] =	wrdreg s2  }
0xa9: {  	[dreg:$0x3] =	wrdreg s4  }
0xaa: {  	[dreg:$0x4] =	wrdreg $0xC0  }
0xab: {  	_ =	task [dreg:s6], $0x5FFFF  }
0xac: {  	[dreg:$0x1] =	wrdreg $0xFFFFFFFF  }
0xad: {  	[dreg:$0x0] =	wrdreg $0x60  }
0xae: {  	[dreg:$0x2] =	wrdreg s24  }
0xaf: {  	[dreg:$0x3] =	wrdreg $0xFBE00  }
0xb0: {  	[dreg:$0x4] =	wrdreg $0x9  }
0xb1: {  	_ =	task.clear_ibuf [dreg:s6], $0x5FFFF;
	_ =	strace $0x9000004C  }
0xb2: {  	s29 =	simm.s32 $0x9;
	_ =	strace $0x8000004E  }
0xb3: {  	_ =	swait.ge [sflag:s29], $0x1  }
0xb4: {  	[sflag:s29] =	ssyncadd.s32 $0xFFFFFFFF  }
0xb5: {  	_ =	strace $0x9000004E  }
0xb6: {  	_ =	sfence  }
0xb7: {  	s30 =	sld [smem:$0x0];
	_ =	sdelay $0x2  }
0xb8: {  	s31 =	sshll.u32 s1, $0xD;
	s1 =	sshrl.u32 s1, $0x2  }
0xb9: {  	s3 =	sand.u32 $0x4000, s31;
	s1 =	sadd.s32 s1, s30  }
0xba: {  	s0 =	sor.u32 s3, s0;
	s1 =	sshll.u32 s1, $0x11  }
0xbb: {  	s0 =	sor.u32 s1, s0  }
0xbc: {  	s0 =	sadd.s32 $0x8F2B, s0  }
0xbd: {  	[sflag:s0] =	ssyncadd.remote.s32 $0x1  }
0xbe: {  	_ =	sfence.sel $0xFFFF  }
0xbf: {  	[dreg:$0x0] =	wrdreg $0xFFFFFFFF;
	(pc) =	sbr.abs _section_cstart, $3  }
0xc0: {  	[dreg:$0x1] =	wrdreg $0xFFFFFFFF  }
0xc1: {  	_ =	task.clear_ibuf [dreg:s6], $0x2FFFF;
	_ =	strace $0x9FFFFFFF  }
0xc2: {  	(tm) =	ssettm $0x7FFFFFFF  }
0xc3: {  	_ =	shalt  }
tec
execute0_lowered:
.L_overlay_start_1:
0x0: {  	(tag) =	ssettag $0x1  }
0x1: {  	s0 =	rddreg [dreg:$0x0];
	s2 =	srdreg.scid  }
0x2: {  	s7 =	stileid.u32;
	s1 =	rddreg [dreg:$0x1];
	s4 =	simm.s32 $0x0  }
0x3: {  	s13 =	simm.s32 $0x7;
	s16 =	simm.s32 $0x7D;
	s19 =	simm.s32 $0xA5F0  }
0x4: {  	s20 =	simm.s32 $0xCD00;
	s21 =	simm.s32 $0x1;
	s22 =	simm.s32 $0x2  }
0x5: {  	s23 =	simm.s32 $0x7EE0;
	s24 =	simm.s32 $0x4;
	s25 =	simm.s32 $0x5  }
0x6: {  	s26 =	simm.s32 $0xD4D0;
	s30 =	simm.s32 $0x0;
	s2 =	sand.u32 $0x1, s2  }
0x7: {  	s3 =	sshll.u32 s7, $0x1;
	[smem:$0x7FF] =	sst s4;
	s4 =	sadd.s32 $0x1A00, s0  }
0x8: {  	s9 =	smul.u32 $0xC300, s7;
	s28 =	sshll.u32 s7, $0x6;
	s14 =	sadd.s32 $0xC3000, s1  }
0x9: {  	s3 =	sor.u32 s2, s3;
	s6 =	ssub.s32 $0x2, s2;
	s2 =	smul.u32 $0xC3500, s2  }
0xa: {  	p0 =	sne.s32 s7, $0x0;
	_ =	strace $0x8000004D;
	s5 =	smul.u32 $0x500, s3  }
0xb: {  	s3 =	sadd.s32 $0x93200, s0;
	s10 =	sshrl.u32 s6, $0x1;
	s11 =	sadd.s32 s9, s1  }
0xc: {  	s10 =	ssub.s32 s6, s10;
	s9 =	sadd.s32 s9, s2;
	s2 =	sshrl.u32 s2, $0x3  }
0xd: {  	s8 =	sadd.s32 s5, s0;
	s5 =	sadd.s32 $0x1C200, s0;
	s31 =	smax.u32 s10, $0x1  }
0xe: {  	s0 =	sadd.s32 $0x1DC00, s0;
	s12 =	sadd.s32 $0x12200, s8;
	[dreg:$0x7] =	wrdreg s31  }
0xf: {  	s9 =	sshrl.u32 s9, $0x3;
	s8 =	sadd.s32 $0x8200, s8;
	[dreg:$0x3] =	wrdreg s12  }
0x10: {  	v0 =	vlaneseq.u32;
	s29 =	sadd.s32 s0, s9;
	s0 =	sadd.s32 s0, s2;
	[dreg:$0x4] =	wrdreg s8  }
0x11: {  	v0 =	vshrl.u32 v0, $0x3;
	s14 =	sshrl.u32 @!p0 s14, $0x3;
	[dreg:$0x5] =	wrdreg s29;
	s0 =	sadd.s32 $0x18600, s0  }
0x12: {  	v1 =	vor.u32 $0x2, v0;
	v2 =	vor.u32 $0x4, v0;
	v3 =	vor.u32 $0x6, v0;
	s6 =	sor.u32 $0x1C07, s28;
	s12 =	sshrl.u32 s11, $0x3;
	[dreg:$0x6] =	wrdreg s0  }
.LBB2_1:
0x13: {  	[spmem:s12], [sflag:s6] =	dma.local [hbm:s5], $0x1860  }
0x14: {  	_ =	swait.ge [sflag:s13], $0x1860  }
0x15: {  	[sflag:s13] =	ssyncset.done $0x0  }
0x16: {  	s0 =	simm.s32 @!p0 $0x7;
	[sflag:s13] =	ssyncadd.s32 $0xFFFFE7A0  }
0x17: {  	[spmem:s14], [sflag:s6] =	dma.local @!p0 [hbm:s5], $0xA0  }
0x18: {  	_ =	swait.ge @!p0 [sflag:s0], $0xA0  }
0x19: {  	[sflag:s0] =	ssyncset.done @!p0 $0x0  }
0x1a: {  	[sflag:s0] =	ssyncadd.s32 @!p0 $0xFFFFFF60  }
0x1b: {  	[bflag:$0x0] =	sbarrier.arrive $0xFFFF  }
0x1c: {  	s17 =	simm.s32 $0x0;
	s2 =	rddreg [dreg:$0x3]  }
0x1d: {  	[tilespmem:s17], [sflag:$0x7] =	stream.linear.gather [hbm4b:s2+s17], $0x2800, $0x38;
	[tilespmem:$0x1BF30] =	vst v63  }
0x1e: {  	_ =	swait.ge [sflag:s13], $0x2800  }
0x1f: {  	[sflag:s13] =	ssyncset.done $0x0  }
0x20: {  	s7 =	simm.s32 $0x2800;
	s18 =	rddreg [dreg:$0x4];
	[sflag:s13] =	ssyncadd.s32 $0xFFFFD800  }
0x21: {  	[tilespmem:s7], [sflag:$0x7] =	stream.linear.gather [hbm4b:s18+s17], $0x2800, $0x38;
	[tilespmem:$0x1BF30] =	vst v63  }
0x22: {  	_ =	swait.ge [sflag:s13], $0x2800  }
0x23: {  	[sflag:s13] =	ssyncset.done $0x0  }
0x24: {  	s28 =	simm.s32 $0x5000;
	[sflag:s13] =	ssyncadd.s32 $0xFFFFD800  }
0x25: {  	[tilespmem:s28], [sflag:$0x1] =	stream.indirect.gather [hbm4b:s3+s16], $0x50, s17, s16, $0xb8;
	[tilespmem:$0x1BF30] =	vst v63  }
0x26: {  	s29 =	simm.s32 $0x7710;
	s31 =	simm.s32 $0x0  }
0x27: {  	[tilespmem:s29], [sflag:$0x2] =	stream.indirect.gather [hbm4b:s4+s16], $0x10, s7, s16, $0xb8;
	[tilespmem:$0x1BF30] =	vst v63  }
.LBB2_2:
0x28: {  	s17 =	sshll.u32 s31, $0x8  }
0x29: {  	s0 =	sor.u32 $0x80, s17  }
0x2a: {  	[tilespmem:s19], [sflag:$0x4] =	stream.indirect.gather [hbm4b:s3+s16], $0x50, s0, s16, $0xb8;
	[tilespmem:$0x1BF30] =	vst v63  }
0x2b: {  	s0 =	sadd.s32 $0x2880, s17  }
0x2c: {  	[tilespmem:s20], [sflag:$0x5] =	stream.indirect.gather [hbm4b:s4+s16], $0x10, s0, s16, $0xb8;
	[tilespmem:$0x1BF30] =	vst v63  }
0x2d: {  	_ =	swait.ge [sflag:s21], $0x2710  }
0x2e: {  	[sflag:s21] =	ssyncset.done $0x0  }
0x2f: {  	[sflag:s21] =	ssyncadd.s32 $0xFFFFD8F0  }
0x30: {  	_ =	swait.ge [sflag:s22], $0x7D0  }
0x31: {  	p1 =	seq.s32 s31, $0x0;
	[sflag:s22] =	ssyncset.done $0x0  }
0x32: {  	s2 =	simm.s32 @!p1 $0x3;
	[sflag:s22] =	ssyncadd.s32 $0xFFFFF830  }
0x33: {  	_ =	swait.ge @!p1 [sflag:s2], $0x2710  }
0x34: {  	[sflag:s2] =	ssyncset.done @!p1 $0x0  }
0x35: {  	s10 =	simm.s32 $0x50A0;
	[sflag:s2] =	ssyncadd.s32 @!p1 $0xFFFFD8F0  }
0x36: {  	s8 =	simm.s32 $0x7730;
	v4 =	vld [tilespmem:s10+$0x90]  }
0x37: {  	v5 =	vld [tilespmem:s8+$0x10];
	_ =	sdelay $0x4  }
0x38: {  	v6 =	vld [tilespmem:s8+$0xFFFFFFE0];
	v4 =	vadd.f32 v5, v4  }
0x39: {  	v7 =	vld [tilespmem:s8+$0xFFFFFFF0]  }
0x3a: {  	v9 =	vld [tilespmem:s10+$0x40];
	v8 =	vmul.f32 $2.000000030e-01, v4  }
0x3b: {  	v5 =	vld [tilespmem:s10+$0xFFFFFFF0]  }
0x3c: {  	v10 =	vld [tilespmem:s8+$0x0];
	v4 =	vmax.f32 v4, v8  }
0x3d: {  	v8 =	vld [tilespmem:s10+$0xFFFFFFA0];
	v4 =	vmul.f32 $1.442695020e+00, v4;
	_ =	sdelay $0x1  }
0x3e: {  	(erf) = vpow2.f32 v4  }
0x3f: {  	v4 =	vadd.f32 v7, v5  }
0x40: {  	v5 =	vadd.f32 v10, v9  }
0x41: {  	v7 =	vmul.f32 $2.000000030e-01, v4;
	v6 =	vadd.f32 v6, v8  }
0x42: {  	v8 =	vmul.f32 $2.000000030e-01, v5  }
0x43: {  	v4 =	vmax.f32 v4, v7;
	v7 =	vmul.f32 $2.000000030e-01, v6  }
0x44: {  	v5 =	vmax.f32 v5, v8;
	v4 =	vmul.f32 $1.442695020e+00, v4  }
0x45: {  	v5 =	vmul.f32 $1.442695020e+00, v5;
	v6 =	vmax.f32 v6, v7  }
0x46: {  	s18 =	simm.s32 $0x51E0;
	v6 =	vmul.f32 $1.442695020e+00, v6;
	(erf) = vpow2.f32 v4  }
0x47: {  	s15 =	simm.s32 $0x7F80;
	s9 =	simm.s32 $0x7770;
	v4 =	vld [tilespmem:s18+$0x90];
	(erf) = vpow2.f32 v5;
	v7 =	vpop (erf)  }
0x48: {  	v5 =	vld [tilespmem:s9+$0x10];
	(erf) = vpow2.f32 v6;
	[tilespmem:s15+$0x90] =	vst v7  }
0x49: {  	v6 =	vld [tilespmem:s10+$0x50];
	_ =	sdelay $0x2  }
0x4a: {  	v11 =	vld [tilespmem:s9+$0xFFFFFFF0];
	v9 =	vperm.xlane v7, v0  }
0x4b: {  	v13 =	vld [tilespmem:s9+$0x0]  }
0x4c: {  	v16 =	vld [tilespmem:s18+$0xFFFFFFA0];
	v4 =	vadd.f32 v5, v4;
	v6 =	vmul.f32 v6, v9  }
0x4d: {  	v10 =	vld [tilespmem:s18+$0xFFFFFFF0];
	v5 =	vpop (erf)  }
0x4e: {  	v8 =	vld [tilespmem:s9+$0xFFFFFFE0];
	v12 =	vpop (erf);
	[tilespmem:s15+$0x50] =	vst v6;
	v6 =	vmul.f32 $2.000000030e-01, v4  }
0x4f: {  	v9 =	vld [tilespmem:s18+$0x40];
	v14 =	vpop (erf)  }
0x50: {  	v15 =	vld [tilespmem:s10+$0x60];
	[tilespmem:s15+$0xFFFFFFA0] =	vst v14;
	v4 =	vmax.f32 v4, v6  }
0x51: {  	v6 =	vld [tilespmem:s10+$0xFFFFFF60];
	v4 =	vmul.f32 $1.442695020e+00, v4  }
0x52: {  	v18 =	vperm.xlane v7, v1;
	[tilespmem:s15+$0xFFFFFFF0] =	vst v5  }
0x53: {  	v19 =	vperm.xlane v5, v0;
	[tilespmem:s15+$0x40] =	vst v12;
	v17 =	vld [tilespmem:s10+$0xFFFFFFB0];
	(erf) = vpow2.f32 v4  }
0x54: {  	v10 =	vadd.f32 v11, v10;
	v22 =	vperm.xlane v5, v2;
	v11 =	vld [tilespmem:s10+$0x0];
	v4 =	vperm.xlane v14, v0  }
0x55: {  	s11 =	simm.s32 $0x77B0;
	v23 =	vperm.xlane v12, v2;
	v9 =	vadd.f32 v13, v9;
	v13 =	vmul.f32 v15, v18  }
0x56: {  	s8 =	simm.s32 $0x5320;
	v24 =	vld [tilespmem:s11+$0xFFFFFFE0];
	v8 =	vadd.f32 v8, v16;
	v18 =	vmul.f32 $2.000000030e-01, v10;
	v4 =	vmul.f32 v6, v4  }
0x57: {  	v27 =	vld [tilespmem:s8+$0xFFFFFFA0];
	v16 =	vmul.f32 $2.000000030e-01, v9;
	v15 =	vperm.xlane v12, v0;
	[tilespmem:s15+$0x60] =	vst v13  }
0x58: {  	v6 =	vmax.f32 v10, v18;
	v10 =	vmul.f32 $2.000000030e-01, v8;
	v13 =	vmul.f32 v17, v19;
	v17 =	vld [tilespmem:s10+$0x70];
	[tilespmem:s15+$0xFFFFFF60] =	vst v4  }
0x59: {  	v9 =	vmax.f32 v9, v16;
	v6 =	vmul.f32 $1.442695020e+00, v6;
	v4 =	vmul.f32 v11, v15;
	v11 =	vld [tilespmem:s10+$0xFFFFFF70]  }
0x5a: {  	v20 =	vperm.xlane v14, v2;
	v9 =	vmul.f32 $1.442695020e+00, v9;
	[tilespmem:s15+$0xFFFFFFB0] =	vst v13;
	v8 =	vmax.f32 v8, v10;
	v10 =	vld [tilespmem:s8+$0x90]  }
0x5b: {  	(erf) = vpow2.f32 v6;
	v6 =	vld [tilespmem:s10+$0xFFFFFFC0];
	[tilespmem:s15+$0x0] =	vst v4;
	v8 =	vmul.f32 $1.442695020e+00, v8  }
0x5c: {  	s7 =	simm.s32 $0x80C0;
	v4 =	vperm.xlane v7, v2;
	(erf) = vpow2.f32 v9;
	v9 =	vld [tilespmem:s10+$0x10];
	v13 =	vpop (erf)  }
0x5d: {  	v15 =	vperm.xlane v14, v1;
	(erf) = vpow2.f32 v8;
	v8 =	vld [tilespmem:s11+$0x10];
	[tilespmem:s7+$0x90] =	vst v13  }
0x5e: {  	v16 =	vperm.xlane v5, v1;
	v4 =	vmul.f32 v17, v4;
	v17 =	vld [tilespmem:s18+$0x50]  }
0x5f: {  	v25 =	vld [tilespmem:s11+$0xFFFFFFF0];
	v24 =	vadd.f32 v24, v27;
	s9 =	simm.s32 $0x5460;
	v18 =	vperm.xlane v12, v1;
	v11 =	vmul.f32 v11, v15  }
0x60: {  	v38 =	vld [tilespmem:s9+$0xFFFFFFA0];
	v19 =	vperm.xlane v14, v3;
	[tilespmem:s15+$0x70] =	vst v4;
	v4 =	vperm.xlane v12, v3  }
0x61: {  	v14 =	vld [tilespmem:s8+$0xFFFFFFF0];
	v12 =	vperm.xlane v13, v0;
	[tilespmem:s15+$0xFFFFFF70] =	vst v11;
	v11 =	vmul.f32 $2.000000030e-01, v24  }
0x62: {  	v6 =	vmul.f32 v6, v16;
	v16 =	vld [tilespmem:s8+$0x40];
	v9 =	vmul.f32 v9, v18  }
0x63: {  	v21 =	vld [tilespmem:s10+$0x80];
	v8 =	vadd.f32 v8, v10;
	v11 =	vmax.f32 v24, v11;
	v12 =	vmul.f32 v17, v12  }
0x64: {  	v5 =	vperm.xlane v5, v3;
	[tilespmem:s15+$0x10] =	vst v9;
	v15 =	vpop (erf);
	v9 =	vmul.f32 $1.442695020e+00, v11;
	v17 =	vld [tilespmem:s11+$0x0]  }
0x65: {  	v7 =	vperm.xlane v7, v3;
	v11 =	vld [tilespmem:s10+$0x20];
	v18 =	vpop (erf);
	s11 =	simm.s32 $0x77F0;
	[tilespmem:s7+$0x50] =	vst v12;
	v12 =	vmul.f32 $2.000000030e-01, v8  }
0x66: {  	v14 =	vadd.f32 v25, v14;
	v27 =	vperm.xlane v13, v1;
	v10 =	vperm.xlane v15, v0;
	v37 =	vld [tilespmem:s11+$0x0];
	v28 =	vpop (erf)  }
0x67: {  	v25 =	vperm.xlane v15, v1;
	v26 =	vperm.xlane v18, v0;
	[tilespmem:s7+$0xFFFFFFA0] =	vst v28;
	v31 =	vld [tilespmem:s18+$0x60];
	v8 =	vmax.f32 v8, v12  }
0x68: {  	[tilespmem:s7+$0xFFFFFFF0] =	vst v15;
	v21 =	vmul.f32 v21, v7;
	v7 =	vld [tilespmem:s18+$0xFFFFFF60];
	v8 =	vmul.f32 $1.442695020e+00, v8  }
0x69: {  	[tilespmem:s7+$0x40] =	vst v18;
	v57 =	vperm.xlane v18, v2;
	v12 =	vld [tilespmem:s18+$0xFFFFFFB0];
	v16 =	vadd.f32 v17, v16;
	v17 =	vmul.f32 $2.000000030e-01, v14  }
0x6a: {  	v32 =	vld [tilespmem:s18+$0x0];
	v29 =	vperm.xlane v28, v0;
	(erf) = vpow2.f32 v8  }
0x6b: {  	v30 =	vperm.xlane v28, v1;
	v33 =	vmul.f32 $2.000000030e-01, v16;
	v8 =	vmax.f32 v14, v17;
	v17 =	vld [tilespmem:s10+$0xFFFFFF80]  }
0x6c: {  	[tilespmem:s15+$0x80] =	vst v21;
	v21 =	vld [tilespmem:s9+$0x40];
	v23 =	vmul.f32 v11, v23;
	v14 =	vmul.f32 v31, v27  }
0x6d: {  	[tilespmem:s15+$0xFFFFFFC0] =	vst v6;
	v6 =	vmul.f32 $1.442695020e+00, v8;
	v27 =	vld [tilespmem:s9+$0x90];
	v8 =	vmax.f32 v16, v33;
	v7 =	vmul.f32 v7, v29  }
0x6e: {  	v16 =	vld [tilespmem:s10+$0xFFFFFFD0];
	v10 =	vmul.f32 v12, v10;
	v8 =	vmul.f32 $1.442695020e+00, v8;
	[tilespmem:s7+$0x60] =	vst v14  }
0x6f: {  	(erf) = vpow2.f32 v6;
	v6 =	vld [tilespmem:s18+$0x70];
	[tilespmem:s7+$0xFFFFFF60] =	vst v7;
	v7 =	vmul.f32 v32, v26  }
0x70: {  	[tilespmem:s7+$0xFFFFFFB0] =	vst v10;
	(erf) = vpow2.f32 v8;
	v24 =	vld [tilespmem:s18+$0xFFFFFF70];
	v17 =	vmul.f32 v17, v20  }
0x71: {  	v31 =	vperm.xlane v15, v2;
	(erf) = vpow2.f32 v9;
	v9 =	vld [tilespmem:s18+$0xFFFFFFC0];
	[tilespmem:s7+$0x0] =	vst v7  }
0x72: {  	v14 =	vperm.xlane v18, v1;
	v7 =	vperm.xlane v13, v2;
	v10 =	vld [tilespmem:s18+$0x10];
	[tilespmem:s15+$0xFFFFFF80] =	vst v17  }
0x73: {  	s2 =	simm.s32 $0x8200;
	v26 =	vperm.xlane v28, v2;
	v8 =	vperm.xlane v28, v3;
	v63 =	vld [tilespmem:s10+$0xFFFFFF90];
	v12 =	vpop (erf)  }
0x74: {  	v28 =	vmul.f32 v6, v7;
	v7 =	vperm.xlane v15, v3;
	v15 =	vld [tilespmem:s11+$0x10];
	[tilespmem:s2+$0x90] =	vst v12  }
0x75: {  	v13 =	vperm.xlane v13, v3;
	v20 =	vmul.f32 v16, v22;
	v16 =	vld [tilespmem:s8+$0x50]  }
0x76: {  	v22 =	vmul.f32 v24, v30;
	v24 =	vmul.f32 v9, v25;
	v25 =	vld [tilespmem:s11+$0xFFFFFFE0]  }
0x77: {  	v6 =	vperm.xlane v18, v3;
	[tilespmem:s7+$0x70] =	vst v28;
	v9 =	vld [tilespmem:s9+$0xFFFFFFF0];
	v29 =	vmul.f32 v10, v14  }
0x78: {  	v21 =	vadd.f32 v37, v21;
	v11 =	vld [tilespmem:s18+$0x80];
	v10 =	vperm.xlane v12, v0;
	v28 =	vpop (erf);
	v19 =	vmul.f32 v63, v19  }
0x79: {  	v14 =	vld [tilespmem:s11+$0xFFFFFFF0];
	v30 =	vperm.xlane v28, v0;
	v58 =	vpop (erf);
	v18 =	vperm.xlane v28, v1  }
0x7a: {  	[tilespmem:s7+$0x10] =	vst v29;
	v29 =	vmul.f32 $2.000000030e-01, v21;
	v34 =	vperm.xlane v58, v0;
	v35 =	vpop (erf)  }
0x7b: {  	v15 =	vadd.f32 v15, v27;
	v36 =	vperm.xlane v35, v0;
	v10 =	vmul.f32 v16, v10  }
0x7c: {  	[tilespmem:s7+$0xFFFFFFC0] =	vst v24;
	v17 =	vperm.xlane v35, v1;
	v16 =	vperm.xlane v58, v1  }
0x7d: {  	v27 =	vmul.f32 v11, v13;
	v13 =	vmul.f32 $2.000000030e-01, v15;
	[tilespmem:s2+$0x50] =	vst v10  }
0x7e: {  	[tilespmem:s2+$0xFFFFFFA0] =	vst v35;
	v24 =	vadd.f32 v25, v38;
	v25 =	vperm.xlane v12, v1;
	v40 =	vadd.f32 v14, v9;
	v41 =	vld [tilespmem:s8+$0x60]  }
0x7f: {  	[tilespmem:s2+$0xFFFFFFF0] =	vst v28;
	v39 =	vld [tilespmem:s8+$0xFFFFFF60];
	v11 =	vperm.xlane v28, v2;
	v9 =	vperm.xlane v58, v2;
	v15 =	vmax.f32 v15, v13  }
0x80: {  	[tilespmem:s7+$0xFFFFFF70] =	vst v22;
	v59 =	vld [tilespmem:s8+$0xFFFFFFB0];
	v13 =	vperm.xlane v28, v3;
	v28 =	vmul.f32 $1.442695020e+00, v15  }
0x81: {  	v61 =	vld [tilespmem:s18+$0xFFFFFF80];
	[tilespmem:s2+$0x40] =	vst v58;
	v21 =	vmax.f32 v21, v29;
	v14 =	vperm.xlane v35, v3;
	v22 =	vmul.f32 $2.000000030e-01, v40  }
0x82: {  	v60 =	vld [tilespmem:s8+$0x0];
	v21 =	vmul.f32 $1.442695020e+00, v21;
	(erf) = vpow2.f32 v28  }
0x83: {  	[tilespmem:s15+$0xFFFFFFD0] =	vst v20;
	v62 =	vld [tilespmem:s18+$0x20];
	v20 =	vmax.f32 v40, v22;
	v22 =	vmul.f32 $2.000000030e-01, v24;
	v25 =	vmul.f32 v41, v25  }
0x84: {  	[tilespmem:s7+$0x80] =	vst v27;
	v28 =	vld [tilespmem:s18+$0xFFFFFFD0];
	v20 =	vmul.f32 $1.442695020e+00, v20;
	v27 =	vmul.f32 v39, v36  }
0x85: {  	v10 =	vperm.xlane v35, v2;
	v29 =	vmul.f32 v59, v30;
	v24 =	vmax.f32 v24, v22;
	v22 =	vld [tilespmem:s10+$0xFFFFFFE0];
	[tilespmem:s2+$0x60] =	vst v25  }
0x86: {  	(erf) = vpow2.f32 v20;
	[tilespmem:s2+$0xFFFFFF60] =	vst v27;
	v25 =	vmul.f32 $1.442695020e+00, v24;
	v27 =	vld [tilespmem:s8+$0x70]  }
0x87: {  	[tilespmem:s2+$0xFFFFFFB0] =	vst v29;
	v20 =	vmul.f32 v60, v34;
	(erf) = vpow2.f32 v21;
	v24 =	vld [tilespmem:s8+$0xFFFFFF70]  }
0x88: {  	[tilespmem:s15+$0x20] =	vst v23;
	v21 =	vmul.f32 v61, v26;
	(erf) = vpow2.f32 v25;
	v25 =	vld [tilespmem:s8+$0xFFFFFFC0]  }
0x89: {  	v23 =	vld [tilespmem:s10+$0x30];
	v29 =	vperm.xlane v12, v2;
	[tilespmem:s2+$0x0] =	vst v20;
	v28 =	vmul.f32 v28, v31  }
0x8a: {  	s28 =	simm.s32 $0xC;
	s29 =	simm.s32 $0x55A0;
	v15 =	vperm.xlane v58, v3;
	s10 =	simm.s32 $0x8200;
	v26 =	vld [tilespmem:s8+$0x10];
	[tilespmem:s7+$0xFFFFFF80] =	vst v21;
	v21 =	vmul.f32 v62, v57  }
.LBB2_3:
0x8b: {  	v30 =	vld [tilespmem:s29+$0x90];
	s11 =	sadd.s32 $0x40, s11;
	v31 =	vpop (erf);
	v27 =	vmul.f32 v27, v29;
	s2 =	sadd.s32 $0x140, s2;
	[tilespmem:s7+$0xFFFFFFD0] =	vst v28;
	v22 =	vmul.f32 v22, v5;
	v20 =	vmov v14  }
0x8c: {  	v5 =	vmov v7;
	v7 =	vmov v13;
	v14 =	vld [tilespmem:s11+$0x10];
	[tilespmem:s2+$0x90] =	vst v31;
	v17 =	vmul.f32 v24, v17  }
0x8d: {  	v13 =	vld [tilespmem:s9+$0x50];
	v18 =	vmul.f32 v25, v18;
	[tilespmem:s10+$0x70] =	vst v27  }
0x8e: {  	[tilespmem:s10+$0xFFFFFF70] =	vst v17;
	v24 =	vld [tilespmem:s8+$0x80];
	v23 =	vmul.f32 v23, v4;
	v4 =	vmov v6;
	v6 =	vmov v15  }
0x8f: {  	s28 =	sadd.s32 $0x4, s28;
	v15 =	vld [tilespmem:s11+$0xFFFFFFE0];
	v25 =	vpop (erf);
	[tilespmem:s10+$0xFFFFFFC0] =	vst v18;
	v16 =	vmul.f32 v26, v16  }
0x90: {  	p2 =	slt.u32 s28, $0x78;
	v17 =	vperm.xlane v31, v0;
	v26 =	vld [tilespmem:s29+$0xFFFFFFF0];
	[tilespmem:s2+$0xFFFFFFF0] =	vst v25;
	v27 =	vperm.xlane v25, v0;
	v28 =	vpop (erf)  }
0x91: {  	v18 =	vperm.xlane v12, v3;
	v12 =	vmov v31;
	v29 =	vld [tilespmem:s11+$0xFFFFFFF0];
	[tilespmem:s2+$0x40] =	vst v28;
	v32 =	vperm.xlane v28, v0;
	v33 =	vpop (erf)  }
0x92: {  	v31 =	vld [tilespmem:s29+$0x40];
	[tilespmem:s2+$0xFFFFFFA0] =	vst v33;
	v34 =	vperm.xlane v33, v0;
	v13 =	vmul.f32 v13, v17  }
0x93: {  	v14 =	vadd.f32 v14, v30;
	v17 =	vperm.xlane v33, v1;
	v35 =	vld [tilespmem:s11+$0x0];
	[tilespmem:s10+$0x10] =	vst v16;
	v24 =	vmul.f32 v24, v18  }
0x94: {  	v18 =	vperm.xlane v25, v1;
	v16 =	vperm.xlane v28, v1;
	v30 =	vld [tilespmem:s29+$0xFFFFFFA0];
	[tilespmem:s2+$0x50] =	vst v13  }
0x95: {  	v37 =	vperm.xlane v33, v2;
	v13 =	vmul.f32 $2.000000030e-01, v14;
	v36 =	vld [tilespmem:s9+$0xFFFFFF60];
	[tilespmem:s10+$0x80] =	vst v24  }
0x96: {  	v38 =	vperm.xlane v28, v2;
	v24 =	vadd.f32 v29, v26;
	v26 =	vperm.xlane v25, v2;
	v29 =	vld [tilespmem:s9+$0x60];
	[tilespmem:s7+$0x20] =	vst v21  }
0x97: {  	v21 =	vmax.f32 v14, v13;
	v14 =	vperm.xlane v33, v3;
	v13 =	vperm.xlane v25, v3;
	v33 =	vld [tilespmem:s9+$0xFFFFFFB0];
	[tilespmem:s15+$0xFFFFFF90] =	vst v19  }
0x98: {  	v21 =	vmul.f32 $1.442695020e+00, v21;
	v19 =	vmul.f32 $2.000000030e-01, v24;
	v25 =	vadd.f32 v35, v31;
	v31 =	vld [tilespmem:s9+$0x0];
	[tilespmem:s15+$0xFFFFFFE0] =	vst v22  }
0x99: {  	v22 =	vadd.f32 v15, v30;
	v15 =	vperm.xlane v28, v3;
	v28 =	vperm.xlane v12, v1;
	v30 =	vld [tilespmem:s8+$0xFFFFFF80];
	[tilespmem:s15+$0x30] =	vst v23;
	s15 =	smov.u32 s7;
	s7 =	smov.u32 s10;
	s10 =	smov.u32 s2  }
0x9a: {  	v19 =	vmax.f32 v24, v19;
	v23 =	vmul.f32 $2.000000030e-01, v25;
	(erf) = vpow2.f32 v21;
	v21 =	vld [tilespmem:s8+$0xFFFFFFD0]  }
0x9b: {  	v24 =	vmul.f32 $2.000000030e-01, v22;
	v28 =	vmul.f32 v29, v28;
	v35 =	vld [tilespmem:s8+$0x20]  }
0x9c: {  	v19 =	vmul.f32 $1.442695020e+00, v19;
	v23 =	vmax.f32 v25, v23;
	v25 =	vmul.f32 v36, v34;
	v34 =	vld [tilespmem:s18+$0xFFFFFF90]  }
0x9d: {  	v29 =	vmul.f32 v33, v27;
	v24 =	vmax.f32 v22, v24;
	v23 =	vmul.f32 $1.442695020e+00, v23;
	[tilespmem:s2+$0x60] =	vst v28;
	v22 =	vld [tilespmem:s18+$0xFFFFFFE0]  }
.Ltmp0:
0x9e: {  	v28 =	vmul.f32 $1.442695020e+00, v24;
	(erf) = vpow2.f32 v19;
	[tilespmem:s2+$0xFFFFFF60] =	vst v25;
	v27 =	vld [tilespmem:s9+$0x70];
	(pc) =	sbr.rel @p2 .LBB2_3-.Ltmp0, $4  }
0x9f: {  	v19 =	vmul.f32 v31, v32;
	(erf) = vpow2.f32 v23;
	v24 =	vld [tilespmem:s9+$0xFFFFFF70];
	[tilespmem:s2+$0xFFFFFFB0] =	vst v29  }
0xa0: {  	v30 =	vmul.f32 v30, v10;
	v10 =	vmov v37;
	(erf) = vpow2.f32 v28;
	v25 =	vld [tilespmem:s9+$0xFFFFFFC0]  }
0xa1: {  	v29 =	vperm.xlane v12, v2;
	v28 =	vmul.f32 v21, v11;
	v11 =	vmov v26;
	[tilespmem:s2+$0x0] =	vst v19;
	v23 =	vld [tilespmem:s18+$0x30];
	s18 =	smov.u32 s8;
	s8 =	smov.u32 s9;
	s9 =	smov.u32 s29  }
0xa2: {  	v21 =	vmul.f32 v35, v9;
	v9 =	vmovc v38;
	s29 =	sadd.s32 $0x140, s29;
	v19 =	vmul.f32 v34, v8;
	v8 =	vmov v20;
	v26 =	vld [tilespmem:s8+$0x10];
	[tilespmem:s7+$0xFFFFFF80] =	vst v30  }
0xa3: {  	v20 =	vpop (erf);
	s2 =	sadd.s32 $0x140, s2  }
0xa4: {  	[tilespmem:s2+$0x90] =	vst v20  }
0xa5: {  	v30 =	vld [tilespmem:s9+$0x50];
	_ =	sdelay $0x2  }
0xa6: {  	v31 =	vperm.xlane v20, v0;
	_ =	sdelay $0x1  }
0xa7: {  	v27 =	vmul.f32 v27, v29;
	v30 =	vmul.f32 v30, v31  }
0xa8: {  	[tilespmem:s7+$0xFFFFFFD0] =	vst v28  }
0xa9: {  	v29 =	vpop (erf);
	[tilespmem:s2+$0x50] =	vst v30  }
0xaa: {  	[tilespmem:s15+$0xFFFFFF90] =	vst v19;
	v28 =	vpop (erf);
	v30 =	vld [tilespmem:s9+$0x60]  }
0xab: {  	[tilespmem:s10+$0x70] =	vst v27;
	v27 =	vpop (erf)  }
0xac: {  	v31 =	vld [tilespmem:s8+$0x80];
	[tilespmem:s2+$0xFFFFFFA0] =	vst v27  }
0xad: {  	v17 =	vmul.f32 v24, v17;
	v32 =	vperm.xlane v20, v1;
	[tilespmem:s2+$0xFFFFFFF0] =	vst v29;
	v24 =	vld [tilespmem:s9+$0xFFFFFF60]  }
0xae: {  	v18 =	vmul.f32 v25, v18;
	[tilespmem:s2+$0x40] =	vst v28;
	v25 =	vld [tilespmem:s9+$0xFFFFFFB0]  }
0xaf: {  	v12 =	vperm.xlane v12, v3;
	[tilespmem:s10+$0xFFFFFF70] =	vst v17;
	v17 =	vld [tilespmem:s9+$0x0];
	v30 =	vmul.f32 v30, v32  }
0xb0: {  	[tilespmem:s10+$0xFFFFFFC0] =	vst v18;
	v16 =	vmul.f32 v26, v16;
	v18 =	vperm.xlane v27, v0  }
0xb1: {  	v26 =	vperm.xlane v29, v0;
	v12 =	vmul.f32 v31, v12;
	[tilespmem:s2+$0x60] =	vst v30  }
0xb2: {  	[tilespmem:s10+$0x10] =	vst v16;
	v16 =	vmul.f32 v24, v18;
	v30 =	vperm.xlane v28, v0;
	v18 =	vld [tilespmem:s9+$0x70]  }
0xb3: {  	[tilespmem:s10+$0x80] =	vst v12;
	v12 =	vmul.f32 v25, v26  }
0xb4: {  	v19 =	vld [tilespmem:s8+$0xFFFFFF80];
	[tilespmem:s2+$0xFFFFFF60] =	vst v16;
	v16 =	vmul.f32 v17, v30  }
0xb5: {  	[tilespmem:s2+$0xFFFFFFB0] =	vst v12;
	v12 =	vperm.xlane v20, v2;
	v17 =	vld [tilespmem:s9+$0xFFFFFF70]  }
0xb6: {  	v4 =	vmul.f32 v23, v4;
	v24 =	vld [tilespmem:s9+$0xFFFFFFC0];
	[tilespmem:s2+$0x0] =	vst v16  }
0xb7: {  	[tilespmem:s7+$0x20] =	vst v21;
	v16 =	vld [tilespmem:s9+$0x10];
	v12 =	vmul.f32 v18, v12  }
0xb8: {  	v5 =	vmul.f32 v22, v5;
	v22 =	vld [tilespmem:s8+$0xFFFFFFD0];
	[tilespmem:s15+$0x30] =	vst v4;
	v18 =	vperm.xlane v27, v1  }
0xb9: {  	v21 =	vperm.xlane v29, v1;
	v4 =	vld [tilespmem:s8+$0x20];
	[tilespmem:s2+$0x70] =	vst v12  }
0xba: {  	[tilespmem:s15+$0xFFFFFFE0] =	vst v5;
	v12 =	vperm.xlane v28, v1;
	v5 =	vmul.f32 v17, v18;
	v17 =	vld [tilespmem:s9+$0x80]  }
0xbb: {  	v18 =	vmul.f32 v24, v21  }
0xbc: {  	v21 =	vld [tilespmem:s18+$0xFFFFFF90];
	[tilespmem:s2+$0xFFFFFF70] =	vst v5;
	v5 =	vmul.f32 v16, v12  }
0xbd: {  	v10 =	vmul.f32 v19, v10;
	[tilespmem:s2+$0xFFFFFFC0] =	vst v18;
	v12 =	vperm.xlane v20, v3;
	v16 =	vld [tilespmem:s9+$0xFFFFFF80]  }
0xbe: {  	v11 =	vmul.f32 v22, v11;
	[tilespmem:s2+$0x10] =	vst v5;
	v5 =	vld [tilespmem:s9+$0xFFFFFFD0]  }
0xbf: {  	[tilespmem:s10+$0xFFFFFF80] =	vst v10;
	v4 =	vmul.f32 v4, v9;
	v10 =	vmul.f32 v17, v12;
	v12 =	vld [tilespmem:s9+$0x20]  }
0xc0: {  	[tilespmem:s10+$0xFFFFFFD0] =	vst v11;
	v18 =	vld [tilespmem:s18+$0xFFFFFFE0];
	v17 =	vperm.xlane v27, v2  }
0xc1: {  	v9 =	vperm.xlane v29, v2;
	v11 =	vld [tilespmem:s18+$0x30];
	[tilespmem:s10+$0x20] =	vst v4;
	v8 =	vmul.f32 v21, v8  }
0xc2: {  	v4 =	vld [tilespmem:s8+$0xFFFFFF90];
	[tilespmem:s2+$0x80] =	vst v10;
	v10 =	vperm.xlane v28, v2;
	v16 =	vmul.f32 v16, v17  }
0xc3: {  	[tilespmem:s7+$0xFFFFFF90] =	vst v8;
	v8 =	vld [tilespmem:s8+$0xFFFFFFE0];
	v5 =	vmul.f32 v5, v9  }
0xc4: {  	v9 =	vld [tilespmem:s8+$0x30];
	[tilespmem:s2+$0xFFFFFF80] =	vst v16;
	v10 =	vmul.f32 v12, v10  }
0xc5: {  	v7 =	vmul.f32 v18, v7;
	[tilespmem:s2+$0xFFFFFFD0] =	vst v5;
	v5 =	vld [tilespmem:s9+$0xFFFFFF90]  }
0xc6: {  	v6 =	vmul.f32 v11, v6;
	[tilespmem:s2+$0x20] =	vst v10;
	v10 =	vld [tilespmem:s9+$0xFFFFFFE0]  }
0xc7: {  	v4 =	vmul.f32 v4, v14;
	[tilespmem:s7+$0xFFFFFFE0] =	vst v7;
	v7 =	vld [tilespmem:s9+$0x30]  }
0xc8: {  	v11 =	vperm.xlane v27, v3;
	[tilespmem:s7+$0x30] =	vst v6;
	v6 =	vmul.f32 v8, v13  }
0xc9: {  	[tilespmem:s10+$0xFFFFFF90] =	vst v4;
	v8 =	vperm.xlane v29, v3;
	v9 =	vmul.f32 v9, v15  }
0xca: {  	v4 =	vperm.xlane v28, v3;
	[tilespmem:s10+$0xFFFFFFE0] =	vst v6;
	v5 =	vmul.f32 v5, v11  }
0xcb: {  	[tilespmem:s10+$0x30] =	vst v9;
	v6 =	vmul.f32 v10, v8  }
0xcc: {  	[tilespmem:s2+$0xFFFFFF90] =	vst v5;
	v4 =	vmul.f32 v7, v4  }
0xcd: {  	[tilespmem:s2+$0xFFFFFFE0] =	vst v6  }
0xce: {  	[tilespmem:s2+$0x30] =	vst v4  }
0xcf: {  	v4 =	vld [tilespmem:$0x7700]  }
0xd0: {  	v5 =	vld [tilespmem:$0x7ED0];
	_ =	sdelay $0x4  }
0xd1: {  	v4 =	vadd.f32 v5, v4;
	_ =	sdelay $0x1  }
0xd2: {  	v5 =	vmul.f32 $2.000000030e-01, v4;
	_ =	sdelay $0x1  }
0xd3: {  	v4 =	vmax.f32 v4, v5  }
0xd4: {  	v4 =	vmul.f32 $1.442695020e+00, v4;
	_ =	sdelay $0x1  }
0xd5: {  	(erf) = vpow2.f32 v4;
	_ =	sdelay $0x6  }
0xd6: {  	v4 =	vld [tilespmem:$0x76C0]  }
0xd7: {  	v5 =	vld [tilespmem:$0x76D0]  }
0xd8: {  	v7 =	vld [tilespmem:$0x76E0];
	v6 =	vpop (erf)  }
0xd9: {  	v9 =	vld [tilespmem:$0x76F0];
	v8 =	vperm.xlane v6, v0  }
0xda: {  	v10 =	vperm.xlane v6, v1  }
0xdb: {  	v4 =	vmul.f32 v4, v8;
	v8 =	vperm.xlane v6, v2  }
0xdc: {  	[tilespmem:$0xA5E0] =	vst v6;
	v5 =	vmul.f32 v5, v10;
	v6 =	vperm.xlane v6, v3  }
0xdd: {  	[tilespmem:$0xA5A0] =	vst v4;
	v4 =	vmul.f32 v7, v8  }
0xde: {  	[tilespmem:$0xA5B0] =	vst v5;
	v5 =	vmul.f32 v9, v6  }
0xdf: {  	s15 =	sand.u32 $0x3FFFFF00, s17;
	[tilespmem:$0xA5C0] =	vst v4  }
0xe0: {  	p2 =	seq.s32 s31, $0x27;
	s2 =	sadd.s32 $0x2800, s15;
	[tilespmem:$0xA5D0] =	vst v5  }
0xe1: {  	[spmem:s1] =	stream.indirect.scatter.add.f32 [tilespmem:s23], [sflag:$0x3], $0x50, s2, s16, $0xb8;
	[tilespmem:$0x1BF30] =	vst v63  }
0xe2: {  	s7 =	simm.s32 @!p2 $0x7D;
	s8 =	simm.s32 @!p2 $0x5000;
	s2 =	sadd.s32 @!p2 $0x100, s17  }
0xe3: {  	[tilespmem:s8], [sflag:$0x1] =	stream.indirect.gather @!p2 [hbm4b:s3+s7], $0x50, s2, s7, $0xb8;
	[tilespmem:$0x1BF30] =	vst v63  }
0xe4: {  	s2 =	sadd.s32 @!p2 $0x2900, s17;
	s8 =	simm.s32 @!p2 $0x7710  }
0xe5: {  	[tilespmem:s8], [sflag:$0x2] =	stream.indirect.gather @!p2 [hbm4b:s4+s7], $0x10, s2, s7, $0xb8;
	[tilespmem:$0x1BF30] =	vst v63  }
0xe6: {  	_ =	swait.ge [sflag:s24], $0x2710  }
0xe7: {  	[sflag:s24] =	ssyncset.done $0x0  }
0xe8: {  	[sflag:s24] =	ssyncadd.s32 $0xFFFFD8F0  }
0xe9: {  	_ =	swait.ge [sflag:s25], $0x7D0  }
0xea: {  	[sflag:s25] =	ssyncset.done $0x0  }
0xeb: {  	s2 =	simm.s32 @!p1 $0x6;
	[sflag:s25] =	ssyncadd.s32 $0xFFFFF830  }
0xec: {  	_ =	swait.ge @!p1 [sflag:s2], $0x2710  }
0xed: {  	[sflag:s2] =	ssyncset.done @!p1 $0x0  }
0xee: {  	s10 =	simm.s32 $0xA690;
	[sflag:s2] =	ssyncadd.s32 @!p1 $0xFFFFD8F0  }
0xef: {  	s17 =	simm.s32 $0xCD20;
	v4 =	vld [tilespmem:s10+$0x90]  }
0xf0: {  	v5 =	vld [tilespmem:s17+$0x10];
	_ =	sdelay $0x4  }
0xf1: {  	v6 =	vld [tilespmem:s17+$0xFFFFFFE0];
	v4 =	vadd.f32 v5, v4  }
0xf2: {  	v7 =	vld [tilespmem:s17+$0xFFFFFFF0]  }
0xf3: {  	v9 =	vld [tilespmem:s10+$0x40];
	v8 =	vmul.f32 $2.000000030e-01, v4  }
0xf4: {  	v5 =	vld [tilespmem:s10+$0xFFFFFFF0]  }
0xf5: {  	v10 =	vld [tilespmem:s17+$0x0];
	v4 =	vmax.f32 v4, v8  }
0xf6: {  	v8 =	vld [tilespmem:s10+$0xFFFFFFA0];
	v4 =	vmul.f32 $1.442695020e+00, v4;
	_ =	sdelay $0x1  }
0xf7: {  	(erf) = vpow2.f32 v4  }
0xf8: {  	v4 =	vadd.f32 v7, v5  }
0xf9: {  	v5 =	vadd.f32 v10, v9  }
0xfa: {  	v7 =	vmul.f32 $2.000000030e-01, v4;
	v6 =	vadd.f32 v6, v8  }
0xfb: {  	v8 =	vmul.f32 $2.000000030e-01, v5  }
0xfc: {  	v4 =	vmax.f32 v4, v7;
	v7 =	vmul.f32 $2.000000030e-01, v6  }
0xfd: {  	v5 =	vmax.f32 v5, v8;
	v4 =	vmul.f32 $1.442695020e+00, v4  }
0xfe: {  	v5 =	vmul.f32 $1.442695020e+00, v5;
	v6 =	vmax.f32 v6, v7  }
0xff: {  	s17 =	simm.s32 $0xA7D0;
	v6 =	vmul.f32 $1.442695020e+00, v6;
	(erf) = vpow2.f32 v4  }
0x100: {  	s18 =	simm.s32 $0xCD60;
	s15 =	simm.s32 $0xD570;
	v4 =	vld [tilespmem:s17+$0x90];
	(erf) = vpow2.f32 v5;
	v7 =	vpop (erf)  }
0x101: {  	v5 =	vld [tilespmem:s18+$0x10];
	(erf) = vpow2.f32 v6;
	[tilespmem:s15+$0x90] =	vst v7  }
0x102: {  	v6 =	vld [tilespmem:s10+$0x50];
	_ =	sdelay $0x2  }
0x103: {  	v11 =	vld [tilespmem:s18+$0xFFFFFFF0];
	v9 =	vperm.xlane v7, v0  }
0x104: {  	v13 =	vld [tilespmem:s18+$0x0]  }
0x105: {  	v16 =	vld [tilespmem:s17+$0xFFFFFFA0];
	v4 =	vadd.f32 v5, v4;
	v6 =	vmul.f32 v6, v9  }
0x106: {  	v10 =	vld [tilespmem:s17+$0xFFFFFFF0];
	v5 =	vpop (erf)  }
0x107: {  	v8 =	vld [tilespmem:s18+$0xFFFFFFE0];
	v12 =	vpop (erf);
	[tilespmem:s15+$0x50] =	vst v6;
	v6 =	vmul.f32 $2.000000030e-01, v4  }
0x108: {  	v9 =	vld [tilespmem:s17+$0x40];
	v14 =	vpop (erf)  }
0x109: {  	v15 =	vld [tilespmem:s10+$0x60];
	[tilespmem:s15+$0xFFFFFFA0] =	vst v14;
	v4 =	vmax.f32 v4, v6  }
0x10a: {  	v6 =	vld [tilespmem:s10+$0xFFFFFF60];
	v4 =	vmul.f32 $1.442695020e+00, v4  }
0x10b: {  	[tilespmem:s15+$0xFFFFFFF0] =	vst v5  }
0x10c: {  	v18 =	vperm.xlane v7, v1;
	[tilespmem:s15+$0x40] =	vst v12;
	v17 =	vld [tilespmem:s10+$0xFFFFFFB0];
	(erf) = vpow2.f32 v4  }
0x10d: {  	v10 =	vadd.f32 v11, v10;
	v19 =	vperm.xlane v5, v0;
	v11 =	vld [tilespmem:s10+$0x0];
	v4 =	vperm.xlane v14, v0  }
0x10e: {  	s29 =	simm.s32 $0xCDA0;
	v22 =	vperm.xlane v5, v2;
	v9 =	vadd.f32 v13, v9;
	v13 =	vmul.f32 v15, v18  }
0x10f: {  	s8 =	simm.s32 $0xA910;
	v24 =	vld [tilespmem:s29+$0xFFFFFFE0];
	v8 =	vadd.f32 v8, v16;
	v18 =	vmul.f32 $2.000000030e-01, v10;
	v4 =	vmul.f32 v6, v4  }
0x110: {  	v27 =	vld [tilespmem:s8+$0xFFFFFFA0];
	v16 =	vmul.f32 $2.000000030e-01, v9;
	v15 =	vperm.xlane v12, v0;
	[tilespmem:s15+$0x60] =	vst v13  }
0x111: {  	v6 =	vmax.f32 v10, v18;
	v10 =	vmul.f32 $2.000000030e-01, v8;
	v13 =	vmul.f32 v17, v19;
	v17 =	vld [tilespmem:s10+$0x70];
	[tilespmem:s15+$0xFFFFFF60] =	vst v4  }
0x112: {  	v9 =	vmax.f32 v9, v16;
	v6 =	vmul.f32 $1.442695020e+00, v6;
	v4 =	vmul.f32 v11, v15;
	v11 =	vld [tilespmem:s10+$0xFFFFFF70]  }
0x113: {  	v23 =	vperm.xlane v12, v2;
	v9 =	vmul.f32 $1.442695020e+00, v9;
	[tilespmem:s15+$0xFFFFFFB0] =	vst v13;
	v8 =	vmax.f32 v8, v10;
	v10 =	vld [tilespmem:s8+$0x90]  }
0x114: {  	(erf) = vpow2.f32 v6;
	v6 =	vld [tilespmem:s10+$0xFFFFFFC0];
	[tilespmem:s15+$0x0] =	vst v4;
	v8 =	vmul.f32 $1.442695020e+00, v8  }
0x115: {  	s7 =	simm.s32 $0xD6B0;
	v4 =	vperm.xlane v7, v2;
	(erf) = vpow2.f32 v9;
	v9 =	vld [tilespmem:s10+$0x10];
	v13 =	vpop (erf)  }
0x116: {  	v20 =	vperm.xlane v14, v2;
	(erf) = vpow2.f32 v8;
	v8 =	vld [tilespmem:s29+$0x10];
	[tilespmem:s7+$0x90] =	vst v13  }
0x117: {  	v15 =	vperm.xlane v14, v1;
	v4 =	vmul.f32 v17, v4;
	v17 =	vld [tilespmem:s17+$0x50]  }
0x118: {  	s11 =	simm.s32 $0xCDE0;
	v25 =	vld [tilespmem:s29+$0xFFFFFFF0];
	v16 =	vperm.xlane v5, v1;
	v18 =	vperm.xlane v12, v1  }
0x119: {  	v37 =	vld [tilespmem:s11+$0x0];
	v19 =	vperm.xlane v14, v3;
	v11 =	vmul.f32 v11, v15  }
0x11a: {  	v24 =	vadd.f32 v24, v27;
	v14 =	vld [tilespmem:s8+$0xFFFFFFF0];
	[tilespmem:s15+$0x70] =	vst v4;
	v4 =	vperm.xlane v12, v3;
	v12 =	vperm.xlane v13, v0  }
0x11b: {  	v6 =	vmul.f32 v6, v16;
	v16 =	vld [tilespmem:s8+$0x40];
	v9 =	vmul.f32 v9, v18  }
0x11c: {  	v21 =	vld [tilespmem:s10+$0x80];
	[tilespmem:s15+$0xFFFFFF70] =	vst v11;
	v11 =	vmul.f32 $2.000000030e-01, v24;
	v8 =	vadd.f32 v8, v10;
	v12 =	vmul.f32 v17, v12  }
0x11d: {  	s9 =	simm.s32 $0xAA50;
	v5 =	vperm.xlane v5, v3;
	v7 =	vperm.xlane v7, v3;
	[tilespmem:s15+$0x10] =	vst v9;
	v15 =	vpop (erf);
	v17 =	vld [tilespmem:s29+$0x0]  }
0x11e: {  	v38 =	vld [tilespmem:s9+$0xFFFFFFA0];
	v27 =	vperm.xlane v13, v1;
	v11 =	vmax.f32 v24, v11;
	v18 =	vpop (erf);
	[tilespmem:s7+$0x50] =	vst v12;
	v12 =	vmul.f32 $2.000000030e-01, v8  }
0x11f: {  	v14 =	vadd.f32 v25, v14;
	v9 =	vmul.f32 $1.442695020e+00, v11;
	v11 =	vld [tilespmem:s10+$0x20];
	v10 =	vperm.xlane v15, v0;
	v28 =	vpop (erf)  }
0x120: {  	v25 =	vperm.xlane v15, v1;
	v26 =	vperm.xlane v18, v0;
	[tilespmem:s7+$0xFFFFFFA0] =	vst v28;
	v31 =	vld [tilespmem:s17+$0x60];
	v8 =	vmax.f32 v8, v12  }
0x121: {  	[tilespmem:s7+$0xFFFFFFF0] =	vst v15;
	v21 =	vmul.f32 v21, v7;
	v7 =	vld [tilespmem:s17+$0xFFFFFF60];
	v8 =	vmul.f32 $1.442695020e+00, v8  }
0x122: {  	[tilespmem:s7+$0x40] =	vst v18;
	v57 =	vperm.xlane v18, v2;
	v12 =	vld [tilespmem:s17+$0xFFFFFFB0];
	v16 =	vadd.f32 v17, v16;
	v17 =	vmul.f32 $2.000000030e-01, v14  }
0x123: {  	v56 =	vld [tilespmem:s17+$0x0];
	v29 =	vperm.xlane v28, v0;
	(erf) = vpow2.f32 v8  }
0x124: {  	v30 =	vperm.xlane v28, v1;
	v33 =	vmul.f32 $2.000000030e-01, v16;
	v8 =	vmax.f32 v14, v17;
	v17 =	vld [tilespmem:s10+$0xFFFFFF80]  }
0x125: {  	[tilespmem:s15+$0x80] =	vst v21;
	v21 =	vld [tilespmem:s9+$0x40];
	v23 =	vmul.f32 v11, v23;
	v14 =	vmul.f32 v31, v27  }
0x126: {  	[tilespmem:s15+$0xFFFFFFC0] =	vst v6;
	v6 =	vmul.f32 $1.442695020e+00, v8;
	v27 =	vld [tilespmem:s9+$0x90];
	v8 =	vmax.f32 v16, v33;
	v7 =	vmul.f32 v7, v29  }
0x127: {  	v16 =	vld [tilespmem:s10+$0xFFFFFFD0];
	v10 =	vmul.f32 v12, v10;
	v8 =	vmul.f32 $1.442695020e+00, v8;
	[tilespmem:s7+$0x60] =	vst v14  }
0x128: {  	(erf) = vpow2.f32 v6;
	v6 =	vld [tilespmem:s17+$0x70];
	[tilespmem:s7+$0xFFFFFF60] =	vst v7;
	v7 =	vmul.f32 v56, v26  }
0x129: {  	[tilespmem:s7+$0xFFFFFFB0] =	vst v10;
	(erf) = vpow2.f32 v8;
	v24 =	vld [tilespmem:s17+$0xFFFFFF70];
	v17 =	vmul.f32 v17, v20  }
0x12a: {  	v31 =	vperm.xlane v15, v2;
	(erf) = vpow2.f32 v9;
	v9 =	vld [tilespmem:s17+$0xFFFFFFC0];
	[tilespmem:s7+$0x0] =	vst v7  }
0x12b: {  	v14 =	vperm.xlane v18, v1;
	v7 =	vperm.xlane v13, v2;
	v10 =	vld [tilespmem:s17+$0x10];
	[tilespmem:s15+$0xFFFFFF80] =	vst v17  }
0x12c: {  	s2 =	simm.s32 $0xD7F0;
	v26 =	vperm.xlane v28, v2;
	v8 =	vperm.xlane v28, v3;
	v63 =	vld [tilespmem:s10+$0xFFFFFF90];
	v12 =	vpop (erf)  }
0x12d: {  	v28 =	vmul.f32 v6, v7;
	v7 =	vperm.xlane v15, v3;
	v15 =	vld [tilespmem:s11+$0x10];
	[tilespmem:s2+$0x90] =	vst v12  }
0x12e: {  	v13 =	vperm.xlane v13, v3;
	v20 =	vmul.f32 v16, v22;
	v16 =	vld [tilespmem:s8+$0x50]  }
0x12f: {  	v22 =	vmul.f32 v24, v30;
	v24 =	vmul.f32 v9, v25;
	v25 =	vld [tilespmem:s11+$0xFFFFFFE0]  }
0x130: {  	v6 =	vperm.xlane v18, v3;
	[tilespmem:s7+$0x70] =	vst v28;
	v9 =	vld [tilespmem:s9+$0xFFFFFFF0];
	v29 =	vmul.f32 v10, v14  }
0x131: {  	v21 =	vadd.f32 v37, v21;
	v11 =	vld [tilespmem:s17+$0x80];
	v10 =	vperm.xlane v12, v0;
	v28 =	vpop (erf);
	v19 =	vmul.f32 v63, v19  }
0x132: {  	v14 =	vld [tilespmem:s11+$0xFFFFFFF0];
	v30 =	vperm.xlane v28, v0;
	v58 =	vpop (erf);
	v18 =	vperm.xlane v28, v1  }
0x133: {  	[tilespmem:s7+$0x10] =	vst v29;
	v29 =	vmul.f32 $2.000000030e-01, v21;
	v34 =	vperm.xlane v58, v0;
	v35 =	vpop (erf)  }
0x134: {  	v15 =	vadd.f32 v15, v27;
	v36 =	vperm.xlane v35, v0;
	v10 =	vmul.f32 v16, v10  }
0x135: {  	[tilespmem:s7+$0xFFFFFFC0] =	vst v24;
	v17 =	vperm.xlane v35, v1;
	v16 =	vperm.xlane v58, v1  }
0x136: {  	v27 =	vmul.f32 v11, v13;
	v13 =	vmul.f32 $2.000000030e-01, v15;
	[tilespmem:s2+$0x50] =	vst v10  }
0x137: {  	[tilespmem:s2+$0xFFFFFFA0] =	vst v35;
	v24 =	vadd.f32 v25, v38;
	v25 =	vperm.xlane v12, v1;
	v40 =	vadd.f32 v14, v9;
	v41 =	vld [tilespmem:s8+$0x60]  }
0x138: {  	[tilespmem:s2+$0xFFFFFFF0] =	vst v28;
	v39 =	vld [tilespmem:s8+$0xFFFFFF60];
	v11 =	vperm.xlane v28, v2;
	v9 =	vperm.xlane v58, v2;
	v15 =	vmax.f32 v15, v13  }
0x139: {  	[tilespmem:s7+$0xFFFFFF70] =	vst v22;
	v59 =	vld [tilespmem:s8+$0xFFFFFFB0];
	v13 =	vperm.xlane v28, v3;
	v28 =	vmul.f32 $1.442695020e+00, v15  }
0x13a: {  	v61 =	vld [tilespmem:s17+$0xFFFFFF80];
	[tilespmem:s2+$0x40] =	vst v58;
	v21 =	vmax.f32 v21, v29;
	v14 =	vperm.xlane v35, v3;
	v22 =	vmul.f32 $2.000000030e-01, v40  }
0x13b: {  	v60 =	vld [tilespmem:s8+$0x0];
	v21 =	vmul.f32 $1.442695020e+00, v21;
	(erf) = vpow2.f32 v28  }
0x13c: {  	[tilespmem:s15+$0xFFFFFFD0] =	vst v20;
	v62 =	vld [tilespmem:s17+$0x20];
	v20 =	vmax.f32 v40, v22;
	v22 =	vmul.f32 $2.000000030e-01, v24;
	v25 =	vmul.f32 v41, v25  }
0x13d: {  	[tilespmem:s7+$0x80] =	vst v27;
	v28 =	vld [tilespmem:s17+$0xFFFFFFD0];
	v20 =	vmul.f32 $1.442695020e+00, v20;
	v27 =	vmul.f32 v39, v36  }
0x13e: {  	v10 =	vperm.xlane v35, v2;
	v29 =	vmul.f32 v59, v30;
	v24 =	vmax.f32 v24, v22;
	v22 =	vld [tilespmem:s10+$0xFFFFFFE0];
	[tilespmem:s2+$0x60] =	vst v25  }
0x13f: {  	(erf) = vpow2.f32 v20;
	[tilespmem:s2+$0xFFFFFF60] =	vst v27;
	v25 =	vmul.f32 $1.442695020e+00, v24;
	v27 =	vld [tilespmem:s8+$0x70]  }
0x140: {  	[tilespmem:s2+$0xFFFFFFB0] =	vst v29;
	v20 =	vmul.f32 v60, v34;
	(erf) = vpow2.f32 v21;
	v24 =	vld [tilespmem:s8+$0xFFFFFF70]  }
0x141: {  	[tilespmem:s15+$0x20] =	vst v23;
	v21 =	vmul.f32 v61, v26;
	(erf) = vpow2.f32 v25;
	v25 =	vld [tilespmem:s8+$0xFFFFFFC0]  }
0x142: {  	v23 =	vld [tilespmem:s10+$0x30];
	v29 =	vperm.xlane v12, v2;
	[tilespmem:s2+$0x0] =	vst v20;
	v28 =	vmul.f32 v28, v31  }
0x143: {  	s28 =	simm.s32 $0xAB90;
	s18 =	simm.s32 $0xC;
	v15 =	vperm.xlane v58, v3;
	s10 =	simm.s32 $0xD7F0;
	v26 =	vld [tilespmem:s8+$0x10];
	[tilespmem:s7+$0xFFFFFF80] =	vst v21;
	v21 =	vmul.f32 v62, v57  }
.LBB2_5:
0x144: {  	v30 =	vld [tilespmem:s28+$0x90];
	s11 =	sadd.s32 $0x40, s11;
	v31 =	vpop (erf);
	v27 =	vmul.f32 v27, v29;
	s2 =	sadd.s32 $0x140, s2;
	[tilespmem:s7+$0xFFFFFFD0] =	vst v28;
	v22 =	vmul.f32 v22, v5;
	v20 =	vmov v14  }
0x145: {  	v5 =	vmov v7;
	v7 =	vmov v13;
	v14 =	vld [tilespmem:s11+$0x10];
	[tilespmem:s2+$0x90] =	vst v31;
	v17 =	vmul.f32 v24, v17  }
0x146: {  	v13 =	vld [tilespmem:s9+$0x50];
	v18 =	vmul.f32 v25, v18;
	[tilespmem:s10+$0x70] =	vst v27  }
0x147: {  	[tilespmem:s10+$0xFFFFFF70] =	vst v17;
	v24 =	vld [tilespmem:s8+$0x80];
	v23 =	vmul.f32 v23, v4;
	v4 =	vmov v6;
	v6 =	vmov v15  }
0x148: {  	s18 =	sadd.s32 $0x4, s18;
	v15 =	vld [tilespmem:s11+$0xFFFFFFE0];
	v25 =	vpop (erf);
	[tilespmem:s10+$0xFFFFFFC0] =	vst v18;
	v16 =	vmul.f32 v26, v16  }
0x149: {  	p1 =	slt.u32 s18, $0x78;
	v17 =	vperm.xlane v31, v0;
	v26 =	vld [tilespmem:s28+$0xFFFFFFF0];
	[tilespmem:s2+$0xFFFFFFF0] =	vst v25;
	v27 =	vperm.xlane v25, v0;
	v28 =	vpop (erf)  }
0x14a: {  	v18 =	vperm.xlane v12, v3;
	v12 =	vmov v31;
	v29 =	vld [tilespmem:s11+$0xFFFFFFF0];
	[tilespmem:s2+$0x40] =	vst v28;
	v32 =	vperm.xlane v28, v0;
	v33 =	vpop (erf)  }
0x14b: {  	v31 =	vld [tilespmem:s28+$0x40];
	[tilespmem:s2+$0xFFFFFFA0] =	vst v33;
	v34 =	vperm.xlane v33, v0;
	v13 =	vmul.f32 v13, v17  }
0x14c: {  	v14 =	vadd.f32 v14, v30;
	v17 =	vperm.xlane v33, v1;
	v35 =	vld [tilespmem:s11+$0x0];
	[tilespmem:s10+$0x10] =	vst v16;
	v24 =	vmul.f32 v24, v18  }
0x14d: {  	v18 =	vperm.xlane v25, v1;
	v16 =	vperm.xlane v28, v1;
	v30 =	vld [tilespmem:s28+$0xFFFFFFA0];
	[tilespmem:s2+$0x50] =	vst v13  }
0x14e: {  	v37 =	vperm.xlane v33, v2;
	v13 =	vmul.f32 $2.000000030e-01, v14;
	v36 =	vld [tilespmem:s9+$0xFFFFFF60];
	[tilespmem:s10+$0x80] =	vst v24  }
0x14f: {  	v38 =	vperm.xlane v28, v2;
	v24 =	vadd.f32 v29, v26;
	v26 =	vperm.xlane v25, v2;
	v29 =	vld [tilespmem:s9+$0x60];
	[tilespmem:s7+$0x20] =	vst v21  }
0x150: {  	v21 =	vmax.f32 v14, v13;
	v14 =	vperm.xlane v33, v3;
	v13 =	vperm.xlane v25, v3;
	v33 =	vld [tilespmem:s9+$0xFFFFFFB0];
	[tilespmem:s15+$0xFFFFFF90] =	vst v19  }
0x151: {  	v21 =	vmul.f32 $1.442695020e+00, v21;
	v19 =	vmul.f32 $2.000000030e-01, v24;
	v25 =	vadd.f32 v35, v31;
	v31 =	vld [tilespmem:s9+$0x0];
	[tilespmem:s15+$0xFFFFFFE0] =	vst v22  }
0x152: {  	v22 =	vadd.f32 v15, v30;
	v15 =	vperm.xlane v28, v3;
	v28 =	vperm.xlane v12, v1;
	v30 =	vld [tilespmem:s8+$0xFFFFFF80];
	[tilespmem:s15+$0x30] =	vst v23;
	s15 =	smov.u32 s7;
	s7 =	smov.u32 s10;
	s10 =	smov.u32 s2  }
0x153: {  	v19 =	vmax.f32 v24, v19;
	v23 =	vmul.f32 $2.000000030e-01, v25;
	(erf) = vpow2.f32 v21;
	v21 =	vld [tilespmem:s8+$0xFFFFFFD0]  }
0x154: {  	v24 =	vmul.f32 $2.000000030e-01, v22;
	v28 =	vmul.f32 v29, v28;
	v35 =	vld [tilespmem:s8+$0x20]  }
0x155: {  	v19 =	vmul.f32 $1.442695020e+00, v19;
	v23 =	vmax.f32 v25, v23;
	v25 =	vmul.f32 v36, v34;
	v34 =	vld [tilespmem:s17+$0xFFFFFF90]  }
0x156: {  	v29 =	vmul.f32 v33, v27;
	v24 =	vmax.f32 v22, v24;
	v23 =	vmul.f32 $1.442695020e+00, v23;
	[tilespmem:s2+$0x60] =	vst v28;
	v22 =	vld [tilespmem:s17+$0xFFFFFFE0]  }
.Ltmp1:
0x157: {  	v28 =	vmul.f32 $1.442695020e+00, v24;
	(erf) = vpow2.f32 v19;
	[tilespmem:s2+$0xFFFFFF60] =	vst v25;
	v27 =	vld [tilespmem:s9+$0x70];
	(pc) =	sbr.rel @p1 .LBB2_5-.Ltmp1, $4  }
0x158: {  	v19 =	vmul.f32 v31, v32;
	(erf) = vpow2.f32 v23;
	v24 =	vld [tilespmem:s9+$0xFFFFFF70];
	[tilespmem:s2+$0xFFFFFFB0] =	vst v29  }
0x159: {  	v30 =	vmul.f32 v30, v10;
	v10 =	vmov v37;
	(erf) = vpow2.f32 v28;
	v25 =	vld [tilespmem:s9+$0xFFFFFFC0]  }
0x15a: {  	v29 =	vperm.xlane v12, v2;
	v28 =	vmul.f32 v21, v11;
	v11 =	vmov v26;
	[tilespmem:s2+$0x0] =	vst v19;
	v23 =	vld [tilespmem:s17+$0x30];
	s17 =	smov.u32 s8;
	s8 =	smov.u32 s9;
	s9 =	smov.u32 s28  }
0x15b: {  	v21 =	vmul.f32 v35, v9;
	v9 =	vmovc v38;
	s28 =	sadd.s32 $0x140, s28;
	v19 =	vmul.f32 v34, v8;
	v8 =	vmov v20;
	v26 =	vld [tilespmem:s8+$0x10];
	[tilespmem:s7+$0xFFFFFF80] =	vst v30  }
0x15c: {  	v20 =	vpop (erf);
	s2 =	sadd.s32 $0x140, s2  }
0x15d: {  	[tilespmem:s2+$0x90] =	vst v20  }
0x15e: {  	v30 =	vld [tilespmem:s9+$0x50]  }
0x15f: {  	v27 =	vmul.f32 v27, v29;
	_ =	sdelay $0x1  }
0x160: {  	v31 =	vperm.xlane v20, v0;
	v29 =	vpop (erf)  }
0x161: {  	[tilespmem:s7+$0xFFFFFFD0] =	vst v28;
	v28 =	vpop (erf)  }
0x162: {  	[tilespmem:s10+$0x70] =	vst v27;
	v27 =	vpop (erf);
	v30 =	vmul.f32 v30, v31  }
0x163: {  	[tilespmem:s2+$0xFFFFFFA0] =	vst v27  }
0x164: {  	v56 =	vld [tilespmem:s9+$0xFFFFFF60];
	[tilespmem:s2+$0x50] =	vst v30  }
0x165: {  	[tilespmem:s2+$0xFFFFFFF0] =	vst v29;
	v30 =	vld [tilespmem:s9+$0x60]  }
0x166: {  	[tilespmem:s2+$0x40] =	vst v28;
	v57 =	vld [tilespmem:s9+$0xFFFFFFB0]  }
0x167: {  	v5 =	vmul.f32 v22, v5;
	[tilespmem:s7+$0x20] =	vst v21;
	v58 =	vld [tilespmem:s9+$0x0];
	v59 =	vperm.xlane v27, v0  }
0x168: {  	v17 =	vmul.f32 v24, v17;
	v32 =	vperm.xlane v20, v1;
	[tilespmem:s15+$0xFFFFFF90] =	vst v19  }
0x169: {  	[tilespmem:s15+$0xFFFFFFE0] =	vst v5;
	v60 =	vperm.xlane v29, v0;
	v62 =	vmul.f32 v56, v59  }
0x16a: {  	[tilespmem:s10+$0xFFFFFF70] =	vst v17;
	v61 =	vperm.xlane v28, v0;
	v30 =	vmul.f32 v30, v32  }
0x16b: {  	v41 =	vld [tilespmem:s17+$0xFFFFFF90];
	v16 =	vmul.f32 v26, v16;
	v26 =	vmul.f32 v57, v60;
	[tilespmem:s2+$0xFFFFFF60] =	vst v62  }
0x16c: {  	v47 =	vld [tilespmem:s17+$0xFFFFFFE0];
	[tilespmem:s2+$0x60] =	vst v30;
	v30 =	vmul.f32 v58, v61  }
0x16d: {  	[tilespmem:s2+$0xFFFFFFB0] =	vst v26;
	v31 =	vld [tilespmem:s9+$0xFFFFFF70]  }
0x16e: {  	v18 =	vmul.f32 v25, v18;
	v33 =	vld [tilespmem:s9+$0xFFFFFFC0];
	[tilespmem:s2+$0x0] =	vst v30  }
0x16f: {  	v4 =	vmul.f32 v23, v4;
	[tilespmem:s10+$0x10] =	vst v16;
	v16 =	vld [tilespmem:s9+$0x10]  }
0x170: {  	v55 =	vld [tilespmem:s8+$0x80];
	[tilespmem:s10+$0xFFFFFFC0] =	vst v18;
	v8 =	vmul.f32 v41, v8;
	v34 =	vperm.xlane v27, v1  }
0x171: {  	v36 =	vperm.xlane v29, v1;
	v37 =	vld [tilespmem:s8+$0xFFFFFFD0];
	[tilespmem:s15+$0x30] =	vst v4;
	v7 =	vmul.f32 v47, v7  }
0x172: {  	v35 =	vld [tilespmem:s8+$0xFFFFFF80];
	v38 =	vperm.xlane v28, v1;
	[tilespmem:s7+$0xFFFFFF90] =	vst v8;
	v5 =	vmul.f32 v31, v34  }
0x173: {  	v12 =	vperm.xlane v12, v3;
	v4 =	vld [tilespmem:s8+$0x20];
	[tilespmem:s7+$0xFFFFFFE0] =	vst v7;
	v40 =	vmul.f32 v33, v36  }
0x174: {  	v63 =	vld [tilespmem:s9+$0x70];
	[tilespmem:s2+$0xFFFFFF70] =	vst v5;
	v5 =	vmul.f32 v16, v38  }
0x175: {  	v12 =	vmul.f32 v55, v12;
	[tilespmem:s2+$0xFFFFFFC0] =	vst v40;
	v43 =	vld [tilespmem:s9+$0xFFFFFF80]  }
0x176: {  	v11 =	vmul.f32 v37, v11;
	[tilespmem:s2+$0x10] =	vst v5;
	v5 =	vld [tilespmem:s9+$0xFFFFFFD0]  }
0x177: {  	v10 =	vmul.f32 v35, v10;
	[tilespmem:s10+$0x80] =	vst v12;
	v32 =	vperm.xlane v20, v2;
	v45 =	vld [tilespmem:s9+$0x20]  }
0x178: {  	v49 =	vld [tilespmem:s17+$0x30];
	v46 =	vperm.xlane v27, v2;
	v4 =	vmul.f32 v4, v9;
	[tilespmem:s10+$0xFFFFFFD0] =	vst v11  }
0x179: {  	v48 =	vperm.xlane v29, v2;
	[tilespmem:s10+$0xFFFFFF80] =	vst v10;
	v51 =	vld [tilespmem:s8+$0xFFFFFFE0];
	v12 =	vmul.f32 v63, v32  }
0x17a: {  	v50 =	vperm.xlane v28, v2;
	[tilespmem:s10+$0x20] =	vst v4;
	v4 =	vld [tilespmem:s8+$0xFFFFFF90];
	v16 =	vmul.f32 v43, v46  }
0x17b: {  	v52 =	vld [tilespmem:s8+$0x30];
	[tilespmem:s2+$0x70] =	vst v12;
	v5 =	vmul.f32 v5, v48  }
0x17c: {  	v39 =	vld [tilespmem:s9+$0x80];
	[tilespmem:s2+$0xFFFFFF80] =	vst v16;
	v10 =	vmul.f32 v45, v50  }
0x17d: {  	v6 =	vmul.f32 v49, v6;
	[tilespmem:s2+$0xFFFFFFD0] =	vst v5;
	v5 =	vld [tilespmem:s9+$0xFFFFFF90]  }
0x17e: {  	v56 =	vmul.f32 v51, v13;
	[tilespmem:s2+$0x20] =	vst v10;
	v53 =	vld [tilespmem:s9+$0xFFFFFFE0]  }
0x17f: {  	v42 =	vperm.xlane v20, v3;
	[tilespmem:s7+$0x30] =	vst v6;
	v4 =	vmul.f32 v4, v14;
	v54 =	vld [tilespmem:s9+$0x30]  }
0x180: {  	v55 =	vperm.xlane v27, v3;
	v9 =	vmul.f32 v52, v15;
	[tilespmem:s10+$0xFFFFFFE0] =	vst v56  }
0x181: {  	v57 =	vperm.xlane v29, v3;
	[tilespmem:s10+$0xFFFFFF90] =	vst v4;
	v44 =	vmul.f32 v39, v42  }
0x182: {  	v4 =	vperm.xlane v28, v3;
	[tilespmem:s10+$0x30] =	vst v9;
	v5 =	vmul.f32 v5, v55  }
0x183: {  	[tilespmem:s2+$0x80] =	vst v44;
	v58 =	vmul.f32 v53, v57  }
0x184: {  	v4 =	vmul.f32 v54, v4;
	[tilespmem:s2+$0xFFFFFF90] =	vst v5  }
0x185: {  	[tilespmem:s2+$0xFFFFFFE0] =	vst v58  }
0x186: {  	[tilespmem:s2+$0x30] =	vst v4  }
0x187: {  	v4 =	vld [tilespmem:$0xCCF0]  }
0x188: {  	v5 =	vld [tilespmem:$0xD4C0];
	_ =	sdelay $0x4  }
0x189: {  	v4 =	vadd.f32 v5, v4;
	_ =	sdelay $0x1  }
0x18a: {  	v5 =	vmul.f32 $2.000000030e-01, v4;
	_ =	sdelay $0x1  }
0x18b: {  	v4 =	vmax.f32 v4, v5  }
0x18c: {  	v4 =	vmul.f32 $1.442695020e+00, v4;
	_ =	sdelay $0x1  }
0x18d: {  	(erf) = vpow2.f32 v4;
	_ =	sdelay $0x6  }
0x18e: {  	v4 =	vld [tilespmem:$0xCCB0]  }
0x18f: {  	v5 =	vld [tilespmem:$0xCCC0]  }
0x190: {  	v60 =	vld [tilespmem:$0xCCD0];
	v59 =	vpop (erf)  }
0x191: {  	v9 =	vld [tilespmem:$0xCCE0];
	v61 =	vperm.xlane v59, v0  }
0x192: {  	v62 =	vperm.xlane v59, v1  }
0x193: {  	s31 =	sadd.s32 $0x1, s31;
	v63 =	vperm.xlane v59, v2;
	v4 =	vmul.f32 v4, v61  }
0x194: {  	p1 =	sne.s32 s31, $0x28;
	[tilespmem:$0xFBD0] =	vst v59;
	v6 =	vperm.xlane v59, v3;
	v5 =	vmul.f32 v5, v62  }
.Ltmp2:
0x195: {  	[tilespmem:$0xFB90] =	vst v4;
	v4 =	vmul.f32 v60, v63;
	(pc) =	sbr.rel @p1 .LBB2_2-.Ltmp2, $4  }
0x196: {  	[tilespmem:$0xFBA0] =	vst v5;
	v5 =	vmul.f32 v9, v6  }
0x197: {  	[tilespmem:$0xFBB0] =	vst v4  }
0x198: {  	[tilespmem:$0xFBC0] =	vst v5  }
0x199: {  	[spmem:s1] =	stream.indirect.scatter.add.f32 [tilespmem:s26], [sflag:$0x6], $0x50, s0, s16, $0xb8;
	[tilespmem:$0x1BF30] =	vst v63  }
0x19a: {  	s0 =	simm.s32 $0x3  }
0x19b: {  	_ =	swait.ge [sflag:s0], $0x2710  }
0x19c: {  	[sflag:s0] =	ssyncset.done $0x0  }
0x19d: {  	s29 =	simm.s32 $0x6;
	[sflag:s0] =	ssyncadd.s32 $0xFFFFD8F0  }
0x19e: {  	_ =	swait.ge [sflag:s29], $0x2710  }
0x19f: {  	[sflag:s29] =	ssyncset.done $0x0  }
0x1a0: {  	[sflag:s29] =	ssyncadd.s32 $0xFFFFD8F0  }
0x1a1: {  	[bflag:$0x0] =	sbarrier.arrive $0xFFFF  }
0x1a2: {  	s31 =	rddreg [dreg:$0x5]  }
0x1a3: {  	[hbm:s31], [sflag:s6] =	dma.local [spmem:s12], $0x1860  }
0x1a4: {  	_ =	swait.ge [sflag:s13], $0x1860  }
0x1a5: {  	[sflag:s13] =	ssyncset.done $0x0  }
0x1a6: {  	s0 =	rddreg [dreg:$0x6];
	[sflag:s13] =	ssyncadd.s32 $0xFFFFE7A0  }
0x1a7: {  	[hbm:s0], [sflag:s6] =	dma.local @!p0 [spmem:s14], $0xA0  }
0x1a8: {  	s0 =	simm.s32 @!p0 $0x7  }
0x1a9: {  	_ =	swait.ge @!p0 [sflag:s0], $0xA0  }
0x1aa: {  	s30 =	sadd.s32 $0x1, s30;
	s2 =	rddreg [dreg:$0x7]  }
0x1ab: {  	p1 =	sne.s32 s30, s2  }
.Ltmp3:
0x1ac: {  	_ = 	snop;
	(pc) =	sbr.rel @p1 .LBB2_1-.Ltmp3, $3  }
0x1ad: {  	_ =	sdelay $0x1  }
0x1ae: {  	[sflag:s0] =	ssyncset.done @!p0 $0x0  }
0x1af: {  	[sflag:s0] =	ssyncadd.s32 @!p0 $0xFFFFFF60  }
0x1b0: {  	_ =	sfence.sel $0x180000  }
0x1b1: {  	[bflag:$0x0] =	sbarrier.arrive $0xFFFF  }
0x1b2: {  	_ =	strace $0x9000004D  }
0x1b3: {  	[bflag:$0x2] =	sbarrier.arrive $0xFFFF  }
0x1b4: {  	s0 =	rddreg [dreg:$0x2]  }
0x1b5: {  	s0 =	sadd.s32 @!p0 $0x100000, s0  }
0x1b6: {  	[sflag:s0] =	ssyncadd.tile.s32 @!p0 $0x1;
	_ =	shalt  }
.Lfunc_end2:
_tile_overlayer_lowered:
.L_overlay_start_2:
0x1b7: {  	(tag) =	ssettag $0x2  }
0x1b8: {  	s0 =	rddreg [dreg:$0x0];
	s2 =	stileid.u32  }
0x1b9: {  	s1 =	rddreg [dreg:$0x1];
	p0 =	sne.s32 s2, $0x0  }
0x1ba: {  	s3 =	rddreg [dreg:$0x2];
	[bflag:$0x3] =	sbarrier.arrive $0xFFFF;
	s2 =	simm.s32 @!p0 $0x1C07  }
0x1bb: {  	[timem:s3], [sflag:s2] =	dma.local @!p0 [hbm:s0], s1  }
0x1bc: {  	s0 =	simm.s32 @!p0 $0x7  }
0x1bd: {  	_ =	swait.ge @!p0 [sflag:s0], s1  }
0x1be: {  	s1 =	ssub.s32 @!p0 $0x0, s1;
	[sflag:s0] =	ssyncset.done @!p0 $0x0  }
0x1bf: {  	[sflag:s0] =	ssyncadd.s32 @!p0 s1  }
0x1c0: {  	[bflag:$0x3] =	sbarrier.arrive $0xFFFF  }
0x1c1: {  	_ =	shalt  }

// kernel: kernel.9.cloned.1.call-start
scs
__scs_entry_jumppad:
0x0: {  	(pc) =	sbr.rel $0x88, $3  }
0x1: {  	(tag) =	ssettag $0x0;
	lr =	simm.s32 $0x1  }
0x2: {  	[smem:$0x3F81] =	sst lr;
	_ =	strace $0xD0000000  }
0x3: {  	_ = 	snop  }
0x4: {  	_ = 	snop  }
0x5: {  	_ = 	snop  }
0x6: {  	_ = 	snop  }
0x7: {  	_ = 	snop  }
__scs_overlays_trampoline_lowered:
0x8: {  	[smem:$0x3F90] =	sst s0  }
0x9: {  	[smem:$0x3F91] =	sst s1  }
0xa: {  	[smem:$0x3F92] =	sst s2  }
0xb: {  	[smem:$0x3F93] =	sst s3  }
0xc: {  	[smem:$0x3F94] =	sst s4  }
0xd: {  	[smem:$0x3F95] =	sst s5  }
0xe: {  	[smem:$0x3F96] =	sst s6  }
0xf: {  	[smem:$0x3F97] =	sst s7  }
0x10: {  	[smem:$0x3F98] =	sst s8  }
0x11: {  	[smem:$0x3F99] =	sst s9;
	s0 =	simm.s32 @!p0 $0x0  }
0x12: {  	s1 =	sld [smem:$0x3F7F];
	s0 =	simm.s32 @p0 $0x1  }
0x13: {  	[smem:$0x3F9A] =	sst s0;
	s0 =	simm.s32 @!p1 $0x0  }
0x14: {  	s2 =	sld [smem:$0x3F7E];
	s0 =	simm.s32 @p1 $0x1  }
0x15: {  	[smem:$0x3F9B] =	sst s0;
	s0 =	simm.s32 @!p2 $0x0  }
0x16: {  	s3 =	sld [smem:$0x3FDB];
	s0 =	simm.s32 @p2 $0x1  }
0x17: {  	s4 =	simm.s32 $0x1BF5;
	[smem:$0x3F9D] =	sst s0  }
0x18: {  	s0 =	sld [smem:$0x3F80];
	_ =	swait.ge [sflag:s4], $0x0  }
0x19: {  	s7 =	sld [smem:$0x3F81]  }
0x1a: {  	s8 =	sadd.s32 $0xFFFFE003, lr  }
0x1b: {  	s9 =	sadd.s32 $0xFFFFFEF7, lr;
	s5 =	simm.s32 $0xFFFFFFFF;
	p2 =	slt.u32 s8, $0xFFFFF086  }
0x1c: {  	p1 =	slt.u32 s9, $0xF7A;
	s5 =	simm.s32 @!p2 $0x0  }
0x1d: {  	s5 =	simm.s32 @p1 $0x1;
	p0 =	seq.s32 s7, s2  }
0x1e: {  	s7 =	smul.u32 @!p0 $0xF7A, s2;
	p2 =	seq.s32 @!p0 s5, $0x0  }
0x1f: {  	s9 =	smul.u32 $0xF7A, s1;
	s8 =	simm.s32 @!p0 $0x1BF5;
	p2 =	por !p2, p0  }
0x20: {  	[sflag:s8] =	ssyncset.s32 @!p0 $0xFFFFF086;
	s6 =	sadd.s32 @!p0 s3, s7;
	s7 =	simm.s32 @!p0 $0x108  }
0x21: {  	s3 =	sadd.s32 s3, s9;
	s6 =	sadd.s32 @!p0 $0x88, s6;
	s7 =	simm.s32 @p2 $0x1082  }
0x22: {  	[simem:s7], [sflag:s8] =	dma.local @!p0 [hbm:s6], $0xF7A  }
0x23: {  	s9 =	sor.u32 $0xD0000000, s2;
	s6 =	simm.s32 $0x108;
	_ =	swait.ge @!p0 [sflag:s8], $0x0  }
0x24: {  	s3 =	sadd.s32 $0x88, s3;
	s6 =	simm.s32 @!p1 $0x1082;
	[sflag:s4] =	ssyncset.s32 $0xFFFFF086  }
0x25: {  	[simem:s6], [sflag:s4] =	dma.local [hbm:s3], $0xF7A  }
0x26: {  	[smem:$0x3F81] =	sst s1;
	(tag) =	ssettag s2;
	_ =	strace s9  }
0x27: {  	s1 =	sld [smem:$0x3F91]  }
0x28: {  	s2 =	sld [smem:$0x3F92]  }
0x29: {  	s4 =	sld [smem:$0x3F94]  }
0x2a: {  	p0 =	seq.s32 s5, $0x0;
	s5 =	sld [smem:$0x3F95]  }
0x2b: {  	s6 =	sld [smem:$0x3F96]  }
0x2c: {  	s7 =	sld [smem:$0x3F97]  }
0x2d: {  	s3 =	simm.s32 $0x108;
	s8 =	sld [smem:$0x3F98]  }
0x2e: {  	s3 =	simm.s32 @!p0 $0x1082;
	s9 =	sld [smem:$0x3F99]  }
0x2f: {  	lr =	sadd.s32 s0, s3;
	s0 =	sld [smem:$0x3F90]  }
0x30: {  	s3 =	sld [smem:$0x3F93]  }
0x31: {  	[smem:$0x3F9C] =	sst s10  }
0x32: {  	s10 =	sld [smem:$0x3F9A];
	_ =	sdelay $0x3  }
0x33: {  	p0 =	seq.s32 s10, $0x1;
	s10 =	sld [smem:$0x3F9C];
	_ =	sdelay $0x3  }
0x34: {  	[smem:$0x3F9C] =	sst s10  }
0x35: {  	s10 =	sld [smem:$0x3F9B];
	_ =	sdelay $0x3  }
0x36: {  	p1 =	seq.s32 s10, $0x1;
	s10 =	sld [smem:$0x3F9C];
	_ =	sdelay $0x3  }
0x37: {  	[smem:$0x3F9C] =	sst s10  }
0x38: {  	s10 =	sld [smem:$0x3F9D]  }
0x39: {  	_ = 	snop;
	(pc) =	sbr.ind lr, $3  }
0x3a: {  	_ = 	snop  }
0x3b: {  	_ = 	snop  }
0x3c: {  	p2 =	seq.s32 s10, $0x1;
	s10 =	sld [smem:$0x3F9C]  }
0x3d: {  	_ =	shalt  }
0x3e: {  	_ =	shalt  }
0x3f: {  	_ =	shalt  }
0x40: {  	_ =	shalt  }
0x41: {  	_ =	shalt  }
0x42: {  	_ =	shalt  }
0x43: {  	_ =	shalt  }
0x44: {  	_ =	shalt  }
0x45: {  	_ =	shalt  }
0x46: {  	_ =	shalt  }
0x47: {  	_ =	shalt  }
0x48: {  	_ =	shalt  }
0x49: {  	_ =	shalt  }
0x4a: {  	_ =	shalt  }
0x4b: {  	_ =	shalt  }
0x4c: {  	_ =	shalt  }
0x4d: {  	_ =	shalt  }
0x4e: {  	_ =	shalt  }
0x4f: {  	_ =	shalt  }
0x50: {  	_ =	shalt  }
0x51: {  	_ =	shalt  }
0x52: {  	_ =	shalt  }
0x53: {  	_ =	shalt  }
0x54: {  	_ =	shalt  }
0x55: {  	_ =	shalt  }
0x56: {  	_ =	shalt  }
0x57: {  	_ =	shalt  }
0x58: {  	_ =	shalt  }
0x59: {  	_ =	shalt  }
0x5a: {  	_ =	shalt  }
0x5b: {  	_ =	shalt  }
0x5c: {  	_ =	shalt  }
0x5d: {  	_ =	shalt  }
0x5e: {  	_ =	shalt  }
0x5f: {  	_ =	shalt  }
0x60: {  	_ =	shalt  }
0x61: {  	_ =	shalt  }
0x62: {  	_ =	shalt  }
0x63: {  	_ =	shalt  }
0x64: {  	_ =	shalt  }
0x65: {  	_ =	shalt  }
0x66: {  	_ =	shalt  }
0x67: {  	_ =	shalt  }
0x68: {  	_ =	shalt  }
0x69: {  	_ =	shalt  }
0x6a: {  	_ =	shalt  }
0x6b: {  	_ =	shalt  }
0x6c: {  	_ =	shalt  }
0x6d: {  	_ =	shalt  }
0x6e: {  	_ =	shalt  }
0x6f: {  	_ =	shalt  }
0x70: {  	_ =	shalt  }
0x71: {  	_ =	shalt  }
0x72: {  	_ =	shalt  }
0x73: {  	_ =	shalt  }
0x74: {  	_ =	shalt  }
0x75: {  	_ =	shalt  }
0x76: {  	_ =	shalt  }
0x77: {  	_ =	shalt  }
0x78: {  	_ =	shalt  }
0x79: {  	_ =	shalt  }
0x7a: {  	_ =	shalt  }
0x7b: {  	_ =	shalt  }
0x7c: {  	_ =	shalt  }
0x7d: {  	_ =	shalt  }
0x7e: {  	_ =	shalt  }
0x7f: {  	_ =	shalt  }
0x80: {  	_ =	shalt  }
0x81: {  	_ =	shalt  }
0x82: {  	_ =	shalt  }
0x83: {  	_ =	shalt  }
0x84: {  	_ =	shalt  }
0x85: {  	_ =	shalt  }
0x86: {  	_ =	shalt  }
0x87: {  	_ =	shalt  }
.Lfunc_end0:
.L_simem_size_0:
called_computation_lowered:
.L_overlay_start_0:
0x88: {  	s2 =	sld [smem:$0x3FD9]  }
0x89: {  	s3 =	sld [smem:$0x3FFE];
	_ =	sdelay $0x1  }
0x8a: {  	s1 =	srdreg.scid  }
0x8b: {  	s0 =	sand.u32 $0x1, s1  }
0x8c: {  	s16 =	sshll.u32 s0, $0xA;
	s2 =	sadd.s32 s3, s2  }
0x8d: {  	s2 =	sadd.s32 s2, s16  }
0x8e: {  	[smem:$0x3FA8] =	sst s2  }
0x8f: {  	_ = 	snop  }
0x90: {  	(tm) =	ssettm $0x1  }
0x91: {  	s17 =	sld [smem:$0x3FFB];
	_ =	sdelay $0x3  }
0x92: {  	_ =	strace s17  }
0x93: {  	s2 =	sld [smem:$0x3FFC];
	_ =	sdelay $0x3  }
0x94: {  	_ =	strace s2  }
0x95: {  	s2 =	sld [smem:$0x3FFD];
	_ =	sdelay $0x3  }
0x96: {  	_ =	strace s2  }
0x97: {  	_ =	strace $0x8FFFFFFF  }
0x98: {  	s18 =	sld [smem:$0x3FDB];
	_ =	sdelay $0x1  }
0x99: {  	s19 =	simm.s32 $_scs_section_size  }
0x9a: {  	s4 =	simm.s32 $_size__tile_overlayer_lowered;
	s5 =	simm.s32 $_tile_overlayer_lowered  }
0x9b: {  	s22 =	simm.s32 $0x1BFF;
	s21 =	sshll.u32 s5, $0x1;
	s2 =	sadd.s32 s19, s18  }
0x9c: {  	s6 =	simm.s32 $0x0;
	s20 =	sshll.u32 s4, $0x1;
	s4 =	sadd.s32 s21, s2  }
0x9d: {  	[timem:s6], [sflag:s22] =	dma.local [hbm:s4], s20  }
0x9e: {  	_ =	swait.ge [sflag:s22], s20  }
0x9f: {  	s3 =	ssub.s32 $0x0, s20;
	[sflag:s22] =	ssyncset.done $0x0  }
0xa0: {  	[sflag:s22] =	ssyncadd.s32 s3;
	_ =	sdelay $0x1  }
0xa1: {  	s23 =	simm.s32 $0x1B8B  }
0xa2: {  	_ =	swait.ge [sflag:s23], $0x1  }
0xa3: {  	[sflag:s23] =	ssyncset.done $0x0  }
0xa4: {  	s25 =	simm.s32 $0x1B8E;
	s24 =	sld [smem:$0x3FFE];
	[sflag:s23] =	ssyncadd.s32 $0xFFFFFFFF  }
0xa5: {  	s26 =	simm.s32 $execute0_lowered;
	[smem:$0x3FD2] =	sst s25  }
0xa6: {  	s4 =	sshll.u32 s26, $0x1;
	_ =	strace $0x80000046;
	[dreg:$0x1] =	wrdreg $0xFFFFFFFF  }
0xa7: {  	s28 =	simm.s32 $_size_execute0_lowered;
	s2 =	sadd.s32 s2, s4;
	[dreg:$0x0] =	wrdreg $0x0  }
0xa8: {  	s4 =	sshll.u32 s28, $0x1;
	[dreg:$0x2] =	wrdreg s2  }
0xa9: {  	[dreg:$0x3] =	wrdreg s4  }
0xaa: {  	[dreg:$0x4] =	wrdreg $0xC0  }
0xab: {  	_ =	task [dreg:s6], $0x5FFFF  }
0xac: {  	[dreg:$0x1] =	wrdreg $0xFFFFFFFF  }
0xad: {  	[dreg:$0x0] =	wrdreg $0x60  }
0xae: {  	[dreg:$0x2] =	wrdreg s24  }
0xaf: {  	[dreg:$0x3] =	wrdreg $0xFBE00  }
0xb0: {  	[dreg:$0x4] =	wrdreg $0x9  }
0xb1: {  	_ =	task.clear_ibuf [dreg:s6], $0x5FFFF;
	_ =	strace $0x90000046  }
0xb2: {  	s29 =	simm.s32 $0x9;
	_ =	strace $0x80000048  }
0xb3: {  	_ =	swait.ge [sflag:s29], $0x1  }
0xb4: {  	[sflag:s29] =	ssyncadd.s32 $0xFFFFFFFF  }
0xb5: {  	_ =	strace $0x90000048  }
0xb6: {  	_ =	sfence  }
0xb7: {  	s30 =	sld [smem:$0x0];
	_ =	sdelay $0x2  }
0xb8: {  	s31 =	sshll.u32 s1, $0xD;
	s1 =	sshrl.u32 s1, $0x2  }
0xb9: {  	s3 =	sand.u32 $0x4000, s31;
	s1 =	sadd.s32 s1, s30  }
0xba: {  	s0 =	sor.u32 s3, s0;
	s1 =	sshll.u32 s1, $0x11  }
0xbb: {  	s0 =	sor.u32 s1, s0  }
0xbc: {  	s0 =	sadd.s32 $0x8F2B, s0  }
0xbd: {  	[sflag:s0] =	ssyncadd.remote.s32 $0x1  }
0xbe: {  	_ =	sfence.sel $0xFFFF  }
0xbf: {  	[dreg:$0x0] =	wrdreg $0xFFFFFFFF;
	(pc) =	sbr.abs _section_cstart, $3  }
0xc0: {  	[dreg:$0x1] =	wrdreg $0xFFFFFFFF  }
0xc1: {  	_ =	task.clear_ibuf [dreg:s6], $0x2FFFF;
	_ =	strace $0x9FFFFFFF  }
0xc2: {  	(tm) =	ssettm $0x7FFFFFFF  }
0xc3: {  	_ =	shalt  }
tec
execute0_lowered:
.L_overlay_start_1:
0x0: {  	(tag) =	ssettag $0x1  }
0x1: {  	s0 =	rddreg [dreg:$0x0];
	s2 =	srdreg.scid  }
0x2: {  	s7 =	stileid.u32;
	s1 =	rddreg [dreg:$0x1];
	s4 =	simm.s32 $0x0  }
0x3: {  	s13 =	simm.s32 $0x7;
	s16 =	simm.s32 $0x7D;
	s19 =	simm.s32 $0xA5F0  }
0x4: {  	s20 =	simm.s32 $0xCD00;
	s21 =	simm.s32 $0x1;
	s22 =	simm.s32 $0x2  }
0x5: {  	s23 =	simm.s32 $0x7EE0;
	s24 =	simm.s32 $0x4;
	s25 =	simm.s32 $0x5  }
0x6: {  	s26 =	simm.s32 $0xD4D0;
	s30 =	simm.s32 $0x0;
	s2 =	sand.u32 $0x1, s2  }
0x7: {  	s3 =	sshll.u32 s7, $0x1;
	[smem:$0x7FF] =	sst s4;
	s4 =	sadd.s32 $0x3200, s0  }
0x8: {  	s9 =	smul.u32 $0xC300, s7;
	s28 =	sshll.u32 s7, $0x6;
	s14 =	sadd.s32 $0xC3000, s1  }
0x9: {  	s3 =	sor.u32 s2, s3;
	s6 =	ssub.s32 $0x2, s2;
	s2 =	smul.u32 $0xC3500, s2  }
0xa: {  	p0 =	sne.s32 s7, $0x0;
	_ =	strace $0x80000047;
	s5 =	smul.u32 $0x500, s3  }
0xb: {  	s3 =	sadd.s32 $0x51600, s0;
	s10 =	sshrl.u32 s6, $0x1;
	s11 =	sadd.s32 s9, s1  }
0xc: {  	s10 =	ssub.s32 s6, s10;
	s9 =	sadd.s32 s9, s2;
	s2 =	sshrl.u32 s2, $0x3  }
0xd: {  	s8 =	sadd.s32 s5, s0;
	s5 =	sadd.s32 $0x1C200, s0;
	s31 =	smax.u32 s10, $0x1  }
0xe: {  	s0 =	sadd.s32 $0x1DC00, s0;
	s12 =	sadd.s32 $0x12200, s8;
	[dreg:$0x7] =	wrdreg s31  }
0xf: {  	s9 =	sshrl.u32 s9, $0x3;
	s8 =	sadd.s32 $0x8200, s8;
	[dreg:$0x3] =	wrdreg s12  }
0x10: {  	v0 =	vlaneseq.u32;
	s29 =	sadd.s32 s0, s9;
	s0 =	sadd.s32 s0, s2;
	[dreg:$0x4] =	wrdreg s8  }
0x11: {  	v0 =	vshrl.u32 v0, $0x3;
	s14 =	sshrl.u32 @!p0 s14, $0x3;
	[dreg:$0x5] =	wrdreg s29;
	s0 =	sadd.s32 $0x18600, s0  }
0x12: {  	v1 =	vor.u32 $0x2, v0;
	v2 =	vor.u32 $0x4, v0;
	v3 =	vor.u32 $0x6, v0;
	s6 =	sor.u32 $0x1C07, s28;
	s12 =	sshrl.u32 s11, $0x3;
	[dreg:$0x6] =	wrdreg s0  }
.LBB2_1:
0x13: {  	[spmem:s12], [sflag:s6] =	dma.local [hbm:s5], $0x1860  }
0x14: {  	_ =	swait.ge [sflag:s13], $0x1860  }
0x15: {  	[sflag:s13] =	ssyncset.done $0x0  }
0x16: {  	s0 =	simm.s32 @!p0 $0x7;
	[sflag:s13] =	ssyncadd.s32 $0xFFFFE7A0  }
0x17: {  	[spmem:s14], [sflag:s6] =	dma.local @!p0 [hbm:s5], $0xA0  }
0x18: {  	_ =	swait.ge @!p0 [sflag:s0], $0xA0  }
0x19: {  	[sflag:s0] =	ssyncset.done @!p0 $0x0  }
0x1a: {  	[sflag:s0] =	ssyncadd.s32 @!p0 $0xFFFFFF60  }
0x1b: {  	[bflag:$0x0] =	sbarrier.arrive $0xFFFF  }
0x1c: {  	s17 =	simm.s32 $0x0;
	s2 =	rddreg [dreg:$0x3]  }
0x1d: {  	[tilespmem:s17], [sflag:$0x7] =	stream.linear.gather [hbm4b:s2+s17], $0x2800, $0x38;
	[tilespmem:$0x1BF30] =	vst v63  }
0x1e: {  	_ =	swait.ge [sflag:s13], $0x2800  }
0x1f: {  	[sflag:s13] =	ssyncset.done $0x0  }
0x20: {  	s7 =	simm.s32 $0x2800;
	s18 =	rddreg [dreg:$0x4];
	[sflag:s13] =	ssyncadd.s32 $0xFFFFD800  }
0x21: {  	[tilespmem:s7], [sflag:$0x7] =	stream.linear.gather [hbm4b:s18+s17], $0x2800, $0x38;
	[tilespmem:$0x1BF30] =	vst v63  }
0x22: {  	_ =	swait.ge [sflag:s13], $0x2800  }
0x23: {  	[sflag:s13] =	ssyncset.done $0x0  }
0x24: {  	s28 =	simm.s32 $0x5000;
	[sflag:s13] =	ssyncadd.s32 $0xFFFFD800  }
0x25: {  	[tilespmem:s28], [sflag:$0x1] =	stream.indirect.gather [hbm4b:s3+s16], $0x50, s17, s16, $0xb8;
	[tilespmem:$0x1BF30] =	vst v63  }
0x26: {  	s29 =	simm.s32 $0x7710;
	s31 =	simm.s32 $0x0  }
0x27: {  	[tilespmem:s29], [sflag:$0x2] =	stream.indirect.gather [hbm4b:s4+s16], $0x10, s7, s16, $0xb8;
	[tilespmem:$0x1BF30] =	vst v63  }
.LBB2_2:
0x28: {  	s17 =	sshll.u32 s31, $0x8  }
0x29: {  	s0 =	sor.u32 $0x80, s17  }
0x2a: {  	[tilespmem:s19], [sflag:$0x4] =	stream.indirect.gather [hbm4b:s3+s16], $0x50, s0, s16, $0xb8;
	[tilespmem:$0x1BF30] =	vst v63  }
0x2b: {  	s0 =	sadd.s32 $0x2880, s17  }
0x2c: {  	[tilespmem:s20], [sflag:$0x5] =	stream.indirect.gather [hbm4b:s4+s16], $0x10, s0, s16, $0xb8;
	[tilespmem:$0x1BF30] =	vst v63  }
0x2d: {  	_ =	swait.ge [sflag:s21], $0x2710  }
0x2e: {  	[sflag:s21] =	ssyncset.done $0x0  }
0x2f: {  	[sflag:s21] =	ssyncadd.s32 $0xFFFFD8F0  }
0x30: {  	_ =	swait.ge [sflag:s22], $0x7D0  }
0x31: {  	p1 =	seq.s32 s31, $0x0;
	[sflag:s22] =	ssyncset.done $0x0  }
0x32: {  	s2 =	simm.s32 @!p1 $0x3;
	[sflag:s22] =	ssyncadd.s32 $0xFFFFF830  }
0x33: {  	_ =	swait.ge @!p1 [sflag:s2], $0x2710  }
0x34: {  	[sflag:s2] =	ssyncset.done @!p1 $0x0  }
0x35: {  	s10 =	simm.s32 $0x50A0;
	[sflag:s2] =	ssyncadd.s32 @!p1 $0xFFFFD8F0  }
0x36: {  	s8 =	simm.s32 $0x7730;
	v4 =	vld [tilespmem:s10+$0x90]  }
0x37: {  	v5 =	vld [tilespmem:s8+$0x10];
	_ =	sdelay $0x4  }
0x38: {  	v6 =	vld [tilespmem:s8+$0xFFFFFFE0];
	v4 =	vadd.f32 v5, v4  }
0x39: {  	v7 =	vld [tilespmem:s8+$0xFFFFFFF0]  }
0x3a: {  	v9 =	vld [tilespmem:s10+$0x40];
	v8 =	vmul.f32 $2.000000030e-01, v4  }
0x3b: {  	v5 =	vld [tilespmem:s10+$0xFFFFFFF0]  }
0x3c: {  	v10 =	vld [tilespmem:s8+$0x0];
	v4 =	vmax.f32 v4, v8  }
0x3d: {  	v8 =	vld [tilespmem:s10+$0xFFFFFFA0];
	v4 =	vmul.f32 $1.442695020e+00, v4;
	_ =	sdelay $0x1  }
0x3e: {  	(erf) = vpow2.f32 v4  }
0x3f: {  	v4 =	vadd.f32 v7, v5  }
0x40: {  	v5 =	vadd.f32 v10, v9  }
0x41: {  	v7 =	vmul.f32 $2.000000030e-01, v4;
	v6 =	vadd.f32 v6, v8  }
0x42: {  	v8 =	vmul.f32 $2.000000030e-01, v5  }
0x43: {  	v4 =	vmax.f32 v4, v7;
	v7 =	vmul.f32 $2.000000030e-01, v6  }
0x44: {  	v5 =	vmax.f32 v5, v8;
	v4 =	vmul.f32 $1.442695020e+00, v4  }
0x45: {  	v5 =	vmul.f32 $1.442695020e+00, v5;
	v6 =	vmax.f32 v6, v7  }
0x46: {  	s18 =	simm.s32 $0x51E0;
	v6 =	vmul.f32 $1.442695020e+00, v6;
	(erf) = vpow2.f32 v4  }
0x47: {  	s15 =	simm.s32 $0x7F80;
	s9 =	simm.s32 $0x7770;
	v4 =	vld [tilespmem:s18+$0x90];
	(erf) = vpow2.f32 v5;
	v7 =	vpop (erf)  }
0x48: {  	v5 =	vld [tilespmem:s9+$0x10];
	(erf) = vpow2.f32 v6;
	[tilespmem:s15+$0x90] =	vst v7  }
0x49: {  	v6 =	vld [tilespmem:s10+$0x50];
	_ =	sdelay $0x2  }
0x4a: {  	v11 =	vld [tilespmem:s9+$0xFFFFFFF0];
	v9 =	vperm.xlane v7, v0  }
0x4b: {  	v13 =	vld [tilespmem:s9+$0x0]  }
0x4c: {  	v16 =	vld [tilespmem:s18+$0xFFFFFFA0];
	v4 =	vadd.f32 v5, v4;
	v6 =	vmul.f32 v6, v9  }
0x4d: {  	v10 =	vld [tilespmem:s18+$0xFFFFFFF0];
	v5 =	vpop (erf)  }
0x4e: {  	v8 =	vld [tilespmem:s9+$0xFFFFFFE0];
	v12 =	vpop (erf);
	[tilespmem:s15+$0x50] =	vst v6;
	v6 =	vmul.f32 $2.000000030e-01, v4  }
0x4f: {  	v9 =	vld [tilespmem:s18+$0x40];
	v14 =	vpop (erf)  }
0x50: {  	v15 =	vld [tilespmem:s10+$0x60];
	[tilespmem:s15+$0xFFFFFFA0] =	vst v14;
	v4 =	vmax.f32 v4, v6  }
0x51: {  	v6 =	vld [tilespmem:s10+$0xFFFFFF60];
	v4 =	vmul.f32 $1.442695020e+00, v4  }
0x52: {  	v18 =	vperm.xlane v7, v1;
	[tilespmem:s15+$0xFFFFFFF0] =	vst v5  }
0x53: {  	v19 =	vperm.xlane v5, v0;
	[tilespmem:s15+$0x40] =	vst v12;
	v17 =	vld [tilespmem:s10+$0xFFFFFFB0];
	(erf) = vpow2.f32 v4  }
0x54: {  	v10 =	vadd.f32 v11, v10;
	v22 =	vperm.xlane v5, v2;
	v11 =	vld [tilespmem:s10+$0x0];
	v4 =	vperm.xlane v14, v0  }
0x55: {  	s11 =	simm.s32 $0x77B0;
	v23 =	vperm.xlane v12, v2;
	v9 =	vadd.f32 v13, v9;
	v13 =	vmul.f32 v15, v18  }
0x56: {  	s8 =	simm.s32 $0x5320;
	v24 =	vld [tilespmem:s11+$0xFFFFFFE0];
	v8 =	vadd.f32 v8, v16;
	v18 =	vmul.f32 $2.000000030e-01, v10;
	v4 =	vmul.f32 v6, v4  }
0x57: {  	v27 =	vld [tilespmem:s8+$0xFFFFFFA0];
	v16 =	vmul.f32 $2.000000030e-01, v9;
	v15 =	vperm.xlane v12, v0;
	[tilespmem:s15+$0x60] =	vst v13  }
0x58: {  	v6 =	vmax.f32 v10, v18;
	v10 =	vmul.f32 $2.000000030e-01, v8;
	v13 =	vmul.f32 v17, v19;
	v17 =	vld [tilespmem:s10+$0x70];
	[tilespmem:s15+$0xFFFFFF60] =	vst v4  }
0x59: {  	v9 =	vmax.f32 v9, v16;
	v6 =	vmul.f32 $1.442695020e+00, v6;
	v4 =	vmul.f32 v11, v15;
	v11 =	vld [tilespmem:s10+$0xFFFFFF70]  }
0x5a: {  	v20 =	vperm.xlane v14, v2;
	v9 =	vmul.f32 $1.442695020e+00, v9;
	[tilespmem:s15+$0xFFFFFFB0] =	vst v13;
	v8 =	vmax.f32 v8, v10;
	v10 =	vld [tilespmem:s8+$0x90]  }
0x5b: {  	(erf) = vpow2.f32 v6;
	v6 =	vld [tilespmem:s10+$0xFFFFFFC0];
	[tilespmem:s15+$0x0] =	vst v4;
	v8 =	vmul.f32 $1.442695020e+00, v8  }
0x5c: {  	s7 =	simm.s32 $0x80C0;
	v4 =	vperm.xlane v7, v2;
	(erf) = vpow2.f32 v9;
	v9 =	vld [tilespmem:s10+$0x10];
	v13 =	vpop (erf)  }
0x5d: {  	v15 =	vperm.xlane v14, v1;
	(erf) = vpow2.f32 v8;
	v8 =	vld [tilespmem:s11+$0x10];
	[tilespmem:s7+$0x90] =	vst v13  }
0x5e: {  	v16 =	vperm.xlane v5, v1;
	v4 =	vmul.f32 v17, v4;
	v17 =	vld [tilespmem:s18+$0x50]  }
0x5f: {  	v25 =	vld [tilespmem:s11+$0xFFFFFFF0];
	v24 =	vadd.f32 v24, v27;
	s9 =	simm.s32 $0x5460;
	v18 =	vperm.xlane v12, v1;
	v11 =	vmul.f32 v11, v15  }
0x60: {  	v38 =	vld [tilespmem:s9+$0xFFFFFFA0];
	v19 =	vperm.xlane v14, v3;
	[tilespmem:s15+$0x70] =	vst v4;
	v4 =	vperm.xlane v12, v3  }
0x61: {  	v14 =	vld [tilespmem:s8+$0xFFFFFFF0];
	v12 =	vperm.xlane v13, v0;
	[tilespmem:s15+$0xFFFFFF70] =	vst v11;
	v11 =	vmul.f32 $2.000000030e-01, v24  }
0x62: {  	v6 =	vmul.f32 v6, v16;
	v16 =	vld [tilespmem:s8+$0x40];
	v9 =	vmul.f32 v9, v18  }
0x63: {  	v21 =	vld [tilespmem:s10+$0x80];
	v8 =	vadd.f32 v8, v10;
	v11 =	vmax.f32 v24, v11;
	v12 =	vmul.f32 v17, v12  }
0x64: {  	v5 =	vperm.xlane v5, v3;
	[tilespmem:s15+$0x10] =	vst v9;
	v15 =	vpop (erf);
	v9 =	vmul.f32 $1.442695020e+00, v11;
	v17 =	vld [tilespmem:s11+$0x0]  }
0x65: {  	v7 =	vperm.xlane v7, v3;
	v11 =	vld [tilespmem:s10+$0x20];
	v18 =	vpop (erf);
	s11 =	simm.s32 $0x77F0;
	[tilespmem:s7+$0x50] =	vst v12;
	v12 =	vmul.f32 $2.000000030e-01, v8  }
0x66: {  	v14 =	vadd.f32 v25, v14;
	v27 =	vperm.xlane v13, v1;
	v10 =	vperm.xlane v15, v0;
	v37 =	vld [tilespmem:s11+$0x0];
	v28 =	vpop (erf)  }
0x67: {  	v25 =	vperm.xlane v15, v1;
	v26 =	vperm.xlane v18, v0;
	[tilespmem:s7+$0xFFFFFFA0] =	vst v28;
	v31 =	vld [tilespmem:s18+$0x60];
	v8 =	vmax.f32 v8, v12  }
0x68: {  	[tilespmem:s7+$0xFFFFFFF0] =	vst v15;
	v21 =	vmul.f32 v21, v7;
	v7 =	vld [tilespmem:s18+$0xFFFFFF60];
	v8 =	vmul.f32 $1.442695020e+00, v8  }
0x69: {  	[tilespmem:s7+$0x40] =	vst v18;
	v57 =	vperm.xlane v18, v2;
	v12 =	vld [tilespmem:s18+$0xFFFFFFB0];
	v16 =	vadd.f32 v17, v16;
	v17 =	vmul.f32 $2.000000030e-01, v14  }
0x6a: {  	v32 =	vld [tilespmem:s18+$0x0];
	v29 =	vperm.xlane v28, v0;
	(erf) = vpow2.f32 v8  }
0x6b: {  	v30 =	vperm.xlane v28, v1;
	v33 =	vmul.f32 $2.000000030e-01, v16;
	v8 =	vmax.f32 v14, v17;
	v17 =	vld [tilespmem:s10+$0xFFFFFF80]  }
0x6c: {  	[tilespmem:s15+$0x80] =	vst v21;
	v21 =	vld [tilespmem:s9+$0x40];
	v23 =	vmul.f32 v11, v23;
	v14 =	vmul.f32 v31, v27  }
0x6d: {  	[tilespmem:s15+$0xFFFFFFC0] =	vst v6;
	v6 =	vmul.f32 $1.442695020e+00, v8;
	v27 =	vld [tilespmem:s9+$0x90];
	v8 =	vmax.f32 v16, v33;
	v7 =	vmul.f32 v7, v29  }
0x6e: {  	v16 =	vld [tilespmem:s10+$0xFFFFFFD0];
	v10 =	vmul.f32 v12, v10;
	v8 =	vmul.f32 $1.442695020e+00, v8;
	[tilespmem:s7+$0x60] =	vst v14  }
0x6f: {  	(erf) = vpow2.f32 v6;
	v6 =	vld [tilespmem:s18+$0x70];
	[tilespmem:s7+$0xFFFFFF60] =	vst v7;
	v7 =	vmul.f32 v32, v26  }
0x70: {  	[tilespmem:s7+$0xFFFFFFB0] =	vst v10;
	(erf) = vpow2.f32 v8;
	v24 =	vld [tilespmem:s18+$0xFFFFFF70];
	v17 =	vmul.f32 v17, v20  }
0x71: {  	v31 =	vperm.xlane v15, v2;
	(erf) = vpow2.f32 v9;
	v9 =	vld [tilespmem:s18+$0xFFFFFFC0];
	[tilespmem:s7+$0x0] =	vst v7  }
0x72: {  	v14 =	vperm.xlane v18, v1;
	v7 =	vperm.xlane v13, v2;
	v10 =	vld [tilespmem:s18+$0x10];
	[tilespmem:s15+$0xFFFFFF80] =	vst v17  }
0x73: {  	s2 =	simm.s32 $0x8200;
	v26 =	vperm.xlane v28, v2;
	v8 =	vperm.xlane v28, v3;
	v63 =	vld [tilespmem:s10+$0xFFFFFF90];
	v12 =	vpop (erf)  }
0x74: {  	v28 =	vmul.f32 v6, v7;
	v7 =	vperm.xlane v15, v3;
	v15 =	vld [tilespmem:s11+$0x10];
	[tilespmem:s2+$0x90] =	vst v12  }
0x75: {  	v13 =	vperm.xlane v13, v3;
	v20 =	vmul.f32 v16, v22;
	v16 =	vld [tilespmem:s8+$0x50]  }
0x76: {  	v22 =	vmul.f32 v24, v30;
	v24 =	vmul.f32 v9, v25;
	v25 =	vld [tilespmem:s11+$0xFFFFFFE0]  }
0x77: {  	v6 =	vperm.xlane v18, v3;
	[tilespmem:s7+$0x70] =	vst v28;
	v9 =	vld [tilespmem:s9+$0xFFFFFFF0];
	v29 =	vmul.f32 v10, v14  }
0x78: {  	v21 =	vadd.f32 v37, v21;
	v11 =	vld [tilespmem:s18+$0x80];
	v10 =	vperm.xlane v12, v0;
	v28 =	vpop (erf);
	v19 =	vmul.f32 v63, v19  }
0x79: {  	v14 =	vld [tilespmem:s11+$0xFFFFFFF0];
	v30 =	vperm.xlane v28, v0;
	v58 =	vpop (erf);
	v18 =	vperm.xlane v28, v1  }
0x7a: {  	[tilespmem:s7+$0x10] =	vst v29;
	v29 =	vmul.f32 $2.000000030e-01, v21;
	v34 =	vperm.xlane v58, v0;
	v35 =	vpop (erf)  }
0x7b: {  	v15 =	vadd.f32 v15, v27;
	v36 =	vperm.xlane v35, v0;
	v10 =	vmul.f32 v16, v10  }
0x7c: {  	[tilespmem:s7+$0xFFFFFFC0] =	vst v24;
	v17 =	vperm.xlane v35, v1;
	v16 =	vperm.xlane v58, v1  }
0x7d: {  	v27 =	vmul.f32 v11, v13;
	v13 =	vmul.f32 $2.000000030e-01, v15;
	[tilespmem:s2+$0x50] =	vst v10  }
0x7e: {  	[tilespmem:s2+$0xFFFFFFA0] =	vst v35;
	v24 =	vadd.f32 v25, v38;
	v25 =	vperm.xlane v12, v1;
	v40 =	vadd.f32 v14, v9;
	v41 =	vld [tilespmem:s8+$0x60]  }
0x7f: {  	[tilespmem:s2+$0xFFFFFFF0] =	vst v28;
	v39 =	vld [tilespmem:s8+$0xFFFFFF60];
	v11 =	vperm.xlane v28, v2;
	v9 =	vperm.xlane v58, v2;
	v15 =	vmax.f32 v15, v13  }
0x80: {  	[tilespmem:s7+$0xFFFFFF70] =	vst v22;
	v59 =	vld [tilespmem:s8+$0xFFFFFFB0];
	v13 =	vperm.xlane v28, v3;
	v28 =	vmul.f32 $1.442695020e+00, v15  }
0x81: {  	v61 =	vld [tilespmem:s18+$0xFFFFFF80];
	[tilespmem:s2+$0x40] =	vst v58;
	v21 =	vmax.f32 v21, v29;
	v14 =	vperm.xlane v35, v3;
	v22 =	vmul.f32 $2.000000030e-01, v40  }
0x82: {  	v60 =	vld [tilespmem:s8+$0x0];
	v21 =	vmul.f32 $1.442695020e+00, v21;
	(erf) = vpow2.f32 v28  }
0x83: {  	[tilespmem:s15+$0xFFFFFFD0] =	vst v20;
	v62 =	vld [tilespmem:s18+$0x20];
	v20 =	vmax.f32 v40, v22;
	v22 =	vmul.f32 $2.000000030e-01, v24;
	v25 =	vmul.f32 v41, v25  }
0x84: {  	[tilespmem:s7+$0x80] =	vst v27;
	v28 =	vld [tilespmem:s18+$0xFFFFFFD0];
	v20 =	vmul.f32 $1.442695020e+00, v20;
	v27 =	vmul.f32 v39, v36  }
0x85: {  	v10 =	vperm.xlane v35, v2;
	v29 =	vmul.f32 v59, v30;
	v24 =	vmax.f32 v24, v22;
	v22 =	vld [tilespmem:s10+$0xFFFFFFE0];
	[tilespmem:s2+$0x60] =	vst v25  }
0x86: {  	(erf) = vpow2.f32 v20;
	[tilespmem:s2+$0xFFFFFF60] =	vst v27;
	v25 =	vmul.f32 $1.442695020e+00, v24;
	v27 =	vld [tilespmem:s8+$0x70]  }
0x87: {  	[tilespmem:s2+$0xFFFFFFB0] =	vst v29;
	v20 =	vmul.f32 v60, v34;
	(erf) = vpow2.f32 v21;
	v24 =	vld [tilespmem:s8+$0xFFFFFF70]  }
0x88: {  	[tilespmem:s15+$0x20] =	vst v23;
	v21 =	vmul.f32 v61, v26;
	(erf) = vpow2.f32 v25;
	v25 =	vld [tilespmem:s8+$0xFFFFFFC0]  }
0x89: {  	v23 =	vld [tilespmem:s10+$0x30];
	v29 =	vperm.xlane v12, v2;
	[tilespmem:s2+$0x0] =	vst v20;
	v28 =	vmul.f32 v28, v31  }
0x8a: {  	s28 =	simm.s32 $0xC;
	s29 =	simm.s32 $0x55A0;
	v15 =	vperm.xlane v58, v3;
	s10 =	simm.s32 $0x8200;
	v26 =	vld [tilespmem:s8+$0x10];
	[tilespmem:s7+$0xFFFFFF80] =	vst v21;
	v21 =	vmul.f32 v62, v57  }
.LBB2_3:
0x8b: {  	v30 =	vld [tilespmem:s29+$0x90];
	s11 =	sadd.s32 $0x40, s11;
	v31 =	vpop (erf);
	v27 =	vmul.f32 v27, v29;
	s2 =	sadd.s32 $0x140, s2;
	[tilespmem:s7+$0xFFFFFFD0] =	vst v28;
	v22 =	vmul.f32 v22, v5;
	v20 =	vmov v14  }
0x8c: {  	v5 =	vmov v7;
	v7 =	vmov v13;
	v14 =	vld [tilespmem:s11+$0x10];
	[tilespmem:s2+$0x90] =	vst v31;
	v17 =	vmul.f32 v24, v17  }
0x8d: {  	v13 =	vld [tilespmem:s9+$0x50];
	v18 =	vmul.f32 v25, v18;
	[tilespmem:s10+$0x70] =	vst v27  }
0x8e: {  	[tilespmem:s10+$0xFFFFFF70] =	vst v17;
	v24 =	vld [tilespmem:s8+$0x80];
	v23 =	vmul.f32 v23, v4;
	v4 =	vmov v6;
	v6 =	vmov v15  }
0x8f: {  	s28 =	sadd.s32 $0x4, s28;
	v15 =	vld [tilespmem:s11+$0xFFFFFFE0];
	v25 =	vpop (erf);
	[tilespmem:s10+$0xFFFFFFC0] =	vst v18;
	v16 =	vmul.f32 v26, v16  }
0x90: {  	p2 =	slt.u32 s28, $0x78;
	v17 =	vperm.xlane v31, v0;
	v26 =	vld [tilespmem:s29+$0xFFFFFFF0];
	[tilespmem:s2+$0xFFFFFFF0] =	vst v25;
	v27 =	vperm.xlane v25, v0;
	v28 =	vpop (erf)  }
0x91: {  	v18 =	vperm.xlane v12, v3;
	v12 =	vmov v31;
	v29 =	vld [tilespmem:s11+$0xFFFFFFF0];
	[tilespmem:s2+$0x40] =	vst v28;
	v32 =	vperm.xlane v28, v0;
	v33 =	vpop (erf)  }
0x92: {  	v31 =	vld [tilespmem:s29+$0x40];
	[tilespmem:s2+$0xFFFFFFA0] =	vst v33;
	v34 =	vperm.xlane v33, v0;
	v13 =	vmul.f32 v13, v17  }
0x93: {  	v14 =	vadd.f32 v14, v30;
	v17 =	vperm.xlane v33, v1;
	v35 =	vld [tilespmem:s11+$0x0];
	[tilespmem:s10+$0x10] =	vst v16;
	v24 =	vmul.f32 v24, v18  }
0x94: {  	v18 =	vperm.xlane v25, v1;
	v16 =	vperm.xlane v28, v1;
	v30 =	vld [tilespmem:s29+$0xFFFFFFA0];
	[tilespmem:s2+$0x50] =	vst v13  }
0x95: {  	v37 =	vperm.xlane v33, v2;
	v13 =	vmul.f32 $2.000000030e-01, v14;
	v36 =	vld [tilespmem:s9+$0xFFFFFF60];
	[tilespmem:s10+$0x80] =	vst v24  }
0x96: {  	v38 =	vperm.xlane v28, v2;
	v24 =	vadd.f32 v29, v26;
	v26 =	vperm.xlane v25, v2;
	v29 =	vld [tilespmem:s9+$0x60];
	[tilespmem:s7+$0x20] =	vst v21  }
0x97: {  	v21 =	vmax.f32 v14, v13;
	v14 =	vperm.xlane v33, v3;
	v13 =	vperm.xlane v25, v3;
	v33 =	vld [tilespmem:s9+$0xFFFFFFB0];
	[tilespmem:s15+$0xFFFFFF90] =	vst v19  }
0x98: {  	v21 =	vmul.f32 $1.442695020e+00, v21;
	v19 =	vmul.f32 $2.000000030e-01, v24;
	v25 =	vadd.f32 v35, v31;
	v31 =	vld [tilespmem:s9+$0x0];
	[tilespmem:s15+$0xFFFFFFE0] =	vst v22  }
0x99: {  	v22 =	vadd.f32 v15, v30;
	v15 =	vperm.xlane v28, v3;
	v28 =	vperm.xlane v12, v1;
	v30 =	vld [tilespmem:s8+$0xFFFFFF80];
	[tilespmem:s15+$0x30] =	vst v23;
	s15 =	smov.u32 s7;
	s7 =	smov.u32 s10;
	s10 =	smov.u32 s2  }
0x9a: {  	v19 =	vmax.f32 v24, v19;
	v23 =	vmul.f32 $2.000000030e-01, v25;
	(erf) = vpow2.f32 v21;
	v21 =	vld [tilespmem:s8+$0xFFFFFFD0]  }
0x9b: {  	v24 =	vmul.f32 $2.000000030e-01, v22;
	v28 =	vmul.f32 v29, v28;
	v35 =	vld [tilespmem:s8+$0x20]  }
0x9c: {  	v19 =	vmul.f32 $1.442695020e+00, v19;
	v23 =	vmax.f32 v25, v23;
	v25 =	vmul.f32 v36, v34;
	v34 =	vld [tilespmem:s18+$0xFFFFFF90]  }
0x9d: {  	v29 =	vmul.f32 v33, v27;
	v24 =	vmax.f32 v22, v24;
	v23 =	vmul.f32 $1.442695020e+00, v23;
	[tilespmem:s2+$0x60] =	vst v28;
	v22 =	vld [tilespmem:s18+$0xFFFFFFE0]  }
.Ltmp0:
0x9e: {  	v28 =	vmul.f32 $1.442695020e+00, v24;
	(erf) = vpow2.f32 v19;
	[tilespmem:s2+$0xFFFFFF60] =	vst v25;
	v27 =	vld [tilespmem:s9+$0x70];
	(pc) =	sbr.rel @p2 .LBB2_3-.Ltmp0, $4  }
0x9f: {  	v19 =	vmul.f32 v31, v32;
	(erf) = vpow2.f32 v23;
	v24 =	vld [tilespmem:s9+$0xFFFFFF70];
	[tilespmem:s2+$0xFFFFFFB0] =	vst v29  }
0xa0: {  	v30 =	vmul.f32 v30, v10;
	v10 =	vmov v37;
	(erf) = vpow2.f32 v28;
	v25 =	vld [tilespmem:s9+$0xFFFFFFC0]  }
0xa1: {  	v29 =	vperm.xlane v12, v2;
	v28 =	vmul.f32 v21, v11;
	v11 =	vmov v26;
	[tilespmem:s2+$0x0] =	vst v19;
	v23 =	vld [tilespmem:s18+$0x30];
	s18 =	smov.u32 s8;
	s8 =	smov.u32 s9;
	s9 =	smov.u32 s29  }
0xa2: {  	v21 =	vmul.f32 v35, v9;
	v9 =	vmovc v38;
	s29 =	sadd.s32 $0x140, s29;
	v19 =	vmul.f32 v34, v8;
	v8 =	vmov v20;
	v26 =	vld [tilespmem:s8+$0x10];
	[tilespmem:s7+$0xFFFFFF80] =	vst v30  }
0xa3: {  	v20 =	vpop (erf);
	s2 =	sadd.s32 $0x140, s2  }
0xa4: {  	[tilespmem:s2+$0x90] =	vst v20  }
0xa5: {  	v30 =	vld [tilespmem:s9+$0x50];
	_ =	sdelay $0x2  }
0xa6: {  	v31 =	vperm.xlane v20, v0;
	_ =	sdelay $0x1  }
0xa7: {  	v27 =	vmul.f32 v27, v29;
	v30 =	vmul.f32 v30, v31  }
0xa8: {  	[tilespmem:s7+$0xFFFFFFD0] =	vst v28  }
0xa9: {  	v29 =	vpop (erf);
	[tilespmem:s2+$0x50] =	vst v30  }
0xaa: {  	[tilespmem:s15+$0xFFFFFF90] =	vst v19;
	v28 =	vpop (erf);
	v30 =	vld [tilespmem:s9+$0x60]  }
0xab: {  	[tilespmem:s10+$0x70] =	vst v27;
	v27 =	vpop (erf)  }
0xac: {  	v31 =	vld [tilespmem:s8+$0x80];
	[tilespmem:s2+$0xFFFFFFA0] =	vst v27  }
0xad: {  	v17 =	vmul.f32 v24, v17;
	v32 =	vperm.xlane v20, v1;
	[tilespmem:s2+$0xFFFFFFF0] =	vst v29;
	v24 =	vld [tilespmem:s9+$0xFFFFFF60]  }
0xae: {  	v18 =	vmul.f32 v25, v18;
	[tilespmem:s2+$0x40] =	vst v28;
	v25 =	vld [tilespmem:s9+$0xFFFFFFB0]  }
0xaf: {  	v12 =	vperm.xlane v12, v3;
	[tilespmem:s10+$0xFFFFFF70] =	vst v17;
	v17 =	vld [tilespmem:s9+$0x0];
	v30 =	vmul.f32 v30, v32  }
0xb0: {  	[tilespmem:s10+$0xFFFFFFC0] =	vst v18;
	v16 =	vmul.f32 v26, v16;
	v18 =	vperm.xlane v27, v0  }
0xb1: {  	v26 =	vperm.xlane v29, v0;
	v12 =	vmul.f32 v31, v12;
	[tilespmem:s2+$0x60] =	vst v30  }
0xb2: {  	[tilespmem:s10+$0x10] =	vst v16;
	v16 =	vmul.f32 v24, v18;
	v30 =	vperm.xlane v28, v0;
	v18 =	vld [tilespmem:s9+$0x70]  }
0xb3: {  	[tilespmem:s10+$0x80] =	vst v12;
	v12 =	vmul.f32 v25, v26  }
0xb4: {  	v19 =	vld [tilespmem:s8+$0xFFFFFF80];
	[tilespmem:s2+$0xFFFFFF60] =	vst v16;
	v16 =	vmul.f32 v17, v30  }
0xb5: {  	[tilespmem:s2+$0xFFFFFFB0] =	vst v12;
	v12 =	vperm.xlane v20, v2;
	v17 =	vld [tilespmem:s9+$0xFFFFFF70]  }
0xb6: {  	v4 =	vmul.f32 v23, v4;
	v24 =	vld [tilespmem:s9+$0xFFFFFFC0];
	[tilespmem:s2+$0x0] =	vst v16  }
0xb7: {  	[tilespmem:s7+$0x20] =	vst v21;
	v16 =	vld [tilespmem:s9+$0x10];
	v12 =	vmul.f32 v18, v12  }
0xb8: {  	v5 =	vmul.f32 v22, v5;
	v22 =	vld [tilespmem:s8+$0xFFFFFFD0];
	[tilespmem:s15+$0x30] =	vst v4;
	v18 =	vperm.xlane v27, v1  }
0xb9: {  	v21 =	vperm.xlane v29, v1;
	v4 =	vld [tilespmem:s8+$0x20];
	[tilespmem:s2+$0x70] =	vst v12  }
0xba: {  	[tilespmem:s15+$0xFFFFFFE0] =	vst v5;
	v12 =	vperm.xlane v28, v1;
	v5 =	vmul.f32 v17, v18;
	v17 =	vld [tilespmem:s9+$0x80]  }
0xbb: {  	v18 =	vmul.f32 v24, v21  }
0xbc: {  	v21 =	vld [tilespmem:s18+$0xFFFFFF90];
	[tilespmem:s2+$0xFFFFFF70] =	vst v5;
	v5 =	vmul.f32 v16, v12  }
0xbd: {  	v10 =	vmul.f32 v19, v10;
	[tilespmem:s2+$0xFFFFFFC0] =	vst v18;
	v12 =	vperm.xlane v20, v3;
	v16 =	vld [tilespmem:s9+$0xFFFFFF80]  }
0xbe: {  	v11 =	vmul.f32 v22, v11;
	[tilespmem:s2+$0x10] =	vst v5;
	v5 =	vld [tilespmem:s9+$0xFFFFFFD0]  }
0xbf: {  	[tilespmem:s10+$0xFFFFFF80] =	vst v10;
	v4 =	vmul.f32 v4, v9;
	v10 =	vmul.f32 v17, v12;
	v12 =	vld [tilespmem:s9+$0x20]  }
0xc0: {  	[tilespmem:s10+$0xFFFFFFD0] =	vst v11;
	v18 =	vld [tilespmem:s18+$0xFFFFFFE0];
	v17 =	vperm.xlane v27, v2  }
0xc1: {  	v9 =	vperm.xlane v29, v2;
	v11 =	vld [tilespmem:s18+$0x30];
	[tilespmem:s10+$0x20] =	vst v4;
	v8 =	vmul.f32 v21, v8  }
0xc2: {  	v4 =	vld [tilespmem:s8+$0xFFFFFF90];
	[tilespmem:s2+$0x80] =	vst v10;
	v10 =	vperm.xlane v28, v2;
	v16 =	vmul.f32 v16, v17  }
0xc3: {  	[tilespmem:s7+$0xFFFFFF90] =	vst v8;
	v8 =	vld [tilespmem:s8+$0xFFFFFFE0];
	v5 =	vmul.f32 v5, v9  }
0xc4: {  	v9 =	vld [tilespmem:s8+$0x30];
	[tilespmem:s2+$0xFFFFFF80] =	vst v16;
	v10 =	vmul.f32 v12, v10  }
0xc5: {  	v7 =	vmul.f32 v18, v7;
	[tilespmem:s2+$0xFFFFFFD0] =	vst v5;
	v5 =	vld [tilespmem:s9+$0xFFFFFF90]  }
0xc6: {  	v6 =	vmul.f32 v11, v6;
	[tilespmem:s2+$0x20] =	vst v10;
	v10 =	vld [tilespmem:s9+$0xFFFFFFE0]  }
0xc7: {  	v4 =	vmul.f32 v4, v14;
	[tilespmem:s7+$0xFFFFFFE0] =	vst v7;
	v7 =	vld [tilespmem:s9+$0x30]  }
0xc8: {  	v11 =	vperm.xlane v27, v3;
	[tilespmem:s7+$0x30] =	vst v6;
	v6 =	vmul.f32 v8, v13  }
0xc9: {  	[tilespmem:s10+$0xFFFFFF90] =	vst v4;
	v8 =	vperm.xlane v29, v3;
	v9 =	vmul.f32 v9, v15  }
0xca: {  	v4 =	vperm.xlane v28, v3;
	[tilespmem:s10+$0xFFFFFFE0] =	vst v6;
	v5 =	vmul.f32 v5, v11  }
0xcb: {  	[tilespmem:s10+$0x30] =	vst v9;
	v6 =	vmul.f32 v10, v8  }
0xcc: {  	[tilespmem:s2+$0xFFFFFF90] =	vst v5;
	v4 =	vmul.f32 v7, v4  }
0xcd: {  	[tilespmem:s2+$0xFFFFFFE0] =	vst v6  }
0xce: {  	[tilespmem:s2+$0x30] =	vst v4  }
0xcf: {  	v4 =	vld [tilespmem:$0x7700]  }
0xd0: {  	v5 =	vld [tilespmem:$0x7ED0];
	_ =	sdelay $0x4  }
0xd1: {  	v4 =	vadd.f32 v5, v4;
	_ =	sdelay $0x1  }
0xd2: {  	v5 =	vmul.f32 $2.000000030e-01, v4;
	_ =	sdelay $0x1  }
0xd3: {  	v4 =	vmax.f32 v4, v5  }
0xd4: {  	v4 =	vmul.f32 $1.442695020e+00, v4;
	_ =	sdelay $0x1  }
0xd5: {  	(erf) = vpow2.f32 v4;
	_ =	sdelay $0x6  }
0xd6: {  	v4 =	vld [tilespmem:$0x76C0]  }
0xd7: {  	v5 =	vld [tilespmem:$0x76D0]  }
0xd8: {  	v7 =	vld [tilespmem:$0x76E0];
	v6 =	vpop (erf)  }
0xd9: {  	v9 =	vld [tilespmem:$0x76F0];
	v8 =	vperm.xlane v6, v0  }
0xda: {  	v10 =	vperm.xlane v6, v1  }
0xdb: {  	v4 =	vmul.f32 v4, v8;
	v8 =	vperm.xlane v6, v2  }
0xdc: {  	[tilespmem:$0xA5E0] =	vst v6;
	v5 =	vmul.f32 v5, v10;
	v6 =	vperm.xlane v6, v3  }
0xdd: {  	[tilespmem:$0xA5A0] =	vst v4;
	v4 =	vmul.f32 v7, v8  }
0xde: {  	[tilespmem:$0xA5B0] =	vst v5;
	v5 =	vmul.f32 v9, v6  }
0xdf: {  	s15 =	sand.u32 $0x3FFFFF00, s17;
	[tilespmem:$0xA5C0] =	vst v4  }
0xe0: {  	p2 =	seq.s32 s31, $0x27;
	s2 =	sadd.s32 $0x2800, s15;
	[tilespmem:$0xA5D0] =	vst v5  }
0xe1: {  	[spmem:s1] =	stream.indirect.scatter.add.f32 [tilespmem:s23], [sflag:$0x3], $0x50, s2, s16, $0xb8;
	[tilespmem:$0x1BF30] =	vst v63  }
0xe2: {  	s7 =	simm.s32 @!p2 $0x7D;
	s8 =	simm.s32 @!p2 $0x5000;
	s2 =	sadd.s32 @!p2 $0x100, s17  }
0xe3: {  	[tilespmem:s8], [sflag:$0x1] =	stream.indirect.gather @!p2 [hbm4b:s3+s7], $0x50, s2, s7, $0xb8;
	[tilespmem:$0x1BF30] =	vst v63  }
0xe4: {  	s2 =	sadd.s32 @!p2 $0x2900, s17;
	s8 =	simm.s32 @!p2 $0x7710  }
0xe5: {  	[tilespmem:s8], [sflag:$0x2] =	stream.indirect.gather @!p2 [hbm4b:s4+s7], $0x10, s2, s7, $0xb8;
	[tilespmem:$0x1BF30] =	vst v63  }
0xe6: {  	_ =	swait.ge [sflag:s24], $0x2710  }
0xe7: {  	[sflag:s24] =	ssyncset.done $0x0  }
0xe8: {  	[sflag:s24] =	ssyncadd.s32 $0xFFFFD8F0  }
0xe9: {  	_ =	swait.ge [sflag:s25], $0x7D0  }
0xea: {  	[sflag:s25] =	ssyncset.done $0x0  }
0xeb: {  	s2 =	simm.s32 @!p1 $0x6;
	[sflag:s25] =	ssyncadd.s32 $0xFFFFF830  }
0xec: {  	_ =	swait.ge @!p1 [sflag:s2], $0x2710  }
0xed: {  	[sflag:s2] =	ssyncset.done @!p1 $0x0  }
0xee: {  	s10 =	simm.s32 $0xA690;
	[sflag:s2] =	ssyncadd.s32 @!p1 $0xFFFFD8F0  }
0xef: {  	s17 =	simm.s32 $0xCD20;
	v4 =	vld [tilespmem:s10+$0x90]  }
0xf0: {  	v5 =	vld [tilespmem:s17+$0x10];
	_ =	sdelay $0x4  }
0xf1: {  	v6 =	vld [tilespmem:s17+$0xFFFFFFE0];
	v4 =	vadd.f32 v5, v4  }
0xf2: {  	v7 =	vld [tilespmem:s17+$0xFFFFFFF0]  }
0xf3: {  	v9 =	vld [tilespmem:s10+$0x40];
	v8 =	vmul.f32 $2.000000030e-01, v4  }
0xf4: {  	v5 =	vld [tilespmem:s10+$0xFFFFFFF0]  }
0xf5: {  	v10 =	vld [tilespmem:s17+$0x0];
	v4 =	vmax.f32 v4, v8  }
0xf6: {  	v8 =	vld [tilespmem:s10+$0xFFFFFFA0];
	v4 =	vmul.f32 $1.442695020e+00, v4;
	_ =	sdelay $0x1  }
0xf7: {  	(erf) = vpow2.f32 v4  }
0xf8: {  	v4 =	vadd.f32 v7, v5  }
0xf9: {  	v5 =	vadd.f32 v10, v9  }
0xfa: {  	v7 =	vmul.f32 $2.000000030e-01, v4;
	v6 =	vadd.f32 v6, v8  }
0xfb: {  	v8 =	vmul.f32 $2.000000030e-01, v5  }
0xfc: {  	v4 =	vmax.f32 v4, v7;
	v7 =	vmul.f32 $2.000000030e-01, v6  }
0xfd: {  	v5 =	vmax.f32 v5, v8;
	v4 =	vmul.f32 $1.442695020e+00, v4  }
0xfe: {  	v5 =	vmul.f32 $1.442695020e+00, v5;
	v6 =	vmax.f32 v6, v7  }
0xff: {  	s17 =	simm.s32 $0xA7D0;
	v6 =	vmul.f32 $1.442695020e+00, v6;
	(erf) = vpow2.f32 v4  }
0x100: {  	s18 =	simm.s32 $0xCD60;
	s15 =	simm.s32 $0xD570;
	v4 =	vld [tilespmem:s17+$0x90];
	(erf) = vpow2.f32 v5;
	v7 =	vpop (erf)  }
0x101: {  	v5 =	vld [tilespmem:s18+$0x10];
	(erf) = vpow2.f32 v6;
	[tilespmem:s15+$0x90] =	vst v7  }
0x102: {  	v6 =	vld [tilespmem:s10+$0x50];
	_ =	sdelay $0x2  }
0x103: {  	v11 =	vld [tilespmem:s18+$0xFFFFFFF0];
	v9 =	vperm.xlane v7, v0  }
0x104: {  	v13 =	vld [tilespmem:s18+$0x0]  }
0x105: {  	v16 =	vld [tilespmem:s17+$0xFFFFFFA0];
	v4 =	vadd.f32 v5, v4;
	v6 =	vmul.f32 v6, v9  }
0x106: {  	v10 =	vld [tilespmem:s17+$0xFFFFFFF0];
	v5 =	vpop (erf)  }
0x107: {  	v8 =	vld [tilespmem:s18+$0xFFFFFFE0];
	v12 =	vpop (erf);
	[tilespmem:s15+$0x50] =	vst v6;
	v6 =	vmul.f32 $2.000000030e-01, v4  }
0x108: {  	v9 =	vld [tilespmem:s17+$0x40];
	v14 =	vpop (erf)  }
0x109: {  	v15 =	vld [tilespmem:s10+$0x60];
	[tilespmem:s15+$0xFFFFFFA0] =	vst v14;
	v4 =	vmax.f32 v4, v6  }
0x10a: {  	v6 =	vld [tilespmem:s10+$0xFFFFFF60];
	v4 =	vmul.f32 $1.442695020e+00, v4  }
0x10b: {  	[tilespmem:s15+$0xFFFFFFF0] =	vst v5  }
0x10c: {  	v18 =	vperm.xlane v7, v1;
	[tilespmem:s15+$0x40] =	vst v12;
	v17 =	vld [tilespmem:s10+$0xFFFFFFB0];
	(erf) = vpow2.f32 v4  }
0x10d: {  	v10 =	vadd.f32 v11, v10;
	v19 =	vperm.xlane v5, v0;
	v11 =	vld [tilespmem:s10+$0x0];
	v4 =	vperm.xlane v14, v0  }
0x10e: {  	s29 =	simm.s32 $0xCDA0;
	v22 =	vperm.xlane v5, v2;
	v9 =	vadd.f32 v13, v9;
	v13 =	vmul.f32 v15, v18  }
0x10f: {  	s8 =	simm.s32 $0xA910;
	v24 =	vld [tilespmem:s29+$0xFFFFFFE0];
	v8 =	vadd.f32 v8, v16;
	v18 =	vmul.f32 $2.000000030e-01, v10;
	v4 =	vmul.f32 v6, v4  }
0x110: {  	v27 =	vld [tilespmem:s8+$0xFFFFFFA0];
	v16 =	vmul.f32 $2.000000030e-01, v9;
	v15 =	vperm.xlane v12, v0;
	[tilespmem:s15+$0x60] =	vst v13  }
0x111: {  	v6 =	vmax.f32 v10, v18;
	v10 =	vmul.f32 $2.000000030e-01, v8;
	v13 =	vmul.f32 v17, v19;
	v17 =	vld [tilespmem:s10+$0x70];
	[tilespmem:s15+$0xFFFFFF60] =	vst v4  }
0x112: {  	v9 =	vmax.f32 v9, v16;
	v6 =	vmul.f32 $1.442695020e+00, v6;
	v4 =	vmul.f32 v11, v15;
	v11 =	vld [tilespmem:s10+$0xFFFFFF70]  }
0x113: {  	v23 =	vperm.xlane v12, v2;
	v9 =	vmul.f32 $1.442695020e+00, v9;
	[tilespmem:s15+$0xFFFFFFB0] =	vst v13;
	v8 =	vmax.f32 v8, v10;
	v10 =	vld [tilespmem:s8+$0x90]  }
0x114: {  	(erf) = vpow2.f32 v6;
	v6 =	vld [tilespmem:s10+$0xFFFFFFC0];
	[tilespmem:s15+$0x0] =	vst v4;
	v8 =	vmul.f32 $1.442695020e+00, v8  }
0x115: {  	s7 =	simm.s32 $0xD6B0;
	v4 =	vperm.xlane v7, v2;
	(erf) = vpow2.f32 v9;
	v9 =	vld [tilespmem:s10+$0x10];
	v13 =	vpop (erf)  }
0x116: {  	v20 =	vperm.xlane v14, v2;
	(erf) = vpow2.f32 v8;
	v8 =	vld [tilespmem:s29+$0x10];
	[tilespmem:s7+$0x90] =	vst v13  }
0x117: {  	v15 =	vperm.xlane v14, v1;
	v4 =	vmul.f32 v17, v4;
	v17 =	vld [tilespmem:s17+$0x50]  }
0x118: {  	s11 =	simm.s32 $0xCDE0;
	v25 =	vld [tilespmem:s29+$0xFFFFFFF0];
	v16 =	vperm.xlane v5, v1;
	v18 =	vperm.xlane v12, v1  }
0x119: {  	v37 =	vld [tilespmem:s11+$0x0];
	v19 =	vperm.xlane v14, v3;
	v11 =	vmul.f32 v11, v15  }
0x11a: {  	v24 =	vadd.f32 v24, v27;
	v14 =	vld [tilespmem:s8+$0xFFFFFFF0];
	[tilespmem:s15+$0x70] =	vst v4;
	v4 =	vperm.xlane v12, v3;
	v12 =	vperm.xlane v13, v0  }
0x11b: {  	v6 =	vmul.f32 v6, v16;
	v16 =	vld [tilespmem:s8+$0x40];
	v9 =	vmul.f32 v9, v18  }
0x11c: {  	v21 =	vld [tilespmem:s10+$0x80];
	[tilespmem:s15+$0xFFFFFF70] =	vst v11;
	v11 =	vmul.f32 $2.000000030e-01, v24;
	v8 =	vadd.f32 v8, v10;
	v12 =	vmul.f32 v17, v12  }
0x11d: {  	s9 =	simm.s32 $0xAA50;
	v5 =	vperm.xlane v5, v3;
	v7 =	vperm.xlane v7, v3;
	[tilespmem:s15+$0x10] =	vst v9;
	v15 =	vpop (erf);
	v17 =	vld [tilespmem:s29+$0x0]  }
0x11e: {  	v38 =	vld [tilespmem:s9+$0xFFFFFFA0];
	v27 =	vperm.xlane v13, v1;
	v11 =	vmax.f32 v24, v11;
	v18 =	vpop (erf);
	[tilespmem:s7+$0x50] =	vst v12;
	v12 =	vmul.f32 $2.000000030e-01, v8  }
0x11f: {  	v14 =	vadd.f32 v25, v14;
	v9 =	vmul.f32 $1.442695020e+00, v11;
	v11 =	vld [tilespmem:s10+$0x20];
	v10 =	vperm.xlane v15, v0;
	v28 =	vpop (erf)  }
0x120: {  	v25 =	vperm.xlane v15, v1;
	v26 =	vperm.xlane v18, v0;
	[tilespmem:s7+$0xFFFFFFA0] =	vst v28;
	v31 =	vld [tilespmem:s17+$0x60];
	v8 =	vmax.f32 v8, v12  }
0x121: {  	[tilespmem:s7+$0xFFFFFFF0] =	vst v15;
	v21 =	vmul.f32 v21, v7;
	v7 =	vld [tilespmem:s17+$0xFFFFFF60];
	v8 =	vmul.f32 $1.442695020e+00, v8  }
0x122: {  	[tilespmem:s7+$0x40] =	vst v18;
	v57 =	vperm.xlane v18, v2;
	v12 =	vld [tilespmem:s17+$0xFFFFFFB0];
	v16 =	vadd.f32 v17, v16;
	v17 =	vmul.f32 $2.000000030e-01, v14  }
0x123: {  	v56 =	vld [tilespmem:s17+$0x0];
	v29 =	vperm.xlane v28, v0;
	(erf) = vpow2.f32 v8  }
0x124: {  	v30 =	vperm.xlane v28, v1;
	v33 =	vmul.f32 $2.000000030e-01, v16;
	v8 =	vmax.f32 v14, v17;
	v17 =	vld [tilespmem:s10+$0xFFFFFF80]  }
0x125: {  	[tilespmem:s15+$0x80] =	vst v21;
	v21 =	vld [tilespmem:s9+$0x40];
	v23 =	vmul.f32 v11, v23;
	v14 =	vmul.f32 v31, v27  }
0x126: {  	[tilespmem:s15+$0xFFFFFFC0] =	vst v6;
	v6 =	vmul.f32 $1.442695020e+00, v8;
	v27 =	vld [tilespmem:s9+$0x90];
	v8 =	vmax.f32 v16, v33;
	v7 =	vmul.f32 v7, v29  }
0x127: {  	v16 =	vld [tilespmem:s10+$0xFFFFFFD0];
	v10 =	vmul.f32 v12, v10;
	v8 =	vmul.f32 $1.442695020e+00, v8;
	[tilespmem:s7+$0x60] =	vst v14  }
0x128: {  	(erf) = vpow2.f32 v6;
	v6 =	vld [tilespmem:s17+$0x70];
	[tilespmem:s7+$0xFFFFFF60] =	vst v7;
	v7 =	vmul.f32 v56, v26  }
0x129: {  	[tilespmem:s7+$0xFFFFFFB0] =	vst v10;
	(erf) = vpow2.f32 v8;
	v24 =	vld [tilespmem:s17+$0xFFFFFF70];
	v17 =	vmul.f32 v17, v20  }
0x12a: {  	v31 =	vperm.xlane v15, v2;
	(erf) = vpow2.f32 v9;
	v9 =	vld [tilespmem:s17+$0xFFFFFFC0];
	[tilespmem:s7+$0x0] =	vst v7  }
0x12b: {  	v14 =	vperm.xlane v18, v1;
	v7 =	vperm.xlane v13, v2;
	v10 =	vld [tilespmem:s17+$0x10];
	[tilespmem:s15+$0xFFFFFF80] =	vst v17  }
0x12c: {  	s2 =	simm.s32 $0xD7F0;
	v26 =	vperm.xlane v28, v2;
	v8 =	vperm.xlane v28, v3;
	v63 =	vld [tilespmem:s10+$0xFFFFFF90];
	v12 =	vpop (erf)  }
0x12d: {  	v28 =	vmul.f32 v6, v7;
	v7 =	vperm.xlane v15, v3;
	v15 =	vld [tilespmem:s11+$0x10];
	[tilespmem:s2+$0x90] =	vst v12  }
0x12e: {  	v13 =	vperm.xlane v13, v3;
	v20 =	vmul.f32 v16, v22;
	v16 =	vld [tilespmem:s8+$0x50]  }
0x12f: {  	v22 =	vmul.f32 v24, v30;
	v24 =	vmul.f32 v9, v25;
	v25 =	vld [tilespmem:s11+$0xFFFFFFE0]  }
0x130: {  	v6 =	vperm.xlane v18, v3;
	[tilespmem:s7+$0x70] =	vst v28;
	v9 =	vld [tilespmem:s9+$0xFFFFFFF0];
	v29 =	vmul.f32 v10, v14  }
0x131: {  	v21 =	vadd.f32 v37, v21;
	v11 =	vld [tilespmem:s17+$0x80];
	v10 =	vperm.xlane v12, v0;
	v28 =	vpop (erf);
	v19 =	vmul.f32 v63, v19  }
0x132: {  	v14 =	vld [tilespmem:s11+$0xFFFFFFF0];
	v30 =	vperm.xlane v28, v0;
	v58 =	vpop (erf);
	v18 =	vperm.xlane v28, v1  }
0x133: {  	[tilespmem:s7+$0x10] =	vst v29;
	v29 =	vmul.f32 $2.000000030e-01, v21;
	v34 =	vperm.xlane v58, v0;
	v35 =	vpop (erf)  }
0x134: {  	v15 =	vadd.f32 v15, v27;
	v36 =	vperm.xlane v35, v0;
	v10 =	vmul.f32 v16, v10  }
0x135: {  	[tilespmem:s7+$0xFFFFFFC0] =	vst v24;
	v17 =	vperm.xlane v35, v1;
	v16 =	vperm.xlane v58, v1  }
0x136: {  	v27 =	vmul.f32 v11, v13;
	v13 =	vmul.f32 $2.000000030e-01, v15;
	[tilespmem:s2+$0x50] =	vst v10  }
0x137: {  	[tilespmem:s2+$0xFFFFFFA0] =	vst v35;
	v24 =	vadd.f32 v25, v38;
	v25 =	vperm.xlane v12, v1;
	v40 =	vadd.f32 v14, v9;
	v41 =	vld [tilespmem:s8+$0x60]  }
0x138: {  	[tilespmem:s2+$0xFFFFFFF0] =	vst v28;
	v39 =	vld [tilespmem:s8+$0xFFFFFF60];
	v11 =	vperm.xlane v28, v2;
	v9 =	vperm.xlane v58, v2;
	v15 =	vmax.f32 v15, v13  }
0x139: {  	[tilespmem:s7+$0xFFFFFF70] =	vst v22;
	v59 =	vld [tilespmem:s8+$0xFFFFFFB0];
	v13 =	vperm.xlane v28, v3;
	v28 =	vmul.f32 $1.442695020e+00, v15  }
0x13a: {  	v61 =	vld [tilespmem:s17+$0xFFFFFF80];
	[tilespmem:s2+$0x40] =	vst v58;
	v21 =	vmax.f32 v21, v29;
	v14 =	vperm.xlane v35, v3;
	v22 =	vmul.f32 $2.000000030e-01, v40  }
0x13b: {  	v60 =	vld [tilespmem:s8+$0x0];
	v21 =	vmul.f32 $1.442695020e+00, v21;
	(erf) = vpow2.f32 v28  }
0x13c: {  	[tilespmem:s15+$0xFFFFFFD0] =	vst v20;
	v62 =	vld [tilespmem:s17+$0x20];
	v20 =	vmax.f32 v40, v22;
	v22 =	vmul.f32 $2.000000030e-01, v24;
	v25 =	vmul.f32 v41, v25  }
0x13d: {  	[tilespmem:s7+$0x80] =	vst v27;
	v28 =	vld [tilespmem:s17+$0xFFFFFFD0];
	v20 =	vmul.f32 $1.442695020e+00, v20;
	v27 =	vmul.f32 v39, v36  }
0x13e: {  	v10 =	vperm.xlane v35, v2;
	v29 =	vmul.f32 v59, v30;
	v24 =	vmax.f32 v24, v22;
	v22 =	vld [tilespmem:s10+$0xFFFFFFE0];
	[tilespmem:s2+$0x60] =	vst v25  }
0x13f: {  	(erf) = vpow2.f32 v20;
	[tilespmem:s2+$0xFFFFFF60] =	vst v27;
	v25 =	vmul.f32 $1.442695020e+00, v24;
	v27 =	vld [tilespmem:s8+$0x70]  }
0x140: {  	[tilespmem:s2+$0xFFFFFFB0] =	vst v29;
	v20 =	vmul.f32 v60, v34;
	(erf) = vpow2.f32 v21;
	v24 =	vld [tilespmem:s8+$0xFFFFFF70]  }
0x141: {  	[tilespmem:s15+$0x20] =	vst v23;
	v21 =	vmul.f32 v61, v26;
	(erf) = vpow2.f32 v25;
	v25 =	vld [tilespmem:s8+$0xFFFFFFC0]  }
0x142: {  	v23 =	vld [tilespmem:s10+$0x30];
	v29 =	vperm.xlane v12, v2;
	[tilespmem:s2+$0x0] =	vst v20;
	v28 =	vmul.f32 v28, v31  }
0x143: {  	s28 =	simm.s32 $0xAB90;
	s18 =	simm.s32 $0xC;
	v15 =	vperm.xlane v58, v3;
	s10 =	simm.s32 $0xD7F0;
	v26 =	vld [tilespmem:s8+$0x10];
	[tilespmem:s7+$0xFFFFFF80] =	vst v21;
	v21 =	vmul.f32 v62, v57  }
.LBB2_5:
0x144: {  	v30 =	vld [tilespmem:s28+$0x90];
	s11 =	sadd.s32 $0x40, s11;
	v31 =	vpop (erf);
	v27 =	vmul.f32 v27, v29;
	s2 =	sadd.s32 $0x140, s2;
	[tilespmem:s7+$0xFFFFFFD0] =	vst v28;
	v22 =	vmul.f32 v22, v5;
	v20 =	vmov v14  }
0x145: {  	v5 =	vmov v7;
	v7 =	vmov v13;
	v14 =	vld [tilespmem:s11+$0x10];
	[tilespmem:s2+$0x90] =	vst v31;
	v17 =	vmul.f32 v24, v17  }
0x146: {  	v13 =	vld [tilespmem:s9+$0x50];
	v18 =	vmul.f32 v25, v18;
	[tilespmem:s10+$0x70] =	vst v27  }
0x147: {  	[tilespmem:s10+$0xFFFFFF70] =	vst v17;
	v24 =	vld [tilespmem:s8+$0x80];
	v23 =	vmul.f32 v23, v4;
	v4 =	vmov v6;
	v6 =	vmov v15  }
0x148: {  	s18 =	sadd.s32 $0x4, s18;
	v15 =	vld [tilespmem:s11+$0xFFFFFFE0];
	v25 =	vpop (erf);
	[tilespmem:s10+$0xFFFFFFC0] =	vst v18;
	v16 =	vmul.f32 v26, v16  }
0x149: {  	p1 =	slt.u32 s18, $0x78;
	v17 =	vperm.xlane v31, v0;
	v26 =	vld [tilespmem:s28+$0xFFFFFFF0];
	[tilespmem:s2+$0xFFFFFFF0] =	vst v25;
	v27 =	vperm.xlane v25, v0;
	v28 =	vpop (erf)  }
0x14a: {  	v18 =	vperm.xlane v12, v3;
	v12 =	vmov v31;
	v29 =	vld [tilespmem:s11+$0xFFFFFFF0];
	[tilespmem:s2+$0x40] =	vst v28;
	v32 =	vperm.xlane v28, v0;
	v33 =	vpop (erf)  }
0x14b: {  	v31 =	vld [tilespmem:s28+$0x40];
	[tilespmem:s2+$0xFFFFFFA0] =	vst v33;
	v34 =	vperm.xlane v33, v0;
	v13 =	vmul.f32 v13, v17  }
0x14c: {  	v14 =	vadd.f32 v14, v30;
	v17 =	vperm.xlane v33, v1;
	v35 =	vld [tilespmem:s11+$0x0];
	[tilespmem:s10+$0x10] =	vst v16;
	v24 =	vmul.f32 v24, v18  }
0x14d: {  	v18 =	vperm.xlane v25, v1;
	v16 =	vperm.xlane v28, v1;
	v30 =	vld [tilespmem:s28+$0xFFFFFFA0];
	[tilespmem:s2+$0x50] =	vst v13  }
0x14e: {  	v37 =	vperm.xlane v33, v2;
	v13 =	vmul.f32 $2.000000030e-01, v14;
	v36 =	vld [tilespmem:s9+$0xFFFFFF60];
	[tilespmem:s10+$0x80] =	vst v24  }
0x14f: {  	v38 =	vperm.xlane v28, v2;
	v24 =	vadd.f32 v29, v26;
	v26 =	vperm.xlane v25, v2;
	v29 =	vld [tilespmem:s9+$0x60];
	[tilespmem:s7+$0x20] =	vst v21  }
0x150: {  	v21 =	vmax.f32 v14, v13;
	v14 =	vperm.xlane v33, v3;
	v13 =	vperm.xlane v25, v3;
	v33 =	vld [tilespmem:s9+$0xFFFFFFB0];
	[tilespmem:s15+$0xFFFFFF90] =	vst v19  }
0x151: {  	v21 =	vmul.f32 $1.442695020e+00, v21;
	v19 =	vmul.f32 $2.000000030e-01, v24;
	v25 =	vadd.f32 v35, v31;
	v31 =	vld [tilespmem:s9+$0x0];
	[tilespmem:s15+$0xFFFFFFE0] =	vst v22  }
0x152: {  	v22 =	vadd.f32 v15, v30;
	v15 =	vperm.xlane v28, v3;
	v28 =	vperm.xlane v12, v1;
	v30 =	vld [tilespmem:s8+$0xFFFFFF80];
	[tilespmem:s15+$0x30] =	vst v23;
	s15 =	smov.u32 s7;
	s7 =	smov.u32 s10;
	s10 =	smov.u32 s2  }
0x153: {  	v19 =	vmax.f32 v24, v19;
	v23 =	vmul.f32 $2.000000030e-01, v25;
	(erf) = vpow2.f32 v21;
	v21 =	vld [tilespmem:s8+$0xFFFFFFD0]  }
0x154: {  	v24 =	vmul.f32 $2.000000030e-01, v22;
	v28 =	vmul.f32 v29, v28;
	v35 =	vld [tilespmem:s8+$0x20]  }
0x155: {  	v19 =	vmul.f32 $1.442695020e+00, v19;
	v23 =	vmax.f32 v25, v23;
	v25 =	vmul.f32 v36, v34;
	v34 =	vld [tilespmem:s17+$0xFFFFFF90]  }
0x156: {  	v29 =	vmul.f32 v33, v27;
	v24 =	vmax.f32 v22, v24;
	v23 =	vmul.f32 $1.442695020e+00, v23;
	[tilespmem:s2+$0x60] =	vst v28;
	v22 =	vld [tilespmem:s17+$0xFFFFFFE0]  }
.Ltmp1:
0x157: {  	v28 =	vmul.f32 $1.442695020e+00, v24;
	(erf) = vpow2.f32 v19;
	[tilespmem:s2+$0xFFFFFF60] =	vst v25;
	v27 =	vld [tilespmem:s9+$0x70];
	(pc) =	sbr.rel @p1 .LBB2_5-.Ltmp1, $4  }
0x158: {  	v19 =	vmul.f32 v31, v32;
	(erf) = vpow2.f32 v23;
	v24 =	vld [tilespmem:s9+$0xFFFFFF70];
	[tilespmem:s2+$0xFFFFFFB0] =	vst v29  }
0x159: {  	v30 =	vmul.f32 v30, v10;
	v10 =	vmov v37;
	(erf) = vpow2.f32 v28;
	v25 =	vld [tilespmem:s9+$0xFFFFFFC0]  }
0x15a: {  	v29 =	vperm.xlane v12, v2;
	v28 =	vmul.f32 v21, v11;
	v11 =	vmov v26;
	[tilespmem:s2+$0x0] =	vst v19;
	v23 =	vld [tilespmem:s17+$0x30];
	s17 =	smov.u32 s8;
	s8 =	smov.u32 s9;
	s9 =	smov.u32 s28  }
0x15b: {  	v21 =	vmul.f32 v35, v9;
	v9 =	vmovc v38;
	s28 =	sadd.s32 $0x140, s28;
	v19 =	vmul.f32 v34, v8;
	v8 =	vmov v20;
	v26 =	vld [tilespmem:s8+$0x10];
	[tilespmem:s7+$0xFFFFFF80] =	vst v30  }
0x15c: {  	v20 =	vpop (erf);
	s2 =	sadd.s32 $0x140, s2  }
0x15d: {  	[tilespmem:s2+$0x90] =	vst v20  }
0x15e: {  	v30 =	vld [tilespmem:s9+$0x50]  }
0x15f: {  	v27 =	vmul.f32 v27, v29;
	_ =	sdelay $0x1  }
0x160: {  	v31 =	vperm.xlane v20, v0;
	v29 =	vpop (erf)  }
0x161: {  	[tilespmem:s7+$0xFFFFFFD0] =	vst v28;
	v28 =	vpop (erf)  }
0x162: {  	[tilespmem:s10+$0x70] =	vst v27;
	v27 =	vpop (erf);
	v30 =	vmul.f32 v30, v31  }
0x163: {  	[tilespmem:s2+$0xFFFFFFA0] =	vst v27  }
0x164: {  	v56 =	vld [tilespmem:s9+$0xFFFFFF60];
	[tilespmem:s2+$0x50] =	vst v30  }
0x165: {  	[tilespmem:s2+$0xFFFFFFF0] =	vst v29;
	v30 =	vld [tilespmem:s9+$0x60]  }
0x166: {  	[tilespmem:s2+$0x40] =	vst v28;
	v57 =	vld [tilespmem:s9+$0xFFFFFFB0]  }
0x167: {  	v5 =	vmul.f32 v22, v5;
	[tilespmem:s7+$0x20] =	vst v21;
	v58 =	vld [tilespmem:s9+$0x0];
	v59 =	vperm.xlane v27, v0  }
0x168: {  	v17 =	vmul.f32 v24, v17;
	v32 =	vperm.xlane v20, v1;
	[tilespmem:s15+$0xFFFFFF90] =	vst v19  }
0x169: {  	[tilespmem:s15+$0xFFFFFFE0] =	vst v5;
	v60 =	vperm.xlane v29, v0;
	v62 =	vmul.f32 v56, v59  }
0x16a: {  	[tilespmem:s10+$0xFFFFFF70] =	vst v17;
	v61 =	vperm.xlane v28, v0;
	v30 =	vmul.f32 v30, v32  }
0x16b: {  	v41 =	vld [tilespmem:s17+$0xFFFFFF90];
	v16 =	vmul.f32 v26, v16;
	v26 =	vmul.f32 v57, v60;
	[tilespmem:s2+$0xFFFFFF60] =	vst v62  }
0x16c: {  	v47 =	vld [tilespmem:s17+$0xFFFFFFE0];
	[tilespmem:s2+$0x60] =	vst v30;
	v30 =	vmul.f32 v58, v61  }
0x16d: {  	[tilespmem:s2+$0xFFFFFFB0] =	vst v26;
	v31 =	vld [tilespmem:s9+$0xFFFFFF70]  }
0x16e: {  	v18 =	vmul.f32 v25, v18;
	v33 =	vld [tilespmem:s9+$0xFFFFFFC0];
	[tilespmem:s2+$0x0] =	vst v30  }
0x16f: {  	v4 =	vmul.f32 v23, v4;
	[tilespmem:s10+$0x10] =	vst v16;
	v16 =	vld [tilespmem:s9+$0x10]  }
0x170: {  	v55 =	vld [tilespmem:s8+$0x80];
	[tilespmem:s10+$0xFFFFFFC0] =	vst v18;
	v8 =	vmul.f32 v41, v8;
	v34 =	vperm.xlane v27, v1  }
0x171: {  	v36 =	vperm.xlane v29, v1;
	v37 =	vld [tilespmem:s8+$0xFFFFFFD0];
	[tilespmem:s15+$0x30] =	vst v4;
	v7 =	vmul.f32 v47, v7  }
0x172: {  	v35 =	vld [tilespmem:s8+$0xFFFFFF80];
	v38 =	vperm.xlane v28, v1;
	[tilespmem:s7+$0xFFFFFF90] =	vst v8;
	v5 =	vmul.f32 v31, v34  }
0x173: {  	v12 =	vperm.xlane v12, v3;
	v4 =	vld [tilespmem:s8+$0x20];
	[tilespmem:s7+$0xFFFFFFE0] =	vst v7;
	v40 =	vmul.f32 v33, v36  }
0x174: {  	v63 =	vld [tilespmem:s9+$0x70];
	[tilespmem:s2+$0xFFFFFF70] =	vst v5;
	v5 =	vmul.f32 v16, v38  }
0x175: {  	v12 =	vmul.f32 v55, v12;
	[tilespmem:s2+$0xFFFFFFC0] =	vst v40;
	v43 =	vld [tilespmem:s9+$0xFFFFFF80]  }
0x176: {  	v11 =	vmul.f32 v37, v11;
	[tilespmem:s2+$0x10] =	vst v5;
	v5 =	vld [tilespmem:s9+$0xFFFFFFD0]  }
0x177: {  	v10 =	vmul.f32 v35, v10;
	[tilespmem:s10+$0x80] =	vst v12;
	v32 =	vperm.xlane v20, v2;
	v45 =	vld [tilespmem:s9+$0x20]  }
0x178: {  	v49 =	vld [tilespmem:s17+$0x30];
	v46 =	vperm.xlane v27, v2;
	v4 =	vmul.f32 v4, v9;
	[tilespmem:s10+$0xFFFFFFD0] =	vst v11  }
0x179: {  	v48 =	vperm.xlane v29, v2;
	[tilespmem:s10+$0xFFFFFF80] =	vst v10;
	v51 =	vld [tilespmem:s8+$0xFFFFFFE0];
	v12 =	vmul.f32 v63, v32  }
0x17a: {  	v50 =	vperm.xlane v28, v2;
	[tilespmem:s10+$0x20] =	vst v4;
	v4 =	vld [tilespmem:s8+$0xFFFFFF90];
	v16 =	vmul.f32 v43, v46  }
0x17b: {  	v52 =	vld [tilespmem:s8+$0x30];
	[tilespmem:s2+$0x70] =	vst v12;
	v5 =	vmul.f32 v5, v48  }
0x17c: {  	v39 =	vld [tilespmem:s9+$0x80];
	[tilespmem:s2+$0xFFFFFF80] =	vst v16;
	v10 =	vmul.f32 v45, v50  }
0x17d: {  	v6 =	vmul.f32 v49, v6;
	[tilespmem:s2+$0xFFFFFFD0] =	vst v5;
	v5 =	vld [tilespmem:s9+$0xFFFFFF90]  }
0x17e: {  	v56 =	vmul.f32 v51, v13;
	[tilespmem:s2+$0x20] =	vst v10;
	v53 =	vld [tilespmem:s9+$0xFFFFFFE0]  }
0x17f: {  	v42 =	vperm.xlane v20, v3;
	[tilespmem:s7+$0x30] =	vst v6;
	v4 =	vmul.f32 v4, v14;
	v54 =	vld [tilespmem:s9+$0x30]  }
0x180: {  	v55 =	vperm.xlane v27, v3;
	v9 =	vmul.f32 v52, v15;
	[tilespmem:s10+$0xFFFFFFE0] =	vst v56  }
0x181: {  	v57 =	vperm.xlane v29, v3;
	[tilespmem:s10+$0xFFFFFF90] =	vst v4;
	v44 =	vmul.f32 v39, v42  }
0x182: {  	v4 =	vperm.xlane v28, v3;
	[tilespmem:s10+$0x30] =	vst v9;
	v5 =	vmul.f32 v5, v55  }
0x183: {  	[tilespmem:s2+$0x80] =	vst v44;
	v58 =	vmul.f32 v53, v57  }
0x184: {  	v4 =	vmul.f32 v54, v4;
	[tilespmem:s2+$0xFFFFFF90] =	vst v5  }
0x185: {  	[tilespmem:s2+$0xFFFFFFE0] =	vst v58  }
0x186: {  	[tilespmem:s2+$0x30] =	vst v4  }
0x187: {  	v4 =	vld [tilespmem:$0xCCF0]  }
0x188: {  	v5 =	vld [tilespmem:$0xD4C0];
	_ =	sdelay $0x4  }
0x189: {  	v4 =	vadd.f32 v5, v4;
	_ =	sdelay $0x1  }
0x18a: {  	v5 =	vmul.f32 $2.000000030e-01, v4;
	_ =	sdelay $0x1  }
0x18b: {  	v4 =	vmax.f32 v4, v5  }
0x18c: {  	v4 =	vmul.f32 $1.442695020e+00, v4;
	_ =	sdelay $0x1  }
0x18d: {  	(erf) = vpow2.f32 v4;
	_ =	sdelay $0x6  }
0x18e: {  	v4 =	vld [tilespmem:$0xCCB0]  }
0x18f: {  	v5 =	vld [tilespmem:$0xCCC0]  }
0x190: {  	v60 =	vld [tilespmem:$0xCCD0];
	v59 =	vpop (erf)  }
0x191: {  	v9 =	vld [tilespmem:$0xCCE0];
	v61 =	vperm.xlane v59, v0  }
0x192: {  	v62 =	vperm.xlane v59, v1  }
0x193: {  	s31 =	sadd.s32 $0x1, s31;
	v63 =	vperm.xlane v59, v2;
	v4 =	vmul.f32 v4, v61  }
0x194: {  	p1 =	sne.s32 s31, $0x28;
	[tilespmem:$0xFBD0] =	vst v59;
	v6 =	vperm.xlane v59, v3;
	v5 =	vmul.f32 v5, v62  }
.Ltmp2:
0x195: {  	[tilespmem:$0xFB90] =	vst v4;
	v4 =	vmul.f32 v60, v63;
	(pc) =	sbr.rel @p1 .LBB2_2-.Ltmp2, $4  }
0x196: {  	[tilespmem:$0xFBA0] =	vst v5;
	v5 =	vmul.f32 v9, v6  }
0x197: {  	[tilespmem:$0xFBB0] =	vst v4  }
0x198: {  	[tilespmem:$0xFBC0] =	vst v5  }
0x199: {  	[spmem:s1] =	stream.indirect.scatter.add.f32 [tilespmem:s26], [sflag:$0x6], $0x50, s0, s16, $0xb8;
	[tilespmem:$0x1BF30] =	vst v63  }
0x19a: {  	s0 =	simm.s32 $0x3  }
0x19b: {  	_ =	swait.ge [sflag:s0], $0x2710  }
0x19c: {  	[sflag:s0] =	ssyncset.done $0x0  }
0x19d: {  	s29 =	simm.s32 $0x6;
	[sflag:s0] =	ssyncadd.s32 $0xFFFFD8F0  }
0x19e: {  	_ =	swait.ge [sflag:s29], $0x2710  }
0x19f: {  	[sflag:s29] =	ssyncset.done $0x0  }
0x1a0: {  	[sflag:s29] =	ssyncadd.s32 $0xFFFFD8F0  }
0x1a1: {  	[bflag:$0x0] =	sbarrier.arrive $0xFFFF  }
0x1a2: {  	s31 =	rddreg [dreg:$0x5]  }
0x1a3: {  	[hbm:s31], [sflag:s6] =	dma.local [spmem:s12], $0x1860  }
0x1a4: {  	_ =	swait.ge [sflag:s13], $0x1860  }
0x1a5: {  	[sflag:s13] =	ssyncset.done $0x0  }
0x1a6: {  	s0 =	rddreg [dreg:$0x6];
	[sflag:s13] =	ssyncadd.s32 $0xFFFFE7A0  }
0x1a7: {  	[hbm:s0], [sflag:s6] =	dma.local @!p0 [spmem:s14], $0xA0  }
0x1a8: {  	s0 =	simm.s32 @!p0 $0x7  }
0x1a9: {  	_ =	swait.ge @!p0 [sflag:s0], $0xA0  }
0x1aa: {  	s30 =	sadd.s32 $0x1, s30;
	s2 =	rddreg [dreg:$0x7]  }
0x1ab: {  	p1 =	sne.s32 s30, s2  }
.Ltmp3:
0x1ac: {  	_ = 	snop;
	(pc) =	sbr.rel @p1 .LBB2_1-.Ltmp3, $3  }
0x1ad: {  	_ =	sdelay $0x1  }
0x1ae: {  	[sflag:s0] =	ssyncset.done @!p0 $0x0  }
0x1af: {  	[sflag:s0] =	ssyncadd.s32 @!p0 $0xFFFFFF60  }
0x1b0: {  	_ =	sfence.sel $0x180000  }
0x1b1: {  	[bflag:$0x0] =	sbarrier.arrive $0xFFFF  }
0x1b2: {  	_ =	strace $0x90000047  }
0x1b3: {  	[bflag:$0x2] =	sbarrier.arrive $0xFFFF  }
0x1b4: {  	s0 =	rddreg [dreg:$0x2]  }
0x1b5: {  	s0 =	sadd.s32 @!p0 $0x100000, s0  }
0x1b6: {  	[sflag:s0] =	ssyncadd.tile.s32 @!p0 $0x1;
	_ =	shalt  }
.Lfunc_end2:
_tile_overlayer_lowered:
.L_overlay_start_2:
0x1b7: {  	(tag) =	ssettag $0x2  }
0x1b8: {  	s0 =	rddreg [dreg:$0x0];
	s2 =	stileid.u32  }
0x1b9: {  	s1 =	rddreg [dreg:$0x1];
	p0 =	sne.s32 s2, $0x0  }
0x1ba: {  	s3 =	rddreg [dreg:$0x2];
	[bflag:$0x3] =	sbarrier.arrive $0xFFFF;
	s2 =	simm.s32 @!p0 $0x1C07  }
0x1bb: {  	[timem:s3], [sflag:s2] =	dma.local @!p0 [hbm:s0], s1  }
0x1bc: {  	s0 =	simm.s32 @!p0 $0x7  }
0x1bd: {  	_ =	swait.ge @!p0 [sflag:s0], s1  }
0x1be: {  	s1 =	ssub.s32 @!p0 $0x0, s1;
	[sflag:s0] =	ssyncset.done @!p0 $0x0  }
0x1bf: {  	[sflag:s0] =	ssyncadd.s32 @!p0 s1  }
0x1c0: {  	[bflag:$0x3] =	sbarrier.arrive $0xFFFF  }
0x1c1: {  	_ =	shalt  }

</sc_bundles>
